<compile_context>
chip_gen: v7x
topology: tpu7x:2x2x1
jax: 0.10.2.dev20260603
libtpu: 0.0.44.dev20260713+nightly
codegen_flags: <defaults>
</compile_context>

<pallas_src>
import functools

import jax
import jax.numpy as jnp
from jax import lax
from jax.experimental import pallas as pl
from jax.experimental.pallas import tpu as pltpu
from jax.experimental.pallas import tpu_sc as plsc

B = 16384
D = 128
K = 20
NC = 2
NS = 16
NW = NC * NS
SPW = B // NW
C = 128
NCHUNK = SPW // C
L = 16
G = D // L
SPL = 128 // L


def _make_sc_partials():
    mesh = plsc.VectorSubcoreMesh(core_axis_name="c", subcore_axis_name="s")

    @functools.partial(
        pl.kernel,
        out_type=(
            jax.ShapeDtypeStruct((B * L,), jnp.float32),
            jax.ShapeDtypeStruct((B * L,), jnp.float32),
        ),
        mesh=mesh,
        scratch_types=[
            pltpu.VMEM((SPW,), jnp.int32),
            pltpu.VMEM((SPW,), jnp.int32),
            pltpu.VMEM((SPW * K,), jnp.int32),
            pltpu.VMEM((2, C, D), jnp.float32),
            pltpu.VMEM((2, C, D), jnp.float32),
            pltpu.VMEM((2, C, D), jnp.float32),
            pltpu.VMEM((SPW * L,), jnp.float32),
            pltpu.VMEM((SPW * L,), jnp.float32),
            pltpu.SemaphoreType.DMA,
            pltpu.SemaphoreType.DMA,
        ],
    )
    def sc_partials(doc_u, pos_v, neg_kmaj, u_table, v_table, out1, out2,
                    idxu_all, idxp_all, idxn_all, u_rows, p_rows, nsum,
                    out1_flat, out2_flat, sem0, sem1):
        wid = lax.axis_index("c") * NS + lax.axis_index("s")
        wbase = wid * SPW
        sems = (sem0, sem1)

        pltpu.async_copy(doc_u.at[pl.ds(wbase, SPW)], idxu_all, sem0)
        pltpu.async_copy(pos_v.at[pl.ds(wbase, SPW)], idxp_all, sem0)
        for k in range(K):
            pltpu.async_copy(neg_kmaj.at[pl.ds(k * B + wbase, SPW)],
                             idxn_all.at[pl.ds(k * SPW, SPW)], sem0)
        pltpu.make_async_copy(doc_u.at[pl.ds(wbase, SPW)], idxu_all,
                              sem0).wait()
        pltpu.make_async_copy(pos_v.at[pl.ds(wbase, SPW)], idxp_all,
                              sem0).wait()
        pltpu.make_async_copy(neg_kmaj.at[pl.ds(0, SPW * K)], idxn_all,
                              sem0).wait()

        zero = jnp.zeros((L,), jnp.float32)

        def zero_rows(slot):
            def zrow(i, carry):
                for g in range(G):
                    nsum[slot, i, pl.ds(g * L, L)] = zero
                return carry
            lax.fori_loop(0, C, zrow, 0)

        def issue(c, slot):
            sem = sems[slot]
            pltpu.async_copy(
                u_table.at[idxu_all.at[pl.ds(c * C, C)]], u_rows.at[slot], sem)
            pltpu.async_copy(
                v_table.at[idxp_all.at[pl.ds(c * C, C)]], p_rows.at[slot], sem)
            for k in range(K):
                pltpu.async_copy(
                    v_table.at[idxn_all.at[pl.ds(k * SPW + c * C, C)]],
                    nsum.at[slot], sem, add=True)

        def drain(slot):
            sem = sems[slot]
            pltpu.make_async_copy(
                u_table.at[pl.ds(0, C)], u_rows.at[slot], sem).wait()
            pltpu.make_async_copy(
                v_table.at[pl.ds(0, C)], p_rows.at[slot], sem).wait()
            for _ in range(K):
                pltpu.make_async_copy(
                    v_table.at[pl.ds(0, C)], nsum.at[slot], sem).wait()

        def compute(c, slot):
            ur = u_rows.at[slot]
            pr = p_rows.at[slot]
            nr = nsum.at[slot]

            def sample_body(i, carry):
                u = [ur[i, pl.ds(g * L, L)] for g in range(G)]
                acc1 = u[0] * pr[i, pl.ds(0, L)]
                for g in range(1, G):
                    acc1 = acc1 + u[g] * pr[i, pl.ds(g * L, L)]
                acc2 = u[0] * nr[i, pl.ds(0, L)]
                for g in range(1, G):
                    acc2 = acc2 + u[g] * nr[i, pl.ds(g * L, L)]
                for g in range(G):
                    nr[i, pl.ds(g * L, L)] = zero
                out1_flat[pl.ds((c * C + i) * L, L)] = acc1
                out2_flat[pl.ds((c * C + i) * L, L)] = acc2
                return carry

            lax.fori_loop(0, C, sample_body, 0)

        zero_rows(0)
        zero_rows(1)
        issue(0, 0)

        def pair_body(i, carry):
            issue(2 * i + 1, 1)
            drain(0)
            compute(2 * i, 0)

            @pl.when(i < NCHUNK // 2 - 1)
            def _():
                issue(2 * i + 2, 0)

            drain(1)
            compute(2 * i + 1, 1)
            return carry

        lax.fori_loop(0, NCHUNK // 2, pair_body, 0)
        pltpu.async_copy(out1_flat, out1.at[pl.ds(wbase * L, SPW * L)], sem0)
        pltpu.async_copy(out2_flat, out2.at[pl.ds(wbase * L, SPW * L)], sem0)
        pltpu.make_async_copy(
            out1_flat, out1.at[pl.ds(wbase * L, SPW * L)], sem0).wait()
        pltpu.make_async_copy(
            out2_flat, out2.at[pl.ds(wbase * L, SPW * L)], sem0).wait()

    return sc_partials


_sc_partials = _make_sc_partials()


def _tc_loss_body(p1_ref, p2_ref, out_ref):
    d = lax.broadcasted_iota(jnp.int32, (128, 128), 0)
    j = lax.broadcasted_iota(jnp.int32, (128, 128), 1)
    w = jnp.where(d // L == j, 1.0, 0.0).astype(jnp.float32)
    s1 = jax.lax.dot(p1_ref[...], w, precision=jax.lax.Precision.HIGHEST)
    s2 = jax.lax.dot(p2_ref[...], w, precision=jax.lax.Precision.HIGHEST)
    valid = lax.broadcasted_iota(jnp.int32, s1.shape, 1) < SPL
    contrib = jnp.where(
        valid, jax.nn.log_sigmoid(s1) + jax.nn.log_sigmoid(-s2), 0.0)
    out_ref[...] = jnp.broadcast_to(-jnp.sum(contrib), (1, 1))


def kernel(doc_u, pos_v, neg_v, u_table, v_table, d_table):
    del d_table
    neg_kmaj = neg_v.T.reshape(B * K)
    p1, p2 = _sc_partials(doc_u, pos_v, neg_kmaj, u_table, v_table)
    loss = pl.pallas_call(
        _tc_loss_body,
        out_shape=jax.ShapeDtypeStruct((1, 1), jnp.float32),
    )(p1.reshape(B * L // 128, 128), p2.reshape(B * L // 128, 128))
    return loss[0, 0]

# --- scband reference (transcript-rebuilt; emitter-appended) ---
"""Pipeline reference for scband-skip-gram-model-3788161155590 (READ-ONLY COPY).

The authoritative reference and input builder live on the scoring server;
editing this copy changes nothing except your own understanding.
"""

import jax, jax.numpy as jnp
import numpy as np

B = 16384
V = 100000
DOC = 100000
D = 128
K = 20

def setup_inputs(seed: int = 0) -> dict:
    key = jax.random.key(seed)
    k0, k1, k2, k3, k4, k5 = jax.random.split(key, 6)
    initrange = 0.5 / D
    doc_u = jax.random.randint(k0, (B,), 0, V)
    pos_v = jax.random.randint(k1, (B,), 0, V)
    neg_v = jax.random.randint(k2, (B, K), 0, V)
    u_table = jax.random.uniform(k3, (V, D), dtype=jnp.float32, minval=-initrange, maxval=initrange)
    v_table = jax.random.uniform(k4, (V, D), dtype=jnp.float32, minval=-initrange, maxval=initrange)
    d_table = jax.random.uniform(k5, (DOC, D), dtype=jnp.float32, minval=-initrange, maxval=initrange)
    return {"doc_u": doc_u, "pos_v": pos_v, "neg_v": neg_v,
            "u_table": u_table, "v_table": v_table, "d_table": d_table}

def reference(doc_u, pos_v, neg_v, u_table, v_table, d_table):
    # emb_u = self.u_embeddings(doc_u)
    emb_u = jnp.take(u_table, doc_u, axis=0)          # [B, D]
    # emb_v = self.v_embeddings(pos_v)
    emb_v = jnp.take(v_table, pos_v, axis=0)          # [B, D]
    score = emb_u * emb_v                             # [B, D]
    score = jnp.sum(score, axis=1)                    # [B]
    score = jax.nn.log_sigmoid(score)                 # [B]
    # negative samples
    neg_emb_v = jnp.take(v_table, neg_v, axis=0)      # [B, K, D]
    # bmm(neg_emb_v, emb_u.unsqueeze(2)).squeeze() -> [B, K]
    neg_score = jnp.einsum('bkd,bd->bk', neg_emb_v, emb_u)
    neg_score = jnp.sum(neg_score, axis=1)            # [B]
    neg_score = jax.nn.log_sigmoid(-1.0 * neg_score)  # [B]
    return -1.0 * (jnp.sum(score) + jnp.sum(neg_score))

if __name__ == "__main__":
    import jax
    _d = setup_inputs()
    print(jax.jit(kernel)(*tuple(_d.values())))

</pallas_src>

<mosaic_0001>
#map = affine_map<(d0, d1) -> (0)>
#map1 = affine_map<(d0, d1) -> (0, 0)>
module attributes {stable_mosaic.version = 14 : i64} {
  func.func @sc_partials(%arg0: i32, %arg1: i32, %arg2: memref<16384xi32, #tpu.memory_space<hbm>>, %arg3: memref<16384xi32, #tpu.memory_space<hbm>>, %arg4: memref<327680xi32, #tpu.memory_space<hbm>>, %arg5: memref<100000x128xf32, #tpu.memory_space<hbm>>, %arg6: memref<100000x128xf32, #tpu.memory_space<hbm>>, %arg7: memref<262144xf32, #tpu.memory_space<hbm>>, %arg8: memref<262144xf32, #tpu.memory_space<hbm>>, %arg9: memref<512xi32, #tpu.memory_space<vmem>>, %arg10: memref<512xi32, #tpu.memory_space<vmem>>, %arg11: memref<10240xi32, #tpu.memory_space<vmem>>, %arg12: memref<2x128x128xf32, #tpu.memory_space<vmem>>, %arg13: memref<2x128x128xf32, #tpu.memory_space<vmem>>, %arg14: memref<2x128x128xf32, #tpu.memory_space<vmem>>, %arg15: memref<8192xf32, #tpu.memory_space<vmem>>, %arg16: memref<8192xf32, #tpu.memory_space<vmem>>, %arg17: memref<!tpu.dma_semaphore, #tpu.memory_space<semaphore_mem>>, %arg18: memref<!tpu.dma_semaphore, #tpu.memory_space<semaphore_mem>>) attributes {dimension_semantics = [#tpu.dimension_semantics<core_parallel>, #tpu.dimension_semantics<subcore_parallel>], iteration_bounds = array<i64: 2, 16>, scalar_prefetch = 0 : i64, scratch_operands = 10 : i64, tpu.core_type = #tpu.core_type<sc_vector_subcore>, window_params = [{transform_indices = #map}, {transform_indices = #map}, {transform_indices = #map}, {transform_indices = #map1}, {transform_indices = #map1}, {transform_indices = #map}, {transform_indices = #map}]} {
    %mul3A = arith.constant 16 : i32
    %mul3A_0 = arith.muli %arg0, %mul3A : i32
    %add3A = arith.addi %mul3A_0, %arg1 : i32
    %mul3A_1 = arith.constant 512 : i32
    %mul3A_2 = arith.muli %add3A, %mul3A_1 : i32
    %dma_start3A = tpu.memref_slice %arg2[%mul3A_2] : memref<16384xi32, #tpu.memory_space<hbm>> -> memref<512xi32, #tpu.memory_space<hbm>>
    %dma_start3A_3 = tpu.memref_slice %arg2[%mul3A_2] : memref<16384xi32, #tpu.memory_space<hbm>> -> memref<512xi32, #tpu.memory_space<hbm>>
    tpu.enqueue_dma source(%dma_start3A_3 : memref<512xi32, #tpu.memory_space<hbm>>) target(%arg9 : memref<512xi32, #tpu.memory_space<vmem>>) target_semaphore(%arg17 : memref<!tpu.dma_semaphore, #tpu.memory_space<semaphore_mem>>)
    %dma_start3A_4 = tpu.memref_slice %arg3[%mul3A_2] : memref<16384xi32, #tpu.memory_space<hbm>> -> memref<512xi32, #tpu.memory_space<hbm>>
    %dma_start3A_5 = tpu.memref_slice %arg3[%mul3A_2] : memref<16384xi32, #tpu.memory_space<hbm>> -> memref<512xi32, #tpu.memory_space<hbm>>
    tpu.enqueue_dma source(%dma_start3A_5 : memref<512xi32, #tpu.memory_space<hbm>>) target(%arg10 : memref<512xi32, #tpu.memory_space<vmem>>) target_semaphore(%arg17 : memref<!tpu.dma_semaphore, #tpu.memory_space<semaphore_mem>>)
    %add3A_6 = arith.constant 0 : i32
    %add3A_7 = arith.addi %add3A_6, %mul3A_2 : i32
    %dma_start3A_8 = arith.constant 0 : i32
    %dma_start3A_9 = tpu.memref_slice %arg11[%dma_start3A_8] : memref<10240xi32, #tpu.memory_space<vmem>> -> memref<512xi32, #tpu.memory_space<vmem>>
    %dma_start3A_10 = tpu.memref_slice %arg4[%add3A_7] : memref<327680xi32, #tpu.memory_space<hbm>> -> memref<512xi32, #tpu.memory_space<hbm>>
    %dma_start3A_11 = arith.constant 0 : i32
    %dma_start3A_12 = tpu.memref_slice %arg11[%dma_start3A_11] : memref<10240xi32, #tpu.memory_space<vmem>> -> memref<512xi32, #tpu.memory_space<vmem>>
    %dma_start3A_13 = tpu.memref_slice %arg4[%add3A_7] : memref<327680xi32, #tpu.memory_space<hbm>> -> memref<512xi32, #tpu.memory_space<hbm>>
    tpu.enqueue_dma source(%dma_start3A_13 : memref<512xi32, #tpu.memory_space<hbm>>) target(%dma_start3A_12 : memref<512xi32, #tpu.memory_space<vmem>>) target_semaphore(%arg17 : memref<!tpu.dma_semaphore, #tpu.memory_space<semaphore_mem>>)
    %add3A_14 = arith.constant 16384 : i32
    %add3A_15 = arith.addi %add3A_14, %mul3A_2 : i32
    %dma_start3A_16 = arith.constant 512 : i32
    %dma_start3A_17 = tpu.memref_slice %arg11[%dma_start3A_16] : memref<10240xi32, #tpu.memory_space<vmem>> -> memref<512xi32, #tpu.memory_space<vmem>>
    %dma_start3A_18 = tpu.memref_slice %arg4[%add3A_15] : memref<327680xi32, #tpu.memory_space<hbm>> -> memref<512xi32, #tpu.memory_space<hbm>>
    %dma_start3A_19 = arith.constant 512 : i32
    %dma_start3A_20 = tpu.memref_slice %arg11[%dma_start3A_19] : memref<10240xi32, #tpu.memory_space<vmem>> -> memref<512xi32, #tpu.memory_space<vmem>>
    %dma_start3A_21 = tpu.memref_slice %arg4[%add3A_15] : memref<327680xi32, #tpu.memory_space<hbm>> -> memref<512xi32, #tpu.memory_space<hbm>>
    tpu.enqueue_dma source(%dma_start3A_21 : memref<512xi32, #tpu.memory_space<hbm>>) target(%dma_start3A_20 : memref<512xi32, #tpu.memory_space<vmem>>) target_semaphore(%arg17 : memref<!tpu.dma_semaphore, #tpu.memory_space<semaphore_mem>>)
    %add3A_22 = arith.constant 32768 : i32
    %add3A_23 = arith.addi %add3A_22, %mul3A_2 : i32
    %dma_start3A_24 = arith.constant 1024 : i32
    %dma_start3A_25 = tpu.memref_slice %arg11[%dma_start3A_24] : memref<10240xi32, #tpu.memory_space<vmem>> -> memref<512xi32, #tpu.memory_space<vmem>>
    %dma_start3A_26 = tpu.memref_slice %arg4[%add3A_23] : memref<327680xi32, #tpu.memory_space<hbm>> -> memref<512xi32, #tpu.memory_space<hbm>>
    %dma_start3A_27 = arith.constant 1024 : i32
    %dma_start3A_28 = tpu.memref_slice %arg11[%dma_start3A_27] : memref<10240xi32, #tpu.memory_space<vmem>> -> memref<512xi32, #tpu.memory_space<vmem>>
    %dma_start3A_29 = tpu.memref_slice %arg4[%add3A_23] : memref<327680xi32, #tpu.memory_space<hbm>> -> memref<512xi32, #tpu.memory_space<hbm>>
    tpu.enqueue_dma source(%dma_start3A_29 : memref<512xi32, #tpu.memory_space<hbm>>) target(%dma_start3A_28 : memref<512xi32, #tpu.memory_space<vmem>>) target_semaphore(%arg17 : memref<!tpu.dma_semaphore, #tpu.memory_space<semaphore_mem>>)
    %add3A_30 = arith.constant 49152 : i32
    %add3A_31 = arith.addi %add3A_30, %mul3A_2 : i32
    %dma_start3A_32 = arith.constant 1536 : i32
    %dma_start3A_33 = tpu.memref_slice %arg11[%dma_start3A_32] : memref<10240xi32, #tpu.memory_space<vmem>> -> memref<512xi32, #tpu.memory_space<vmem>>
    %dma_start3A_34 = tpu.memref_slice %arg4[%add3A_31] : memref<327680xi32, #tpu.memory_space<hbm>> -> memref<512xi32, #tpu.memory_space<hbm>>
    %dma_start3A_35 = arith.constant 1536 : i32
    %dma_start3A_36 = tpu.memref_slice %arg11[%dma_start3A_35] : memref<10240xi32, #tpu.memory_space<vmem>> -> memref<512xi32, #tpu.memory_space<vmem>>
    %dma_start3A_37 = tpu.memref_slice %arg4[%add3A_31] : memref<327680xi32, #tpu.memory_space<hbm>> -> memref<512xi32, #tpu.memory_space<hbm>>
    tpu.enqueue_dma source(%dma_start3A_37 : memref<512xi32, #tpu.memory_space<hbm>>) target(%dma_start3A_36 : memref<512xi32, #tpu.memory_space<vmem>>) target_semaphore(%arg17 : memref<!tpu.dma_semaphore, #tpu.memory_space<semaphore_mem>>)
    %add3A_38 = arith.constant 65536 : i32
    %add3A_39 = arith.addi %add3A_38, %mul3A_2 : i32
    %dma_start3A_40 = arith.constant 2048 : i32
    %dma_start3A_41 = tpu.memref_slice %arg11[%dma_start3A_40] : memref<10240xi32, #tpu.memory_space<vmem>> -> memref<512xi32, #tpu.memory_space<vmem>>
    %dma_start3A_42 = tpu.memref_slice %arg4[%add3A_39] : memref<327680xi32, #tpu.memory_space<hbm>> -> memref<512xi32, #tpu.memory_space<hbm>>
    %dma_start3A_43 = arith.constant 2048 : i32
    %dma_start3A_44 = tpu.memref_slice %arg11[%dma_start3A_43] : memref<10240xi32, #tpu.memory_space<vmem>> -> memref<512xi32, #tpu.memory_space<vmem>>
    %dma_start3A_45 = tpu.memref_slice %arg4[%add3A_39] : memref<327680xi32, #tpu.memory_space<hbm>> -> memref<512xi32, #tpu.memory_space<hbm>>
    tpu.enqueue_dma source(%dma_start3A_45 : memref<512xi32, #tpu.memory_space<hbm>>) target(%dma_start3A_44 : memref<512xi32, #tpu.memory_space<vmem>>) target_semaphore(%arg17 : memref<!tpu.dma_semaphore, #tpu.memory_space<semaphore_mem>>)
    %add3A_46 = arith.constant 81920 : i32
    %add3A_47 = arith.addi %add3A_46, %mul3A_2 : i32
    %dma_start3A_48 = arith.constant 2560 : i32
    %dma_start3A_49 = tpu.memref_slice %arg11[%dma_start3A_48] : memref<10240xi32, #tpu.memory_space<vmem>> -> memref<512xi32, #tpu.memory_space<vmem>>
    %dma_start3A_50 = tpu.memref_slice %arg4[%add3A_47] : memref<327680xi32, #tpu.memory_space<hbm>> -> memref<512xi32, #tpu.memory_space<hbm>>
    %dma_start3A_51 = arith.constant 2560 : i32
    %dma_start3A_52 = tpu.memref_slice %arg11[%dma_start3A_51] : memref<10240xi32, #tpu.memory_space<vmem>> -> memref<512xi32, #tpu.memory_space<vmem>>
    %dma_start3A_53 = tpu.memref_slice %arg4[%add3A_47] : memref<327680xi32, #tpu.memory_space<hbm>> -> memref<512xi32, #tpu.memory_space<hbm>>
    tpu.enqueue_dma source(%dma_start3A_53 : memref<512xi32, #tpu.memory_space<hbm>>) target(%dma_start3A_52 : memref<512xi32, #tpu.memory_space<vmem>>) target_semaphore(%arg17 : memref<!tpu.dma_semaphore, #tpu.memory_space<semaphore_mem>>)
    %add3A_54 = arith.constant 98304 : i32
    %add3A_55 = arith.addi %add3A_54, %mul3A_2 : i32
    %dma_start3A_56 = arith.constant 3072 : i32
    %dma_start3A_57 = tpu.memref_slice %arg11[%dma_start3A_56] : memref<10240xi32, #tpu.memory_space<vmem>> -> memref<512xi32, #tpu.memory_space<vmem>>
    %dma_start3A_58 = tpu.memref_slice %arg4[%add3A_55] : memref<327680xi32, #tpu.memory_space<hbm>> -> memref<512xi32, #tpu.memory_space<hbm>>
    %dma_start3A_59 = arith.constant 3072 : i32
    %dma_start3A_60 = tpu.memref_slice %arg11[%dma_start3A_59] : memref<10240xi32, #tpu.memory_space<vmem>> -> memref<512xi32, #tpu.memory_space<vmem>>
    %dma_start3A_61 = tpu.memref_slice %arg4[%add3A_55] : memref<327680xi32, #tpu.memory_space<hbm>> -> memref<512xi32, #tpu.memory_space<hbm>>
    tpu.enqueue_dma source(%dma_start3A_61 : memref<512xi32, #tpu.memory_space<hbm>>) target(%dma_start3A_60 : memref<512xi32, #tpu.memory_space<vmem>>) target_semaphore(%arg17 : memref<!tpu.dma_semaphore, #tpu.memory_space<semaphore_mem>>)
    %add3A_62 = arith.constant 114688 : i32
    %add3A_63 = arith.addi %add3A_62, %mul3A_2 : i32
    %dma_start3A_64 = arith.constant 3584 : i32
    %dma_start3A_65 = tpu.memref_slice %arg11[%dma_start3A_64] : memref<10240xi32, #tpu.memory_space<vmem>> -> memref<512xi32, #tpu.memory_space<vmem>>
    %dma_start3A_66 = tpu.memref_slice %arg4[%add3A_63] : memref<327680xi32, #tpu.memory_space<hbm>> -> memref<512xi32, #tpu.memory_space<hbm>>
    %dma_start3A_67 = arith.constant 3584 : i32
    %dma_start3A_68 = tpu.memref_slice %arg11[%dma_start3A_67] : memref<10240xi32, #tpu.memory_space<vmem>> -> memref<512xi32, #tpu.memory_space<vmem>>
    %dma_start3A_69 = tpu.memref_slice %arg4[%add3A_63] : memref<327680xi32, #tpu.memory_space<hbm>> -> memref<512xi32, #tpu.memory_space<hbm>>
    tpu.enqueue_dma source(%dma_start3A_69 : memref<512xi32, #tpu.memory_space<hbm>>) target(%dma_start3A_68 : memref<512xi32, #tpu.memory_space<vmem>>) target_semaphore(%arg17 : memref<!tpu.dma_semaphore, #tpu.memory_space<semaphore_mem>>)
    %add3A_70 = arith.constant 131072 : i32
    %add3A_71 = arith.addi %add3A_70, %mul3A_2 : i32
    %dma_start3A_72 = arith.constant 4096 : i32
    %dma_start3A_73 = tpu.memref_slice %arg11[%dma_start3A_72] : memref<10240xi32, #tpu.memory_space<vmem>> -> memref<512xi32, #tpu.memory_space<vmem>>
    %dma_start3A_74 = tpu.memref_slice %arg4[%add3A_71] : memref<327680xi32, #tpu.memory_space<hbm>> -> memref<512xi32, #tpu.memory_space<hbm>>
    %dma_start3A_75 = arith.constant 4096 : i32
    %dma_start3A_76 = tpu.memref_slice %arg11[%dma_start3A_75] : memref<10240xi32, #tpu.memory_space<vmem>> -> memref<512xi32, #tpu.memory_space<vmem>>
    %dma_start3A_77 = tpu.memref_slice %arg4[%add3A_71] : memref<327680xi32, #tpu.memory_space<hbm>> -> memref<512xi32, #tpu.memory_space<hbm>>
    tpu.enqueue_dma source(%dma_start3A_77 : memref<512xi32, #tpu.memory_space<hbm>>) target(%dma_start3A_76 : memref<512xi32, #tpu.memory_space<vmem>>) target_semaphore(%arg17 : memref<!tpu.dma_semaphore, #tpu.memory_space<semaphore_mem>>)
    %add3A_78 = arith.constant 147456 : i32
    %add3A_79 = arith.addi %add3A_78, %mul3A_2 : i32
    %dma_start3A_80 = arith.constant 4608 : i32
    %dma_start3A_81 = tpu.memref_slice %arg11[%dma_start3A_80] : memref<10240xi32, #tpu.memory_space<vmem>> -> memref<512xi32, #tpu.memory_space<vmem>>
    %dma_start3A_82 = tpu.memref_slice %arg4[%add3A_79] : memref<327680xi32, #tpu.memory_space<hbm>> -> memref<512xi32, #tpu.memory_space<hbm>>
    %dma_start3A_83 = arith.constant 4608 : i32
    %dma_start3A_84 = tpu.memref_slice %arg11[%dma_start3A_83] : memref<10240xi32, #tpu.memory_space<vmem>> -> memref<512xi32, #tpu.memory_space<vmem>>
    %dma_start3A_85 = tpu.memref_slice %arg4[%add3A_79] : memref<327680xi32, #tpu.memory_space<hbm>> -> memref<512xi32, #tpu.memory_space<hbm>>
    tpu.enqueue_dma source(%dma_start3A_85 : memref<512xi32, #tpu.memory_space<hbm>>) target(%dma_start3A_84 : memref<512xi32, #tpu.memory_space<vmem>>) target_semaphore(%arg17 : memref<!tpu.dma_semaphore, #tpu.memory_space<semaphore_mem>>)
    %add3A_86 = arith.constant 163840 : i32
    %add3A_87 = arith.addi %add3A_86, %mul3A_2 : i32
    %dma_start3A_88 = arith.constant 5120 : i32
    %dma_start3A_89 = tpu.memref_slice %arg11[%dma_start3A_88] : memref<10240xi32, #tpu.memory_space<vmem>> -> memref<512xi32, #tpu.memory_space<vmem>>
    %dma_start3A_90 = tpu.memref_slice %arg4[%add3A_87] : memref<327680xi32, #tpu.memory_space<hbm>> -> memref<512xi32, #tpu.memory_space<hbm>>
    %dma_start3A_91 = arith.constant 5120 : i32
    %dma_start3A_92 = tpu.memref_slice %arg11[%dma_start3A_91] : memref<10240xi32, #tpu.memory_space<vmem>> -> memref<512xi32, #tpu.memory_space<vmem>>
    %dma_start3A_93 = tpu.memref_slice %arg4[%add3A_87] : memref<327680xi32, #tpu.memory_space<hbm>> -> memref<512xi32, #tpu.memory_space<hbm>>
    tpu.enqueue_dma source(%dma_start3A_93 : memref<512xi32, #tpu.memory_space<hbm>>) target(%dma_start3A_92 : memref<512xi32, #tpu.memory_space<vmem>>) target_semaphore(%arg17 : memref<!tpu.dma_semaphore, #tpu.memory_space<semaphore_mem>>)
    %add3A_94 = arith.constant 180224 : i32
    %add3A_95 = arith.addi %add3A_94, %mul3A_2 : i32
    %dma_start3A_96 = arith.constant 5632 : i32
    %dma_start3A_97 = tpu.memref_slice %arg11[%dma_start3A_96] : memref<10240xi32, #tpu.memory_space<vmem>> -> memref<512xi32, #tpu.memory_space<vmem>>
    %dma_start3A_98 = tpu.memref_slice %arg4[%add3A_95] : memref<327680xi32, #tpu.memory_space<hbm>> -> memref<512xi32, #tpu.memory_space<hbm>>
    %dma_start3A_99 = arith.constant 5632 : i32
    %dma_start3A_100 = tpu.memref_slice %arg11[%dma_start3A_99] : memref<10240xi32, #tpu.memory_space<vmem>> -> memref<512xi32, #tpu.memory_space<vmem>>
    %dma_start3A_101 = tpu.memref_slice %arg4[%add3A_95] : memref<327680xi32, #tpu.memory_space<hbm>> -> memref<512xi32, #tpu.memory_space<hbm>>
    tpu.enqueue_dma source(%dma_start3A_101 : memref<512xi32, #tpu.memory_space<hbm>>) target(%dma_start3A_100 : memref<512xi32, #tpu.memory_space<vmem>>) target_semaphore(%arg17 : memref<!tpu.dma_semaphore, #tpu.memory_space<semaphore_mem>>)
    %add3A_102 = arith.constant 196608 : i32
    %add3A_103 = arith.addi %add3A_102, %mul3A_2 : i32
    %dma_start3A_104 = arith.constant 6144 : i32
    %dma_start3A_105 = tpu.memref_slice %arg11[%dma_start3A_104] : memref<10240xi32, #tpu.memory_space<vmem>> -> memref<512xi32, #tpu.memory_space<vmem>>
    %dma_start3A_106 = tpu.memref_slice %arg4[%add3A_103] : memref<327680xi32, #tpu.memory_space<hbm>> -> memref<512xi32, #tpu.memory_space<hbm>>
    %dma_start3A_107 = arith.constant 6144 : i32
    %dma_start3A_108 = tpu.memref_slice %arg11[%dma_start3A_107] : memref<10240xi32, #tpu.memory_space<vmem>> -> memref<512xi32, #tpu.memory_space<vmem>>
    %dma_start3A_109 = tpu.memref_slice %arg4[%add3A_103] : memref<327680xi32, #tpu.memory_space<hbm>> -> memref<512xi32, #tpu.memory_space<hbm>>
    tpu.enqueue_dma source(%dma_start3A_109 : memref<512xi32, #tpu.memory_space<hbm>>) target(%dma_start3A_108 : memref<512xi32, #tpu.memory_space<vmem>>) target_semaphore(%arg17 : memref<!tpu.dma_semaphore, #tpu.memory_space<semaphore_mem>>)
    %add3A_110 = arith.constant 212992 : i32
    %add3A_111 = arith.addi %add3A_110, %mul3A_2 : i32
    %dma_start3A_112 = arith.constant 6656 : i32
    %dma_start3A_113 = tpu.memref_slice %arg11[%dma_start3A_112] : memref<10240xi32, #tpu.memory_space<vmem>> -> memref<512xi32, #tpu.memory_space<vmem>>
    %dma_start3A_114 = tpu.memref_slice %arg4[%add3A_111] : memref<327680xi32, #tpu.memory_space<hbm>> -> memref<512xi32, #tpu.memory_space<hbm>>
    %dma_start3A_115 = arith.constant 6656 : i32
    %dma_start3A_116 = tpu.memref_slice %arg11[%dma_start3A_115] : memref<10240xi32, #tpu.memory_space<vmem>> -> memref<512xi32, #tpu.memory_space<vmem>>
    %dma_start3A_117 = tpu.memref_slice %arg4[%add3A_111] : memref<327680xi32, #tpu.memory_space<hbm>> -> memref<512xi32, #tpu.memory_space<hbm>>
    tpu.enqueue_dma source(%dma_start3A_117 : memref<512xi32, #tpu.memory_space<hbm>>) target(%dma_start3A_116 : memref<512xi32, #tpu.memory_space<vmem>>) target_semaphore(%arg17 : memref<!tpu.dma_semaphore, #tpu.memory_space<semaphore_mem>>)
    %add3A_118 = arith.constant 229376 : i32
    %add3A_119 = arith.addi %add3A_118, %mul3A_2 : i32
    %dma_start3A_120 = arith.constant 7168 : i32
    %dma_start3A_121 = tpu.memref_slice %arg11[%dma_start3A_120] : memref<10240xi32, #tpu.memory_space<vmem>> -> memref<512xi32, #tpu.memory_space<vmem>>
    %dma_start3A_122 = tpu.memref_slice %arg4[%add3A_119] : memref<327680xi32, #tpu.memory_space<hbm>> -> memref<512xi32, #tpu.memory_space<hbm>>
    %dma_start3A_123 = arith.constant 7168 : i32
    %dma_start3A_124 = tpu.memref_slice %arg11[%dma_start3A_123] : memref<10240xi32, #tpu.memory_space<vmem>> -> memref<512xi32, #tpu.memory_space<vmem>>
    %dma_start3A_125 = tpu.memref_slice %arg4[%add3A_119] : memref<327680xi32, #tpu.memory_space<hbm>> -> memref<512xi32, #tpu.memory_space<hbm>>
    tpu.enqueue_dma source(%dma_start3A_125 : memref<512xi32, #tpu.memory_space<hbm>>) target(%dma_start3A_124 : memref<512xi32, #tpu.memory_space<vmem>>) target_semaphore(%arg17 : memref<!tpu.dma_semaphore, #tpu.memory_space<semaphore_mem>>)
    %add3A_126 = arith.constant 245760 : i32
    %add3A_127 = arith.addi %add3A_126, %mul3A_2 : i32
    %dma_start3A_128 = arith.constant 7680 : i32
    %dma_start3A_129 = tpu.memref_slice %arg11[%dma_start3A_128] : memref<10240xi32, #tpu.memory_space<vmem>> -> memref<512xi32, #tpu.memory_space<vmem>>
    %dma_start3A_130 = tpu.memref_slice %arg4[%add3A_127] : memref<327680xi32, #tpu.memory_space<hbm>> -> memref<512xi32, #tpu.memory_space<hbm>>
    %dma_start3A_131 = arith.constant 7680 : i32
    %dma_start3A_132 = tpu.memref_slice %arg11[%dma_start3A_131] : memref<10240xi32, #tpu.memory_space<vmem>> -> memref<512xi32, #tpu.memory_space<vmem>>
    %dma_start3A_133 = tpu.memref_slice %arg4[%add3A_127] : memref<327680xi32, #tpu.memory_space<hbm>> -> memref<512xi32, #tpu.memory_space<hbm>>
    tpu.enqueue_dma source(%dma_start3A_133 : memref<512xi32, #tpu.memory_space<hbm>>) target(%dma_start3A_132 : memref<512xi32, #tpu.memory_space<vmem>>) target_semaphore(%arg17 : memref<!tpu.dma_semaphore, #tpu.memory_space<semaphore_mem>>)
    %add3A_134 = arith.constant 262144 : i32
    %add3A_135 = arith.addi %add3A_134, %mul3A_2 : i32
    %dma_start3A_136 = arith.constant 8192 : i32
    %dma_start3A_137 = tpu.memref_slice %arg11[%dma_start3A_136] : memref<10240xi32, #tpu.memory_space<vmem>> -> memref<512xi32, #tpu.memory_space<vmem>>
    %dma_start3A_138 = tpu.memref_slice %arg4[%add3A_135] : memref<327680xi32, #tpu.memory_space<hbm>> -> memref<512xi32, #tpu.memory_space<hbm>>
    %dma_start3A_139 = arith.constant 8192 : i32
    %dma_start3A_140 = tpu.memref_slice %arg11[%dma_start3A_139] : memref<10240xi32, #tpu.memory_space<vmem>> -> memref<512xi32, #tpu.memory_space<vmem>>
    %dma_start3A_141 = tpu.memref_slice %arg4[%add3A_135] : memref<327680xi32, #tpu.memory_space<hbm>> -> memref<512xi32, #tpu.memory_space<hbm>>
    tpu.enqueue_dma source(%dma_start3A_141 : memref<512xi32, #tpu.memory_space<hbm>>) target(%dma_start3A_140 : memref<512xi32, #tpu.memory_space<vmem>>) target_semaphore(%arg17 : memref<!tpu.dma_semaphore, #tpu.memory_space<semaphore_mem>>)
    %add3A_142 = arith.constant 278528 : i32
    %add3A_143 = arith.addi %add3A_142, %mul3A_2 : i32
    %dma_start3A_144 = arith.constant 8704 : i32
    %dma_start3A_145 = tpu.memref_slice %arg11[%dma_start3A_144] : memref<10240xi32, #tpu.memory_space<vmem>> -> memref<512xi32, #tpu.memory_space<vmem>>
    %dma_start3A_146 = tpu.memref_slice %arg4[%add3A_143] : memref<327680xi32, #tpu.memory_space<hbm>> -> memref<512xi32, #tpu.memory_space<hbm>>
    %dma_start3A_147 = arith.constant 8704 : i32
    %dma_start3A_148 = tpu.memref_slice %arg11[%dma_start3A_147] : memref<10240xi32, #tpu.memory_space<vmem>> -> memref<512xi32, #tpu.memory_space<vmem>>
    %dma_start3A_149 = tpu.memref_slice %arg4[%add3A_143] : memref<327680xi32, #tpu.memory_space<hbm>> -> memref<512xi32, #tpu.memory_space<hbm>>
    tpu.enqueue_dma source(%dma_start3A_149 : memref<512xi32, #tpu.memory_space<hbm>>) target(%dma_start3A_148 : memref<512xi32, #tpu.memory_space<vmem>>) target_semaphore(%arg17 : memref<!tpu.dma_semaphore, #tpu.memory_space<semaphore_mem>>)
    %add3A_150 = arith.constant 294912 : i32
    %add3A_151 = arith.addi %add3A_150, %mul3A_2 : i32
    %dma_start3A_152 = arith.constant 9216 : i32
    %dma_start3A_153 = tpu.memref_slice %arg11[%dma_start3A_152] : memref<10240xi32, #tpu.memory_space<vmem>> -> memref<512xi32, #tpu.memory_space<vmem>>
    %dma_start3A_154 = tpu.memref_slice %arg4[%add3A_151] : memref<327680xi32, #tpu.memory_space<hbm>> -> memref<512xi32, #tpu.memory_space<hbm>>
    %dma_start3A_155 = arith.constant 9216 : i32
    %dma_start3A_156 = tpu.memref_slice %arg11[%dma_start3A_155] : memref<10240xi32, #tpu.memory_space<vmem>> -> memref<512xi32, #tpu.memory_space<vmem>>
    %dma_start3A_157 = tpu.memref_slice %arg4[%add3A_151] : memref<327680xi32, #tpu.memory_space<hbm>> -> memref<512xi32, #tpu.memory_space<hbm>>
    tpu.enqueue_dma source(%dma_start3A_157 : memref<512xi32, #tpu.memory_space<hbm>>) target(%dma_start3A_156 : memref<512xi32, #tpu.memory_space<vmem>>) target_semaphore(%arg17 : memref<!tpu.dma_semaphore, #tpu.memory_space<semaphore_mem>>)
    %add3A_158 = arith.constant 311296 : i32
    %add3A_159 = arith.addi %add3A_158, %mul3A_2 : i32
    %dma_start3A_160 = arith.constant 9728 : i32
    %dma_start3A_161 = tpu.memref_slice %arg11[%dma_start3A_160] : memref<10240xi32, #tpu.memory_space<vmem>> -> memref<512xi32, #tpu.memory_space<vmem>>
    %dma_start3A_162 = tpu.memref_slice %arg4[%add3A_159] : memref<327680xi32, #tpu.memory_space<hbm>> -> memref<512xi32, #tpu.memory_space<hbm>>
    %dma_start3A_163 = arith.constant 9728 : i32
    %dma_start3A_164 = tpu.memref_slice %arg11[%dma_start3A_163] : memref<10240xi32, #tpu.memory_space<vmem>> -> memref<512xi32, #tpu.memory_space<vmem>>
    %dma_start3A_165 = tpu.memref_slice %arg4[%add3A_159] : memref<327680xi32, #tpu.memory_space<hbm>> -> memref<512xi32, #tpu.memory_space<hbm>>
    tpu.enqueue_dma source(%dma_start3A_165 : memref<512xi32, #tpu.memory_space<hbm>>) target(%dma_start3A_164 : memref<512xi32, #tpu.memory_space<vmem>>) target_semaphore(%arg17 : memref<!tpu.dma_semaphore, #tpu.memory_space<semaphore_mem>>)
    %dma_wait3A = tpu.memref_slice %arg2[%mul3A_2] : memref<16384xi32, #tpu.memory_space<hbm>> -> memref<512xi32, #tpu.memory_space<hbm>>
    %dma_wait3A_166 = tpu.memref_slice %arg2[%mul3A_2] : memref<16384xi32, #tpu.memory_space<hbm>> -> memref<512xi32, #tpu.memory_space<hbm>>
    tpu.wait_dma2 semaphore(%arg17 : memref<!tpu.dma_semaphore, #tpu.memory_space<semaphore_mem>>) src(%dma_wait3A_166 : memref<512xi32, #tpu.memory_space<hbm>>) dst(%arg9 : memref<512xi32, #tpu.memory_space<vmem>>)
    %dma_wait3A_167 = tpu.memref_slice %arg3[%mul3A_2] : memref<16384xi32, #tpu.memory_space<hbm>> -> memref<512xi32, #tpu.memory_space<hbm>>
    %dma_wait3A_168 = tpu.memref_slice %arg3[%mul3A_2] : memref<16384xi32, #tpu.memory_space<hbm>> -> memref<512xi32, #tpu.memory_space<hbm>>
    tpu.wait_dma2 semaphore(%arg17 : memref<!tpu.dma_semaphore, #tpu.memory_space<semaphore_mem>>) src(%dma_wait3A_168 : memref<512xi32, #tpu.memory_space<hbm>>) dst(%arg10 : memref<512xi32, #tpu.memory_space<vmem>>)
    %dma_wait3A_169 = arith.constant 0 : i32
    %dma_wait3A_170 = tpu.memref_slice %arg4[%dma_wait3A_169] : memref<327680xi32, #tpu.memory_space<hbm>> -> memref<10240xi32, #tpu.memory_space<hbm>>
    %dma_wait3A_171 = arith.constant 0 : i32
    %dma_wait3A_172 = tpu.memref_slice %arg4[%dma_wait3A_171] : memref<327680xi32, #tpu.memory_space<hbm>> -> memref<10240xi32, #tpu.memory_space<hbm>>
    tpu.wait_dma2 semaphore(%arg17 : memref<!tpu.dma_semaphore, #tpu.memory_space<semaphore_mem>>) src(%dma_wait3A_172 : memref<10240xi32, #tpu.memory_space<hbm>>) dst(%arg11 : memref<10240xi32, #tpu.memory_space<vmem>>)
    %broadcast_in_dim3A = arith.constant 0.000000e+00 : f32
    %broadcast_in_dim3A_173 = vector.broadcast %broadcast_in_dim3A : f32 to vector<16xf32>
    %scan3A = arith.constant 0 : i32
    %scan3A_174 = arith.constant 0 : i32
    %scan3A_175 = arith.constant 128 : i32
    %scan3A_176 = arith.addi %scan3A_174, %scan3A_175 : i32
    %scan3A_177 = arith.constant 1 : i32
    scf.for %scan3A_427 = %scan3A_174 to %scan3A_176 step %scan3A_177  : i32 {
      %swap3A = arith.constant 0 : i32
      %swap3A_428 = arith.index_cast %swap3A : i32 to index
      %swap3A_429 = arith.index_cast %scan3A_427 : i32 to index
      %swap3A_430 = arith.constant 0 : index
      %swap3A_431 = tpu.vector_load %arg14[%swap3A_428, %swap3A_429, %swap3A_430] {strides = array<i32>} : memref<2x128x128xf32, #tpu.memory_space<vmem>>, vector<1x1x16xf32>,
      %swap3A_432 = vector.shape_cast %swap3A_431 : vector<1x1x16xf32> to vector<16xf32>
      %swap3A_433 = vector.shape_cast %broadcast_in_dim3A_173 : vector<16xf32> to vector<1x1x16xf32>
      tpu.vector_store %arg14[%swap3A_428, %swap3A_429, %swap3A_430], %swap3A_433 {strides = array<i32>} : memref<2x128x128xf32, #tpu.memory_space<vmem>>, vector<1x1x16xf32>,
      %swap3A_434 = arith.constant 0 : i32
      %swap3A_435 = arith.index_cast %swap3A_434 : i32 to index
      %swap3A_436 = arith.index_cast %scan3A_427 : i32 to index
      %swap3A_437 = arith.constant 16 : index
      %swap3A_438 = tpu.vector_load %arg14[%swap3A_435, %swap3A_436, %swap3A_437] {strides = array<i32>} : memref<2x128x128xf32, #tpu.memory_space<vmem>>, vector<1x1x16xf32>,
      %swap3A_439 = vector.shape_cast %swap3A_438 : vector<1x1x16xf32> to vector<16xf32>
      %swap3A_440 = vector.shape_cast %broadcast_in_dim3A_173 : vector<16xf32> to vector<1x1x16xf32>
      tpu.vector_store %arg14[%swap3A_435, %swap3A_436, %swap3A_437], %swap3A_440 {strides = array<i32>} : memref<2x128x128xf32, #tpu.memory_space<vmem>>, vector<1x1x16xf32>,
      %swap3A_441 = arith.constant 0 : i32
      %swap3A_442 = arith.index_cast %swap3A_441 : i32 to index
      %swap3A_443 = arith.index_cast %scan3A_427 : i32 to index
      %swap3A_444 = arith.constant 32 : index
      %swap3A_445 = tpu.vector_load %arg14[%swap3A_442, %swap3A_443, %swap3A_444] {strides = array<i32>} : memref<2x128x128xf32, #tpu.memory_space<vmem>>, vector<1x1x16xf32>,
      %swap3A_446 = vector.shape_cast %swap3A_445 : vector<1x1x16xf32> to vector<16xf32>
      %swap3A_447 = vector.shape_cast %broadcast_in_dim3A_173 : vector<16xf32> to vector<1x1x16xf32>
      tpu.vector_store %arg14[%swap3A_442, %swap3A_443, %swap3A_444], %swap3A_447 {strides = array<i32>} : memref<2x128x128xf32, #tpu.memory_space<vmem>>, vector<1x1x16xf32>,
      %swap3A_448 = arith.constant 0 : i32
      %swap3A_449 = arith.index_cast %swap3A_448 : i32 to index
      %swap3A_450 = arith.index_cast %scan3A_427 : i32 to index
      %swap3A_451 = arith.constant 48 : index
      %swap3A_452 = tpu.vector_load %arg14[%swap3A_449, %swap3A_450, %swap3A_451] {strides = array<i32>} : memref<2x128x128xf32, #tpu.memory_space<vmem>>, vector<1x1x16xf32>,
      %swap3A_453 = vector.shape_cast %swap3A_452 : vector<1x1x16xf32> to vector<16xf32>
      %swap3A_454 = vector.shape_cast %broadcast_in_dim3A_173 : vector<16xf32> to vector<1x1x16xf32>
      tpu.vector_store %arg14[%swap3A_449, %swap3A_450, %swap3A_451], %swap3A_454 {strides = array<i32>} : memref<2x128x128xf32, #tpu.memory_space<vmem>>, vector<1x1x16xf32>,
      %swap3A_455 = arith.constant 0 : i32
      %swap3A_456 = arith.index_cast %swap3A_455 : i32 to index
      %swap3A_457 = arith.index_cast %scan3A_427 : i32 to index
      %swap3A_458 = arith.constant 64 : index
      %swap3A_459 = tpu.vector_load %arg14[%swap3A_456, %swap3A_457, %swap3A_458] {strides = array<i32>} : memref<2x128x128xf32, #tpu.memory_space<vmem>>, vector<1x1x16xf32>,
      %swap3A_460 = vector.shape_cast %swap3A_459 : vector<1x1x16xf32> to vector<16xf32>
      %swap3A_461 = vector.shape_cast %broadcast_in_dim3A_173 : vector<16xf32> to vector<1x1x16xf32>
      tpu.vector_store %arg14[%swap3A_456, %swap3A_457, %swap3A_458], %swap3A_461 {strides = array<i32>} : memref<2x128x128xf32, #tpu.memory_space<vmem>>, vector<1x1x16xf32>,
      %swap3A_462 = arith.constant 0 : i32
      %swap3A_463 = arith.index_cast %swap3A_462 : i32 to index
      %swap3A_464 = arith.index_cast %scan3A_427 : i32 to index
      %swap3A_465 = arith.constant 80 : index
      %swap3A_466 = tpu.vector_load %arg14[%swap3A_463, %swap3A_464, %swap3A_465] {strides = array<i32>} : memref<2x128x128xf32, #tpu.memory_space<vmem>>, vector<1x1x16xf32>,
      %swap3A_467 = vector.shape_cast %swap3A_466 : vector<1x1x16xf32> to vector<16xf32>
      %swap3A_468 = vector.shape_cast %broadcast_in_dim3A_173 : vector<16xf32> to vector<1x1x16xf32>
      tpu.vector_store %arg14[%swap3A_463, %swap3A_464, %swap3A_465], %swap3A_468 {strides = array<i32>} : memref<2x128x128xf32, #tpu.memory_space<vmem>>, vector<1x1x16xf32>,
      %swap3A_469 = arith.constant 0 : i32
      %swap3A_470 = arith.index_cast %swap3A_469 : i32 to index
      %swap3A_471 = arith.index_cast %scan3A_427 : i32 to index
      %swap3A_472 = arith.constant 96 : index
      %swap3A_473 = tpu.vector_load %arg14[%swap3A_470, %swap3A_471, %swap3A_472] {strides = array<i32>} : memref<2x128x128xf32, #tpu.memory_space<vmem>>, vector<1x1x16xf32>,
      %swap3A_474 = vector.shape_cast %swap3A_473 : vector<1x1x16xf32> to vector<16xf32>
      %swap3A_475 = vector.shape_cast %broadcast_in_dim3A_173 : vector<16xf32> to vector<1x1x16xf32>
      tpu.vector_store %arg14[%swap3A_470, %swap3A_471, %swap3A_472], %swap3A_475 {strides = array<i32>} : memref<2x128x128xf32, #tpu.memory_space<vmem>>, vector<1x1x16xf32>,
      %swap3A_476 = arith.constant 0 : i32
      %swap3A_477 = arith.index_cast %swap3A_476 : i32 to index
      %swap3A_478 = arith.index_cast %scan3A_427 : i32 to index
      %swap3A_479 = arith.constant 112 : index
      %swap3A_480 = tpu.vector_load %arg14[%swap3A_477, %swap3A_478, %swap3A_479] {strides = array<i32>} : memref<2x128x128xf32, #tpu.memory_space<vmem>>, vector<1x1x16xf32>,
      %swap3A_481 = vector.shape_cast %swap3A_480 : vector<1x1x16xf32> to vector<16xf32>
      %swap3A_482 = vector.shape_cast %broadcast_in_dim3A_173 : vector<16xf32> to vector<1x1x16xf32>
      tpu.vector_store %arg14[%swap3A_477, %swap3A_478, %swap3A_479], %swap3A_482 {strides = array<i32>} : memref<2x128x128xf32, #tpu.memory_space<vmem>>, vector<1x1x16xf32>,
    }
    %scan3A_178 = arith.constant 128 : i32
    %scan3A_179 = arith.constant 0 : i32
    %scan3A_180 = arith.constant 0 : i32
    %scan3A_181 = arith.constant 128 : i32
    %scan3A_182 = arith.addi %scan3A_180, %scan3A_181 : i32
    %scan3A_183 = arith.constant 1 : i32
    scf.for %scan3A_427 = %scan3A_180 to %scan3A_182 step %scan3A_183  : i32 {
      %swap3A = arith.constant 1 : i32
      %swap3A_428 = arith.index_cast %swap3A : i32 to index
      %swap3A_429 = arith.index_cast %scan3A_427 : i32 to index
      %swap3A_430 = arith.constant 0 : index
      %swap3A_431 = tpu.vector_load %arg14[%swap3A_428, %swap3A_429, %swap3A_430] {strides = array<i32>} : memref<2x128x128xf32, #tpu.memory_space<vmem>>, vector<1x1x16xf32>,
      %swap3A_432 = vector.shape_cast %swap3A_431 : vector<1x1x16xf32> to vector<16xf32>
      %swap3A_433 = vector.shape_cast %broadcast_in_dim3A_173 : vector<16xf32> to vector<1x1x16xf32>
      tpu.vector_store %arg14[%swap3A_428, %swap3A_429, %swap3A_430], %swap3A_433 {strides = array<i32>} : memref<2x128x128xf32, #tpu.memory_space<vmem>>, vector<1x1x16xf32>,
      %swap3A_434 = arith.constant 1 : i32
      %swap3A_435 = arith.index_cast %swap3A_434 : i32 to index
      %swap3A_436 = arith.index_cast %scan3A_427 : i32 to index
      %swap3A_437 = arith.constant 16 : index
      %swap3A_438 = tpu.vector_load %arg14[%swap3A_435, %swap3A_436, %swap3A_437] {strides = array<i32>} : memref<2x128x128xf32, #tpu.memory_space<vmem>>, vector<1x1x16xf32>,
      %swap3A_439 = vector.shape_cast %swap3A_438 : vector<1x1x16xf32> to vector<16xf32>
      %swap3A_440 = vector.shape_cast %broadcast_in_dim3A_173 : vector<16xf32> to vector<1x1x16xf32>
      tpu.vector_store %arg14[%swap3A_435, %swap3A_436, %swap3A_437], %swap3A_440 {strides = array<i32>} : memref<2x128x128xf32, #tpu.memory_space<vmem>>, vector<1x1x16xf32>,
      %swap3A_441 = arith.constant 1 : i32
      %swap3A_442 = arith.index_cast %swap3A_441 : i32 to index
      %swap3A_443 = arith.index_cast %scan3A_427 : i32 to index
      %swap3A_444 = arith.constant 32 : index
      %swap3A_445 = tpu.vector_load %arg14[%swap3A_442, %swap3A_443, %swap3A_444] {strides = array<i32>} : memref<2x128x128xf32, #tpu.memory_space<vmem>>, vector<1x1x16xf32>,
      %swap3A_446 = vector.shape_cast %swap3A_445 : vector<1x1x16xf32> to vector<16xf32>
      %swap3A_447 = vector.shape_cast %broadcast_in_dim3A_173 : vector<16xf32> to vector<1x1x16xf32>
      tpu.vector_store %arg14[%swap3A_442, %swap3A_443, %swap3A_444], %swap3A_447 {strides = array<i32>} : memref<2x128x128xf32, #tpu.memory_space<vmem>>, vector<1x1x16xf32>,
      %swap3A_448 = arith.constant 1 : i32
      %swap3A_449 = arith.index_cast %swap3A_448 : i32 to index
      %swap3A_450 = arith.index_cast %scan3A_427 : i32 to index
      %swap3A_451 = arith.constant 48 : index
      %swap3A_452 = tpu.vector_load %arg14[%swap3A_449, %swap3A_450, %swap3A_451] {strides = array<i32>} : memref<2x128x128xf32, #tpu.memory_space<vmem>>, vector<1x1x16xf32>,
      %swap3A_453 = vector.shape_cast %swap3A_452 : vector<1x1x16xf32> to vector<16xf32>
      %swap3A_454 = vector.shape_cast %broadcast_in_dim3A_173 : vector<16xf32> to vector<1x1x16xf32>
      tpu.vector_store %arg14[%swap3A_449, %swap3A_450, %swap3A_451], %swap3A_454 {strides = array<i32>} : memref<2x128x128xf32, #tpu.memory_space<vmem>>, vector<1x1x16xf32>,
      %swap3A_455 = arith.constant 1 : i32
      %swap3A_456 = arith.index_cast %swap3A_455 : i32 to index
      %swap3A_457 = arith.index_cast %scan3A_427 : i32 to index
      %swap3A_458 = arith.constant 64 : index
      %swap3A_459 = tpu.vector_load %arg14[%swap3A_456, %swap3A_457, %swap3A_458] {strides = array<i32>} : memref<2x128x128xf32, #tpu.memory_space<vmem>>, vector<1x1x16xf32>,
      %swap3A_460 = vector.shape_cast %swap3A_459 : vector<1x1x16xf32> to vector<16xf32>
      %swap3A_461 = vector.shape_cast %broadcast_in_dim3A_173 : vector<16xf32> to vector<1x1x16xf32>
      tpu.vector_store %arg14[%swap3A_456, %swap3A_457, %swap3A_458], %swap3A_461 {strides = array<i32>} : memref<2x128x128xf32, #tpu.memory_space<vmem>>, vector<1x1x16xf32>,
      %swap3A_462 = arith.constant 1 : i32
      %swap3A_463 = arith.index_cast %swap3A_462 : i32 to index
      %swap3A_464 = arith.index_cast %scan3A_427 : i32 to index
      %swap3A_465 = arith.constant 80 : index
      %swap3A_466 = tpu.vector_load %arg14[%swap3A_463, %swap3A_464, %swap3A_465] {strides = array<i32>} : memref<2x128x128xf32, #tpu.memory_space<vmem>>, vector<1x1x16xf32>,
      %swap3A_467 = vector.shape_cast %swap3A_466 : vector<1x1x16xf32> to vector<16xf32>
      %swap3A_468 = vector.shape_cast %broadcast_in_dim3A_173 : vector<16xf32> to vector<1x1x16xf32>
      tpu.vector_store %arg14[%swap3A_463, %swap3A_464, %swap3A_465], %swap3A_468 {strides = array<i32>} : memref<2x128x128xf32, #tpu.memory_space<vmem>>, vector<1x1x16xf32>,
      %swap3A_469 = arith.constant 1 : i32
      %swap3A_470 = arith.index_cast %swap3A_469 : i32 to index
      %swap3A_471 = arith.index_cast %scan3A_427 : i32 to index
      %swap3A_472 = arith.constant 96 : index
      %swap3A_473 = tpu.vector_load %arg14[%swap3A_470, %swap3A_471, %swap3A_472] {strides = array<i32>} : memref<2x128x128xf32, #tpu.memory_space<vmem>>, vector<1x1x16xf32>,
      %swap3A_474 = vector.shape_cast %swap3A_473 : vector<1x1x16xf32> to vector<16xf32>
      %swap3A_475 = vector.shape_cast %broadcast_in_dim3A_173 : vector<16xf32> to vector<1x1x16xf32>
      tpu.vector_store %arg14[%swap3A_470, %swap3A_471, %swap3A_472], %swap3A_475 {strides = array<i32>} : memref<2x128x128xf32, #tpu.memory_space<vmem>>, vector<1x1x16xf32>,
      %swap3A_476 = arith.constant 1 : i32
      %swap3A_477 = arith.index_cast %swap3A_476 : i32 to index
      %swap3A_478 = arith.index_cast %scan3A_427 : i32 to index
      %swap3A_479 = arith.constant 112 : index
      %swap3A_480 = tpu.vector_load %arg14[%swap3A_477, %swap3A_478, %swap3A_479] {strides = array<i32>} : memref<2x128x128xf32, #tpu.memory_space<vmem>>, vector<1x1x16xf32>,
      %swap3A_481 = vector.shape_cast %swap3A_480 : vector<1x1x16xf32> to vector<16xf32>
      %swap3A_482 = vector.shape_cast %broadcast_in_dim3A_173 : vector<16xf32> to vector<1x1x16xf32>
      tpu.vector_store %arg14[%swap3A_477, %swap3A_478, %swap3A_479], %swap3A_482 {strides = array<i32>} : memref<2x128x128xf32, #tpu.memory_space<vmem>>, vector<1x1x16xf32>,
    }
    %scan3A_184 = arith.constant 128 : i32
    %dma_start3A_185 = arith.constant 0 : i32
    %dma_start3A_186 = arith.constant 0 : i32
    %dma_start3A_187 = arith.constant 0 : i32
    %dma_start3A_188 = tpu.memref_slice %arg12[%dma_start3A_185, %dma_start3A_186, %dma_start3A_187] : memref<2x128x128xf32, #tpu.memory_space<vmem>> -> memref<1x128x128xf32, #tpu.memory_space<vmem>>
    %dma_start3A_189 = tpu.memref_squeeze %dma_start3A_188 : memref<1x128x128xf32, #tpu.memory_space<vmem>> -> memref<128x128xf32, #tpu.memory_space<vmem>>
    %dma_start3A_190 = arith.constant 0 : i32
    %dma_start3A_191 = tpu.memref_slice %arg9[%dma_start3A_190] : memref<512xi32, #tpu.memory_space<vmem>> -> memref<128xi32, #tpu.memory_space<vmem>>
    %dma_start3A_192 = arith.constant 0 : i32
    %dma_start3A_193 = arith.constant 0 : i32
    %dma_start3A_194 = tpu.memref_slice %arg5[%dma_start3A_192, %dma_start3A_193] : memref<100000x128xf32, #tpu.memory_space<hbm>> -> memref<100000x128xf32, #tpu.memory_space<hbm>>
    tpu.enqueue_indirect_dma source(%dma_start3A_194 : memref<100000x128xf32, #tpu.memory_space<hbm>>) target(%dma_start3A_189 : memref<128x128xf32, #tpu.memory_space<vmem>>) offsets(%dma_start3A_191 : memref<128xi32, #tpu.memory_space<vmem>>) semaphore(%arg17 : memref<!tpu.dma_semaphore, #tpu.memory_space<semaphore_mem>>)
    %dma_start3A_195 = arith.constant 0 : i32
    %dma_start3A_196 = arith.constant 0 : i32
    %dma_start3A_197 = arith.constant 0 : i32
    %dma_start3A_198 = tpu.memref_slice %arg13[%dma_start3A_195, %dma_start3A_196, %dma_start3A_197] : memref<2x128x128xf32, #tpu.memory_space<vmem>> -> memref<1x128x128xf32, #tpu.memory_space<vmem>>
    %dma_start3A_199 = tpu.memref_squeeze %dma_start3A_198 : memref<1x128x128xf32, #tpu.memory_space<vmem>> -> memref<128x128xf32, #tpu.memory_space<vmem>>
    %dma_start3A_200 = arith.constant 0 : i32
    %dma_start3A_201 = tpu.memref_slice %arg10[%dma_start3A_200] : memref<512xi32, #tpu.memory_space<vmem>> -> memref<128xi32, #tpu.memory_space<vmem>>
    %dma_start3A_202 = arith.constant 0 : i32
    %dma_start3A_203 = arith.constant 0 : i32
    %dma_start3A_204 = tpu.memref_slice %arg6[%dma_start3A_202, %dma_start3A_203] : memref<100000x128xf32, #tpu.memory_space<hbm>> -> memref<100000x128xf32, #tpu.memory_space<hbm>>
    tpu.enqueue_indirect_dma source(%dma_start3A_204 : memref<100000x128xf32, #tpu.memory_space<hbm>>) target(%dma_start3A_199 : memref<128x128xf32, #tpu.memory_space<vmem>>) offsets(%dma_start3A_201 : memref<128xi32, #tpu.memory_space<vmem>>) semaphore(%arg17 : memref<!tpu.dma_semaphore, #tpu.memory_space<semaphore_mem>>)
    %dma_start3A_205 = arith.constant 0 : i32
    %dma_start3A_206 = arith.constant 0 : i32
    %dma_start3A_207 = arith.constant 0 : i32
    %dma_start3A_208 = tpu.memref_slice %arg14[%dma_start3A_205, %dma_start3A_206, %dma_start3A_207] : memref<2x128x128xf32, #tpu.memory_space<vmem>> -> memref<1x128x128xf32, #tpu.memory_space<vmem>>
    %dma_start3A_209 = tpu.memref_squeeze %dma_start3A_208 : memref<1x128x128xf32, #tpu.memory_space<vmem>> -> memref<128x128xf32, #tpu.memory_space<vmem>>
    %dma_start3A_210 = arith.constant 0 : i32
    %dma_start3A_211 = tpu.memref_slice %arg11[%dma_start3A_210] : memref<10240xi32, #tpu.memory_space<vmem>> -> memref<128xi32, #tpu.memory_space<vmem>>
    %dma_start3A_212 = arith.constant 0 : i32
    %dma_start3A_213 = arith.constant 0 : i32
    %dma_start3A_214 = tpu.memref_slice %arg6[%dma_start3A_212, %dma_start3A_213] : memref<100000x128xf32, #tpu.memory_space<hbm>> -> memref<100000x128xf32, #tpu.memory_space<hbm>>
    tpu.enqueue_indirect_dma source(%dma_start3A_214 : memref<100000x128xf32, #tpu.memory_space<hbm>>) target(%dma_start3A_209 : memref<128x128xf32, #tpu.memory_space<vmem>>) offsets(%dma_start3A_211 : memref<128xi32, #tpu.memory_space<vmem>>) semaphore(%arg17 : memref<!tpu.dma_semaphore, #tpu.memory_space<semaphore_mem>>) {add = true}
    %dma_start3A_215 = arith.constant 0 : i32
    %dma_start3A_216 = arith.constant 0 : i32
    %dma_start3A_217 = arith.constant 0 : i32
    %dma_start3A_218 = tpu.memref_slice %arg14[%dma_start3A_215, %dma_start3A_216, %dma_start3A_217] : memref<2x128x128xf32, #tpu.memory_space<vmem>> -> memref<1x128x128xf32, #tpu.memory_space<vmem>>
    %dma_start3A_219 = tpu.memref_squeeze %dma_start3A_218 : memref<1x128x128xf32, #tpu.memory_space<vmem>> -> memref<128x128xf32, #tpu.memory_space<vmem>>
    %dma_start3A_220 = arith.constant 512 : i32
    %dma_start3A_221 = tpu.memref_slice %arg11[%dma_start3A_220] : memref<10240xi32, #tpu.memory_space<vmem>> -> memref<128xi32, #tpu.memory_space<vmem>>
    %dma_start3A_222 = arith.constant 0 : i32
    %dma_start3A_223 = arith.constant 0 : i32
    %dma_start3A_224 = tpu.memref_slice %arg6[%dma_start3A_222, %dma_start3A_223] : memref<100000x128xf32, #tpu.memory_space<hbm>> -> memref<100000x128xf32, #tpu.memory_space<hbm>>
    tpu.enqueue_indirect_dma source(%dma_start3A_224 : memref<100000x128xf32, #tpu.memory_space<hbm>>) target(%dma_start3A_219 : memref<128x128xf32, #tpu.memory_space<vmem>>) offsets(%dma_start3A_221 : memref<128xi32, #tpu.memory_space<vmem>>) semaphore(%arg17 : memref<!tpu.dma_semaphore, #tpu.memory_space<semaphore_mem>>) {add = true}
    %dma_start3A_225 = arith.constant 0 : i32
    %dma_start3A_226 = arith.constant 0 : i32
    %dma_start3A_227 = arith.constant 0 : i32
    %dma_start3A_228 = tpu.memref_slice %arg14[%dma_start3A_225, %dma_start3A_226, %dma_start3A_227] : memref<2x128x128xf32, #tpu.memory_space<vmem>> -> memref<1x128x128xf32, #tpu.memory_space<vmem>>
    %dma_start3A_229 = tpu.memref_squeeze %dma_start3A_228 : memref<1x128x128xf32, #tpu.memory_space<vmem>> -> memref<128x128xf32, #tpu.memory_space<vmem>>
    %dma_start3A_230 = arith.constant 1024 : i32
    %dma_start3A_231 = tpu.memref_slice %arg11[%dma_start3A_230] : memref<10240xi32, #tpu.memory_space<vmem>> -> memref<128xi32, #tpu.memory_space<vmem>>
    %dma_start3A_232 = arith.constant 0 : i32
    %dma_start3A_233 = arith.constant 0 : i32
    %dma_start3A_234 = tpu.memref_slice %arg6[%dma_start3A_232, %dma_start3A_233] : memref<100000x128xf32, #tpu.memory_space<hbm>> -> memref<100000x128xf32, #tpu.memory_space<hbm>>
    tpu.enqueue_indirect_dma source(%dma_start3A_234 : memref<100000x128xf32, #tpu.memory_space<hbm>>) target(%dma_start3A_229 : memref<128x128xf32, #tpu.memory_space<vmem>>) offsets(%dma_start3A_231 : memref<128xi32, #tpu.memory_space<vmem>>) semaphore(%arg17 : memref<!tpu.dma_semaphore, #tpu.memory_space<semaphore_mem>>) {add = true}
    %dma_start3A_235 = arith.constant 0 : i32
    %dma_start3A_236 = arith.constant 0 : i32
    %dma_start3A_237 = arith.constant 0 : i32
    %dma_start3A_238 = tpu.memref_slice %arg14[%dma_start3A_235, %dma_start3A_236, %dma_start3A_237] : memref<2x128x128xf32, #tpu.memory_space<vmem>> -> memref<1x128x128xf32, #tpu.memory_space<vmem>>
    %dma_start3A_239 = tpu.memref_squeeze %dma_start3A_238 : memref<1x128x128xf32, #tpu.memory_space<vmem>> -> memref<128x128xf32, #tpu.memory_space<vmem>>
    %dma_start3A_240 = arith.constant 1536 : i32
    %dma_start3A_241 = tpu.memref_slice %arg11[%dma_start3A_240] : memref<10240xi32, #tpu.memory_space<vmem>> -> memref<128xi32, #tpu.memory_space<vmem>>
    %dma_start3A_242 = arith.constant 0 : i32
    %dma_start3A_243 = arith.constant 0 : i32
    %dma_start3A_244 = tpu.memref_slice %arg6[%dma_start3A_242, %dma_start3A_243] : memref<100000x128xf32, #tpu.memory_space<hbm>> -> memref<100000x128xf32, #tpu.memory_space<hbm>>
    tpu.enqueue_indirect_dma source(%dma_start3A_244 : memref<100000x128xf32, #tpu.memory_space<hbm>>) target(%dma_start3A_239 : memref<128x128xf32, #tpu.memory_space<vmem>>) offsets(%dma_start3A_241 : memref<128xi32, #tpu.memory_space<vmem>>) semaphore(%arg17 : memref<!tpu.dma_semaphore, #tpu.memory_space<semaphore_mem>>) {add = true}
    %dma_start3A_245 = arith.constant 0 : i32
    %dma_start3A_246 = arith.constant 0 : i32
    %dma_start3A_247 = arith.constant 0 : i32
    %dma_start3A_248 = tpu.memref_slice %arg14[%dma_start3A_245, %dma_start3A_246, %dma_start3A_247] : memref<2x128x128xf32, #tpu.memory_space<vmem>> -> memref<1x128x128xf32, #tpu.memory_space<vmem>>
    %dma_start3A_249 = tpu.memref_squeeze %dma_start3A_248 : memref<1x128x128xf32, #tpu.memory_space<vmem>> -> memref<128x128xf32, #tpu.memory_space<vmem>>
    %dma_start3A_250 = arith.constant 2048 : i32
    %dma_start3A_251 = tpu.memref_slice %arg11[%dma_start3A_250] : memref<10240xi32, #tpu.memory_space<vmem>> -> memref<128xi32, #tpu.memory_space<vmem>>
    %dma_start3A_252 = arith.constant 0 : i32
    %dma_start3A_253 = arith.constant 0 : i32
    %dma_start3A_254 = tpu.memref_slice %arg6[%dma_start3A_252, %dma_start3A_253] : memref<100000x128xf32, #tpu.memory_space<hbm>> -> memref<100000x128xf32, #tpu.memory_space<hbm>>
    tpu.enqueue_indirect_dma source(%dma_start3A_254 : memref<100000x128xf32, #tpu.memory_space<hbm>>) target(%dma_start3A_249 : memref<128x128xf32, #tpu.memory_space<vmem>>) offsets(%dma_start3A_251 : memref<128xi32, #tpu.memory_space<vmem>>) semaphore(%arg17 : memref<!tpu.dma_semaphore, #tpu.memory_space<semaphore_mem>>) {add = true}
    %dma_start3A_255 = arith.constant 0 : i32
    %dma_start3A_256 = arith.constant 0 : i32
    %dma_start3A_257 = arith.constant 0 : i32
    %dma_start3A_258 = tpu.memref_slice %arg14[%dma_start3A_255, %dma_start3A_256, %dma_start3A_257] : memref<2x128x128xf32, #tpu.memory_space<vmem>> -> memref<1x128x128xf32, #tpu.memory_space<vmem>>
    %dma_start3A_259 = tpu.memref_squeeze %dma_start3A_258 : memref<1x128x128xf32, #tpu.memory_space<vmem>> -> memref<128x128xf32, #tpu.memory_space<vmem>>
    %dma_start3A_260 = arith.constant 2560 : i32
    %dma_start3A_261 = tpu.memref_slice %arg11[%dma_start3A_260] : memref<10240xi32, #tpu.memory_space<vmem>> -> memref<128xi32, #tpu.memory_space<vmem>>
    %dma_start3A_262 = arith.constant 0 : i32
    %dma_start3A_263 = arith.constant 0 : i32
    %dma_start3A_264 = tpu.memref_slice %arg6[%dma_start3A_262, %dma_start3A_263] : memref<100000x128xf32, #tpu.memory_space<hbm>> -> memref<100000x128xf32, #tpu.memory_space<hbm>>
    tpu.enqueue_indirect_dma source(%dma_start3A_264 : memref<100000x128xf32, #tpu.memory_space<hbm>>) target(%dma_start3A_259 : memref<128x128xf32, #tpu.memory_space<vmem>>) offsets(%dma_start3A_261 : memref<128xi32, #tpu.memory_space<vmem>>) semaphore(%arg17 : memref<!tpu.dma_semaphore, #tpu.memory_space<semaphore_mem>>) {add = true}
    %dma_start3A_265 = arith.constant 0 : i32
    %dma_start3A_266 = arith.constant 0 : i32
    %dma_start3A_267 = arith.constant 0 : i32
    %dma_start3A_268 = tpu.memref_slice %arg14[%dma_start3A_265, %dma_start3A_266, %dma_start3A_267] : memref<2x128x128xf32, #tpu.memory_space<vmem>> -> memref<1x128x128xf32, #tpu.memory_space<vmem>>
    %dma_start3A_269 = tpu.memref_squeeze %dma_start3A_268 : memref<1x128x128xf32, #tpu.memory_space<vmem>> -> memref<128x128xf32, #tpu.memory_space<vmem>>
    %dma_start3A_270 = arith.constant 3072 : i32
    %dma_start3A_271 = tpu.memref_slice %arg11[%dma_start3A_270] : memref<10240xi32, #tpu.memory_space<vmem>> -> memref<128xi32, #tpu.memory_space<vmem>>
    %dma_start3A_272 = arith.constant 0 : i32
    %dma_start3A_273 = arith.constant 0 : i32
    %dma_start3A_274 = tpu.memref_slice %arg6[%dma_start3A_272, %dma_start3A_273] : memref<100000x128xf32, #tpu.memory_space<hbm>> -> memref<100000x128xf32, #tpu.memory_space<hbm>>
    tpu.enqueue_indirect_dma source(%dma_start3A_274 : memref<100000x128xf32, #tpu.memory_space<hbm>>) target(%dma_start3A_269 : memref<128x128xf32, #tpu.memory_space<vmem>>) offsets(%dma_start3A_271 : memref<128xi32, #tpu.memory_space<vmem>>) semaphore(%arg17 : memref<!tpu.dma_semaphore, #tpu.memory_space<semaphore_mem>>) {add = true}
    %dma_start3A_275 = arith.constant 0 : i32
    %dma_start3A_276 = arith.constant 0 : i32
    %dma_start3A_277 = arith.constant 0 : i32
    %dma_start3A_278 = tpu.memref_slice %arg14[%dma_start3A_275, %dma_start3A_276, %dma_start3A_277] : memref<2x128x128xf32, #tpu.memory_space<vmem>> -> memref<1x128x128xf32, #tpu.memory_space<vmem>>
    %dma_start3A_279 = tpu.memref_squeeze %dma_start3A_278 : memref<1x128x128xf32, #tpu.memory_space<vmem>> -> memref<128x128xf32, #tpu.memory_space<vmem>>
    %dma_start3A_280 = arith.constant 3584 : i32
    %dma_start3A_281 = tpu.memref_slice %arg11[%dma_start3A_280] : memref<10240xi32, #tpu.memory_space<vmem>> -> memref<128xi32, #tpu.memory_space<vmem>>
    %dma_start3A_282 = arith.constant 0 : i32
    %dma_start3A_283 = arith.constant 0 : i32
    %dma_start3A_284 = tpu.memref_slice %arg6[%dma_start3A_282, %dma_start3A_283] : memref<100000x128xf32, #tpu.memory_space<hbm>> -> memref<100000x128xf32, #tpu.memory_space<hbm>>
    tpu.enqueue_indirect_dma source(%dma_start3A_284 : memref<100000x128xf32, #tpu.memory_space<hbm>>) target(%dma_start3A_279 : memref<128x128xf32, #tpu.memory_space<vmem>>) offsets(%dma_start3A_281 : memref<128xi32, #tpu.memory_space<vmem>>) semaphore(%arg17 : memref<!tpu.dma_semaphore, #tpu.memory_space<semaphore_mem>>) {add = true}
    %dma_start3A_285 = arith.constant 0 : i32
    %dma_start3A_286 = arith.constant 0 : i32
    %dma_start3A_287 = arith.constant 0 : i32
    %dma_start3A_288 = tpu.memref_slice %arg14[%dma_start3A_285, %dma_start3A_286, %dma_start3A_287] : memref<2x128x128xf32, #tpu.memory_space<vmem>> -> memref<1x128x128xf32, #tpu.memory_space<vmem>>
    %dma_start3A_289 = tpu.memref_squeeze %dma_start3A_288 : memref<1x128x128xf32, #tpu.memory_space<vmem>> -> memref<128x128xf32, #tpu.memory_space<vmem>>
    %dma_start3A_290 = arith.constant 4096 : i32
    %dma_start3A_291 = tpu.memref_slice %arg11[%dma_start3A_290] : memref<10240xi32, #tpu.memory_space<vmem>> -> memref<128xi32, #tpu.memory_space<vmem>>
    %dma_start3A_292 = arith.constant 0 : i32
    %dma_start3A_293 = arith.constant 0 : i32
    %dma_start3A_294 = tpu.memref_slice %arg6[%dma_start3A_292, %dma_start3A_293] : memref<100000x128xf32, #tpu.memory_space<hbm>> -> memref<100000x128xf32, #tpu.memory_space<hbm>>
    tpu.enqueue_indirect_dma source(%dma_start3A_294 : memref<100000x128xf32, #tpu.memory_space<hbm>>) target(%dma_start3A_289 : memref<128x128xf32, #tpu.memory_space<vmem>>) offsets(%dma_start3A_291 : memref<128xi32, #tpu.memory_space<vmem>>) semaphore(%arg17 : memref<!tpu.dma_semaphore, #tpu.memory_space<semaphore_mem>>) {add = true}
    %dma_start3A_295 = arith.constant 0 : i32
    %dma_start3A_296 = arith.constant 0 : i32
    %dma_start3A_297 = arith.constant 0 : i32
    %dma_start3A_298 = tpu.memref_slice %arg14[%dma_start3A_295, %dma_start3A_296, %dma_start3A_297] : memref<2x128x128xf32, #tpu.memory_space<vmem>> -> memref<1x128x128xf32, #tpu.memory_space<vmem>>
    %dma_start3A_299 = tpu.memref_squeeze %dma_start3A_298 : memref<1x128x128xf32, #tpu.memory_space<vmem>> -> memref<128x128xf32, #tpu.memory_space<vmem>>
    %dma_start3A_300 = arith.constant 4608 : i32
    %dma_start3A_301 = tpu.memref_slice %arg11[%dma_start3A_300] : memref<10240xi32, #tpu.memory_space<vmem>> -> memref<128xi32, #tpu.memory_space<vmem>>
    %dma_start3A_302 = arith.constant 0 : i32
    %dma_start3A_303 = arith.constant 0 : i32
    %dma_start3A_304 = tpu.memref_slice %arg6[%dma_start3A_302, %dma_start3A_303] : memref<100000x128xf32, #tpu.memory_space<hbm>> -> memref<100000x128xf32, #tpu.memory_space<hbm>>
    tpu.enqueue_indirect_dma source(%dma_start3A_304 : memref<100000x128xf32, #tpu.memory_space<hbm>>) target(%dma_start3A_299 : memref<128x128xf32, #tpu.memory_space<vmem>>) offsets(%dma_start3A_301 : memref<128xi32, #tpu.memory_space<vmem>>) semaphore(%arg17 : memref<!tpu.dma_semaphore, #tpu.memory_space<semaphore_mem>>) {add = true}
    %dma_start3A_305 = arith.constant 0 : i32
    %dma_start3A_306 = arith.constant 0 : i32
    %dma_start3A_307 = arith.constant 0 : i32
    %dma_start3A_308 = tpu.memref_slice %arg14[%dma_start3A_305, %dma_start3A_306, %dma_start3A_307] : memref<2x128x128xf32, #tpu.memory_space<vmem>> -> memref<1x128x128xf32, #tpu.memory_space<vmem>>
    %dma_start3A_309 = tpu.memref_squeeze %dma_start3A_308 : memref<1x128x128xf32, #tpu.memory_space<vmem>> -> memref<128x128xf32, #tpu.memory_space<vmem>>
    %dma_start3A_310 = arith.constant 5120 : i32
    %dma_start3A_311 = tpu.memref_slice %arg11[%dma_start3A_310] : memref<10240xi32, #tpu.memory_space<vmem>> -> memref<128xi32, #tpu.memory_space<vmem>>
    %dma_start3A_312 = arith.constant 0 : i32
    %dma_start3A_313 = arith.constant 0 : i32
    %dma_start3A_314 = tpu.memref_slice %arg6[%dma_start3A_312, %dma_start3A_313] : memref<100000x128xf32, #tpu.memory_space<hbm>> -> memref<100000x128xf32, #tpu.memory_space<hbm>>
    tpu.enqueue_indirect_dma source(%dma_start3A_314 : memref<100000x128xf32, #tpu.memory_space<hbm>>) target(%dma_start3A_309 : memref<128x128xf32, #tpu.memory_space<vmem>>) offsets(%dma_start3A_311 : memref<128xi32, #tpu.memory_space<vmem>>) semaphore(%arg17 : memref<!tpu.dma_semaphore, #tpu.memory_space<semaphore_mem>>) {add = true}
    %dma_start3A_315 = arith.constant 0 : i32
    %dma_start3A_316 = arith.constant 0 : i32
    %dma_start3A_317 = arith.constant 0 : i32
    %dma_start3A_318 = tpu.memref_slice %arg14[%dma_start3A_315, %dma_start3A_316, %dma_start3A_317] : memref<2x128x128xf32, #tpu.memory_space<vmem>> -> memref<1x128x128xf32, #tpu.memory_space<vmem>>
    %dma_start3A_319 = tpu.memref_squeeze %dma_start3A_318 : memref<1x128x128xf32, #tpu.memory_space<vmem>> -> memref<128x128xf32, #tpu.memory_space<vmem>>
    %dma_start3A_320 = arith.constant 5632 : i32
    %dma_start3A_321 = tpu.memref_slice %arg11[%dma_start3A_320] : memref<10240xi32, #tpu.memory_space<vmem>> -> memref<128xi32, #tpu.memory_space<vmem>>
    %dma_start3A_322 = arith.constant 0 : i32
    %dma_start3A_323 = arith.constant 0 : i32
    %dma_start3A_324 = tpu.memref_slice %arg6[%dma_start3A_322, %dma_start3A_323] : memref<100000x128xf32, #tpu.memory_space<hbm>> -> memref<100000x128xf32, #tpu.memory_space<hbm>>
    tpu.enqueue_indirect_dma source(%dma_start3A_324 : memref<100000x128xf32, #tpu.memory_space<hbm>>) target(%dma_start3A_319 : memref<128x128xf32, #tpu.memory_space<vmem>>) offsets(%dma_start3A_321 : memref<128xi32, #tpu.memory_space<vmem>>) semaphore(%arg17 : memref<!tpu.dma_semaphore, #tpu.memory_space<semaphore_mem>>) {add = true}
    %dma_start3A_325 = arith.constant 0 : i32
    %dma_start3A_326 = arith.constant 0 : i32
    %dma_start3A_327 = arith.constant 0 : i32
    %dma_start3A_328 = tpu.memref_slice %arg14[%dma_start3A_325, %dma_start3A_326, %dma_start3A_327] : memref<2x128x128xf32, #tpu.memory_space<vmem>> -> memref<1x128x128xf32, #tpu.memory_space<vmem>>
    %dma_start3A_329 = tpu.memref_squeeze %dma_start3A_328 : memref<1x128x128xf32, #tpu.memory_space<vmem>> -> memref<128x128xf32, #tpu.memory_space<vmem>>
    %dma_start3A_330 = arith.constant 6144 : i32
    %dma_start3A_331 = tpu.memref_slice %arg11[%dma_start3A_330] : memref<10240xi32, #tpu.memory_space<vmem>> -> memref<128xi32, #tpu.memory_space<vmem>>
    %dma_start3A_332 = arith.constant 0 : i32
    %dma_start3A_333 = arith.constant 0 : i32
    %dma_start3A_334 = tpu.memref_slice %arg6[%dma_start3A_332, %dma_start3A_333] : memref<100000x128xf32, #tpu.memory_space<hbm>> -> memref<100000x128xf32, #tpu.memory_space<hbm>>
    tpu.enqueue_indirect_dma source(%dma_start3A_334 : memref<100000x128xf32, #tpu.memory_space<hbm>>) target(%dma_start3A_329 : memref<128x128xf32, #tpu.memory_space<vmem>>) offsets(%dma_start3A_331 : memref<128xi32, #tpu.memory_space<vmem>>) semaphore(%arg17 : memref<!tpu.dma_semaphore, #tpu.memory_space<semaphore_mem>>) {add = true}
    %dma_start3A_335 = arith.constant 0 : i32
    %dma_start3A_336 = arith.constant 0 : i32
    %dma_start3A_337 = arith.constant 0 : i32
    %dma_start3A_338 = tpu.memref_slice %arg14[%dma_start3A_335, %dma_start3A_336, %dma_start3A_337] : memref<2x128x128xf32, #tpu.memory_space<vmem>> -> memref<1x128x128xf32, #tpu.memory_space<vmem>>
    %dma_start3A_339 = tpu.memref_squeeze %dma_start3A_338 : memref<1x128x128xf32, #tpu.memory_space<vmem>> -> memref<128x128xf32, #tpu.memory_space<vmem>>
    %dma_start3A_340 = arith.constant 6656 : i32
    %dma_start3A_341 = tpu.memref_slice %arg11[%dma_start3A_340] : memref<10240xi32, #tpu.memory_space<vmem>> -> memref<128xi32, #tpu.memory_space<vmem>>
    %dma_start3A_342 = arith.constant 0 : i32
    %dma_start3A_343 = arith.constant 0 : i32
    %dma_start3A_344 = tpu.memref_slice %arg6[%dma_start3A_342, %dma_start3A_343] : memref<100000x128xf32, #tpu.memory_space<hbm>> -> memref<100000x128xf32, #tpu.memory_space<hbm>>
    tpu.enqueue_indirect_dma source(%dma_start3A_344 : memref<100000x128xf32, #tpu.memory_space<hbm>>) target(%dma_start3A_339 : memref<128x128xf32, #tpu.memory_space<vmem>>) offsets(%dma_start3A_341 : memref<128xi32, #tpu.memory_space<vmem>>) semaphore(%arg17 : memref<!tpu.dma_semaphore, #tpu.memory_space<semaphore_mem>>) {add = true}
    %dma_start3A_345 = arith.constant 0 : i32
    %dma_start3A_346 = arith.constant 0 : i32
    %dma_start3A_347 = arith.constant 0 : i32
    %dma_start3A_348 = tpu.memref_slice %arg14[%dma_start3A_345, %dma_start3A_346, %dma_start3A_347] : memref<2x128x128xf32, #tpu.memory_space<vmem>> -> memref<1x128x128xf32, #tpu.memory_space<vmem>>
    %dma_start3A_349 = tpu.memref_squeeze %dma_start3A_348 : memref<1x128x128xf32, #tpu.memory_space<vmem>> -> memref<128x128xf32, #tpu.memory_space<vmem>>
    %dma_start3A_350 = arith.constant 7168 : i32
    %dma_start3A_351 = tpu.memref_slice %arg11[%dma_start3A_350] : memref<10240xi32, #tpu.memory_space<vmem>> -> memref<128xi32, #tpu.memory_space<vmem>>
    %dma_start3A_352 = arith.constant 0 : i32
    %dma_start3A_353 = arith.constant 0 : i32
    %dma_start3A_354 = tpu.memref_slice %arg6[%dma_start3A_352, %dma_start3A_353] : memref<100000x128xf32, #tpu.memory_space<hbm>> -> memref<100000x128xf32, #tpu.memory_space<hbm>>
    tpu.enqueue_indirect_dma source(%dma_start3A_354 : memref<100000x128xf32, #tpu.memory_space<hbm>>) target(%dma_start3A_349 : memref<128x128xf32, #tpu.memory_space<vmem>>) offsets(%dma_start3A_351 : memref<128xi32, #tpu.memory_space<vmem>>) semaphore(%arg17 : memref<!tpu.dma_semaphore, #tpu.memory_space<semaphore_mem>>) {add = true}
    %dma_start3A_355 = arith.constant 0 : i32
    %dma_start3A_356 = arith.constant 0 : i32
    %dma_start3A_357 = arith.constant 0 : i32
    %dma_start3A_358 = tpu.memref_slice %arg14[%dma_start3A_355, %dma_start3A_356, %dma_start3A_357] : memref<2x128x128xf32, #tpu.memory_space<vmem>> -> memref<1x128x128xf32, #tpu.memory_space<vmem>>
    %dma_start3A_359 = tpu.memref_squeeze %dma_start3A_358 : memref<1x128x128xf32, #tpu.memory_space<vmem>> -> memref<128x128xf32, #tpu.memory_space<vmem>>
    %dma_start3A_360 = arith.constant 7680 : i32
    %dma_start3A_361 = tpu.memref_slice %arg11[%dma_start3A_360] : memref<10240xi32, #tpu.memory_space<vmem>> -> memref<128xi32, #tpu.memory_space<vmem>>
    %dma_start3A_362 = arith.constant 0 : i32
    %dma_start3A_363 = arith.constant 0 : i32
    %dma_start3A_364 = tpu.memref_slice %arg6[%dma_start3A_362, %dma_start3A_363] : memref<100000x128xf32, #tpu.memory_space<hbm>> -> memref<100000x128xf32, #tpu.memory_space<hbm>>
    tpu.enqueue_indirect_dma source(%dma_start3A_364 : memref<100000x128xf32, #tpu.memory_space<hbm>>) target(%dma_start3A_359 : memref<128x128xf32, #tpu.memory_space<vmem>>) offsets(%dma_start3A_361 : memref<128xi32, #tpu.memory_space<vmem>>) semaphore(%arg17 : memref<!tpu.dma_semaphore, #tpu.memory_space<semaphore_mem>>) {add = true}
    %dma_start3A_365 = arith.constant 0 : i32
    %dma_start3A_366 = arith.constant 0 : i32
    %dma_start3A_367 = arith.constant 0 : i32
    %dma_start3A_368 = tpu.memref_slice %arg14[%dma_start3A_365, %dma_start3A_366, %dma_start3A_367] : memref<2x128x128xf32, #tpu.memory_space<vmem>> -> memref<1x128x128xf32, #tpu.memory_space<vmem>>
    %dma_start3A_369 = tpu.memref_squeeze %dma_start3A_368 : memref<1x128x128xf32, #tpu.memory_space<vmem>> -> memref<128x128xf32, #tpu.memory_space<vmem>>
    %dma_start3A_370 = arith.constant 8192 : i32
    %dma_start3A_371 = tpu.memref_slice %arg11[%dma_start3A_370] : memref<10240xi32, #tpu.memory_space<vmem>> -> memref<128xi32, #tpu.memory_space<vmem>>
    %dma_start3A_372 = arith.constant 0 : i32
    %dma_start3A_373 = arith.constant 0 : i32
    %dma_start3A_374 = tpu.memref_slice %arg6[%dma_start3A_372, %dma_start3A_373] : memref<100000x128xf32, #tpu.memory_space<hbm>> -> memref<100000x128xf32, #tpu.memory_space<hbm>>
    tpu.enqueue_indirect_dma source(%dma_start3A_374 : memref<100000x128xf32, #tpu.memory_space<hbm>>) target(%dma_start3A_369 : memref<128x128xf32, #tpu.memory_space<vmem>>) offsets(%dma_start3A_371 : memref<128xi32, #tpu.memory_space<vmem>>) semaphore(%arg17 : memref<!tpu.dma_semaphore, #tpu.memory_space<semaphore_mem>>) {add = true}
    %dma_start3A_375 = arith.constant 0 : i32
    %dma_start3A_376 = arith.constant 0 : i32
    %dma_start3A_377 = arith.constant 0 : i32
    %dma_start3A_378 = tpu.memref_slice %arg14[%dma_start3A_375, %dma_start3A_376, %dma_start3A_377] : memref<2x128x128xf32, #tpu.memory_space<vmem>> -> memref<1x128x128xf32, #tpu.memory_space<vmem>>
    %dma_start3A_379 = tpu.memref_squeeze %dma_start3A_378 : memref<1x128x128xf32, #tpu.memory_space<vmem>> -> memref<128x128xf32, #tpu.memory_space<vmem>>
    %dma_start3A_380 = arith.constant 8704 : i32
    %dma_start3A_381 = tpu.memref_slice %arg11[%dma_start3A_380] : memref<10240xi32, #tpu.memory_space<vmem>> -> memref<128xi32, #tpu.memory_space<vmem>>
    %dma_start3A_382 = arith.constant 0 : i32
    %dma_start3A_383 = arith.constant 0 : i32
    %dma_start3A_384 = tpu.memref_slice %arg6[%dma_start3A_382, %dma_start3A_383] : memref<100000x128xf32, #tpu.memory_space<hbm>> -> memref<100000x128xf32, #tpu.memory_space<hbm>>
    tpu.enqueue_indirect_dma source(%dma_start3A_384 : memref<100000x128xf32, #tpu.memory_space<hbm>>) target(%dma_start3A_379 : memref<128x128xf32, #tpu.memory_space<vmem>>) offsets(%dma_start3A_381 : memref<128xi32, #tpu.memory_space<vmem>>) semaphore(%arg17 : memref<!tpu.dma_semaphore, #tpu.memory_space<semaphore_mem>>) {add = true}
    %dma_start3A_385 = arith.constant 0 : i32
    %dma_start3A_386 = arith.constant 0 : i32
    %dma_start3A_387 = arith.constant 0 : i32
    %dma_start3A_388 = tpu.memref_slice %arg14[%dma_start3A_385, %dma_start3A_386, %dma_start3A_387] : memref<2x128x128xf32, #tpu.memory_space<vmem>> -> memref<1x128x128xf32, #tpu.memory_space<vmem>>
    %dma_start3A_389 = tpu.memref_squeeze %dma_start3A_388 : memref<1x128x128xf32, #tpu.memory_space<vmem>> -> memref<128x128xf32, #tpu.memory_space<vmem>>
    %dma_start3A_390 = arith.constant 9216 : i32
    %dma_start3A_391 = tpu.memref_slice %arg11[%dma_start3A_390] : memref<10240xi32, #tpu.memory_space<vmem>> -> memref<128xi32, #tpu.memory_space<vmem>>
    %dma_start3A_392 = arith.constant 0 : i32
    %dma_start3A_393 = arith.constant 0 : i32
    %dma_start3A_394 = tpu.memref_slice %arg6[%dma_start3A_392, %dma_start3A_393] : memref<100000x128xf32, #tpu.memory_space<hbm>> -> memref<100000x128xf32, #tpu.memory_space<hbm>>
    tpu.enqueue_indirect_dma source(%dma_start3A_394 : memref<100000x128xf32, #tpu.memory_space<hbm>>) target(%dma_start3A_389 : memref<128x128xf32, #tpu.memory_space<vmem>>) offsets(%dma_start3A_391 : memref<128xi32, #tpu.memory_space<vmem>>) semaphore(%arg17 : memref<!tpu.dma_semaphore, #tpu.memory_space<semaphore_mem>>) {add = true}
    %dma_start3A_395 = arith.constant 0 : i32
    %dma_start3A_396 = arith.constant 0 : i32
    %dma_start3A_397 = arith.constant 0 : i32
    %dma_start3A_398 = tpu.memref_slice %arg14[%dma_start3A_395, %dma_start3A_396, %dma_start3A_397] : memref<2x128x128xf32, #tpu.memory_space<vmem>> -> memref<1x128x128xf32, #tpu.memory_space<vmem>>
    %dma_start3A_399 = tpu.memref_squeeze %dma_start3A_398 : memref<1x128x128xf32, #tpu.memory_space<vmem>> -> memref<128x128xf32, #tpu.memory_space<vmem>>
    %dma_start3A_400 = arith.constant 9728 : i32
    %dma_start3A_401 = tpu.memref_slice %arg11[%dma_start3A_400] : memref<10240xi32, #tpu.memory_space<vmem>> -> memref<128xi32, #tpu.memory_space<vmem>>
    %dma_start3A_402 = arith.constant 0 : i32
    %dma_start3A_403 = arith.constant 0 : i32
    %dma_start3A_404 = tpu.memref_slice %arg6[%dma_start3A_402, %dma_start3A_403] : memref<100000x128xf32, #tpu.memory_space<hbm>> -> memref<100000x128xf32, #tpu.memory_space<hbm>>
    tpu.enqueue_indirect_dma source(%dma_start3A_404 : memref<100000x128xf32, #tpu.memory_space<hbm>>) target(%dma_start3A_399 : memref<128x128xf32, #tpu.memory_space<vmem>>) offsets(%dma_start3A_401 : memref<128xi32, #tpu.memory_space<vmem>>) semaphore(%arg17 : memref<!tpu.dma_semaphore, #tpu.memory_space<semaphore_mem>>) {add = true}
    %scan3A_405 = arith.constant 0 : i32
    %scan3A_406 = arith.constant 0 : i32
    %scan3A_407 = arith.constant 2 : i32
    %scan3A_408 = arith.addi %scan3A_406, %scan3A_407 : i32
    %scan3A_409 = arith.constant 1 : i32
    scf.for %scan3A_427 = %scan3A_406 to %scan3A_408 step %scan3A_409  : i32 {
      %mul3A_428 = arith.constant 2 : i32
      %mul3A_429 = arith.muli %mul3A_428, %scan3A_427 : i32
      %add3A_430 = arith.constant 1 : i32
      %add3A_431 = arith.addi %mul3A_429, %add3A_430 : i32
      %mul3A_432 = arith.constant 128 : i32
      %mul3A_433 = arith.muli %add3A_431, %mul3A_432 : i32
      %dma_start3A_434 = arith.constant 1 : i32
      %dma_start3A_435 = arith.constant 0 : i32
      %dma_start3A_436 = arith.constant 0 : i32
      %dma_start3A_437 = tpu.memref_slice %arg12[%dma_start3A_434, %dma_start3A_435, %dma_start3A_436] : memref<2x128x128xf32, #tpu.memory_space<vmem>> -> memref<1x128x128xf32, #tpu.memory_space<vmem>>
      %dma_start3A_438 = tpu.memref_squeeze %dma_start3A_437 : memref<1x128x128xf32, #tpu.memory_space<vmem>> -> memref<128x128xf32, #tpu.memory_space<vmem>>
      %dma_start3A_439 = tpu.memref_slice %arg9[%mul3A_433] : memref<512xi32, #tpu.memory_space<vmem>> -> memref<128xi32, #tpu.memory_space<vmem>>
      %dma_start3A_440 = arith.constant 0 : i32
      %dma_start3A_441 = arith.constant 0 : i32
      %dma_start3A_442 = tpu.memref_slice %arg5[%dma_start3A_440, %dma_start3A_441] : memref<100000x128xf32, #tpu.memory_space<hbm>> -> memref<100000x128xf32, #tpu.memory_space<hbm>>
      tpu.enqueue_indirect_dma source(%dma_start3A_442 : memref<100000x128xf32, #tpu.memory_space<hbm>>) target(%dma_start3A_438 : memref<128x128xf32, #tpu.memory_space<vmem>>) offsets(%dma_start3A_439 : memref<128xi32, #tpu.memory_space<vmem>>) semaphore(%arg18 : memref<!tpu.dma_semaphore, #tpu.memory_space<semaphore_mem>>)
      %mul3A_443 = arith.constant 128 : i32
      %mul3A_444 = arith.muli %add3A_431, %mul3A_443 : i32
      %dma_start3A_445 = arith.constant 1 : i32
      %dma_start3A_446 = arith.constant 0 : i32
      %dma_start3A_447 = arith.constant 0 : i32
      %dma_start3A_448 = tpu.memref_slice %arg13[%dma_start3A_445, %dma_start3A_446, %dma_start3A_447] : memref<2x128x128xf32, #tpu.memory_space<vmem>> -> memref<1x128x128xf32, #tpu.memory_space<vmem>>
      %dma_start3A_449 = tpu.memref_squeeze %dma_start3A_448 : memref<1x128x128xf32, #tpu.memory_space<vmem>> -> memref<128x128xf32, #tpu.memory_space<vmem>>
      %dma_start3A_450 = tpu.memref_slice %arg10[%mul3A_444] : memref<512xi32, #tpu.memory_space<vmem>> -> memref<128xi32, #tpu.memory_space<vmem>>
      %dma_start3A_451 = arith.constant 0 : i32
      %dma_start3A_452 = arith.constant 0 : i32
      %dma_start3A_453 = tpu.memref_slice %arg6[%dma_start3A_451, %dma_start3A_452] : memref<100000x128xf32, #tpu.memory_space<hbm>> -> memref<100000x128xf32, #tpu.memory_space<hbm>>
      tpu.enqueue_indirect_dma source(%dma_start3A_453 : memref<100000x128xf32, #tpu.memory_space<hbm>>) target(%dma_start3A_449 : memref<128x128xf32, #tpu.memory_space<vmem>>) offsets(%dma_start3A_450 : memref<128xi32, #tpu.memory_space<vmem>>) semaphore(%arg18 : memref<!tpu.dma_semaphore, #tpu.memory_space<semaphore_mem>>)
      %mul3A_454 = arith.constant 128 : i32
      %mul3A_455 = arith.muli %add3A_431, %mul3A_454 : i32
      %add3A_456 = arith.constant 0 : i32
      %add3A_457 = arith.addi %add3A_456, %mul3A_455 : i32
      %dma_start3A_458 = arith.constant 1 : i32
      %dma_start3A_459 = arith.constant 0 : i32
      %dma_start3A_460 = arith.constant 0 : i32
      %dma_start3A_461 = tpu.memref_slice %arg14[%dma_start3A_458, %dma_start3A_459, %dma_start3A_460] : memref<2x128x128xf32, #tpu.memory_space<vmem>> -> memref<1x128x128xf32, #tpu.memory_space<vmem>>
      %dma_start3A_462 = tpu.memref_squeeze %dma_start3A_461 : memref<1x128x128xf32, #tpu.memory_space<vmem>> -> memref<128x128xf32, #tpu.memory_space<vmem>>
      %dma_start3A_463 = tpu.memref_slice %arg11[%add3A_457] : memref<10240xi32, #tpu.memory_space<vmem>> -> memref<128xi32, #tpu.memory_space<vmem>>
      %dma_start3A_464 = arith.constant 0 : i32
      %dma_start3A_465 = arith.constant 0 : i32
      %dma_start3A_466 = tpu.memref_slice %arg6[%dma_start3A_464, %dma_start3A_465] : memref<100000x128xf32, #tpu.memory_space<hbm>> -> memref<100000x128xf32, #tpu.memory_space<hbm>>
      tpu.enqueue_indirect_dma source(%dma_start3A_466 : memref<100000x128xf32, #tpu.memory_space<hbm>>) target(%dma_start3A_462 : memref<128x128xf32, #tpu.memory_space<vmem>>) offsets(%dma_start3A_463 : memref<128xi32, #tpu.memory_space<vmem>>) semaphore(%arg18 : memref<!tpu.dma_semaphore, #tpu.memory_space<semaphore_mem>>) {add = true}
      %mul3A_467 = arith.constant 128 : i32
      %mul3A_468 = arith.muli %add3A_431, %mul3A_467 : i32
      %add3A_469 = arith.constant 512 : i32
      %add3A_470 = arith.addi %add3A_469, %mul3A_468 : i32
      %dma_start3A_471 = arith.constant 1 : i32
      %dma_start3A_472 = arith.constant 0 : i32
      %dma_start3A_473 = arith.constant 0 : i32
      %dma_start3A_474 = tpu.memref_slice %arg14[%dma_start3A_471, %dma_start3A_472, %dma_start3A_473] : memref<2x128x128xf32, #tpu.memory_space<vmem>> -> memref<1x128x128xf32, #tpu.memory_space<vmem>>
      %dma_start3A_475 = tpu.memref_squeeze %dma_start3A_474 : memref<1x128x128xf32, #tpu.memory_space<vmem>> -> memref<128x128xf32, #tpu.memory_space<vmem>>
      %dma_start3A_476 = tpu.memref_slice %arg11[%add3A_470] : memref<10240xi32, #tpu.memory_space<vmem>> -> memref<128xi32, #tpu.memory_space<vmem>>
      %dma_start3A_477 = arith.constant 0 : i32
      %dma_start3A_478 = arith.constant 0 : i32
      %dma_start3A_479 = tpu.memref_slice %arg6[%dma_start3A_477, %dma_start3A_478] : memref<100000x128xf32, #tpu.memory_space<hbm>> -> memref<100000x128xf32, #tpu.memory_space<hbm>>
      tpu.enqueue_indirect_dma source(%dma_start3A_479 : memref<100000x128xf32, #tpu.memory_space<hbm>>) target(%dma_start3A_475 : memref<128x128xf32, #tpu.memory_space<vmem>>) offsets(%dma_start3A_476 : memref<128xi32, #tpu.memory_space<vmem>>) semaphore(%arg18 : memref<!tpu.dma_semaphore, #tpu.memory_space<semaphore_mem>>) {add = true}
      %mul3A_480 = arith.constant 128 : i32
      %mul3A_481 = arith.muli %add3A_431, %mul3A_480 : i32
      %add3A_482 = arith.constant 1024 : i32
      %add3A_483 = arith.addi %add3A_482, %mul3A_481 : i32
      %dma_start3A_484 = arith.constant 1 : i32
      %dma_start3A_485 = arith.constant 0 : i32
      %dma_start3A_486 = arith.constant 0 : i32
      %dma_start3A_487 = tpu.memref_slice %arg14[%dma_start3A_484, %dma_start3A_485, %dma_start3A_486] : memref<2x128x128xf32, #tpu.memory_space<vmem>> -> memref<1x128x128xf32, #tpu.memory_space<vmem>>
      %dma_start3A_488 = tpu.memref_squeeze %dma_start3A_487 : memref<1x128x128xf32, #tpu.memory_space<vmem>> -> memref<128x128xf32, #tpu.memory_space<vmem>>
      %dma_start3A_489 = tpu.memref_slice %arg11[%add3A_483] : memref<10240xi32, #tpu.memory_space<vmem>> -> memref<128xi32, #tpu.memory_space<vmem>>
      %dma_start3A_490 = arith.constant 0 : i32
      %dma_start3A_491 = arith.constant 0 : i32
      %dma_start3A_492 = tpu.memref_slice %arg6[%dma_start3A_490, %dma_start3A_491] : memref<100000x128xf32, #tpu.memory_space<hbm>> -> memref<100000x128xf32, #tpu.memory_space<hbm>>
      tpu.enqueue_indirect_dma source(%dma_start3A_492 : memref<100000x128xf32, #tpu.memory_space<hbm>>) target(%dma_start3A_488 : memref<128x128xf32, #tpu.memory_space<vmem>>) offsets(%dma_start3A_489 : memref<128xi32, #tpu.memory_space<vmem>>) semaphore(%arg18 : memref<!tpu.dma_semaphore, #tpu.memory_space<semaphore_mem>>) {add = true}
      %mul3A_493 = arith.constant 128 : i32
      %mul3A_494 = arith.muli %add3A_431, %mul3A_493 : i32
      %add3A_495 = arith.constant 1536 : i32
      %add3A_496 = arith.addi %add3A_495, %mul3A_494 : i32
      %dma_start3A_497 = arith.constant 1 : i32
      %dma_start3A_498 = arith.constant 0 : i32
      %dma_start3A_499 = arith.constant 0 : i32
      %dma_start3A_500 = tpu.memref_slice %arg14[%dma_start3A_497, %dma_start3A_498, %dma_start3A_499] : memref<2x128x128xf32, #tpu.memory_space<vmem>> -> memref<1x128x128xf32, #tpu.memory_space<vmem>>
      %dma_start3A_501 = tpu.memref_squeeze %dma_start3A_500 : memref<1x128x128xf32, #tpu.memory_space<vmem>> -> memref<128x128xf32, #tpu.memory_space<vmem>>
      %dma_start3A_502 = tpu.memref_slice %arg11[%add3A_496] : memref<10240xi32, #tpu.memory_space<vmem>> -> memref<128xi32, #tpu.memory_space<vmem>>
      %dma_start3A_503 = arith.constant 0 : i32
      %dma_start3A_504 = arith.constant 0 : i32
      %dma_start3A_505 = tpu.memref_slice %arg6[%dma_start3A_503, %dma_start3A_504] : memref<100000x128xf32, #tpu.memory_space<hbm>> -> memref<100000x128xf32, #tpu.memory_space<hbm>>
      tpu.enqueue_indirect_dma source(%dma_start3A_505 : memref<100000x128xf32, #tpu.memory_space<hbm>>) target(%dma_start3A_501 : memref<128x128xf32, #tpu.memory_space<vmem>>) offsets(%dma_start3A_502 : memref<128xi32, #tpu.memory_space<vmem>>) semaphore(%arg18 : memref<!tpu.dma_semaphore, #tpu.memory_space<semaphore_mem>>) {add = true}
      %mul3A_506 = arith.constant 128 : i32
      %mul3A_507 = arith.muli %add3A_431, %mul3A_506 : i32
      %add3A_508 = arith.constant 2048 : i32
      %add3A_509 = arith.addi %add3A_508, %mul3A_507 : i32
      %dma_start3A_510 = arith.constant 1 : i32
      %dma_start3A_511 = arith.constant 0 : i32
      %dma_start3A_512 = arith.constant 0 : i32
      %dma_start3A_513 = tpu.memref_slice %arg14[%dma_start3A_510, %dma_start3A_511, %dma_start3A_512] : memref<2x128x128xf32, #tpu.memory_space<vmem>> -> memref<1x128x128xf32, #tpu.memory_space<vmem>>
      %dma_start3A_514 = tpu.memref_squeeze %dma_start3A_513 : memref<1x128x128xf32, #tpu.memory_space<vmem>> -> memref<128x128xf32, #tpu.memory_space<vmem>>
      %dma_start3A_515 = tpu.memref_slice %arg11[%add3A_509] : memref<10240xi32, #tpu.memory_space<vmem>> -> memref<128xi32, #tpu.memory_space<vmem>>
      %dma_start3A_516 = arith.constant 0 : i32
      %dma_start3A_517 = arith.constant 0 : i32
      %dma_start3A_518 = tpu.memref_slice %arg6[%dma_start3A_516, %dma_start3A_517] : memref<100000x128xf32, #tpu.memory_space<hbm>> -> memref<100000x128xf32, #tpu.memory_space<hbm>>
      tpu.enqueue_indirect_dma source(%dma_start3A_518 : memref<100000x128xf32, #tpu.memory_space<hbm>>) target(%dma_start3A_514 : memref<128x128xf32, #tpu.memory_space<vmem>>) offsets(%dma_start3A_515 : memref<128xi32, #tpu.memory_space<vmem>>) semaphore(%arg18 : memref<!tpu.dma_semaphore, #tpu.memory_space<semaphore_mem>>) {add = true}
      %mul3A_519 = arith.constant 128 : i32
      %mul3A_520 = arith.muli %add3A_431, %mul3A_519 : i32
      %add3A_521 = arith.constant 2560 : i32
      %add3A_522 = arith.addi %add3A_521, %mul3A_520 : i32
      %dma_start3A_523 = arith.constant 1 : i32
      %dma_start3A_524 = arith.constant 0 : i32
      %dma_start3A_525 = arith.constant 0 : i32
      %dma_start3A_526 = tpu.memref_slice %arg14[%dma_start3A_523, %dma_start3A_524, %dma_start3A_525] : memref<2x128x128xf32, #tpu.memory_space<vmem>> -> memref<1x128x128xf32, #tpu.memory_space<vmem>>
      %dma_start3A_527 = tpu.memref_squeeze %dma_start3A_526 : memref<1x128x128xf32, #tpu.memory_space<vmem>> -> memref<128x128xf32, #tpu.memory_space<vmem>>
      %dma_start3A_528 = tpu.memref_slice %arg11[%add3A_522] : memref<10240xi32, #tpu.memory_space<vmem>> -> memref<128xi32, #tpu.memory_space<vmem>>
      %dma_start3A_529 = arith.constant 0 : i32
      %dma_start3A_530 = arith.constant 0 : i32
      %dma_start3A_531 = tpu.memref_slice %arg6[%dma_start3A_529, %dma_start3A_530] : memref<100000x128xf32, #tpu.memory_space<hbm>> -> memref<100000x128xf32, #tpu.memory_space<hbm>>
      tpu.enqueue_indirect_dma source(%dma_start3A_531 : memref<100000x128xf32, #tpu.memory_space<hbm>>) target(%dma_start3A_527 : memref<128x128xf32, #tpu.memory_space<vmem>>) offsets(%dma_start3A_528 : memref<128xi32, #tpu.memory_space<vmem>>) semaphore(%arg18 : memref<!tpu.dma_semaphore, #tpu.memory_space<semaphore_mem>>) {add = true}
      %mul3A_532 = arith.constant 128 : i32
      %mul3A_533 = arith.muli %add3A_431, %mul3A_532 : i32
      %add3A_534 = arith.constant 3072 : i32
      %add3A_535 = arith.addi %add3A_534, %mul3A_533 : i32
      %dma_start3A_536 = arith.constant 1 : i32
      %dma_start3A_537 = arith.constant 0 : i32
      %dma_start3A_538 = arith.constant 0 : i32
      %dma_start3A_539 = tpu.memref_slice %arg14[%dma_start3A_536, %dma_start3A_537, %dma_start3A_538] : memref<2x128x128xf32, #tpu.memory_space<vmem>> -> memref<1x128x128xf32, #tpu.memory_space<vmem>>
      %dma_start3A_540 = tpu.memref_squeeze %dma_start3A_539 : memref<1x128x128xf32, #tpu.memory_space<vmem>> -> memref<128x128xf32, #tpu.memory_space<vmem>>
      %dma_start3A_541 = tpu.memref_slice %arg11[%add3A_535] : memref<10240xi32, #tpu.memory_space<vmem>> -> memref<128xi32, #tpu.memory_space<vmem>>
      %dma_start3A_542 = arith.constant 0 : i32
      %dma_start3A_543 = arith.constant 0 : i32
      %dma_start3A_544 = tpu.memref_slice %arg6[%dma_start3A_542, %dma_start3A_543] : memref<100000x128xf32, #tpu.memory_space<hbm>> -> memref<100000x128xf32, #tpu.memory_space<hbm>>
      tpu.enqueue_indirect_dma source(%dma_start3A_544 : memref<100000x128xf32, #tpu.memory_space<hbm>>) target(%dma_start3A_540 : memref<128x128xf32, #tpu.memory_space<vmem>>) offsets(%dma_start3A_541 : memref<128xi32, #tpu.memory_space<vmem>>) semaphore(%arg18 : memref<!tpu.dma_semaphore, #tpu.memory_space<semaphore_mem>>) {add = true}
      %mul3A_545 = arith.constant 128 : i32
      %mul3A_546 = arith.muli %add3A_431, %mul3A_545 : i32
      %add3A_547 = arith.constant 3584 : i32
      %add3A_548 = arith.addi %add3A_547, %mul3A_546 : i32
      %dma_start3A_549 = arith.constant 1 : i32
      %dma_start3A_550 = arith.constant 0 : i32
      %dma_start3A_551 = arith.constant 0 : i32
      %dma_start3A_552 = tpu.memref_slice %arg14[%dma_start3A_549, %dma_start3A_550, %dma_start3A_551] : memref<2x128x128xf32, #tpu.memory_space<vmem>> -> memref<1x128x128xf32, #tpu.memory_space<vmem>>
      %dma_start3A_553 = tpu.memref_squeeze %dma_start3A_552 : memref<1x128x128xf32, #tpu.memory_space<vmem>> -> memref<128x128xf32, #tpu.memory_space<vmem>>
      %dma_start3A_554 = tpu.memref_slice %arg11[%add3A_548] : memref<10240xi32, #tpu.memory_space<vmem>> -> memref<128xi32, #tpu.memory_space<vmem>>
      %dma_start3A_555 = arith.constant 0 : i32
      %dma_start3A_556 = arith.constant 0 : i32
      %dma_start3A_557 = tpu.memref_slice %arg6[%dma_start3A_555, %dma_start3A_556] : memref<100000x128xf32, #tpu.memory_space<hbm>> -> memref<100000x128xf32, #tpu.memory_space<hbm>>
      tpu.enqueue_indirect_dma source(%dma_start3A_557 : memref<100000x128xf32, #tpu.memory_space<hbm>>) target(%dma_start3A_553 : memref<128x128xf32, #tpu.memory_space<vmem>>) offsets(%dma_start3A_554 : memref<128xi32, #tpu.memory_space<vmem>>) semaphore(%arg18 : memref<!tpu.dma_semaphore, #tpu.memory_space<semaphore_mem>>) {add = true}
      %mul3A_558 = arith.constant 128 : i32
      %mul3A_559 = arith.muli %add3A_431, %mul3A_558 : i32
      %add3A_560 = arith.constant 4096 : i32
      %add3A_561 = arith.addi %add3A_560, %mul3A_559 : i32
      %dma_start3A_562 = arith.constant 1 : i32
      %dma_start3A_563 = arith.constant 0 : i32
      %dma_start3A_564 = arith.constant 0 : i32
      %dma_start3A_565 = tpu.memref_slice %arg14[%dma_start3A_562, %dma_start3A_563, %dma_start3A_564] : memref<2x128x128xf32, #tpu.memory_space<vmem>> -> memref<1x128x128xf32, #tpu.memory_space<vmem>>
      %dma_start3A_566 = tpu.memref_squeeze %dma_start3A_565 : memref<1x128x128xf32, #tpu.memory_space<vmem>> -> memref<128x128xf32, #tpu.memory_space<vmem>>
      %dma_start3A_567 = tpu.memref_slice %arg11[%add3A_561] : memref<10240xi32, #tpu.memory_space<vmem>> -> memref<128xi32, #tpu.memory_space<vmem>>
      %dma_start3A_568 = arith.constant 0 : i32
      %dma_start3A_569 = arith.constant 0 : i32
      %dma_start3A_570 = tpu.memref_slice %arg6[%dma_start3A_568, %dma_start3A_569] : memref<100000x128xf32, #tpu.memory_space<hbm>> -> memref<100000x128xf32, #tpu.memory_space<hbm>>
      tpu.enqueue_indirect_dma source(%dma_start3A_570 : memref<100000x128xf32, #tpu.memory_space<hbm>>) target(%dma_start3A_566 : memref<128x128xf32, #tpu.memory_space<vmem>>) offsets(%dma_start3A_567 : memref<128xi32, #tpu.memory_space<vmem>>) semaphore(%arg18 : memref<!tpu.dma_semaphore, #tpu.memory_space<semaphore_mem>>) {add = true}
      %mul3A_571 = arith.constant 128 : i32
      %mul3A_572 = arith.muli %add3A_431, %mul3A_571 : i32
      %add3A_573 = arith.constant 4608 : i32
      %add3A_574 = arith.addi %add3A_573, %mul3A_572 : i32
      %dma_start3A_575 = arith.constant 1 : i32
      %dma_start3A_576 = arith.constant 0 : i32
      %dma_start3A_577 = arith.constant 0 : i32
      %dma_start3A_578 = tpu.memref_slice %arg14[%dma_start3A_575, %dma_start3A_576, %dma_start3A_577] : memref<2x128x128xf32, #tpu.memory_space<vmem>> -> memref<1x128x128xf32, #tpu.memory_space<vmem>>
      %dma_start3A_579 = tpu.memref_squeeze %dma_start3A_578 : memref<1x128x128xf32, #tpu.memory_space<vmem>> -> memref<128x128xf32, #tpu.memory_space<vmem>>
      %dma_start3A_580 = tpu.memref_slice %arg11[%add3A_574] : memref<10240xi32, #tpu.memory_space<vmem>> -> memref<128xi32, #tpu.memory_space<vmem>>
      %dma_start3A_581 = arith.constant 0 : i32
      %dma_start3A_582 = arith.constant 0 : i32
      %dma_start3A_583 = tpu.memref_slice %arg6[%dma_start3A_581, %dma_start3A_582] : memref<100000x128xf32, #tpu.memory_space<hbm>> -> memref<100000x128xf32, #tpu.memory_space<hbm>>
      tpu.enqueue_indirect_dma source(%dma_start3A_583 : memref<100000x128xf32, #tpu.memory_space<hbm>>) target(%dma_start3A_579 : memref<128x128xf32, #tpu.memory_space<vmem>>) offsets(%dma_start3A_580 : memref<128xi32, #tpu.memory_space<vmem>>) semaphore(%arg18 : memref<!tpu.dma_semaphore, #tpu.memory_space<semaphore_mem>>) {add = true}
      %mul3A_584 = arith.constant 128 : i32
      %mul3A_585 = arith.muli %add3A_431, %mul3A_584 : i32
      %add3A_586 = arith.constant 5120 : i32
      %add3A_587 = arith.addi %add3A_586, %mul3A_585 : i32
      %dma_start3A_588 = arith.constant 1 : i32
      %dma_start3A_589 = arith.constant 0 : i32
      %dma_start3A_590 = arith.constant 0 : i32
      %dma_start3A_591 = tpu.memref_slice %arg14[%dma_start3A_588, %dma_start3A_589, %dma_start3A_590] : memref<2x128x128xf32, #tpu.memory_space<vmem>> -> memref<1x128x128xf32, #tpu.memory_space<vmem>>
      %dma_start3A_592 = tpu.memref_squeeze %dma_start3A_591 : memref<1x128x128xf32, #tpu.memory_space<vmem>> -> memref<128x128xf32, #tpu.memory_space<vmem>>
      %dma_start3A_593 = tpu.memref_slice %arg11[%add3A_587] : memref<10240xi32, #tpu.memory_space<vmem>> -> memref<128xi32, #tpu.memory_space<vmem>>
      %dma_start3A_594 = arith.constant 0 : i32
      %dma_start3A_595 = arith.constant 0 : i32
      %dma_start3A_596 = tpu.memref_slice %arg6[%dma_start3A_594, %dma_start3A_595] : memref<100000x128xf32, #tpu.memory_space<hbm>> -> memref<100000x128xf32, #tpu.memory_space<hbm>>
      tpu.enqueue_indirect_dma source(%dma_start3A_596 : memref<100000x128xf32, #tpu.memory_space<hbm>>) target(%dma_start3A_592 : memref<128x128xf32, #tpu.memory_space<vmem>>) offsets(%dma_start3A_593 : memref<128xi32, #tpu.memory_space<vmem>>) semaphore(%arg18 : memref<!tpu.dma_semaphore, #tpu.memory_space<semaphore_mem>>) {add = true}
      %mul3A_597 = arith.constant 128 : i32
      %mul3A_598 = arith.muli %add3A_431, %mul3A_597 : i32
      %add3A_599 = arith.constant 5632 : i32
      %add3A_600 = arith.addi %add3A_599, %mul3A_598 : i32
      %dma_start3A_601 = arith.constant 1 : i32
      %dma_start3A_602 = arith.constant 0 : i32
      %dma_start3A_603 = arith.constant 0 : i32
      %dma_start3A_604 = tpu.memref_slice %arg14[%dma_start3A_601, %dma_start3A_602, %dma_start3A_603] : memref<2x128x128xf32, #tpu.memory_space<vmem>> -> memref<1x128x128xf32, #tpu.memory_space<vmem>>
      %dma_start3A_605 = tpu.memref_squeeze %dma_start3A_604 : memref<1x128x128xf32, #tpu.memory_space<vmem>> -> memref<128x128xf32, #tpu.memory_space<vmem>>
      %dma_start3A_606 = tpu.memref_slice %arg11[%add3A_600] : memref<10240xi32, #tpu.memory_space<vmem>> -> memref<128xi32, #tpu.memory_space<vmem>>
      %dma_start3A_607 = arith.constant 0 : i32
      %dma_start3A_608 = arith.constant 0 : i32
      %dma_start3A_609 = tpu.memref_slice %arg6[%dma_start3A_607, %dma_start3A_608] : memref<100000x128xf32, #tpu.memory_space<hbm>> -> memref<100000x128xf32, #tpu.memory_space<hbm>>
      tpu.enqueue_indirect_dma source(%dma_start3A_609 : memref<100000x128xf32, #tpu.memory_space<hbm>>) target(%dma_start3A_605 : memref<128x128xf32, #tpu.memory_space<vmem>>) offsets(%dma_start3A_606 : memref<128xi32, #tpu.memory_space<vmem>>) semaphore(%arg18 : memref<!tpu.dma_semaphore, #tpu.memory_space<semaphore_mem>>) {add = true}
      %mul3A_610 = arith.constant 128 : i32
      %mul3A_611 = arith.muli %add3A_431, %mul3A_610 : i32
      %add3A_612 = arith.constant 6144 : i32
      %add3A_613 = arith.addi %add3A_612, %mul3A_611 : i32
      %dma_start3A_614 = arith.constant 1 : i32
      %dma_start3A_615 = arith.constant 0 : i32
      %dma_start3A_616 = arith.constant 0 : i32
      %dma_start3A_617 = tpu.memref_slice %arg14[%dma_start3A_614, %dma_start3A_615, %dma_start3A_616] : memref<2x128x128xf32, #tpu.memory_space<vmem>> -> memref<1x128x128xf32, #tpu.memory_space<vmem>>
      %dma_start3A_618 = tpu.memref_squeeze %dma_start3A_617 : memref<1x128x128xf32, #tpu.memory_space<vmem>> -> memref<128x128xf32, #tpu.memory_space<vmem>>
      %dma_start3A_619 = tpu.memref_slice %arg11[%add3A_613] : memref<10240xi32, #tpu.memory_space<vmem>> -> memref<128xi32, #tpu.memory_space<vmem>>
      %dma_start3A_620 = arith.constant 0 : i32
      %dma_start3A_621 = arith.constant 0 : i32
      %dma_start3A_622 = tpu.memref_slice %arg6[%dma_start3A_620, %dma_start3A_621] : memref<100000x128xf32, #tpu.memory_space<hbm>> -> memref<100000x128xf32, #tpu.memory_space<hbm>>
      tpu.enqueue_indirect_dma source(%dma_start3A_622 : memref<100000x128xf32, #tpu.memory_space<hbm>>) target(%dma_start3A_618 : memref<128x128xf32, #tpu.memory_space<vmem>>) offsets(%dma_start3A_619 : memref<128xi32, #tpu.memory_space<vmem>>) semaphore(%arg18 : memref<!tpu.dma_semaphore, #tpu.memory_space<semaphore_mem>>) {add = true}
      %mul3A_623 = arith.constant 128 : i32
      %mul3A_624 = arith.muli %add3A_431, %mul3A_623 : i32
      %add3A_625 = arith.constant 6656 : i32
      %add3A_626 = arith.addi %add3A_625, %mul3A_624 : i32
      %dma_start3A_627 = arith.constant 1 : i32
      %dma_start3A_628 = arith.constant 0 : i32
      %dma_start3A_629 = arith.constant 0 : i32
      %dma_start3A_630 = tpu.memref_slice %arg14[%dma_start3A_627, %dma_start3A_628, %dma_start3A_629] : memref<2x128x128xf32, #tpu.memory_space<vmem>> -> memref<1x128x128xf32, #tpu.memory_space<vmem>>
      %dma_start3A_631 = tpu.memref_squeeze %dma_start3A_630 : memref<1x128x128xf32, #tpu.memory_space<vmem>> -> memref<128x128xf32, #tpu.memory_space<vmem>>
      %dma_start3A_632 = tpu.memref_slice %arg11[%add3A_626] : memref<10240xi32, #tpu.memory_space<vmem>> -> memref<128xi32, #tpu.memory_space<vmem>>
      %dma_start3A_633 = arith.constant 0 : i32
      %dma_start3A_634 = arith.constant 0 : i32
      %dma_start3A_635 = tpu.memref_slice %arg6[%dma_start3A_633, %dma_start3A_634] : memref<100000x128xf32, #tpu.memory_space<hbm>> -> memref<100000x128xf32, #tpu.memory_space<hbm>>
      tpu.enqueue_indirect_dma source(%dma_start3A_635 : memref<100000x128xf32, #tpu.memory_space<hbm>>) target(%dma_start3A_631 : memref<128x128xf32, #tpu.memory_space<vmem>>) offsets(%dma_start3A_632 : memref<128xi32, #tpu.memory_space<vmem>>) semaphore(%arg18 : memref<!tpu.dma_semaphore, #tpu.memory_space<semaphore_mem>>) {add = true}
      %mul3A_636 = arith.constant 128 : i32
      %mul3A_637 = arith.muli %add3A_431, %mul3A_636 : i32
      %add3A_638 = arith.constant 7168 : i32
      %add3A_639 = arith.addi %add3A_638, %mul3A_637 : i32
      %dma_start3A_640 = arith.constant 1 : i32
      %dma_start3A_641 = arith.constant 0 : i32
      %dma_start3A_642 = arith.constant 0 : i32
      %dma_start3A_643 = tpu.memref_slice %arg14[%dma_start3A_640, %dma_start3A_641, %dma_start3A_642] : memref<2x128x128xf32, #tpu.memory_space<vmem>> -> memref<1x128x128xf32, #tpu.memory_space<vmem>>
      %dma_start3A_644 = tpu.memref_squeeze %dma_start3A_643 : memref<1x128x128xf32, #tpu.memory_space<vmem>> -> memref<128x128xf32, #tpu.memory_space<vmem>>
      %dma_start3A_645 = tpu.memref_slice %arg11[%add3A_639] : memref<10240xi32, #tpu.memory_space<vmem>> -> memref<128xi32, #tpu.memory_space<vmem>>
      %dma_start3A_646 = arith.constant 0 : i32
      %dma_start3A_647 = arith.constant 0 : i32
      %dma_start3A_648 = tpu.memref_slice %arg6[%dma_start3A_646, %dma_start3A_647] : memref<100000x128xf32, #tpu.memory_space<hbm>> -> memref<100000x128xf32, #tpu.memory_space<hbm>>
      tpu.enqueue_indirect_dma source(%dma_start3A_648 : memref<100000x128xf32, #tpu.memory_space<hbm>>) target(%dma_start3A_644 : memref<128x128xf32, #tpu.memory_space<vmem>>) offsets(%dma_start3A_645 : memref<128xi32, #tpu.memory_space<vmem>>) semaphore(%arg18 : memref<!tpu.dma_semaphore, #tpu.memory_space<semaphore_mem>>) {add = true}
      %mul3A_649 = arith.constant 128 : i32
      %mul3A_650 = arith.muli %add3A_431, %mul3A_649 : i32
      %add3A_651 = arith.constant 7680 : i32
      %add3A_652 = arith.addi %add3A_651, %mul3A_650 : i32
      %dma_start3A_653 = arith.constant 1 : i32
      %dma_start3A_654 = arith.constant 0 : i32
      %dma_start3A_655 = arith.constant 0 : i32
      %dma_start3A_656 = tpu.memref_slice %arg14[%dma_start3A_653, %dma_start3A_654, %dma_start3A_655] : memref<2x128x128xf32, #tpu.memory_space<vmem>> -> memref<1x128x128xf32, #tpu.memory_space<vmem>>
      %dma_start3A_657 = tpu.memref_squeeze %dma_start3A_656 : memref<1x128x128xf32, #tpu.memory_space<vmem>> -> memref<128x128xf32, #tpu.memory_space<vmem>>
      %dma_start3A_658 = tpu.memref_slice %arg11[%add3A_652] : memref<10240xi32, #tpu.memory_space<vmem>> -> memref<128xi32, #tpu.memory_space<vmem>>
      %dma_start3A_659 = arith.constant 0 : i32
      %dma_start3A_660 = arith.constant 0 : i32
      %dma_start3A_661 = tpu.memref_slice %arg6[%dma_start3A_659, %dma_start3A_660] : memref<100000x128xf32, #tpu.memory_space<hbm>> -> memref<100000x128xf32, #tpu.memory_space<hbm>>
      tpu.enqueue_indirect_dma source(%dma_start3A_661 : memref<100000x128xf32, #tpu.memory_space<hbm>>) target(%dma_start3A_657 : memref<128x128xf32, #tpu.memory_space<vmem>>) offsets(%dma_start3A_658 : memref<128xi32, #tpu.memory_space<vmem>>) semaphore(%arg18 : memref<!tpu.dma_semaphore, #tpu.memory_space<semaphore_mem>>) {add = true}
      %mul3A_662 = arith.constant 128 : i32
      %mul3A_663 = arith.muli %add3A_431, %mul3A_662 : i32
      %add3A_664 = arith.constant 8192 : i32
      %add3A_665 = arith.addi %add3A_664, %mul3A_663 : i32
      %dma_start3A_666 = arith.constant 1 : i32
      %dma_start3A_667 = arith.constant 0 : i32
      %dma_start3A_668 = arith.constant 0 : i32
      %dma_start3A_669 = tpu.memref_slice %arg14[%dma_start3A_666, %dma_start3A_667, %dma_start3A_668] : memref<2x128x128xf32, #tpu.memory_space<vmem>> -> memref<1x128x128xf32, #tpu.memory_space<vmem>>
      %dma_start3A_670 = tpu.memref_squeeze %dma_start3A_669 : memref<1x128x128xf32, #tpu.memory_space<vmem>> -> memref<128x128xf32, #tpu.memory_space<vmem>>
      %dma_start3A_671 = tpu.memref_slice %arg11[%add3A_665] : memref<10240xi32, #tpu.memory_space<vmem>> -> memref<128xi32, #tpu.memory_space<vmem>>
      %dma_start3A_672 = arith.constant 0 : i32
      %dma_start3A_673 = arith.constant 0 : i32
      %dma_start3A_674 = tpu.memref_slice %arg6[%dma_start3A_672, %dma_start3A_673] : memref<100000x128xf32, #tpu.memory_space<hbm>> -> memref<100000x128xf32, #tpu.memory_space<hbm>>
      tpu.enqueue_indirect_dma source(%dma_start3A_674 : memref<100000x128xf32, #tpu.memory_space<hbm>>) target(%dma_start3A_670 : memref<128x128xf32, #tpu.memory_space<vmem>>) offsets(%dma_start3A_671 : memref<128xi32, #tpu.memory_space<vmem>>) semaphore(%arg18 : memref<!tpu.dma_semaphore, #tpu.memory_space<semaphore_mem>>) {add = true}
      %mul3A_675 = arith.constant 128 : i32
      %mul3A_676 = arith.muli %add3A_431, %mul3A_675 : i32
      %add3A_677 = arith.constant 8704 : i32
      %add3A_678 = arith.addi %add3A_677, %mul3A_676 : i32
      %dma_start3A_679 = arith.constant 1 : i32
      %dma_start3A_680 = arith.constant 0 : i32
      %dma_start3A_681 = arith.constant 0 : i32
      %dma_start3A_682 = tpu.memref_slice %arg14[%dma_start3A_679, %dma_start3A_680, %dma_start3A_681] : memref<2x128x128xf32, #tpu.memory_space<vmem>> -> memref<1x128x128xf32, #tpu.memory_space<vmem>>
      %dma_start3A_683 = tpu.memref_squeeze %dma_start3A_682 : memref<1x128x128xf32, #tpu.memory_space<vmem>> -> memref<128x128xf32, #tpu.memory_space<vmem>>
      %dma_start3A_684 = tpu.memref_slice %arg11[%add3A_678] : memref<10240xi32, #tpu.memory_space<vmem>> -> memref<128xi32, #tpu.memory_space<vmem>>
      %dma_start3A_685 = arith.constant 0 : i32
      %dma_start3A_686 = arith.constant 0 : i32
      %dma_start3A_687 = tpu.memref_slice %arg6[%dma_start3A_685, %dma_start3A_686] : memref<100000x128xf32, #tpu.memory_space<hbm>> -> memref<100000x128xf32, #tpu.memory_space<hbm>>
      tpu.enqueue_indirect_dma source(%dma_start3A_687 : memref<100000x128xf32, #tpu.memory_space<hbm>>) target(%dma_start3A_683 : memref<128x128xf32, #tpu.memory_space<vmem>>) offsets(%dma_start3A_684 : memref<128xi32, #tpu.memory_space<vmem>>) semaphore(%arg18 : memref<!tpu.dma_semaphore, #tpu.memory_space<semaphore_mem>>) {add = true}
      %mul3A_688 = arith.constant 128 : i32
      %mul3A_689 = arith.muli %add3A_431, %mul3A_688 : i32
      %add3A_690 = arith.constant 9216 : i32
      %add3A_691 = arith.addi %add3A_690, %mul3A_689 : i32
      %dma_start3A_692 = arith.constant 1 : i32
      %dma_start3A_693 = arith.constant 0 : i32
      %dma_start3A_694 = arith.constant 0 : i32
      %dma_start3A_695 = tpu.memref_slice %arg14[%dma_start3A_692, %dma_start3A_693, %dma_start3A_694] : memref<2x128x128xf32, #tpu.memory_space<vmem>> -> memref<1x128x128xf32, #tpu.memory_space<vmem>>
      %dma_start3A_696 = tpu.memref_squeeze %dma_start3A_695 : memref<1x128x128xf32, #tpu.memory_space<vmem>> -> memref<128x128xf32, #tpu.memory_space<vmem>>
      %dma_start3A_697 = tpu.memref_slice %arg11[%add3A_691] : memref<10240xi32, #tpu.memory_space<vmem>> -> memref<128xi32, #tpu.memory_space<vmem>>
      %dma_start3A_698 = arith.constant 0 : i32
      %dma_start3A_699 = arith.constant 0 : i32
      %dma_start3A_700 = tpu.memref_slice %arg6[%dma_start3A_698, %dma_start3A_699] : memref<100000x128xf32, #tpu.memory_space<hbm>> -> memref<100000x128xf32, #tpu.memory_space<hbm>>
      tpu.enqueue_indirect_dma source(%dma_start3A_700 : memref<100000x128xf32, #tpu.memory_space<hbm>>) target(%dma_start3A_696 : memref<128x128xf32, #tpu.memory_space<vmem>>) offsets(%dma_start3A_697 : memref<128xi32, #tpu.memory_space<vmem>>) semaphore(%arg18 : memref<!tpu.dma_semaphore, #tpu.memory_space<semaphore_mem>>) {add = true}
      %mul3A_701 = arith.constant 128 : i32
      %mul3A_702 = arith.muli %add3A_431, %mul3A_701 : i32
      %add3A_703 = arith.constant 9728 : i32
      %add3A_704 = arith.addi %add3A_703, %mul3A_702 : i32
      %dma_start3A_705 = arith.constant 1 : i32
      %dma_start3A_706 = arith.constant 0 : i32
      %dma_start3A_707 = arith.constant 0 : i32
      %dma_start3A_708 = tpu.memref_slice %arg14[%dma_start3A_705, %dma_start3A_706, %dma_start3A_707] : memref<2x128x128xf32, #tpu.memory_space<vmem>> -> memref<1x128x128xf32, #tpu.memory_space<vmem>>
      %dma_start3A_709 = tpu.memref_squeeze %dma_start3A_708 : memref<1x128x128xf32, #tpu.memory_space<vmem>> -> memref<128x128xf32, #tpu.memory_space<vmem>>
      %dma_start3A_710 = tpu.memref_slice %arg11[%add3A_704] : memref<10240xi32, #tpu.memory_space<vmem>> -> memref<128xi32, #tpu.memory_space<vmem>>
      %dma_start3A_711 = arith.constant 0 : i32
      %dma_start3A_712 = arith.constant 0 : i32
      %dma_start3A_713 = tpu.memref_slice %arg6[%dma_start3A_711, %dma_start3A_712] : memref<100000x128xf32, #tpu.memory_space<hbm>> -> memref<100000x128xf32, #tpu.memory_space<hbm>>
      tpu.enqueue_indirect_dma source(%dma_start3A_713 : memref<100000x128xf32, #tpu.memory_space<hbm>>) target(%dma_start3A_709 : memref<128x128xf32, #tpu.memory_space<vmem>>) offsets(%dma_start3A_710 : memref<128xi32, #tpu.memory_space<vmem>>) semaphore(%arg18 : memref<!tpu.dma_semaphore, #tpu.memory_space<semaphore_mem>>) {add = true}
      %dma_wait3A_714 = arith.constant 0 : i32
      %dma_wait3A_715 = arith.constant 0 : i32
      %dma_wait3A_716 = arith.constant 0 : i32
      %dma_wait3A_717 = tpu.memref_slice %arg12[%dma_wait3A_714, %dma_wait3A_715, %dma_wait3A_716] : memref<2x128x128xf32, #tpu.memory_space<vmem>> -> memref<1x128x128xf32, #tpu.memory_space<vmem>>
      %dma_wait3A_718 = tpu.memref_squeeze %dma_wait3A_717 : memref<1x128x128xf32, #tpu.memory_space<vmem>> -> memref<128x128xf32, #tpu.memory_space<vmem>>
      %dma_wait3A_719 = arith.constant 0 : i32
      %dma_wait3A_720 = arith.constant 0 : i32
      %dma_wait3A_721 = tpu.memref_slice %arg5[%dma_wait3A_719, %dma_wait3A_720] : memref<100000x128xf32, #tpu.memory_space<hbm>> -> memref<128x128xf32, #tpu.memory_space<hbm>>
      %dma_wait3A_722 = arith.constant 0 : i32
      %dma_wait3A_723 = arith.constant 0 : i32
      %dma_wait3A_724 = tpu.memref_slice %arg12[%dma_wait3A_714, %dma_wait3A_722, %dma_wait3A_723] : memref<2x128x128xf32, #tpu.memory_space<vmem>> -> memref<1x128x128xf32, #tpu.memory_space<vmem>>
      %dma_wait3A_725 = tpu.memref_squeeze %dma_wait3A_724 : memref<1x128x128xf32, #tpu.memory_space<vmem>> -> memref<128x128xf32, #tpu.memory_space<vmem>>
      %dma_wait3A_726 = arith.constant 0 : i32
      %dma_wait3A_727 = arith.constant 0 : i32
      %dma_wait3A_728 = tpu.memref_slice %arg5[%dma_wait3A_726, %dma_wait3A_727] : memref<100000x128xf32, #tpu.memory_space<hbm>> -> memref<128x128xf32, #tpu.memory_space<hbm>>
      tpu.wait_dma2 semaphore(%arg17 : memref<!tpu.dma_semaphore, #tpu.memory_space<semaphore_mem>>) src(%dma_wait3A_728 : memref<128x128xf32, #tpu.memory_space<hbm>>) dst(%dma_wait3A_725 : memref<128x128xf32, #tpu.memory_space<vmem>>)
      %dma_wait3A_729 = arith.constant 0 : i32
      %dma_wait3A_730 = arith.constant 0 : i32
      %dma_wait3A_731 = arith.constant 0 : i32
      %dma_wait3A_732 = tpu.memref_slice %arg13[%dma_wait3A_729, %dma_wait3A_730, %dma_wait3A_731] : memref<2x128x128xf32, #tpu.memory_space<vmem>> -> memref<1x128x128xf32, #tpu.memory_space<vmem>>
      %dma_wait3A_733 = tpu.memref_squeeze %dma_wait3A_732 : memref<1x128x128xf32, #tpu.memory_space<vmem>> -> memref<128x128xf32, #tpu.memory_space<vmem>>
      %dma_wait3A_734 = arith.constant 0 : i32
      %dma_wait3A_735 = arith.constant 0 : i32
      %dma_wait3A_736 = tpu.memref_slice %arg6[%dma_wait3A_734, %dma_wait3A_735] : memref<100000x128xf32, #tpu.memory_space<hbm>> -> memref<128x128xf32, #tpu.memory_space<hbm>>
      %dma_wait3A_737 = arith.constant 0 : i32
      %dma_wait3A_738 = arith.constant 0 : i32
      %dma_wait3A_739 = tpu.memref_slice %arg13[%dma_wait3A_729, %dma_wait3A_737, %dma_wait3A_738] : memref<2x128x128xf32, #tpu.memory_space<vmem>> -> memref<1x128x128xf32, #tpu.memory_space<vmem>>
      %dma_wait3A_740 = tpu.memref_squeeze %dma_wait3A_739 : memref<1x128x128xf32, #tpu.memory_space<vmem>> -> memref<128x128xf32, #tpu.memory_space<vmem>>
      %dma_wait3A_741 = arith.constant 0 : i32
      %dma_wait3A_742 = arith.constant 0 : i32
      %dma_wait3A_743 = tpu.memref_slice %arg6[%dma_wait3A_741, %dma_wait3A_742] : memref<100000x128xf32, #tpu.memory_space<hbm>> -> memref<128x128xf32, #tpu.memory_space<hbm>>
      tpu.wait_dma2 semaphore(%arg17 : memref<!tpu.dma_semaphore, #tpu.memory_space<semaphore_mem>>) src(%dma_wait3A_743 : memref<128x128xf32, #tpu.memory_space<hbm>>) dst(%dma_wait3A_740 : memref<128x128xf32, #tpu.memory_space<vmem>>)
      %dma_wait3A_744 = arith.constant 0 : i32
      %dma_wait3A_745 = arith.constant 0 : i32
      %dma_wait3A_746 = arith.constant 0 : i32
      %dma_wait3A_747 = tpu.memref_slice %arg14[%dma_wait3A_744, %dma_wait3A_745, %dma_wait3A_746] : memref<2x128x128xf32, #tpu.memory_space<vmem>> -> memref<1x128x128xf32, #tpu.memory_space<vmem>>
      %dma_wait3A_748 = tpu.memref_squeeze %dma_wait3A_747 : memref<1x128x128xf32, #tpu.memory_space<vmem>> -> memref<128x128xf32, #tpu.memory_space<vmem>>
      %dma_wait3A_749 = arith.constant 0 : i32
      %dma_wait3A_750 = arith.constant 0 : i32
      %dma_wait3A_751 = tpu.memref_slice %arg6[%dma_wait3A_749, %dma_wait3A_750] : memref<100000x128xf32, #tpu.memory_space<hbm>> -> memref<128x128xf32, #tpu.memory_space<hbm>>
      %dma_wait3A_752 = arith.constant 0 : i32
      %dma_wait3A_753 = arith.constant 0 : i32
      %dma_wait3A_754 = tpu.memref_slice %arg14[%dma_wait3A_744, %dma_wait3A_752, %dma_wait3A_753] : memref<2x128x128xf32, #tpu.memory_space<vmem>> -> memref<1x128x128xf32, #tpu.memory_space<vmem>>
      %dma_wait3A_755 = tpu.memref_squeeze %dma_wait3A_754 : memref<1x128x128xf32, #tpu.memory_space<vmem>> -> memref<128x128xf32, #tpu.memory_space<vmem>>
      %dma_wait3A_756 = arith.constant 0 : i32
      %dma_wait3A_757 = arith.constant 0 : i32
      %dma_wait3A_758 = tpu.memref_slice %arg6[%dma_wait3A_756, %dma_wait3A_757] : memref<100000x128xf32, #tpu.memory_space<hbm>> -> memref<128x128xf32, #tpu.memory_space<hbm>>
      tpu.wait_dma2 semaphore(%arg17 : memref<!tpu.dma_semaphore, #tpu.memory_space<semaphore_mem>>) src(%dma_wait3A_758 : memref<128x128xf32, #tpu.memory_space<hbm>>) dst(%dma_wait3A_755 : memref<128x128xf32, #tpu.memory_space<vmem>>)
      %dma_wait3A_759 = arith.constant 0 : i32
      %dma_wait3A_760 = arith.constant 0 : i32
      %dma_wait3A_761 = arith.constant 0 : i32
      %dma_wait3A_762 = tpu.memref_slice %arg14[%dma_wait3A_759, %dma_wait3A_760, %dma_wait3A_761] : memref<2x128x128xf32, #tpu.memory_space<vmem>> -> memref<1x128x128xf32, #tpu.memory_space<vmem>>
      %dma_wait3A_763 = tpu.memref_squeeze %dma_wait3A_762 : memref<1x128x128xf32, #tpu.memory_space<vmem>> -> memref<128x128xf32, #tpu.memory_space<vmem>>
      %dma_wait3A_764 = arith.constant 0 : i32
      %dma_wait3A_765 = arith.constant 0 : i32
      %dma_wait3A_766 = tpu.memref_slice %arg6[%dma_wait3A_764, %dma_wait3A_765] : memref<100000x128xf32, #tpu.memory_space<hbm>> -> memref<128x128xf32, #tpu.memory_space<hbm>>
      %dma_wait3A_767 = arith.constant 0 : i32
      %dma_wait3A_768 = arith.constant 0 : i32
      %dma_wait3A_769 = tpu.memref_slice %arg14[%dma_wait3A_759, %dma_wait3A_767, %dma_wait3A_768] : memref<2x128x128xf32, #tpu.memory_space<vmem>> -> memref<1x128x128xf32, #tpu.memory_space<vmem>>
      %dma_wait3A_770 = tpu.memref_squeeze %dma_wait3A_769 : memref<1x128x128xf32, #tpu.memory_space<vmem>> -> memref<128x128xf32, #tpu.memory_space<vmem>>
      %dma_wait3A_771 = arith.constant 0 : i32
      %dma_wait3A_772 = arith.constant 0 : i32
      %dma_wait3A_773 = tpu.memref_slice %arg6[%dma_wait3A_771, %dma_wait3A_772] : memref<100000x128xf32, #tpu.memory_space<hbm>> -> memref<128x128xf32, #tpu.memory_space<hbm>>
      tpu.wait_dma2 semaphore(%arg17 : memref<!tpu.dma_semaphore, #tpu.memory_space<semaphore_mem>>) src(%dma_wait3A_773 : memref<128x128xf32, #tpu.memory_space<hbm>>) dst(%dma_wait3A_770 : memref<128x128xf32, #tpu.memory_space<vmem>>)
      %dma_wait3A_774 = arith.constant 0 : i32
      %dma_wait3A_775 = arith.constant 0 : i32
      %dma_wait3A_776 = arith.constant 0 : i32
      %dma_wait3A_777 = tpu.memref_slice %arg14[%dma_wait3A_774, %dma_wait3A_775, %dma_wait3A_776] : memref<2x128x128xf32, #tpu.memory_space<vmem>> -> memref<1x128x128xf32, #tpu.memory_space<vmem>>
      %dma_wait3A_778 = tpu.memref_squeeze %dma_wait3A_777 : memref<1x128x128xf32, #tpu.memory_space<vmem>> -> memref<128x128xf32, #tpu.memory_space<vmem>>
      %dma_wait3A_779 = arith.constant 0 : i32
      %dma_wait3A_780 = arith.constant 0 : i32
      %dma_wait3A_781 = tpu.memref_slice %arg6[%dma_wait3A_779, %dma_wait3A_780] : memref<100000x128xf32, #tpu.memory_space<hbm>> -> memref<128x128xf32, #tpu.memory_space<hbm>>
      %dma_wait3A_782 = arith.constant 0 : i32
      %dma_wait3A_783 = arith.constant 0 : i32
      %dma_wait3A_784 = tpu.memref_slice %arg14[%dma_wait3A_774, %dma_wait3A_782, %dma_wait3A_783] : memref<2x128x128xf32, #tpu.memory_space<vmem>> -> memref<1x128x128xf32, #tpu.memory_space<vmem>>
      %dma_wait3A_785 = tpu.memref_squeeze %dma_wait3A_784 : memref<1x128x128xf32, #tpu.memory_space<vmem>> -> memref<128x128xf32, #tpu.memory_space<vmem>>
      %dma_wait3A_786 = arith.constant 0 : i32
      %dma_wait3A_787 = arith.constant 0 : i32
      %dma_wait3A_788 = tpu.memref_slice %arg6[%dma_wait3A_786, %dma_wait3A_787] : memref<100000x128xf32, #tpu.memory_space<hbm>> -> memref<128x128xf32, #tpu.memory_space<hbm>>
      tpu.wait_dma2 semaphore(%arg17 : memref<!tpu.dma_semaphore, #tpu.memory_space<semaphore_mem>>) src(%dma_wait3A_788 : memref<128x128xf32, #tpu.memory_space<hbm>>) dst(%dma_wait3A_785 : memref<128x128xf32, #tpu.memory_space<vmem>>)
      %dma_wait3A_789 = arith.constant 0 : i32
      %dma_wait3A_790 = arith.constant 0 : i32
      %dma_wait3A_791 = arith.constant 0 : i32
      %dma_wait3A_792 = tpu.memref_slice %arg14[%dma_wait3A_789, %dma_wait3A_790, %dma_wait3A_791] : memref<2x128x128xf32, #tpu.memory_space<vmem>> -> memref<1x128x128xf32, #tpu.memory_space<vmem>>
      %dma_wait3A_793 = tpu.memref_squeeze %dma_wait3A_792 : memref<1x128x128xf32, #tpu.memory_space<vmem>> -> memref<128x128xf32, #tpu.memory_space<vmem>>
      %dma_wait3A_794 = arith.constant 0 : i32
      %dma_wait3A_795 = arith.constant 0 : i32
      %dma_wait3A_796 = tpu.memref_slice %arg6[%dma_wait3A_794, %dma_wait3A_795] : memref<100000x128xf32, #tpu.memory_space<hbm>> -> memref<128x128xf32, #tpu.memory_space<hbm>>
      %dma_wait3A_797 = arith.constant 0 : i32
      %dma_wait3A_798 = arith.constant 0 : i32
      %dma_wait3A_799 = tpu.memref_slice %arg14[%dma_wait3A_789, %dma_wait3A_797, %dma_wait3A_798] : memref<2x128x128xf32, #tpu.memory_space<vmem>> -> memref<1x128x128xf32, #tpu.memory_space<vmem>>
      %dma_wait3A_800 = tpu.memref_squeeze %dma_wait3A_799 : memref<1x128x128xf32, #tpu.memory_space<vmem>> -> memref<128x128xf32, #tpu.memory_space<vmem>>
      %dma_wait3A_801 = arith.constant 0 : i32
      %dma_wait3A_802 = arith.constant 0 : i32
      %dma_wait3A_803 = tpu.memref_slice %arg6[%dma_wait3A_801, %dma_wait3A_802] : memref<100000x128xf32, #tpu.memory_space<hbm>> -> memref<128x128xf32, #tpu.memory_space<hbm>>
      tpu.wait_dma2 semaphore(%arg17 : memref<!tpu.dma_semaphore, #tpu.memory_space<semaphore_mem>>) src(%dma_wait3A_803 : memref<128x128xf32, #tpu.memory_space<hbm>>) dst(%dma_wait3A_800 : memref<128x128xf32, #tpu.memory_space<vmem>>)
      %dma_wait3A_804 = arith.constant 0 : i32
      %dma_wait3A_805 = arith.constant 0 : i32
      %dma_wait3A_806 = arith.constant 0 : i32
      %dma_wait3A_807 = tpu.memref_slice %arg14[%dma_wait3A_804, %dma_wait3A_805, %dma_wait3A_806] : memref<2x128x128xf32, #tpu.memory_space<vmem>> -> memref<1x128x128xf32, #tpu.memory_space<vmem>>
      %dma_wait3A_808 = tpu.memref_squeeze %dma_wait3A_807 : memref<1x128x128xf32, #tpu.memory_space<vmem>> -> memref<128x128xf32, #tpu.memory_space<vmem>>
      %dma_wait3A_809 = arith.constant 0 : i32
      %dma_wait3A_810 = arith.constant 0 : i32
      %dma_wait3A_811 = tpu.memref_slice %arg6[%dma_wait3A_809, %dma_wait3A_810] : memref<100000x128xf32, #tpu.memory_space<hbm>> -> memref<128x128xf32, #tpu.memory_space<hbm>>
      %dma_wait3A_812 = arith.constant 0 : i32
      %dma_wait3A_813 = arith.constant 0 : i32
      %dma_wait3A_814 = tpu.memref_slice %arg14[%dma_wait3A_804, %dma_wait3A_812, %dma_wait3A_813] : memref<2x128x128xf32, #tpu.memory_space<vmem>> -> memref<1x128x128xf32, #tpu.memory_space<vmem>>
      %dma_wait3A_815 = tpu.memref_squeeze %dma_wait3A_814 : memref<1x128x128xf32, #tpu.memory_space<vmem>> -> memref<128x128xf32, #tpu.memory_space<vmem>>
      %dma_wait3A_816 = arith.constant 0 : i32
      %dma_wait3A_817 = arith.constant 0 : i32
      %dma_wait3A_818 = tpu.memref_slice %arg6[%dma_wait3A_816, %dma_wait3A_817] : memref<100000x128xf32, #tpu.memory_space<hbm>> -> memref<128x128xf32, #tpu.memory_space<hbm>>
      tpu.wait_dma2 semaphore(%arg17 : memref<!tpu.dma_semaphore, #tpu.memory_space<semaphore_mem>>) src(%dma_wait3A_818 : memref<128x128xf32, #tpu.memory_space<hbm>>) dst(%dma_wait3A_815 : memref<128x128xf32, #tpu.memory_space<vmem>>)
      %dma_wait3A_819 = arith.constant 0 : i32
      %dma_wait3A_820 = arith.constant 0 : i32
      %dma_wait3A_821 = arith.constant 0 : i32
      %dma_wait3A_822 = tpu.memref_slice %arg14[%dma_wait3A_819, %dma_wait3A_820, %dma_wait3A_821] : memref<2x128x128xf32, #tpu.memory_space<vmem>> -> memref<1x128x128xf32, #tpu.memory_space<vmem>>
      %dma_wait3A_823 = tpu.memref_squeeze %dma_wait3A_822 : memref<1x128x128xf32, #tpu.memory_space<vmem>> -> memref<128x128xf32, #tpu.memory_space<vmem>>
      %dma_wait3A_824 = arith.constant 0 : i32
      %dma_wait3A_825 = arith.constant 0 : i32
      %dma_wait3A_826 = tpu.memref_slice %arg6[%dma_wait3A_824, %dma_wait3A_825] : memref<100000x128xf32, #tpu.memory_space<hbm>> -> memref<128x128xf32, #tpu.memory_space<hbm>>
      %dma_wait3A_827 = arith.constant 0 : i32
      %dma_wait3A_828 = arith.constant 0 : i32
      %dma_wait3A_829 = tpu.memref_slice %arg14[%dma_wait3A_819, %dma_wait3A_827, %dma_wait3A_828] : memref<2x128x128xf32, #tpu.memory_space<vmem>> -> memref<1x128x128xf32, #tpu.memory_space<vmem>>
      %dma_wait3A_830 = tpu.memref_squeeze %dma_wait3A_829 : memref<1x128x128xf32, #tpu.memory_space<vmem>> -> memref<128x128xf32, #tpu.memory_space<vmem>>
      %dma_wait3A_831 = arith.constant 0 : i32
      %dma_wait3A_832 = arith.constant 0 : i32
      %dma_wait3A_833 = tpu.memref_slice %arg6[%dma_wait3A_831, %dma_wait3A_832] : memref<100000x128xf32, #tpu.memory_space<hbm>> -> memref<128x128xf32, #tpu.memory_space<hbm>>
      tpu.wait_dma2 semaphore(%arg17 : memref<!tpu.dma_semaphore, #tpu.memory_space<semaphore_mem>>) src(%dma_wait3A_833 : memref<128x128xf32, #tpu.memory_space<hbm>>) dst(%dma_wait3A_830 : memref<128x128xf32, #tpu.memory_space<vmem>>)
      %dma_wait3A_834 = arith.constant 0 : i32
      %dma_wait3A_835 = arith.constant 0 : i32
      %dma_wait3A_836 = arith.constant 0 : i32
      %dma_wait3A_837 = tpu.memref_slice %arg14[%dma_wait3A_834, %dma_wait3A_835, %dma_wait3A_836] : memref<2x128x128xf32, #tpu.memory_space<vmem>> -> memref<1x128x128xf32, #tpu.memory_space<vmem>>
      %dma_wait3A_838 = tpu.memref_squeeze %dma_wait3A_837 : memref<1x128x128xf32, #tpu.memory_space<vmem>> -> memref<128x128xf32, #tpu.memory_space<vmem>>
      %dma_wait3A_839 = arith.constant 0 : i32
      %dma_wait3A_840 = arith.constant 0 : i32
      %dma_wait3A_841 = tpu.memref_slice %arg6[%dma_wait3A_839, %dma_wait3A_840] : memref<100000x128xf32, #tpu.memory_space<hbm>> -> memref<128x128xf32, #tpu.memory_space<hbm>>
      %dma_wait3A_842 = arith.constant 0 : i32
      %dma_wait3A_843 = arith.constant 0 : i32
      %dma_wait3A_844 = tpu.memref_slice %arg14[%dma_wait3A_834, %dma_wait3A_842, %dma_wait3A_843] : memref<2x128x128xf32, #tpu.memory_space<vmem>> -> memref<1x128x128xf32, #tpu.memory_space<vmem>>
      %dma_wait3A_845 = tpu.memref_squeeze %dma_wait3A_844 : memref<1x128x128xf32, #tpu.memory_space<vmem>> -> memref<128x128xf32, #tpu.memory_space<vmem>>
      %dma_wait3A_846 = arith.constant 0 : i32
      %dma_wait3A_847 = arith.constant 0 : i32
      %dma_wait3A_848 = tpu.memref_slice %arg6[%dma_wait3A_846, %dma_wait3A_847] : memref<100000x128xf32, #tpu.memory_space<hbm>> -> memref<128x128xf32, #tpu.memory_space<hbm>>
      tpu.wait_dma2 semaphore(%arg17 : memref<!tpu.dma_semaphore, #tpu.memory_space<semaphore_mem>>) src(%dma_wait3A_848 : memref<128x128xf32, #tpu.memory_space<hbm>>) dst(%dma_wait3A_845 : memref<128x128xf32, #tpu.memory_space<vmem>>)
      %dma_wait3A_849 = arith.constant 0 : i32
      %dma_wait3A_850 = arith.constant 0 : i32
      %dma_wait3A_851 = arith.constant 0 : i32
      %dma_wait3A_852 = tpu.memref_slice %arg14[%dma_wait3A_849, %dma_wait3A_850, %dma_wait3A_851] : memref<2x128x128xf32, #tpu.memory_space<vmem>> -> memref<1x128x128xf32, #tpu.memory_space<vmem>>
      %dma_wait3A_853 = tpu.memref_squeeze %dma_wait3A_852 : memref<1x128x128xf32, #tpu.memory_space<vmem>> -> memref<128x128xf32, #tpu.memory_space<vmem>>
      %dma_wait3A_854 = arith.constant 0 : i32
      %dma_wait3A_855 = arith.constant 0 : i32
      %dma_wait3A_856 = tpu.memref_slice %arg6[%dma_wait3A_854, %dma_wait3A_855] : memref<100000x128xf32, #tpu.memory_space<hbm>> -> memref<128x128xf32, #tpu.memory_space<hbm>>
      %dma_wait3A_857 = arith.constant 0 : i32
      %dma_wait3A_858 = arith.constant 0 : i32
      %dma_wait3A_859 = tpu.memref_slice %arg14[%dma_wait3A_849, %dma_wait3A_857, %dma_wait3A_858] : memref<2x128x128xf32, #tpu.memory_space<vmem>> -> memref<1x128x128xf32, #tpu.memory_space<vmem>>
      %dma_wait3A_860 = tpu.memref_squeeze %dma_wait3A_859 : memref<1x128x128xf32, #tpu.memory_space<vmem>> -> memref<128x128xf32, #tpu.memory_space<vmem>>
      %dma_wait3A_861 = arith.constant 0 : i32
      %dma_wait3A_862 = arith.constant 0 : i32
      %dma_wait3A_863 = tpu.memref_slice %arg6[%dma_wait3A_861, %dma_wait3A_862] : memref<100000x128xf32, #tpu.memory_space<hbm>> -> memref<128x128xf32, #tpu.memory_space<hbm>>
      tpu.wait_dma2 semaphore(%arg17 : memref<!tpu.dma_semaphore, #tpu.memory_space<semaphore_mem>>) src(%dma_wait3A_863 : memref<128x128xf32, #tpu.memory_space<hbm>>) dst(%dma_wait3A_860 : memref<128x128xf32, #tpu.memory_space<vmem>>)
      %dma_wait3A_864 = arith.constant 0 : i32
      %dma_wait3A_865 = arith.constant 0 : i32
      %dma_wait3A_866 = arith.constant 0 : i32
      %dma_wait3A_867 = tpu.memref_slice %arg14[%dma_wait3A_864, %dma_wait3A_865, %dma_wait3A_866] : memref<2x128x128xf32, #tpu.memory_space<vmem>> -> memref<1x128x128xf32, #tpu.memory_space<vmem>>
      %dma_wait3A_868 = tpu.memref_squeeze %dma_wait3A_867 : memref<1x128x128xf32, #tpu.memory_space<vmem>> -> memref<128x128xf32, #tpu.memory_space<vmem>>
      %dma_wait3A_869 = arith.constant 0 : i32
      %dma_wait3A_870 = arith.constant 0 : i32
      %dma_wait3A_871 = tpu.memref_slice %arg6[%dma_wait3A_869, %dma_wait3A_870] : memref<100000x128xf32, #tpu.memory_space<hbm>> -> memref<128x128xf32, #tpu.memory_space<hbm>>
      %dma_wait3A_872 = arith.constant 0 : i32
      %dma_wait3A_873 = arith.constant 0 : i32
      %dma_wait3A_874 = tpu.memref_slice %arg14[%dma_wait3A_864, %dma_wait3A_872, %dma_wait3A_873] : memref<2x128x128xf32, #tpu.memory_space<vmem>> -> memref<1x128x128xf32, #tpu.memory_space<vmem>>
      %dma_wait3A_875 = tpu.memref_squeeze %dma_wait3A_874 : memref<1x128x128xf32, #tpu.memory_space<vmem>> -> memref<128x128xf32, #tpu.memory_space<vmem>>
      %dma_wait3A_876 = arith.constant 0 : i32
      %dma_wait3A_877 = arith.constant 0 : i32
      %dma_wait3A_878 = tpu.memref_slice %arg6[%dma_wait3A_876, %dma_wait3A_877] : memref<100000x128xf32, #tpu.memory_space<hbm>> -> memref<128x128xf32, #tpu.memory_space<hbm>>
      tpu.wait_dma2 semaphore(%arg17 : memref<!tpu.dma_semaphore, #tpu.memory_space<semaphore_mem>>) src(%dma_wait3A_878 : memref<128x128xf32, #tpu.memory_space<hbm>>) dst(%dma_wait3A_875 : memref<128x128xf32, #tpu.memory_space<vmem>>)
      %dma_wait3A_879 = arith.constant 0 : i32
      %dma_wait3A_880 = arith.constant 0 : i32
      %dma_wait3A_881 = arith.constant 0 : i32
      %dma_wait3A_882 = tpu.memref_slice %arg14[%dma_wait3A_879, %dma_wait3A_880, %dma_wait3A_881] : memref<2x128x128xf32, #tpu.memory_space<vmem>> -> memref<1x128x128xf32, #tpu.memory_space<vmem>>
      %dma_wait3A_883 = tpu.memref_squeeze %dma_wait3A_882 : memref<1x128x128xf32, #tpu.memory_space<vmem>> -> memref<128x128xf32, #tpu.memory_space<vmem>>
      %dma_wait3A_884 = arith.constant 0 : i32
      %dma_wait3A_885 = arith.constant 0 : i32
      %dma_wait3A_886 = tpu.memref_slice %arg6[%dma_wait3A_884, %dma_wait3A_885] : memref<100000x128xf32, #tpu.memory_space<hbm>> -> memref<128x128xf32, #tpu.memory_space<hbm>>
      %dma_wait3A_887 = arith.constant 0 : i32
      %dma_wait3A_888 = arith.constant 0 : i32
      %dma_wait3A_889 = tpu.memref_slice %arg14[%dma_wait3A_879, %dma_wait3A_887, %dma_wait3A_888] : memref<2x128x128xf32, #tpu.memory_space<vmem>> -> memref<1x128x128xf32, #tpu.memory_space<vmem>>
      %dma_wait3A_890 = tpu.memref_squeeze %dma_wait3A_889 : memref<1x128x128xf32, #tpu.memory_space<vmem>> -> memref<128x128xf32, #tpu.memory_space<vmem>>
      %dma_wait3A_891 = arith.constant 0 : i32
      %dma_wait3A_892 = arith.constant 0 : i32
      %dma_wait3A_893 = tpu.memref_slice %arg6[%dma_wait3A_891, %dma_wait3A_892] : memref<100000x128xf32, #tpu.memory_space<hbm>> -> memref<128x128xf32, #tpu.memory_space<hbm>>
      tpu.wait_dma2 semaphore(%arg17 : memref<!tpu.dma_semaphore, #tpu.memory_space<semaphore_mem>>) src(%dma_wait3A_893 : memref<128x128xf32, #tpu.memory_space<hbm>>) dst(%dma_wait3A_890 : memref<128x128xf32, #tpu.memory_space<vmem>>)
      %dma_wait3A_894 = arith.constant 0 : i32
      %dma_wait3A_895 = arith.constant 0 : i32
      %dma_wait3A_896 = arith.constant 0 : i32
      %dma_wait3A_897 = tpu.memref_slice %arg14[%dma_wait3A_894, %dma_wait3A_895, %dma_wait3A_896] : memref<2x128x128xf32, #tpu.memory_space<vmem>> -> memref<1x128x128xf32, #tpu.memory_space<vmem>>
      %dma_wait3A_898 = tpu.memref_squeeze %dma_wait3A_897 : memref<1x128x128xf32, #tpu.memory_space<vmem>> -> memref<128x128xf32, #tpu.memory_space<vmem>>
      %dma_wait3A_899 = arith.constant 0 : i32
      %dma_wait3A_900 = arith.constant 0 : i32
      %dma_wait3A_901 = tpu.memref_slice %arg6[%dma_wait3A_899, %dma_wait3A_900] : memref<100000x128xf32, #tpu.memory_space<hbm>> -> memref<128x128xf32, #tpu.memory_space<hbm>>
      %dma_wait3A_902 = arith.constant 0 : i32
      %dma_wait3A_903 = arith.constant 0 : i32
      %dma_wait3A_904 = tpu.memref_slice %arg14[%dma_wait3A_894, %dma_wait3A_902, %dma_wait3A_903] : memref<2x128x128xf32, #tpu.memory_space<vmem>> -> memref<1x128x128xf32, #tpu.memory_space<vmem>>
      %dma_wait3A_905 = tpu.memref_squeeze %dma_wait3A_904 : memref<1x128x128xf32, #tpu.memory_space<vmem>> -> memref<128x128xf32, #tpu.memory_space<vmem>>
      %dma_wait3A_906 = arith.constant 0 : i32
      %dma_wait3A_907 = arith.constant 0 : i32
      %dma_wait3A_908 = tpu.memref_slice %arg6[%dma_wait3A_906, %dma_wait3A_907] : memref<100000x128xf32, #tpu.memory_space<hbm>> -> memref<128x128xf32, #tpu.memory_space<hbm>>
      tpu.wait_dma2 semaphore(%arg17 : memref<!tpu.dma_semaphore, #tpu.memory_space<semaphore_mem>>) src(%dma_wait3A_908 : memref<128x128xf32, #tpu.memory_space<hbm>>) dst(%dma_wait3A_905 : memref<128x128xf32, #tpu.memory_space<vmem>>)
      %dma_wait3A_909 = arith.constant 0 : i32
      %dma_wait3A_910 = arith.constant 0 : i32
      %dma_wait3A_911 = arith.constant 0 : i32
      %dma_wait3A_912 = tpu.memref_slice %arg14[%dma_wait3A_909, %dma_wait3A_910, %dma_wait3A_911] : memref<2x128x128xf32, #tpu.memory_space<vmem>> -> memref<1x128x128xf32, #tpu.memory_space<vmem>>
      %dma_wait3A_913 = tpu.memref_squeeze %dma_wait3A_912 : memref<1x128x128xf32, #tpu.memory_space<vmem>> -> memref<128x128xf32, #tpu.memory_space<vmem>>
      %dma_wait3A_914 = arith.constant 0 : i32
      %dma_wait3A_915 = arith.constant 0 : i32
      %dma_wait3A_916 = tpu.memref_slice %arg6[%dma_wait3A_914, %dma_wait3A_915] : memref<100000x128xf32, #tpu.memory_space<hbm>> -> memref<128x128xf32, #tpu.memory_space<hbm>>
      %dma_wait3A_917 = arith.constant 0 : i32
      %dma_wait3A_918 = arith.constant 0 : i32
      %dma_wait3A_919 = tpu.memref_slice %arg14[%dma_wait3A_909, %dma_wait3A_917, %dma_wait3A_918] : memref<2x128x128xf32, #tpu.memory_space<vmem>> -> memref<1x128x128xf32, #tpu.memory_space<vmem>>
      %dma_wait3A_920 = tpu.memref_squeeze %dma_wait3A_919 : memref<1x128x128xf32, #tpu.memory_space<vmem>> -> memref<128x128xf32, #tpu.memory_space<vmem>>
      %dma_wait3A_921 = arith.constant 0 : i32
      %dma_wait3A_922 = arith.constant 0 : i32
      %dma_wait3A_923 = tpu.memref_slice %arg6[%dma_wait3A_921, %dma_wait3A_922] : memref<100000x128xf32, #tpu.memory_space<hbm>> -> memref<128x128xf32, #tpu.memory_space<hbm>>
      tpu.wait_dma2 semaphore(%arg17 : memref<!tpu.dma_semaphore, #tpu.memory_space<semaphore_mem>>) src(%dma_wait3A_923 : memref<128x128xf32, #tpu.memory_space<hbm>>) dst(%dma_wait3A_920 : memref<128x128xf32, #tpu.memory_space<vmem>>)
      %dma_wait3A_924 = arith.constant 0 : i32
      %dma_wait3A_925 = arith.constant 0 : i32
      %dma_wait3A_926 = arith.constant 0 : i32
      %dma_wait3A_927 = tpu.memref_slice %arg14[%dma_wait3A_924, %dma_wait3A_925, %dma_wait3A_926] : memref<2x128x128xf32, #tpu.memory_space<vmem>> -> memref<1x128x128xf32, #tpu.memory_space<vmem>>
      %dma_wait3A_928 = tpu.memref_squeeze %dma_wait3A_927 : memref<1x128x128xf32, #tpu.memory_space<vmem>> -> memref<128x128xf32, #tpu.memory_space<vmem>>
      %dma_wait3A_929 = arith.constant 0 : i32
      %dma_wait3A_930 = arith.constant 0 : i32
      %dma_wait3A_931 = tpu.memref_slice %arg6[%dma_wait3A_929, %dma_wait3A_930] : memref<100000x128xf32, #tpu.memory_space<hbm>> -> memref<128x128xf32, #tpu.memory_space<hbm>>
      %dma_wait3A_932 = arith.constant 0 : i32
      %dma_wait3A_933 = arith.constant 0 : i32
      %dma_wait3A_934 = tpu.memref_slice %arg14[%dma_wait3A_924, %dma_wait3A_932, %dma_wait3A_933] : memref<2x128x128xf32, #tpu.memory_space<vmem>> -> memref<1x128x128xf32, #tpu.memory_space<vmem>>
      %dma_wait3A_935 = tpu.memref_squeeze %dma_wait3A_934 : memref<1x128x128xf32, #tpu.memory_space<vmem>> -> memref<128x128xf32, #tpu.memory_space<vmem>>
      %dma_wait3A_936 = arith.constant 0 : i32
      %dma_wait3A_937 = arith.constant 0 : i32
      %dma_wait3A_938 = tpu.memref_slice %arg6[%dma_wait3A_936, %dma_wait3A_937] : memref<100000x128xf32, #tpu.memory_space<hbm>> -> memref<128x128xf32, #tpu.memory_space<hbm>>
      tpu.wait_dma2 semaphore(%arg17 : memref<!tpu.dma_semaphore, #tpu.memory_space<semaphore_mem>>) src(%dma_wait3A_938 : memref<128x128xf32, #tpu.memory_space<hbm>>) dst(%dma_wait3A_935 : memref<128x128xf32, #tpu.memory_space<vmem>>)
      %dma_wait3A_939 = arith.constant 0 : i32
      %dma_wait3A_940 = arith.constant 0 : i32
      %dma_wait3A_941 = arith.constant 0 : i32
      %dma_wait3A_942 = tpu.memref_slice %arg14[%dma_wait3A_939, %dma_wait3A_940, %dma_wait3A_941] : memref<2x128x128xf32, #tpu.memory_space<vmem>> -> memref<1x128x128xf32, #tpu.memory_space<vmem>>
      %dma_wait3A_943 = tpu.memref_squeeze %dma_wait3A_942 : memref<1x128x128xf32, #tpu.memory_space<vmem>> -> memref<128x128xf32, #tpu.memory_space<vmem>>
      %dma_wait3A_944 = arith.constant 0 : i32
      %dma_wait3A_945 = arith.constant 0 : i32
      %dma_wait3A_946 = tpu.memref_slice %arg6[%dma_wait3A_944, %dma_wait3A_945] : memref<100000x128xf32, #tpu.memory_space<hbm>> -> memref<128x128xf32, #tpu.memory_space<hbm>>
      %dma_wait3A_947 = arith.constant 0 : i32
      %dma_wait3A_948 = arith.constant 0 : i32
      %dma_wait3A_949 = tpu.memref_slice %arg14[%dma_wait3A_939, %dma_wait3A_947, %dma_wait3A_948] : memref<2x128x128xf32, #tpu.memory_space<vmem>> -> memref<1x128x128xf32, #tpu.memory_space<vmem>>
      %dma_wait3A_950 = tpu.memref_squeeze %dma_wait3A_949 : memref<1x128x128xf32, #tpu.memory_space<vmem>> -> memref<128x128xf32, #tpu.memory_space<vmem>>
      %dma_wait3A_951 = arith.constant 0 : i32
      %dma_wait3A_952 = arith.constant 0 : i32
      %dma_wait3A_953 = tpu.memref_slice %arg6[%dma_wait3A_951, %dma_wait3A_952] : memref<100000x128xf32, #tpu.memory_space<hbm>> -> memref<128x128xf32, #tpu.memory_space<hbm>>
      tpu.wait_dma2 semaphore(%arg17 : memref<!tpu.dma_semaphore, #tpu.memory_space<semaphore_mem>>) src(%dma_wait3A_953 : memref<128x128xf32, #tpu.memory_space<hbm>>) dst(%dma_wait3A_950 : memref<128x128xf32, #tpu.memory_space<vmem>>)
      %dma_wait3A_954 = arith.constant 0 : i32
      %dma_wait3A_955 = arith.constant 0 : i32
      %dma_wait3A_956 = arith.constant 0 : i32
      %dma_wait3A_957 = tpu.memref_slice %arg14[%dma_wait3A_954, %dma_wait3A_955, %dma_wait3A_956] : memref<2x128x128xf32, #tpu.memory_space<vmem>> -> memref<1x128x128xf32, #tpu.memory_space<vmem>>
      %dma_wait3A_958 = tpu.memref_squeeze %dma_wait3A_957 : memref<1x128x128xf32, #tpu.memory_space<vmem>> -> memref<128x128xf32, #tpu.memory_space<vmem>>
      %dma_wait3A_959 = arith.constant 0 : i32
      %dma_wait3A_960 = arith.constant 0 : i32
      %dma_wait3A_961 = tpu.memref_slice %arg6[%dma_wait3A_959, %dma_wait3A_960] : memref<100000x128xf32, #tpu.memory_space<hbm>> -> memref<128x128xf32, #tpu.memory_space<hbm>>
      %dma_wait3A_962 = arith.constant 0 : i32
      %dma_wait3A_963 = arith.constant 0 : i32
      %dma_wait3A_964 = tpu.memref_slice %arg14[%dma_wait3A_954, %dma_wait3A_962, %dma_wait3A_963] : memref<2x128x128xf32, #tpu.memory_space<vmem>> -> memref<1x128x128xf32, #tpu.memory_space<vmem>>
      %dma_wait3A_965 = tpu.memref_squeeze %dma_wait3A_964 : memref<1x128x128xf32, #tpu.memory_space<vmem>> -> memref<128x128xf32, #tpu.memory_space<vmem>>
      %dma_wait3A_966 = arith.constant 0 : i32
      %dma_wait3A_967 = arith.constant 0 : i32
      %dma_wait3A_968 = tpu.memref_slice %arg6[%dma_wait3A_966, %dma_wait3A_967] : memref<100000x128xf32, #tpu.memory_space<hbm>> -> memref<128x128xf32, #tpu.memory_space<hbm>>
      tpu.wait_dma2 semaphore(%arg17 : memref<!tpu.dma_semaphore, #tpu.memory_space<semaphore_mem>>) src(%dma_wait3A_968 : memref<128x128xf32, #tpu.memory_space<hbm>>) dst(%dma_wait3A_965 : memref<128x128xf32, #tpu.memory_space<vmem>>)
      %dma_wait3A_969 = arith.constant 0 : i32
      %dma_wait3A_970 = arith.constant 0 : i32
      %dma_wait3A_971 = arith.constant 0 : i32
      %dma_wait3A_972 = tpu.memref_slice %arg14[%dma_wait3A_969, %dma_wait3A_970, %dma_wait3A_971] : memref<2x128x128xf32, #tpu.memory_space<vmem>> -> memref<1x128x128xf32, #tpu.memory_space<vmem>>
      %dma_wait3A_973 = tpu.memref_squeeze %dma_wait3A_972 : memref<1x128x128xf32, #tpu.memory_space<vmem>> -> memref<128x128xf32, #tpu.memory_space<vmem>>
      %dma_wait3A_974 = arith.constant 0 : i32
      %dma_wait3A_975 = arith.constant 0 : i32
      %dma_wait3A_976 = tpu.memref_slice %arg6[%dma_wait3A_974, %dma_wait3A_975] : memref<100000x128xf32, #tpu.memory_space<hbm>> -> memref<128x128xf32, #tpu.memory_space<hbm>>
      %dma_wait3A_977 = arith.constant 0 : i32
      %dma_wait3A_978 = arith.constant 0 : i32
      %dma_wait3A_979 = tpu.memref_slice %arg14[%dma_wait3A_969, %dma_wait3A_977, %dma_wait3A_978] : memref<2x128x128xf32, #tpu.memory_space<vmem>> -> memref<1x128x128xf32, #tpu.memory_space<vmem>>
      %dma_wait3A_980 = tpu.memref_squeeze %dma_wait3A_979 : memref<1x128x128xf32, #tpu.memory_space<vmem>> -> memref<128x128xf32, #tpu.memory_space<vmem>>
      %dma_wait3A_981 = arith.constant 0 : i32
      %dma_wait3A_982 = arith.constant 0 : i32
      %dma_wait3A_983 = tpu.memref_slice %arg6[%dma_wait3A_981, %dma_wait3A_982] : memref<100000x128xf32, #tpu.memory_space<hbm>> -> memref<128x128xf32, #tpu.memory_space<hbm>>
      tpu.wait_dma2 semaphore(%arg17 : memref<!tpu.dma_semaphore, #tpu.memory_space<semaphore_mem>>) src(%dma_wait3A_983 : memref<128x128xf32, #tpu.memory_space<hbm>>) dst(%dma_wait3A_980 : memref<128x128xf32, #tpu.memory_space<vmem>>)
      %dma_wait3A_984 = arith.constant 0 : i32
      %dma_wait3A_985 = arith.constant 0 : i32
      %dma_wait3A_986 = arith.constant 0 : i32
      %dma_wait3A_987 = tpu.memref_slice %arg14[%dma_wait3A_984, %dma_wait3A_985, %dma_wait3A_986] : memref<2x128x128xf32, #tpu.memory_space<vmem>> -> memref<1x128x128xf32, #tpu.memory_space<vmem>>
      %dma_wait3A_988 = tpu.memref_squeeze %dma_wait3A_987 : memref<1x128x128xf32, #tpu.memory_space<vmem>> -> memref<128x128xf32, #tpu.memory_space<vmem>>
      %dma_wait3A_989 = arith.constant 0 : i32
      %dma_wait3A_990 = arith.constant 0 : i32
      %dma_wait3A_991 = tpu.memref_slice %arg6[%dma_wait3A_989, %dma_wait3A_990] : memref<100000x128xf32, #tpu.memory_space<hbm>> -> memref<128x128xf32, #tpu.memory_space<hbm>>
      %dma_wait3A_992 = arith.constant 0 : i32
      %dma_wait3A_993 = arith.constant 0 : i32
      %dma_wait3A_994 = tpu.memref_slice %arg14[%dma_wait3A_984, %dma_wait3A_992, %dma_wait3A_993] : memref<2x128x128xf32, #tpu.memory_space<vmem>> -> memref<1x128x128xf32, #tpu.memory_space<vmem>>
      %dma_wait3A_995 = tpu.memref_squeeze %dma_wait3A_994 : memref<1x128x128xf32, #tpu.memory_space<vmem>> -> memref<128x128xf32, #tpu.memory_space<vmem>>
      %dma_wait3A_996 = arith.constant 0 : i32
      %dma_wait3A_997 = arith.constant 0 : i32
      %dma_wait3A_998 = tpu.memref_slice %arg6[%dma_wait3A_996, %dma_wait3A_997] : memref<100000x128xf32, #tpu.memory_space<hbm>> -> memref<128x128xf32, #tpu.memory_space<hbm>>
      tpu.wait_dma2 semaphore(%arg17 : memref<!tpu.dma_semaphore, #tpu.memory_space<semaphore_mem>>) src(%dma_wait3A_998 : memref<128x128xf32, #tpu.memory_space<hbm>>) dst(%dma_wait3A_995 : memref<128x128xf32, #tpu.memory_space<vmem>>)
      %dma_wait3A_999 = arith.constant 0 : i32
      %dma_wait3A_1000 = arith.constant 0 : i32
      %dma_wait3A_1001 = arith.constant 0 : i32
      %dma_wait3A_1002 = tpu.memref_slice %arg14[%dma_wait3A_999, %dma_wait3A_1000, %dma_wait3A_1001] : memref<2x128x128xf32, #tpu.memory_space<vmem>> -> memref<1x128x128xf32, #tpu.memory_space<vmem>>
      %dma_wait3A_1003 = tpu.memref_squeeze %dma_wait3A_1002 : memref<1x128x128xf32, #tpu.memory_space<vmem>> -> memref<128x128xf32, #tpu.memory_space<vmem>>
      %dma_wait3A_1004 = arith.constant 0 : i32
      %dma_wait3A_1005 = arith.constant 0 : i32
      %dma_wait3A_1006 = tpu.memref_slice %arg6[%dma_wait3A_1004, %dma_wait3A_1005] : memref<100000x128xf32, #tpu.memory_space<hbm>> -> memref<128x128xf32, #tpu.memory_space<hbm>>
      %dma_wait3A_1007 = arith.constant 0 : i32
      %dma_wait3A_1008 = arith.constant 0 : i32
      %dma_wait3A_1009 = tpu.memref_slice %arg14[%dma_wait3A_999, %dma_wait3A_1007, %dma_wait3A_1008] : memref<2x128x128xf32, #tpu.memory_space<vmem>> -> memref<1x128x128xf32, #tpu.memory_space<vmem>>
      %dma_wait3A_1010 = tpu.memref_squeeze %dma_wait3A_1009 : memref<1x128x128xf32, #tpu.memory_space<vmem>> -> memref<128x128xf32, #tpu.memory_space<vmem>>
      %dma_wait3A_1011 = arith.constant 0 : i32
      %dma_wait3A_1012 = arith.constant 0 : i32
      %dma_wait3A_1013 = tpu.memref_slice %arg6[%dma_wait3A_1011, %dma_wait3A_1012] : memref<100000x128xf32, #tpu.memory_space<hbm>> -> memref<128x128xf32, #tpu.memory_space<hbm>>
      tpu.wait_dma2 semaphore(%arg17 : memref<!tpu.dma_semaphore, #tpu.memory_space<semaphore_mem>>) src(%dma_wait3A_1013 : memref<128x128xf32, #tpu.memory_space<hbm>>) dst(%dma_wait3A_1010 : memref<128x128xf32, #tpu.memory_space<vmem>>)
      %dma_wait3A_1014 = arith.constant 0 : i32
      %dma_wait3A_1015 = arith.constant 0 : i32
      %dma_wait3A_1016 = arith.constant 0 : i32
      %dma_wait3A_1017 = tpu.memref_slice %arg14[%dma_wait3A_1014, %dma_wait3A_1015, %dma_wait3A_1016] : memref<2x128x128xf32, #tpu.memory_space<vmem>> -> memref<1x128x128xf32, #tpu.memory_space<vmem>>
      %dma_wait3A_1018 = tpu.memref_squeeze %dma_wait3A_1017 : memref<1x128x128xf32, #tpu.memory_space<vmem>> -> memref<128x128xf32, #tpu.memory_space<vmem>>
      %dma_wait3A_1019 = arith.constant 0 : i32
      %dma_wait3A_1020 = arith.constant 0 : i32
      %dma_wait3A_1021 = tpu.memref_slice %arg6[%dma_wait3A_1019, %dma_wait3A_1020] : memref<100000x128xf32, #tpu.memory_space<hbm>> -> memref<128x128xf32, #tpu.memory_space<hbm>>
      %dma_wait3A_1022 = arith.constant 0 : i32
      %dma_wait3A_1023 = arith.constant 0 : i32
      %dma_wait3A_1024 = tpu.memref_slice %arg14[%dma_wait3A_1014, %dma_wait3A_1022, %dma_wait3A_1023] : memref<2x128x128xf32, #tpu.memory_space<vmem>> -> memref<1x128x128xf32, #tpu.memory_space<vmem>>
      %dma_wait3A_1025 = tpu.memref_squeeze %dma_wait3A_1024 : memref<1x128x128xf32, #tpu.memory_space<vmem>> -> memref<128x128xf32, #tpu.memory_space<vmem>>
      %dma_wait3A_1026 = arith.constant 0 : i32
      %dma_wait3A_1027 = arith.constant 0 : i32
      %dma_wait3A_1028 = tpu.memref_slice %arg6[%dma_wait3A_1026, %dma_wait3A_1027] : memref<100000x128xf32, #tpu.memory_space<hbm>> -> memref<128x128xf32, #tpu.memory_space<hbm>>
      tpu.wait_dma2 semaphore(%arg17 : memref<!tpu.dma_semaphore, #tpu.memory_space<semaphore_mem>>) src(%dma_wait3A_1028 : memref<128x128xf32, #tpu.memory_space<hbm>>) dst(%dma_wait3A_1025 : memref<128x128xf32, #tpu.memory_space<vmem>>)
      %dma_wait3A_1029 = arith.constant 0 : i32
      %dma_wait3A_1030 = arith.constant 0 : i32
      %dma_wait3A_1031 = arith.constant 0 : i32
      %dma_wait3A_1032 = tpu.memref_slice %arg14[%dma_wait3A_1029, %dma_wait3A_1030, %dma_wait3A_1031] : memref<2x128x128xf32, #tpu.memory_space<vmem>> -> memref<1x128x128xf32, #tpu.memory_space<vmem>>
      %dma_wait3A_1033 = tpu.memref_squeeze %dma_wait3A_1032 : memref<1x128x128xf32, #tpu.memory_space<vmem>> -> memref<128x128xf32, #tpu.memory_space<vmem>>
      %dma_wait3A_1034 = arith.constant 0 : i32
      %dma_wait3A_1035 = arith.constant 0 : i32
      %dma_wait3A_1036 = tpu.memref_slice %arg6[%dma_wait3A_1034, %dma_wait3A_1035] : memref<100000x128xf32, #tpu.memory_space<hbm>> -> memref<128x128xf32, #tpu.memory_space<hbm>>
      %dma_wait3A_1037 = arith.constant 0 : i32
      %dma_wait3A_1038 = arith.constant 0 : i32
      %dma_wait3A_1039 = tpu.memref_slice %arg14[%dma_wait3A_1029, %dma_wait3A_1037, %dma_wait3A_1038] : memref<2x128x128xf32, #tpu.memory_space<vmem>> -> memref<1x128x128xf32, #tpu.memory_space<vmem>>
      %dma_wait3A_1040 = tpu.memref_squeeze %dma_wait3A_1039 : memref<1x128x128xf32, #tpu.memory_space<vmem>> -> memref<128x128xf32, #tpu.memory_space<vmem>>
      %dma_wait3A_1041 = arith.constant 0 : i32
      %dma_wait3A_1042 = arith.constant 0 : i32
      %dma_wait3A_1043 = tpu.memref_slice %arg6[%dma_wait3A_1041, %dma_wait3A_1042] : memref<100000x128xf32, #tpu.memory_space<hbm>> -> memref<128x128xf32, #tpu.memory_space<hbm>>
      tpu.wait_dma2 semaphore(%arg17 : memref<!tpu.dma_semaphore, #tpu.memory_space<semaphore_mem>>) src(%dma_wait3A_1043 : memref<128x128xf32, #tpu.memory_space<hbm>>) dst(%dma_wait3A_1040 : memref<128x128xf32, #tpu.memory_space<vmem>>)
      %mul3A_1044 = arith.constant 2 : i32
      %mul3A_1045 = arith.muli %mul3A_1044, %scan3A_427 : i32
      %scan3A_1046 = arith.constant 0 : i32
      %scan3A_1047 = arith.constant 0 : i32
      %scan3A_1048 = arith.constant 0 : i32
      %scan3A_1049 = arith.constant 0 : i32
      %scan3A_1050 = arith.constant 0 : i32
      %scan3A_1051 = arith.constant 128 : i32
      %scan3A_1052 = arith.addi %scan3A_1050, %scan3A_1051 : i32
      %scan3A_1053 = arith.constant 1 : i32
      scf.for %scan3A_1400 = %scan3A_1050 to %scan3A_1052 step %scan3A_1053  : i32 {
        %get3A = arith.constant 0 : i32
        %get3A_1401 = arith.constant 0 : i32
        %get3A_1402 = tpu.memref_slice %arg12[%scan3A_1047, %get3A, %get3A_1401] : memref<2x128x128xf32, #tpu.memory_space<vmem>> -> memref<1x128x128xf32, #tpu.memory_space<vmem>>
        %get3A_1403 = tpu.memref_squeeze %get3A_1402 : memref<1x128x128xf32, #tpu.memory_space<vmem>> -> memref<128x128xf32, #tpu.memory_space<vmem>>
        %get3A_1404 = arith.index_cast %scan3A_1400 : i32 to index
        %get3A_1405 = arith.constant 0 : index
        %get3A_1406 = tpu.vector_load %get3A_1403[%get3A_1404, %get3A_1405] {strides = array<i32>} : memref<128x128xf32, #tpu.memory_space<vmem>>, vector<1x16xf32>,
        %get3A_1407 = vector.shape_cast %get3A_1406 : vector<1x16xf32> to vector<16xf32>
        %get3A_1408 = arith.constant 0 : i32
        %get3A_1409 = arith.constant 0 : i32
        %get3A_1410 = tpu.memref_slice %arg12[%scan3A_1047, %get3A_1408, %get3A_1409] : memref<2x128x128xf32, #tpu.memory_space<vmem>> -> memref<1x128x128xf32, #tpu.memory_space<vmem>>
        %get3A_1411 = tpu.memref_squeeze %get3A_1410 : memref<1x128x128xf32, #tpu.memory_space<vmem>> -> memref<128x128xf32, #tpu.memory_space<vmem>>
        %get3A_1412 = arith.index_cast %scan3A_1400 : i32 to index
        %get3A_1413 = arith.constant 16 : index
        %get3A_1414 = tpu.vector_load %get3A_1411[%get3A_1412, %get3A_1413] {strides = array<i32>} : memref<128x128xf32, #tpu.memory_space<vmem>>, vector<1x16xf32>,
        %get3A_1415 = vector.shape_cast %get3A_1414 : vector<1x16xf32> to vector<16xf32>
        %get3A_1416 = arith.constant 0 : i32
        %get3A_1417 = arith.constant 0 : i32
        %get3A_1418 = tpu.memref_slice %arg12[%scan3A_1047, %get3A_1416, %get3A_1417] : memref<2x128x128xf32, #tpu.memory_space<vmem>> -> memref<1x128x128xf32, #tpu.memory_space<vmem>>
        %get3A_1419 = tpu.memref_squeeze %get3A_1418 : memref<1x128x128xf32, #tpu.memory_space<vmem>> -> memref<128x128xf32, #tpu.memory_space<vmem>>
        %get3A_1420 = arith.index_cast %scan3A_1400 : i32 to index
        %get3A_1421 = arith.constant 32 : index
        %get3A_1422 = tpu.vector_load %get3A_1419[%get3A_1420, %get3A_1421] {strides = array<i32>} : memref<128x128xf32, #tpu.memory_space<vmem>>, vector<1x16xf32>,
        %get3A_1423 = vector.shape_cast %get3A_1422 : vector<1x16xf32> to vector<16xf32>
        %get3A_1424 = arith.constant 0 : i32
        %get3A_1425 = arith.constant 0 : i32
        %get3A_1426 = tpu.memref_slice %arg12[%scan3A_1047, %get3A_1424, %get3A_1425] : memref<2x128x128xf32, #tpu.memory_space<vmem>> -> memref<1x128x128xf32, #tpu.memory_space<vmem>>
        %get3A_1427 = tpu.memref_squeeze %get3A_1426 : memref<1x128x128xf32, #tpu.memory_space<vmem>> -> memref<128x128xf32, #tpu.memory_space<vmem>>
        %get3A_1428 = arith.index_cast %scan3A_1400 : i32 to index
        %get3A_1429 = arith.constant 48 : index
        %get3A_1430 = tpu.vector_load %get3A_1427[%get3A_1428, %get3A_1429] {strides = array<i32>} : memref<128x128xf32, #tpu.memory_space<vmem>>, vector<1x16xf32>,
        %get3A_1431 = vector.shape_cast %get3A_1430 : vector<1x16xf32> to vector<16xf32>
        %get3A_1432 = arith.constant 0 : i32
        %get3A_1433 = arith.constant 0 : i32
        %get3A_1434 = tpu.memref_slice %arg12[%scan3A_1047, %get3A_1432, %get3A_1433] : memref<2x128x128xf32, #tpu.memory_space<vmem>> -> memref<1x128x128xf32, #tpu.memory_space<vmem>>
        %get3A_1435 = tpu.memref_squeeze %get3A_1434 : memref<1x128x128xf32, #tpu.memory_space<vmem>> -> memref<128x128xf32, #tpu.memory_space<vmem>>
        %get3A_1436 = arith.index_cast %scan3A_1400 : i32 to index
        %get3A_1437 = arith.constant 64 : index
        %get3A_1438 = tpu.vector_load %get3A_1435[%get3A_1436, %get3A_1437] {strides = array<i32>} : memref<128x128xf32, #tpu.memory_space<vmem>>, vector<1x16xf32>,
        %get3A_1439 = vector.shape_cast %get3A_1438 : vector<1x16xf32> to vector<16xf32>
        %get3A_1440 = arith.constant 0 : i32
        %get3A_1441 = arith.constant 0 : i32
        %get3A_1442 = tpu.memref_slice %arg12[%scan3A_1047, %get3A_1440, %get3A_1441] : memref<2x128x128xf32, #tpu.memory_space<vmem>> -> memref<1x128x128xf32, #tpu.memory_space<vmem>>
        %get3A_1443 = tpu.memref_squeeze %get3A_1442 : memref<1x128x128xf32, #tpu.memory_space<vmem>> -> memref<128x128xf32, #tpu.memory_space<vmem>>
        %get3A_1444 = arith.index_cast %scan3A_1400 : i32 to index
        %get3A_1445 = arith.constant 80 : index
        %get3A_1446 = tpu.vector_load %get3A_1443[%get3A_1444, %get3A_1445] {strides = array<i32>} : memref<128x128xf32, #tpu.memory_space<vmem>>, vector<1x16xf32>,
        %get3A_1447 = vector.shape_cast %get3A_1446 : vector<1x16xf32> to vector<16xf32>
        %get3A_1448 = arith.constant 0 : i32
        %get3A_1449 = arith.constant 0 : i32
        %get3A_1450 = tpu.memref_slice %arg12[%scan3A_1047, %get3A_1448, %get3A_1449] : memref<2x128x128xf32, #tpu.memory_space<vmem>> -> memref<1x128x128xf32, #tpu.memory_space<vmem>>
        %get3A_1451 = tpu.memref_squeeze %get3A_1450 : memref<1x128x128xf32, #tpu.memory_space<vmem>> -> memref<128x128xf32, #tpu.memory_space<vmem>>
        %get3A_1452 = arith.index_cast %scan3A_1400 : i32 to index
        %get3A_1453 = arith.constant 96 : index
        %get3A_1454 = tpu.vector_load %get3A_1451[%get3A_1452, %get3A_1453] {strides = array<i32>} : memref<128x128xf32, #tpu.memory_space<vmem>>, vector<1x16xf32>,
        %get3A_1455 = vector.shape_cast %get3A_1454 : vector<1x16xf32> to vector<16xf32>
        %get3A_1456 = arith.constant 0 : i32
        %get3A_1457 = arith.constant 0 : i32
        %get3A_1458 = tpu.memref_slice %arg12[%scan3A_1047, %get3A_1456, %get3A_1457] : memref<2x128x128xf32, #tpu.memory_space<vmem>> -> memref<1x128x128xf32, #tpu.memory_space<vmem>>
        %get3A_1459 = tpu.memref_squeeze %get3A_1458 : memref<1x128x128xf32, #tpu.memory_space<vmem>> -> memref<128x128xf32, #tpu.memory_space<vmem>>
        %get3A_1460 = arith.index_cast %scan3A_1400 : i32 to index
        %get3A_1461 = arith.constant 112 : index
        %get3A_1462 = tpu.vector_load %get3A_1459[%get3A_1460, %get3A_1461] {strides = array<i32>} : memref<128x128xf32, #tpu.memory_space<vmem>>, vector<1x16xf32>,
        %get3A_1463 = vector.shape_cast %get3A_1462 : vector<1x16xf32> to vector<16xf32>
        %get3A_1464 = arith.constant 0 : i32
        %get3A_1465 = arith.constant 0 : i32
        %get3A_1466 = tpu.memref_slice %arg13[%scan3A_1048, %get3A_1464, %get3A_1465] : memref<2x128x128xf32, #tpu.memory_space<vmem>> -> memref<1x128x128xf32, #tpu.memory_space<vmem>>
        %get3A_1467 = tpu.memref_squeeze %get3A_1466 : memref<1x128x128xf32, #tpu.memory_space<vmem>> -> memref<128x128xf32, #tpu.memory_space<vmem>>
        %get3A_1468 = arith.index_cast %scan3A_1400 : i32 to index
        %get3A_1469 = arith.constant 0 : index
        %get3A_1470 = tpu.vector_load %get3A_1467[%get3A_1468, %get3A_1469] {strides = array<i32>} : memref<128x128xf32, #tpu.memory_space<vmem>>, vector<1x16xf32>,
        %get3A_1471 = vector.shape_cast %get3A_1470 : vector<1x16xf32> to vector<16xf32>
        %mul3A_1472 = arith.mulf %get3A_1407, %get3A_1471 : vector<16xf32>
        %get3A_1473 = arith.constant 0 : i32
        %get3A_1474 = arith.constant 0 : i32
        %get3A_1475 = tpu.memref_slice %arg13[%scan3A_1048, %get3A_1473, %get3A_1474] : memref<2x128x128xf32, #tpu.memory_space<vmem>> -> memref<1x128x128xf32, #tpu.memory_space<vmem>>
        %get3A_1476 = tpu.memref_squeeze %get3A_1475 : memref<1x128x128xf32, #tpu.memory_space<vmem>> -> memref<128x128xf32, #tpu.memory_space<vmem>>
        %get3A_1477 = arith.index_cast %scan3A_1400 : i32 to index
        %get3A_1478 = arith.constant 16 : index
        %get3A_1479 = tpu.vector_load %get3A_1476[%get3A_1477, %get3A_1478] {strides = array<i32>} : memref<128x128xf32, #tpu.memory_space<vmem>>, vector<1x16xf32>,
        %get3A_1480 = vector.shape_cast %get3A_1479 : vector<1x16xf32> to vector<16xf32>
        %mul3A_1481 = arith.mulf %get3A_1415, %get3A_1480 : vector<16xf32>
        %add3A_1482 = arith.addf %mul3A_1472, %mul3A_1481 : vector<16xf32>
        %get3A_1483 = arith.constant 0 : i32
        %get3A_1484 = arith.constant 0 : i32
        %get3A_1485 = tpu.memref_slice %arg13[%scan3A_1048, %get3A_1483, %get3A_1484] : memref<2x128x128xf32, #tpu.memory_space<vmem>> -> memref<1x128x128xf32, #tpu.memory_space<vmem>>
        %get3A_1486 = tpu.memref_squeeze %get3A_1485 : memref<1x128x128xf32, #tpu.memory_space<vmem>> -> memref<128x128xf32, #tpu.memory_space<vmem>>
        %get3A_1487 = arith.index_cast %scan3A_1400 : i32 to index
        %get3A_1488 = arith.constant 32 : index
        %get3A_1489 = tpu.vector_load %get3A_1486[%get3A_1487, %get3A_1488] {strides = array<i32>} : memref<128x128xf32, #tpu.memory_space<vmem>>, vector<1x16xf32>,
        %get3A_1490 = vector.shape_cast %get3A_1489 : vector<1x16xf32> to vector<16xf32>
        %mul3A_1491 = arith.mulf %get3A_1423, %get3A_1490 : vector<16xf32>
        %add3A_1492 = arith.addf %add3A_1482, %mul3A_1491 : vector<16xf32>
        %get3A_1493 = arith.constant 0 : i32
        %get3A_1494 = arith.constant 0 : i32
        %get3A_1495 = tpu.memref_slice %arg13[%scan3A_1048, %get3A_1493, %get3A_1494] : memref<2x128x128xf32, #tpu.memory_space<vmem>> -> memref<1x128x128xf32, #tpu.memory_space<vmem>>
        %get3A_1496 = tpu.memref_squeeze %get3A_1495 : memref<1x128x128xf32, #tpu.memory_space<vmem>> -> memref<128x128xf32, #tpu.memory_space<vmem>>
        %get3A_1497 = arith.index_cast %scan3A_1400 : i32 to index
        %get3A_1498 = arith.constant 48 : index
        %get3A_1499 = tpu.vector_load %get3A_1496[%get3A_1497, %get3A_1498] {strides = array<i32>} : memref<128x128xf32, #tpu.memory_space<vmem>>, vector<1x16xf32>,
        %get3A_1500 = vector.shape_cast %get3A_1499 : vector<1x16xf32> to vector<16xf32>
        %mul3A_1501 = arith.mulf %get3A_1431, %get3A_1500 : vector<16xf32>
        %add3A_1502 = arith.addf %add3A_1492, %mul3A_1501 : vector<16xf32>
        %get3A_1503 = arith.constant 0 : i32
        %get3A_1504 = arith.constant 0 : i32
        %get3A_1505 = tpu.memref_slice %arg13[%scan3A_1048, %get3A_1503, %get3A_1504] : memref<2x128x128xf32, #tpu.memory_space<vmem>> -> memref<1x128x128xf32, #tpu.memory_space<vmem>>
        %get3A_1506 = tpu.memref_squeeze %get3A_1505 : memref<1x128x128xf32, #tpu.memory_space<vmem>> -> memref<128x128xf32, #tpu.memory_space<vmem>>
        %get3A_1507 = arith.index_cast %scan3A_1400 : i32 to index
        %get3A_1508 = arith.constant 64 : index
        %get3A_1509 = tpu.vector_load %get3A_1506[%get3A_1507, %get3A_1508] {strides = array<i32>} : memref<128x128xf32, #tpu.memory_space<vmem>>, vector<1x16xf32>,
        %get3A_1510 = vector.shape_cast %get3A_1509 : vector<1x16xf32> to vector<16xf32>
        %mul3A_1511 = arith.mulf %get3A_1439, %get3A_1510 : vector<16xf32>
        %add3A_1512 = arith.addf %add3A_1502, %mul3A_1511 : vector<16xf32>
        %get3A_1513 = arith.constant 0 : i32
        %get3A_1514 = arith.constant 0 : i32
        %get3A_1515 = tpu.memref_slice %arg13[%scan3A_1048, %get3A_1513, %get3A_1514] : memref<2x128x128xf32, #tpu.memory_space<vmem>> -> memref<1x128x128xf32, #tpu.memory_space<vmem>>
        %get3A_1516 = tpu.memref_squeeze %get3A_1515 : memref<1x128x128xf32, #tpu.memory_space<vmem>> -> memref<128x128xf32, #tpu.memory_space<vmem>>
        %get3A_1517 = arith.index_cast %scan3A_1400 : i32 to index
        %get3A_1518 = arith.constant 80 : index
        %get3A_1519 = tpu.vector_load %get3A_1516[%get3A_1517, %get3A_1518] {strides = array<i32>} : memref<128x128xf32, #tpu.memory_space<vmem>>, vector<1x16xf32>,
        %get3A_1520 = vector.shape_cast %get3A_1519 : vector<1x16xf32> to vector<16xf32>
        %mul3A_1521 = arith.mulf %get3A_1447, %get3A_1520 : vector<16xf32>
        %add3A_1522 = arith.addf %add3A_1512, %mul3A_1521 : vector<16xf32>
        %get3A_1523 = arith.constant 0 : i32
        %get3A_1524 = arith.constant 0 : i32
        %get3A_1525 = tpu.memref_slice %arg13[%scan3A_1048, %get3A_1523, %get3A_1524] : memref<2x128x128xf32, #tpu.memory_space<vmem>> -> memref<1x128x128xf32, #tpu.memory_space<vmem>>
        %get3A_1526 = tpu.memref_squeeze %get3A_1525 : memref<1x128x128xf32, #tpu.memory_space<vmem>> -> memref<128x128xf32, #tpu.memory_space<vmem>>
        %get3A_1527 = arith.index_cast %scan3A_1400 : i32 to index
        %get3A_1528 = arith.constant 96 : index
        %get3A_1529 = tpu.vector_load %get3A_1526[%get3A_1527, %get3A_1528] {strides = array<i32>} : memref<128x128xf32, #tpu.memory_space<vmem>>, vector<1x16xf32>,
        %get3A_1530 = vector.shape_cast %get3A_1529 : vector<1x16xf32> to vector<16xf32>
        %mul3A_1531 = arith.mulf %get3A_1455, %get3A_1530 : vector<16xf32>
        %add3A_1532 = arith.addf %add3A_1522, %mul3A_1531 : vector<16xf32>
        %get3A_1533 = arith.constant 0 : i32
        %get3A_1534 = arith.constant 0 : i32
        %get3A_1535 = tpu.memref_slice %arg13[%scan3A_1048, %get3A_1533, %get3A_1534] : memref<2x128x128xf32, #tpu.memory_space<vmem>> -> memref<1x128x128xf32, #tpu.memory_space<vmem>>
        %get3A_1536 = tpu.memref_squeeze %get3A_1535 : memref<1x128x128xf32, #tpu.memory_space<vmem>> -> memref<128x128xf32, #tpu.memory_space<vmem>>
        %get3A_1537 = arith.index_cast %scan3A_1400 : i32 to index
        %get3A_1538 = arith.constant 112 : index
        %get3A_1539 = tpu.vector_load %get3A_1536[%get3A_1537, %get3A_1538] {strides = array<i32>} : memref<128x128xf32, #tpu.memory_space<vmem>>, vector<1x16xf32>,
        %get3A_1540 = vector.shape_cast %get3A_1539 : vector<1x16xf32> to vector<16xf32>
        %mul3A_1541 = arith.mulf %get3A_1463, %get3A_1540 : vector<16xf32>
        %add3A_1542 = arith.addf %add3A_1532, %mul3A_1541 : vector<16xf32>
        %get3A_1543 = arith.constant 0 : i32
        %get3A_1544 = arith.constant 0 : i32
        %get3A_1545 = tpu.memref_slice %arg14[%scan3A_1049, %get3A_1543, %get3A_1544] : memref<2x128x128xf32, #tpu.memory_space<vmem>> -> memref<1x128x128xf32, #tpu.memory_space<vmem>>
        %get3A_1546 = tpu.memref_squeeze %get3A_1545 : memref<1x128x128xf32, #tpu.memory_space<vmem>> -> memref<128x128xf32, #tpu.memory_space<vmem>>
        %get3A_1547 = arith.index_cast %scan3A_1400 : i32 to index
        %get3A_1548 = arith.constant 0 : index
        %get3A_1549 = tpu.vector_load %get3A_1546[%get3A_1547, %get3A_1548] {strides = array<i32>} : memref<128x128xf32, #tpu.memory_space<vmem>>, vector<1x16xf32>,
        %get3A_1550 = vector.shape_cast %get3A_1549 : vector<1x16xf32> to vector<16xf32>
        %mul3A_1551 = arith.mulf %get3A_1407, %get3A_1550 : vector<16xf32>
        %get3A_1552 = arith.constant 0 : i32
        %get3A_1553 = arith.constant 0 : i32
        %get3A_1554 = tpu.memref_slice %arg14[%scan3A_1049, %get3A_1552, %get3A_1553] : memref<2x128x128xf32, #tpu.memory_space<vmem>> -> memref<1x128x128xf32, #tpu.memory_space<vmem>>
        %get3A_1555 = tpu.memref_squeeze %get3A_1554 : memref<1x128x128xf32, #tpu.memory_space<vmem>> -> memref<128x128xf32, #tpu.memory_space<vmem>>
        %get3A_1556 = arith.index_cast %scan3A_1400 : i32 to index
        %get3A_1557 = arith.constant 16 : index
        %get3A_1558 = tpu.vector_load %get3A_1555[%get3A_1556, %get3A_1557] {strides = array<i32>} : memref<128x128xf32, #tpu.memory_space<vmem>>, vector<1x16xf32>,
        %get3A_1559 = vector.shape_cast %get3A_1558 : vector<1x16xf32> to vector<16xf32>
        %mul3A_1560 = arith.mulf %get3A_1415, %get3A_1559 : vector<16xf32>
        %add3A_1561 = arith.addf %mul3A_1551, %mul3A_1560 : vector<16xf32>
        %get3A_1562 = arith.constant 0 : i32
        %get3A_1563 = arith.constant 0 : i32
        %get3A_1564 = tpu.memref_slice %arg14[%scan3A_1049, %get3A_1562, %get3A_1563] : memref<2x128x128xf32, #tpu.memory_space<vmem>> -> memref<1x128x128xf32, #tpu.memory_space<vmem>>
        %get3A_1565 = tpu.memref_squeeze %get3A_1564 : memref<1x128x128xf32, #tpu.memory_space<vmem>> -> memref<128x128xf32, #tpu.memory_space<vmem>>
        %get3A_1566 = arith.index_cast %scan3A_1400 : i32 to index
        %get3A_1567 = arith.constant 32 : index
        %get3A_1568 = tpu.vector_load %get3A_1565[%get3A_1566, %get3A_1567] {strides = array<i32>} : memref<128x128xf32, #tpu.memory_space<vmem>>, vector<1x16xf32>,
        %get3A_1569 = vector.shape_cast %get3A_1568 : vector<1x16xf32> to vector<16xf32>
        %mul3A_1570 = arith.mulf %get3A_1423, %get3A_1569 : vector<16xf32>
        %add3A_1571 = arith.addf %add3A_1561, %mul3A_1570 : vector<16xf32>
        %get3A_1572 = arith.constant 0 : i32
        %get3A_1573 = arith.constant 0 : i32
        %get3A_1574 = tpu.memref_slice %arg14[%scan3A_1049, %get3A_1572, %get3A_1573] : memref<2x128x128xf32, #tpu.memory_space<vmem>> -> memref<1x128x128xf32, #tpu.memory_space<vmem>>
        %get3A_1575 = tpu.memref_squeeze %get3A_1574 : memref<1x128x128xf32, #tpu.memory_space<vmem>> -> memref<128x128xf32, #tpu.memory_space<vmem>>
        %get3A_1576 = arith.index_cast %scan3A_1400 : i32 to index
        %get3A_1577 = arith.constant 48 : index
        %get3A_1578 = tpu.vector_load %get3A_1575[%get3A_1576, %get3A_1577] {strides = array<i32>} : memref<128x128xf32, #tpu.memory_space<vmem>>, vector<1x16xf32>,
        %get3A_1579 = vector.shape_cast %get3A_1578 : vector<1x16xf32> to vector<16xf32>
        %mul3A_1580 = arith.mulf %get3A_1431, %get3A_1579 : vector<16xf32>
        %add3A_1581 = arith.addf %add3A_1571, %mul3A_1580 : vector<16xf32>
        %get3A_1582 = arith.constant 0 : i32
        %get3A_1583 = arith.constant 0 : i32
        %get3A_1584 = tpu.memref_slice %arg14[%scan3A_1049, %get3A_1582, %get3A_1583] : memref<2x128x128xf32, #tpu.memory_space<vmem>> -> memref<1x128x128xf32, #tpu.memory_space<vmem>>
        %get3A_1585 = tpu.memref_squeeze %get3A_1584 : memref<1x128x128xf32, #tpu.memory_space<vmem>> -> memref<128x128xf32, #tpu.memory_space<vmem>>
        %get3A_1586 = arith.index_cast %scan3A_1400 : i32 to index
        %get3A_1587 = arith.constant 64 : index
        %get3A_1588 = tpu.vector_load %get3A_1585[%get3A_1586, %get3A_1587] {strides = array<i32>} : memref<128x128xf32, #tpu.memory_space<vmem>>, vector<1x16xf32>,
        %get3A_1589 = vector.shape_cast %get3A_1588 : vector<1x16xf32> to vector<16xf32>
        %mul3A_1590 = arith.mulf %get3A_1439, %get3A_1589 : vector<16xf32>
        %add3A_1591 = arith.addf %add3A_1581, %mul3A_1590 : vector<16xf32>
        %get3A_1592 = arith.constant 0 : i32
        %get3A_1593 = arith.constant 0 : i32
        %get3A_1594 = tpu.memref_slice %arg14[%scan3A_1049, %get3A_1592, %get3A_1593] : memref<2x128x128xf32, #tpu.memory_space<vmem>> -> memref<1x128x128xf32, #tpu.memory_space<vmem>>
        %get3A_1595 = tpu.memref_squeeze %get3A_1594 : memref<1x128x128xf32, #tpu.memory_space<vmem>> -> memref<128x128xf32, #tpu.memory_space<vmem>>
        %get3A_1596 = arith.index_cast %scan3A_1400 : i32 to index
        %get3A_1597 = arith.constant 80 : index
        %get3A_1598 = tpu.vector_load %get3A_1595[%get3A_1596, %get3A_1597] {strides = array<i32>} : memref<128x128xf32, #tpu.memory_space<vmem>>, vector<1x16xf32>,
        %get3A_1599 = vector.shape_cast %get3A_1598 : vector<1x16xf32> to vector<16xf32>
        %mul3A_1600 = arith.mulf %get3A_1447, %get3A_1599 : vector<16xf32>
        %add3A_1601 = arith.addf %add3A_1591, %mul3A_1600 : vector<16xf32>
        %get3A_1602 = arith.constant 0 : i32
        %get3A_1603 = arith.constant 0 : i32
        %get3A_1604 = tpu.memref_slice %arg14[%scan3A_1049, %get3A_1602, %get3A_1603] : memref<2x128x128xf32, #tpu.memory_space<vmem>> -> memref<1x128x128xf32, #tpu.memory_space<vmem>>
        %get3A_1605 = tpu.memref_squeeze %get3A_1604 : memref<1x128x128xf32, #tpu.memory_space<vmem>> -> memref<128x128xf32, #tpu.memory_space<vmem>>
        %get3A_1606 = arith.index_cast %scan3A_1400 : i32 to index
        %get3A_1607 = arith.constant 96 : index
        %get3A_1608 = tpu.vector_load %get3A_1605[%get3A_1606, %get3A_1607] {strides = array<i32>} : memref<128x128xf32, #tpu.memory_space<vmem>>, vector<1x16xf32>,
        %get3A_1609 = vector.shape_cast %get3A_1608 : vector<1x16xf32> to vector<16xf32>
        %mul3A_1610 = arith.mulf %get3A_1455, %get3A_1609 : vector<16xf32>
        %add3A_1611 = arith.addf %add3A_1601, %mul3A_1610 : vector<16xf32>
        %get3A_1612 = arith.constant 0 : i32
        %get3A_1613 = arith.constant 0 : i32
        %get3A_1614 = tpu.memref_slice %arg14[%scan3A_1049, %get3A_1612, %get3A_1613] : memref<2x128x128xf32, #tpu.memory_space<vmem>> -> memref<1x128x128xf32, #tpu.memory_space<vmem>>
        %get3A_1615 = tpu.memref_squeeze %get3A_1614 : memref<1x128x128xf32, #tpu.memory_space<vmem>> -> memref<128x128xf32, #tpu.memory_space<vmem>>
        %get3A_1616 = arith.index_cast %scan3A_1400 : i32 to index
        %get3A_1617 = arith.constant 112 : index
        %get3A_1618 = tpu.vector_load %get3A_1615[%get3A_1616, %get3A_1617] {strides = array<i32>} : memref<128x128xf32, #tpu.memory_space<vmem>>, vector<1x16xf32>,
        %get3A_1619 = vector.shape_cast %get3A_1618 : vector<1x16xf32> to vector<16xf32>
        %mul3A_1620 = arith.mulf %get3A_1463, %get3A_1619 : vector<16xf32>
        %add3A_1621 = arith.addf %add3A_1611, %mul3A_1620 : vector<16xf32>
        %swap3A = arith.constant 0 : i32
        %swap3A_1622 = arith.constant 0 : i32
        %swap3A_1623 = tpu.memref_slice %arg14[%scan3A_1049, %swap3A, %swap3A_1622] : memref<2x128x128xf32, #tpu.memory_space<vmem>> -> memref<1x128x128xf32, #tpu.memory_space<vmem>>
        %swap3A_1624 = tpu.memref_squeeze %swap3A_1623 : memref<1x128x128xf32, #tpu.memory_space<vmem>> -> memref<128x128xf32, #tpu.memory_space<vmem>>
        %swap3A_1625 = arith.index_cast %scan3A_1400 : i32 to index
        %swap3A_1626 = arith.constant 0 : index
        %swap3A_1627 = tpu.vector_load %swap3A_1624[%swap3A_1625, %swap3A_1626] {strides = array<i32>} : memref<128x128xf32, #tpu.memory_space<vmem>>, vector<1x16xf32>,
        %swap3A_1628 = vector.shape_cast %swap3A_1627 : vector<1x16xf32> to vector<16xf32>
        %swap3A_1629 = vector.shape_cast %broadcast_in_dim3A_173 : vector<16xf32> to vector<1x16xf32>
        tpu.vector_store %swap3A_1624[%swap3A_1625, %swap3A_1626], %swap3A_1629 {strides = array<i32>} : memref<128x128xf32, #tpu.memory_space<vmem>>, vector<1x16xf32>,
        %swap3A_1630 = arith.constant 0 : i32
        %swap3A_1631 = arith.constant 0 : i32
        %swap3A_1632 = tpu.memref_slice %arg14[%scan3A_1049, %swap3A_1630, %swap3A_1631] : memref<2x128x128xf32, #tpu.memory_space<vmem>> -> memref<1x128x128xf32, #tpu.memory_space<vmem>>
        %swap3A_1633 = tpu.memref_squeeze %swap3A_1632 : memref<1x128x128xf32, #tpu.memory_space<vmem>> -> memref<128x128xf32, #tpu.memory_space<vmem>>
        %swap3A_1634 = arith.index_cast %scan3A_1400 : i32 to index
        %swap3A_1635 = arith.constant 16 : index
        %swap3A_1636 = tpu.vector_load %swap3A_1633[%swap3A_1634, %swap3A_1635] {strides = array<i32>} : memref<128x128xf32, #tpu.memory_space<vmem>>, vector<1x16xf32>,
        %swap3A_1637 = vector.shape_cast %swap3A_1636 : vector<1x16xf32> to vector<16xf32>
        %swap3A_1638 = vector.shape_cast %broadcast_in_dim3A_173 : vector<16xf32> to vector<1x16xf32>
        tpu.vector_store %swap3A_1633[%swap3A_1634, %swap3A_1635], %swap3A_1638 {strides = array<i32>} : memref<128x128xf32, #tpu.memory_space<vmem>>, vector<1x16xf32>,
        %swap3A_1639 = arith.constant 0 : i32
        %swap3A_1640 = arith.constant 0 : i32
        %swap3A_1641 = tpu.memref_slice %arg14[%scan3A_1049, %swap3A_1639, %swap3A_1640] : memref<2x128x128xf32, #tpu.memory_space<vmem>> -> memref<1x128x128xf32, #tpu.memory_space<vmem>>
        %swap3A_1642 = tpu.memref_squeeze %swap3A_1641 : memref<1x128x128xf32, #tpu.memory_space<vmem>> -> memref<128x128xf32, #tpu.memory_space<vmem>>
        %swap3A_1643 = arith.index_cast %scan3A_1400 : i32 to index
        %swap3A_1644 = arith.constant 32 : index
        %swap3A_1645 = tpu.vector_load %swap3A_1642[%swap3A_1643, %swap3A_1644] {strides = array<i32>} : memref<128x128xf32, #tpu.memory_space<vmem>>, vector<1x16xf32>,
        %swap3A_1646 = vector.shape_cast %swap3A_1645 : vector<1x16xf32> to vector<16xf32>
        %swap3A_1647 = vector.shape_cast %broadcast_in_dim3A_173 : vector<16xf32> to vector<1x16xf32>
        tpu.vector_store %swap3A_1642[%swap3A_1643, %swap3A_1644], %swap3A_1647 {strides = array<i32>} : memref<128x128xf32, #tpu.memory_space<vmem>>, vector<1x16xf32>,
        %swap3A_1648 = arith.constant 0 : i32
        %swap3A_1649 = arith.constant 0 : i32
        %swap3A_1650 = tpu.memref_slice %arg14[%scan3A_1049, %swap3A_1648, %swap3A_1649] : memref<2x128x128xf32, #tpu.memory_space<vmem>> -> memref<1x128x128xf32, #tpu.memory_space<vmem>>
        %swap3A_1651 = tpu.memref_squeeze %swap3A_1650 : memref<1x128x128xf32, #tpu.memory_space<vmem>> -> memref<128x128xf32, #tpu.memory_space<vmem>>
        %swap3A_1652 = arith.index_cast %scan3A_1400 : i32 to index
        %swap3A_1653 = arith.constant 48 : index
        %swap3A_1654 = tpu.vector_load %swap3A_1651[%swap3A_1652, %swap3A_1653] {strides = array<i32>} : memref<128x128xf32, #tpu.memory_space<vmem>>, vector<1x16xf32>,
        %swap3A_1655 = vector.shape_cast %swap3A_1654 : vector<1x16xf32> to vector<16xf32>
        %swap3A_1656 = vector.shape_cast %broadcast_in_dim3A_173 : vector<16xf32> to vector<1x16xf32>
        tpu.vector_store %swap3A_1651[%swap3A_1652, %swap3A_1653], %swap3A_1656 {strides = array<i32>} : memref<128x128xf32, #tpu.memory_space<vmem>>, vector<1x16xf32>,
        %swap3A_1657 = arith.constant 0 : i32
        %swap3A_1658 = arith.constant 0 : i32
        %swap3A_1659 = tpu.memref_slice %arg14[%scan3A_1049, %swap3A_1657, %swap3A_1658] : memref<2x128x128xf32, #tpu.memory_space<vmem>> -> memref<1x128x128xf32, #tpu.memory_space<vmem>>
        %swap3A_1660 = tpu.memref_squeeze %swap3A_1659 : memref<1x128x128xf32, #tpu.memory_space<vmem>> -> memref<128x128xf32, #tpu.memory_space<vmem>>
        %swap3A_1661 = arith.index_cast %scan3A_1400 : i32 to index
        %swap3A_1662 = arith.constant 64 : index
        %swap3A_1663 = tpu.vector_load %swap3A_1660[%swap3A_1661, %swap3A_1662] {strides = array<i32>} : memref<128x128xf32, #tpu.memory_space<vmem>>, vector<1x16xf32>,
        %swap3A_1664 = vector.shape_cast %swap3A_1663 : vector<1x16xf32> to vector<16xf32>
        %swap3A_1665 = vector.shape_cast %broadcast_in_dim3A_173 : vector<16xf32> to vector<1x16xf32>
        tpu.vector_store %swap3A_1660[%swap3A_1661, %swap3A_1662], %swap3A_1665 {strides = array<i32>} : memref<128x128xf32, #tpu.memory_space<vmem>>, vector<1x16xf32>,
        %swap3A_1666 = arith.constant 0 : i32
        %swap3A_1667 = arith.constant 0 : i32
        %swap3A_1668 = tpu.memref_slice %arg14[%scan3A_1049, %swap3A_1666, %swap3A_1667] : memref<2x128x128xf32, #tpu.memory_space<vmem>> -> memref<1x128x128xf32, #tpu.memory_space<vmem>>
        %swap3A_1669 = tpu.memref_squeeze %swap3A_1668 : memref<1x128x128xf32, #tpu.memory_space<vmem>> -> memref<128x128xf32, #tpu.memory_space<vmem>>
        %swap3A_1670 = arith.index_cast %scan3A_1400 : i32 to index
        %swap3A_1671 = arith.constant 80 : index
        %swap3A_1672 = tpu.vector_load %swap3A_1669[%swap3A_1670, %swap3A_1671] {strides = array<i32>} : memref<128x128xf32, #tpu.memory_space<vmem>>, vector<1x16xf32>,
        %swap3A_1673 = vector.shape_cast %swap3A_1672 : vector<1x16xf32> to vector<16xf32>
        %swap3A_1674 = vector.shape_cast %broadcast_in_dim3A_173 : vector<16xf32> to vector<1x16xf32>
        tpu.vector_store %swap3A_1669[%swap3A_1670, %swap3A_1671], %swap3A_1674 {strides = array<i32>} : memref<128x128xf32, #tpu.memory_space<vmem>>, vector<1x16xf32>,
        %swap3A_1675 = arith.constant 0 : i32
        %swap3A_1676 = arith.constant 0 : i32
        %swap3A_1677 = tpu.memref_slice %arg14[%scan3A_1049, %swap3A_1675, %swap3A_1676] : memref<2x128x128xf32, #tpu.memory_space<vmem>> -> memref<1x128x128xf32, #tpu.memory_space<vmem>>
        %swap3A_1678 = tpu.memref_squeeze %swap3A_1677 : memref<1x128x128xf32, #tpu.memory_space<vmem>> -> memref<128x128xf32, #tpu.memory_space<vmem>>
        %swap3A_1679 = arith.index_cast %scan3A_1400 : i32 to index
        %swap3A_1680 = arith.constant 96 : index
        %swap3A_1681 = tpu.vector_load %swap3A_1678[%swap3A_1679, %swap3A_1680] {strides = array<i32>} : memref<128x128xf32, #tpu.memory_space<vmem>>, vector<1x16xf32>,
        %swap3A_1682 = vector.shape_cast %swap3A_1681 : vector<1x16xf32> to vector<16xf32>
        %swap3A_1683 = vector.shape_cast %broadcast_in_dim3A_173 : vector<16xf32> to vector<1x16xf32>
        tpu.vector_store %swap3A_1678[%swap3A_1679, %swap3A_1680], %swap3A_1683 {strides = array<i32>} : memref<128x128xf32, #tpu.memory_space<vmem>>, vector<1x16xf32>,
        %swap3A_1684 = arith.constant 0 : i32
        %swap3A_1685 = arith.constant 0 : i32
        %swap3A_1686 = tpu.memref_slice %arg14[%scan3A_1049, %swap3A_1684, %swap3A_1685] : memref<2x128x128xf32, #tpu.memory_space<vmem>> -> memref<1x128x128xf32, #tpu.memory_space<vmem>>
        %swap3A_1687 = tpu.memref_squeeze %swap3A_1686 : memref<1x128x128xf32, #tpu.memory_space<vmem>> -> memref<128x128xf32, #tpu.memory_space<vmem>>
        %swap3A_1688 = arith.index_cast %scan3A_1400 : i32 to index
        %swap3A_1689 = arith.constant 112 : index
        %swap3A_1690 = tpu.vector_load %swap3A_1687[%swap3A_1688, %swap3A_1689] {strides = array<i32>} : memref<128x128xf32, #tpu.memory_space<vmem>>, vector<1x16xf32>,
        %swap3A_1691 = vector.shape_cast %swap3A_1690 : vector<1x16xf32> to vector<16xf32>
        %swap3A_1692 = vector.shape_cast %broadcast_in_dim3A_173 : vector<16xf32> to vector<1x16xf32>
        tpu.vector_store %swap3A_1687[%swap3A_1688, %swap3A_1689], %swap3A_1692 {strides = array<i32>} : memref<128x128xf32, #tpu.memory_space<vmem>>, vector<1x16xf32>,
        %mul3A_1693 = arith.constant 128 : i32
        %mul3A_1694 = arith.muli %mul3A_1045, %mul3A_1693 : i32
        %add3A_1695 = arith.addi %mul3A_1694, %scan3A_1400 : i32
        %mul3A_1696 = arith.constant 16 : i32
        %mul3A_1697 = arith.muli %add3A_1695, %mul3A_1696 : i32
        %swap3A_1698 = arith.index_cast %mul3A_1697 : i32 to index
        %swap3A_1699 = tpu.vector_load %arg15[%swap3A_1698] {strides = array<i32>} : memref<8192xf32, #tpu.memory_space<vmem>>, vector<16xf32>,
        %swap3A_1700 = vector.shape_cast %swap3A_1699 : vector<16xf32> to vector<16xf32>
        %swap3A_1701 = vector.shape_cast %add3A_1542 : vector<16xf32> to vector<16xf32>
        tpu.vector_store %arg15[%swap3A_1698], %swap3A_1701 {strides = array<i32>} : memref<8192xf32, #tpu.memory_space<vmem>>, vector<16xf32>,
        %mul3A_1702 = arith.constant 128 : i32
        %mul3A_1703 = arith.muli %mul3A_1045, %mul3A_1702 : i32
        %add3A_1704 = arith.addi %mul3A_1703, %scan3A_1400 : i32
        %mul3A_1705 = arith.constant 16 : i32
        %mul3A_1706 = arith.muli %add3A_1704, %mul3A_1705 : i32
        %swap3A_1707 = arith.index_cast %mul3A_1706 : i32 to index
        %swap3A_1708 = tpu.vector_load %arg16[%swap3A_1707] {strides = array<i32>} : memref<8192xf32, #tpu.memory_space<vmem>>, vector<16xf32>,
        %swap3A_1709 = vector.shape_cast %swap3A_1708 : vector<16xf32> to vector<16xf32>
        %swap3A_1710 = vector.shape_cast %add3A_1621 : vector<16xf32> to vector<16xf32>
        tpu.vector_store %arg16[%swap3A_1707], %swap3A_1710 {strides = array<i32>} : memref<8192xf32, #tpu.memory_space<vmem>>, vector<16xf32>,
      }
      %scan3A_1054 = arith.constant 128 : i32
      %lt3A = arith.constant 1 : i32
      %lt3A_1055 = arith.cmpi slt, %scan3A_427, %lt3A : i32
      %convert_element_type3A = arith.extui %lt3A_1055 : i1 to i32
      %cond3A = arith.constant 0 : i32
      %cond3A_1056 = arith.cmpi ne, %convert_element_type3A, %cond3A : i32
      scf.if %cond3A_1056 {
        %mul3A_1400 = arith.constant 2 : i32
        %mul3A_1401 = arith.muli %mul3A_1400, %scan3A_427 : i32
        %add3A_1402 = arith.constant 2 : i32
        %add3A_1403 = arith.addi %mul3A_1401, %add3A_1402 : i32
        %mul3A_1404 = arith.constant 128 : i32
        %mul3A_1405 = arith.muli %add3A_1403, %mul3A_1404 : i32
        %dma_start3A_1406 = arith.constant 0 : i32
        %dma_start3A_1407 = arith.constant 0 : i32
        %dma_start3A_1408 = arith.constant 0 : i32
        %dma_start3A_1409 = tpu.memref_slice %arg12[%dma_start3A_1406, %dma_start3A_1407, %dma_start3A_1408] : memref<2x128x128xf32, #tpu.memory_space<vmem>> -> memref<1x128x128xf32, #tpu.memory_space<vmem>>
        %dma_start3A_1410 = tpu.memref_squeeze %dma_start3A_1409 : memref<1x128x128xf32, #tpu.memory_space<vmem>> -> memref<128x128xf32, #tpu.memory_space<vmem>>
        %dma_start3A_1411 = tpu.memref_slice %arg9[%mul3A_1405] : memref<512xi32, #tpu.memory_space<vmem>> -> memref<128xi32, #tpu.memory_space<vmem>>
        %dma_start3A_1412 = arith.constant 0 : i32
        %dma_start3A_1413 = arith.constant 0 : i32
        %dma_start3A_1414 = tpu.memref_slice %arg5[%dma_start3A_1412, %dma_start3A_1413] : memref<100000x128xf32, #tpu.memory_space<hbm>> -> memref<100000x128xf32, #tpu.memory_space<hbm>>
        tpu.enqueue_indirect_dma source(%dma_start3A_1414 : memref<100000x128xf32, #tpu.memory_space<hbm>>) target(%dma_start3A_1410 : memref<128x128xf32, #tpu.memory_space<vmem>>) offsets(%dma_start3A_1411 : memref<128xi32, #tpu.memory_space<vmem>>) semaphore(%arg17 : memref<!tpu.dma_semaphore, #tpu.memory_space<semaphore_mem>>)
        %mul3A_1415 = arith.constant 128 : i32
        %mul3A_1416 = arith.muli %add3A_1403, %mul3A_1415 : i32
        %dma_start3A_1417 = arith.constant 0 : i32
        %dma_start3A_1418 = arith.constant 0 : i32
        %dma_start3A_1419 = arith.constant 0 : i32
        %dma_start3A_1420 = tpu.memref_slice %arg13[%dma_start3A_1417, %dma_start3A_1418, %dma_start3A_1419] : memref<2x128x128xf32, #tpu.memory_space<vmem>> -> memref<1x128x128xf32, #tpu.memory_space<vmem>>
        %dma_start3A_1421 = tpu.memref_squeeze %dma_start3A_1420 : memref<1x128x128xf32, #tpu.memory_space<vmem>> -> memref<128x128xf32, #tpu.memory_space<vmem>>
        %dma_start3A_1422 = tpu.memref_slice %arg10[%mul3A_1416] : memref<512xi32, #tpu.memory_space<vmem>> -> memref<128xi32, #tpu.memory_space<vmem>>
        %dma_start3A_1423 = arith.constant 0 : i32
        %dma_start3A_1424 = arith.constant 0 : i32
        %dma_start3A_1425 = tpu.memref_slice %arg6[%dma_start3A_1423, %dma_start3A_1424] : memref<100000x128xf32, #tpu.memory_space<hbm>> -> memref<100000x128xf32, #tpu.memory_space<hbm>>
        tpu.enqueue_indirect_dma source(%dma_start3A_1425 : memref<100000x128xf32, #tpu.memory_space<hbm>>) target(%dma_start3A_1421 : memref<128x128xf32, #tpu.memory_space<vmem>>) offsets(%dma_start3A_1422 : memref<128xi32, #tpu.memory_space<vmem>>) semaphore(%arg17 : memref<!tpu.dma_semaphore, #tpu.memory_space<semaphore_mem>>)
        %mul3A_1426 = arith.constant 128 : i32
        %mul3A_1427 = arith.muli %add3A_1403, %mul3A_1426 : i32
        %add3A_1428 = arith.constant 0 : i32
        %add3A_1429 = arith.addi %add3A_1428, %mul3A_1427 : i32
        %dma_start3A_1430 = arith.constant 0 : i32
        %dma_start3A_1431 = arith.constant 0 : i32
        %dma_start3A_1432 = arith.constant 0 : i32
        %dma_start3A_1433 = tpu.memref_slice %arg14[%dma_start3A_1430, %dma_start3A_1431, %dma_start3A_1432] : memref<2x128x128xf32, #tpu.memory_space<vmem>> -> memref<1x128x128xf32, #tpu.memory_space<vmem>>
        %dma_start3A_1434 = tpu.memref_squeeze %dma_start3A_1433 : memref<1x128x128xf32, #tpu.memory_space<vmem>> -> memref<128x128xf32, #tpu.memory_space<vmem>>
        %dma_start3A_1435 = tpu.memref_slice %arg11[%add3A_1429] : memref<10240xi32, #tpu.memory_space<vmem>> -> memref<128xi32, #tpu.memory_space<vmem>>
        %dma_start3A_1436 = arith.constant 0 : i32
        %dma_start3A_1437 = arith.constant 0 : i32
        %dma_start3A_1438 = tpu.memref_slice %arg6[%dma_start3A_1436, %dma_start3A_1437] : memref<100000x128xf32, #tpu.memory_space<hbm>> -> memref<100000x128xf32, #tpu.memory_space<hbm>>
        tpu.enqueue_indirect_dma source(%dma_start3A_1438 : memref<100000x128xf32, #tpu.memory_space<hbm>>) target(%dma_start3A_1434 : memref<128x128xf32, #tpu.memory_space<vmem>>) offsets(%dma_start3A_1435 : memref<128xi32, #tpu.memory_space<vmem>>) semaphore(%arg17 : memref<!tpu.dma_semaphore, #tpu.memory_space<semaphore_mem>>) {add = true}
        %mul3A_1439 = arith.constant 128 : i32
        %mul3A_1440 = arith.muli %add3A_1403, %mul3A_1439 : i32
        %add3A_1441 = arith.constant 512 : i32
        %add3A_1442 = arith.addi %add3A_1441, %mul3A_1440 : i32
        %dma_start3A_1443 = arith.constant 0 : i32
        %dma_start3A_1444 = arith.constant 0 : i32
        %dma_start3A_1445 = arith.constant 0 : i32
        %dma_start3A_1446 = tpu.memref_slice %arg14[%dma_start3A_1443, %dma_start3A_1444, %dma_start3A_1445] : memref<2x128x128xf32, #tpu.memory_space<vmem>> -> memref<1x128x128xf32, #tpu.memory_space<vmem>>
        %dma_start3A_1447 = tpu.memref_squeeze %dma_start3A_1446 : memref<1x128x128xf32, #tpu.memory_space<vmem>> -> memref<128x128xf32, #tpu.memory_space<vmem>>
        %dma_start3A_1448 = tpu.memref_slice %arg11[%add3A_1442] : memref<10240xi32, #tpu.memory_space<vmem>> -> memref<128xi32, #tpu.memory_space<vmem>>
        %dma_start3A_1449 = arith.constant 0 : i32
        %dma_start3A_1450 = arith.constant 0 : i32
        %dma_start3A_1451 = tpu.memref_slice %arg6[%dma_start3A_1449, %dma_start3A_1450] : memref<100000x128xf32, #tpu.memory_space<hbm>> -> memref<100000x128xf32, #tpu.memory_space<hbm>>
        tpu.enqueue_indirect_dma source(%dma_start3A_1451 : memref<100000x128xf32, #tpu.memory_space<hbm>>) target(%dma_start3A_1447 : memref<128x128xf32, #tpu.memory_space<vmem>>) offsets(%dma_start3A_1448 : memref<128xi32, #tpu.memory_space<vmem>>) semaphore(%arg17 : memref<!tpu.dma_semaphore, #tpu.memory_space<semaphore_mem>>) {add = true}
        %mul3A_1452 = arith.constant 128 : i32
        %mul3A_1453 = arith.muli %add3A_1403, %mul3A_1452 : i32
        %add3A_1454 = arith.constant 1024 : i32
        %add3A_1455 = arith.addi %add3A_1454, %mul3A_1453 : i32
        %dma_start3A_1456 = arith.constant 0 : i32
        %dma_start3A_1457 = arith.constant 0 : i32
        %dma_start3A_1458 = arith.constant 0 : i32
        %dma_start3A_1459 = tpu.memref_slice %arg14[%dma_start3A_1456, %dma_start3A_1457, %dma_start3A_1458] : memref<2x128x128xf32, #tpu.memory_space<vmem>> -> memref<1x128x128xf32, #tpu.memory_space<vmem>>
        %dma_start3A_1460 = tpu.memref_squeeze %dma_start3A_1459 : memref<1x128x128xf32, #tpu.memory_space<vmem>> -> memref<128x128xf32, #tpu.memory_space<vmem>>
        %dma_start3A_1461 = tpu.memref_slice %arg11[%add3A_1455] : memref<10240xi32, #tpu.memory_space<vmem>> -> memref<128xi32, #tpu.memory_space<vmem>>
        %dma_start3A_1462 = arith.constant 0 : i32
        %dma_start3A_1463 = arith.constant 0 : i32
        %dma_start3A_1464 = tpu.memref_slice %arg6[%dma_start3A_1462, %dma_start3A_1463] : memref<100000x128xf32, #tpu.memory_space<hbm>> -> memref<100000x128xf32, #tpu.memory_space<hbm>>
        tpu.enqueue_indirect_dma source(%dma_start3A_1464 : memref<100000x128xf32, #tpu.memory_space<hbm>>) target(%dma_start3A_1460 : memref<128x128xf32, #tpu.memory_space<vmem>>) offsets(%dma_start3A_1461 : memref<128xi32, #tpu.memory_space<vmem>>) semaphore(%arg17 : memref<!tpu.dma_semaphore, #tpu.memory_space<semaphore_mem>>) {add = true}
        %mul3A_1465 = arith.constant 128 : i32
        %mul3A_1466 = arith.muli %add3A_1403, %mul3A_1465 : i32
        %add3A_1467 = arith.constant 1536 : i32
        %add3A_1468 = arith.addi %add3A_1467, %mul3A_1466 : i32
        %dma_start3A_1469 = arith.constant 0 : i32
        %dma_start3A_1470 = arith.constant 0 : i32
        %dma_start3A_1471 = arith.constant 0 : i32
        %dma_start3A_1472 = tpu.memref_slice %arg14[%dma_start3A_1469, %dma_start3A_1470, %dma_start3A_1471] : memref<2x128x128xf32, #tpu.memory_space<vmem>> -> memref<1x128x128xf32, #tpu.memory_space<vmem>>
        %dma_start3A_1473 = tpu.memref_squeeze %dma_start3A_1472 : memref<1x128x128xf32, #tpu.memory_space<vmem>> -> memref<128x128xf32, #tpu.memory_space<vmem>>
        %dma_start3A_1474 = tpu.memref_slice %arg11[%add3A_1468] : memref<10240xi32, #tpu.memory_space<vmem>> -> memref<128xi32, #tpu.memory_space<vmem>>
        %dma_start3A_1475 = arith.constant 0 : i32
        %dma_start3A_1476 = arith.constant 0 : i32
        %dma_start3A_1477 = tpu.memref_slice %arg6[%dma_start3A_1475, %dma_start3A_1476] : memref<100000x128xf32, #tpu.memory_space<hbm>> -> memref<100000x128xf32, #tpu.memory_space<hbm>>
        tpu.enqueue_indirect_dma source(%dma_start3A_1477 : memref<100000x128xf32, #tpu.memory_space<hbm>>) target(%dma_start3A_1473 : memref<128x128xf32, #tpu.memory_space<vmem>>) offsets(%dma_start3A_1474 : memref<128xi32, #tpu.memory_space<vmem>>) semaphore(%arg17 : memref<!tpu.dma_semaphore, #tpu.memory_space<semaphore_mem>>) {add = true}
        %mul3A_1478 = arith.constant 128 : i32
        %mul3A_1479 = arith.muli %add3A_1403, %mul3A_1478 : i32
        %add3A_1480 = arith.constant 2048 : i32
        %add3A_1481 = arith.addi %add3A_1480, %mul3A_1479 : i32
        %dma_start3A_1482 = arith.constant 0 : i32
        %dma_start3A_1483 = arith.constant 0 : i32
        %dma_start3A_1484 = arith.constant 0 : i32
        %dma_start3A_1485 = tpu.memref_slice %arg14[%dma_start3A_1482, %dma_start3A_1483, %dma_start3A_1484] : memref<2x128x128xf32, #tpu.memory_space<vmem>> -> memref<1x128x128xf32, #tpu.memory_space<vmem>>
        %dma_start3A_1486 = tpu.memref_squeeze %dma_start3A_1485 : memref<1x128x128xf32, #tpu.memory_space<vmem>> -> memref<128x128xf32, #tpu.memory_space<vmem>>
        %dma_start3A_1487 = tpu.memref_slice %arg11[%add3A_1481] : memref<10240xi32, #tpu.memory_space<vmem>> -> memref<128xi32, #tpu.memory_space<vmem>>
        %dma_start3A_1488 = arith.constant 0 : i32
        %dma_start3A_1489 = arith.constant 0 : i32
        %dma_start3A_1490 = tpu.memref_slice %arg6[%dma_start3A_1488, %dma_start3A_1489] : memref<100000x128xf32, #tpu.memory_space<hbm>> -> memref<100000x128xf32, #tpu.memory_space<hbm>>
        tpu.enqueue_indirect_dma source(%dma_start3A_1490 : memref<100000x128xf32, #tpu.memory_space<hbm>>) target(%dma_start3A_1486 : memref<128x128xf32, #tpu.memory_space<vmem>>) offsets(%dma_start3A_1487 : memref<128xi32, #tpu.memory_space<vmem>>) semaphore(%arg17 : memref<!tpu.dma_semaphore, #tpu.memory_space<semaphore_mem>>) {add = true}
        %mul3A_1491 = arith.constant 128 : i32
        %mul3A_1492 = arith.muli %add3A_1403, %mul3A_1491 : i32
        %add3A_1493 = arith.constant 2560 : i32
        %add3A_1494 = arith.addi %add3A_1493, %mul3A_1492 : i32
        %dma_start3A_1495 = arith.constant 0 : i32
        %dma_start3A_1496 = arith.constant 0 : i32
        %dma_start3A_1497 = arith.constant 0 : i32
        %dma_start3A_1498 = tpu.memref_slice %arg14[%dma_start3A_1495, %dma_start3A_1496, %dma_start3A_1497] : memref<2x128x128xf32, #tpu.memory_space<vmem>> -> memref<1x128x128xf32, #tpu.memory_space<vmem>>
        %dma_start3A_1499 = tpu.memref_squeeze %dma_start3A_1498 : memref<1x128x128xf32, #tpu.memory_space<vmem>> -> memref<128x128xf32, #tpu.memory_space<vmem>>
        %dma_start3A_1500 = tpu.memref_slice %arg11[%add3A_1494] : memref<10240xi32, #tpu.memory_space<vmem>> -> memref<128xi32, #tpu.memory_space<vmem>>
        %dma_start3A_1501 = arith.constant 0 : i32
        %dma_start3A_1502 = arith.constant 0 : i32
        %dma_start3A_1503 = tpu.memref_slice %arg6[%dma_start3A_1501, %dma_start3A_1502] : memref<100000x128xf32, #tpu.memory_space<hbm>> -> memref<100000x128xf32, #tpu.memory_space<hbm>>
        tpu.enqueue_indirect_dma source(%dma_start3A_1503 : memref<100000x128xf32, #tpu.memory_space<hbm>>) target(%dma_start3A_1499 : memref<128x128xf32, #tpu.memory_space<vmem>>) offsets(%dma_start3A_1500 : memref<128xi32, #tpu.memory_space<vmem>>) semaphore(%arg17 : memref<!tpu.dma_semaphore, #tpu.memory_space<semaphore_mem>>) {add = true}
        %mul3A_1504 = arith.constant 128 : i32
        %mul3A_1505 = arith.muli %add3A_1403, %mul3A_1504 : i32
        %add3A_1506 = arith.constant 3072 : i32
        %add3A_1507 = arith.addi %add3A_1506, %mul3A_1505 : i32
        %dma_start3A_1508 = arith.constant 0 : i32
        %dma_start3A_1509 = arith.constant 0 : i32
        %dma_start3A_1510 = arith.constant 0 : i32
        %dma_start3A_1511 = tpu.memref_slice %arg14[%dma_start3A_1508, %dma_start3A_1509, %dma_start3A_1510] : memref<2x128x128xf32, #tpu.memory_space<vmem>> -> memref<1x128x128xf32, #tpu.memory_space<vmem>>
        %dma_start3A_1512 = tpu.memref_squeeze %dma_start3A_1511 : memref<1x128x128xf32, #tpu.memory_space<vmem>> -> memref<128x128xf32, #tpu.memory_space<vmem>>
        %dma_start3A_1513 = tpu.memref_slice %arg11[%add3A_1507] : memref<10240xi32, #tpu.memory_space<vmem>> -> memref<128xi32, #tpu.memory_space<vmem>>
        %dma_start3A_1514 = arith.constant 0 : i32
        %dma_start3A_1515 = arith.constant 0 : i32
        %dma_start3A_1516 = tpu.memref_slice %arg6[%dma_start3A_1514, %dma_start3A_1515] : memref<100000x128xf32, #tpu.memory_space<hbm>> -> memref<100000x128xf32, #tpu.memory_space<hbm>>
        tpu.enqueue_indirect_dma source(%dma_start3A_1516 : memref<100000x128xf32, #tpu.memory_space<hbm>>) target(%dma_start3A_1512 : memref<128x128xf32, #tpu.memory_space<vmem>>) offsets(%dma_start3A_1513 : memref<128xi32, #tpu.memory_space<vmem>>) semaphore(%arg17 : memref<!tpu.dma_semaphore, #tpu.memory_space<semaphore_mem>>) {add = true}
        %mul3A_1517 = arith.constant 128 : i32
        %mul3A_1518 = arith.muli %add3A_1403, %mul3A_1517 : i32
        %add3A_1519 = arith.constant 3584 : i32
        %add3A_1520 = arith.addi %add3A_1519, %mul3A_1518 : i32
        %dma_start3A_1521 = arith.constant 0 : i32
        %dma_start3A_1522 = arith.constant 0 : i32
        %dma_start3A_1523 = arith.constant 0 : i32
        %dma_start3A_1524 = tpu.memref_slice %arg14[%dma_start3A_1521, %dma_start3A_1522, %dma_start3A_1523] : memref<2x128x128xf32, #tpu.memory_space<vmem>> -> memref<1x128x128xf32, #tpu.memory_space<vmem>>
        %dma_start3A_1525 = tpu.memref_squeeze %dma_start3A_1524 : memref<1x128x128xf32, #tpu.memory_space<vmem>> -> memref<128x128xf32, #tpu.memory_space<vmem>>
        %dma_start3A_1526 = tpu.memref_slice %arg11[%add3A_1520] : memref<10240xi32, #tpu.memory_space<vmem>> -> memref<128xi32, #tpu.memory_space<vmem>>
        %dma_start3A_1527 = arith.constant 0 : i32
        %dma_start3A_1528 = arith.constant 0 : i32
        %dma_start3A_1529 = tpu.memref_slice %arg6[%dma_start3A_1527, %dma_start3A_1528] : memref<100000x128xf32, #tpu.memory_space<hbm>> -> memref<100000x128xf32, #tpu.memory_space<hbm>>
        tpu.enqueue_indirect_dma source(%dma_start3A_1529 : memref<100000x128xf32, #tpu.memory_space<hbm>>) target(%dma_start3A_1525 : memref<128x128xf32, #tpu.memory_space<vmem>>) offsets(%dma_start3A_1526 : memref<128xi32, #tpu.memory_space<vmem>>) semaphore(%arg17 : memref<!tpu.dma_semaphore, #tpu.memory_space<semaphore_mem>>) {add = true}
        %mul3A_1530 = arith.constant 128 : i32
        %mul3A_1531 = arith.muli %add3A_1403, %mul3A_1530 : i32
        %add3A_1532 = arith.constant 4096 : i32
        %add3A_1533 = arith.addi %add3A_1532, %mul3A_1531 : i32
        %dma_start3A_1534 = arith.constant 0 : i32
        %dma_start3A_1535 = arith.constant 0 : i32
        %dma_start3A_1536 = arith.constant 0 : i32
        %dma_start3A_1537 = tpu.memref_slice %arg14[%dma_start3A_1534, %dma_start3A_1535, %dma_start3A_1536] : memref<2x128x128xf32, #tpu.memory_space<vmem>> -> memref<1x128x128xf32, #tpu.memory_space<vmem>>
        %dma_start3A_1538 = tpu.memref_squeeze %dma_start3A_1537 : memref<1x128x128xf32, #tpu.memory_space<vmem>> -> memref<128x128xf32, #tpu.memory_space<vmem>>
        %dma_start3A_1539 = tpu.memref_slice %arg11[%add3A_1533] : memref<10240xi32, #tpu.memory_space<vmem>> -> memref<128xi32, #tpu.memory_space<vmem>>
        %dma_start3A_1540 = arith.constant 0 : i32
        %dma_start3A_1541 = arith.constant 0 : i32
        %dma_start3A_1542 = tpu.memref_slice %arg6[%dma_start3A_1540, %dma_start3A_1541] : memref<100000x128xf32, #tpu.memory_space<hbm>> -> memref<100000x128xf32, #tpu.memory_space<hbm>>
        tpu.enqueue_indirect_dma source(%dma_start3A_1542 : memref<100000x128xf32, #tpu.memory_space<hbm>>) target(%dma_start3A_1538 : memref<128x128xf32, #tpu.memory_space<vmem>>) offsets(%dma_start3A_1539 : memref<128xi32, #tpu.memory_space<vmem>>) semaphore(%arg17 : memref<!tpu.dma_semaphore, #tpu.memory_space<semaphore_mem>>) {add = true}
        %mul3A_1543 = arith.constant 128 : i32
        %mul3A_1544 = arith.muli %add3A_1403, %mul3A_1543 : i32
        %add3A_1545 = arith.constant 4608 : i32
        %add3A_1546 = arith.addi %add3A_1545, %mul3A_1544 : i32
        %dma_start3A_1547 = arith.constant 0 : i32
        %dma_start3A_1548 = arith.constant 0 : i32
        %dma_start3A_1549 = arith.constant 0 : i32
        %dma_start3A_1550 = tpu.memref_slice %arg14[%dma_start3A_1547, %dma_start3A_1548, %dma_start3A_1549] : memref<2x128x128xf32, #tpu.memory_space<vmem>> -> memref<1x128x128xf32, #tpu.memory_space<vmem>>
        %dma_start3A_1551 = tpu.memref_squeeze %dma_start3A_1550 : memref<1x128x128xf32, #tpu.memory_space<vmem>> -> memref<128x128xf32, #tpu.memory_space<vmem>>
        %dma_start3A_1552 = tpu.memref_slice %arg11[%add3A_1546] : memref<10240xi32, #tpu.memory_space<vmem>> -> memref<128xi32, #tpu.memory_space<vmem>>
        %dma_start3A_1553 = arith.constant 0 : i32
        %dma_start3A_1554 = arith.constant 0 : i32
        %dma_start3A_1555 = tpu.memref_slice %arg6[%dma_start3A_1553, %dma_start3A_1554] : memref<100000x128xf32, #tpu.memory_space<hbm>> -> memref<100000x128xf32, #tpu.memory_space<hbm>>
        tpu.enqueue_indirect_dma source(%dma_start3A_1555 : memref<100000x128xf32, #tpu.memory_space<hbm>>) target(%dma_start3A_1551 : memref<128x128xf32, #tpu.memory_space<vmem>>) offsets(%dma_start3A_1552 : memref<128xi32, #tpu.memory_space<vmem>>) semaphore(%arg17 : memref<!tpu.dma_semaphore, #tpu.memory_space<semaphore_mem>>) {add = true}
        %mul3A_1556 = arith.constant 128 : i32
        %mul3A_1557 = arith.muli %add3A_1403, %mul3A_1556 : i32
        %add3A_1558 = arith.constant 5120 : i32
        %add3A_1559 = arith.addi %add3A_1558, %mul3A_1557 : i32
        %dma_start3A_1560 = arith.constant 0 : i32
        %dma_start3A_1561 = arith.constant 0 : i32
        %dma_start3A_1562 = arith.constant 0 : i32
        %dma_start3A_1563 = tpu.memref_slice %arg14[%dma_start3A_1560, %dma_start3A_1561, %dma_start3A_1562] : memref<2x128x128xf32, #tpu.memory_space<vmem>> -> memref<1x128x128xf32, #tpu.memory_space<vmem>>
        %dma_start3A_1564 = tpu.memref_squeeze %dma_start3A_1563 : memref<1x128x128xf32, #tpu.memory_space<vmem>> -> memref<128x128xf32, #tpu.memory_space<vmem>>
        %dma_start3A_1565 = tpu.memref_slice %arg11[%add3A_1559] : memref<10240xi32, #tpu.memory_space<vmem>> -> memref<128xi32, #tpu.memory_space<vmem>>
        %dma_start3A_1566 = arith.constant 0 : i32
        %dma_start3A_1567 = arith.constant 0 : i32
        %dma_start3A_1568 = tpu.memref_slice %arg6[%dma_start3A_1566, %dma_start3A_1567] : memref<100000x128xf32, #tpu.memory_space<hbm>> -> memref<100000x128xf32, #tpu.memory_space<hbm>>
        tpu.enqueue_indirect_dma source(%dma_start3A_1568 : memref<100000x128xf32, #tpu.memory_space<hbm>>) target(%dma_start3A_1564 : memref<128x128xf32, #tpu.memory_space<vmem>>) offsets(%dma_start3A_1565 : memref<128xi32, #tpu.memory_space<vmem>>) semaphore(%arg17 : memref<!tpu.dma_semaphore, #tpu.memory_space<semaphore_mem>>) {add = true}
        %mul3A_1569 = arith.constant 128 : i32
        %mul3A_1570 = arith.muli %add3A_1403, %mul3A_1569 : i32
        %add3A_1571 = arith.constant 5632 : i32
        %add3A_1572 = arith.addi %add3A_1571, %mul3A_1570 : i32
        %dma_start3A_1573 = arith.constant 0 : i32
        %dma_start3A_1574 = arith.constant 0 : i32
        %dma_start3A_1575 = arith.constant 0 : i32
        %dma_start3A_1576 = tpu.memref_slice %arg14[%dma_start3A_1573, %dma_start3A_1574, %dma_start3A_1575] : memref<2x128x128xf32, #tpu.memory_space<vmem>> -> memref<1x128x128xf32, #tpu.memory_space<vmem>>
        %dma_start3A_1577 = tpu.memref_squeeze %dma_start3A_1576 : memref<1x128x128xf32, #tpu.memory_space<vmem>> -> memref<128x128xf32, #tpu.memory_space<vmem>>
        %dma_start3A_1578 = tpu.memref_slice %arg11[%add3A_1572] : memref<10240xi32, #tpu.memory_space<vmem>> -> memref<128xi32, #tpu.memory_space<vmem>>
        %dma_start3A_1579 = arith.constant 0 : i32
        %dma_start3A_1580 = arith.constant 0 : i32
        %dma_start3A_1581 = tpu.memref_slice %arg6[%dma_start3A_1579, %dma_start3A_1580] : memref<100000x128xf32, #tpu.memory_space<hbm>> -> memref<100000x128xf32, #tpu.memory_space<hbm>>
        tpu.enqueue_indirect_dma source(%dma_start3A_1581 : memref<100000x128xf32, #tpu.memory_space<hbm>>) target(%dma_start3A_1577 : memref<128x128xf32, #tpu.memory_space<vmem>>) offsets(%dma_start3A_1578 : memref<128xi32, #tpu.memory_space<vmem>>) semaphore(%arg17 : memref<!tpu.dma_semaphore, #tpu.memory_space<semaphore_mem>>) {add = true}
        %mul3A_1582 = arith.constant 128 : i32
        %mul3A_1583 = arith.muli %add3A_1403, %mul3A_1582 : i32
        %add3A_1584 = arith.constant 6144 : i32
        %add3A_1585 = arith.addi %add3A_1584, %mul3A_1583 : i32
        %dma_start3A_1586 = arith.constant 0 : i32
        %dma_start3A_1587 = arith.constant 0 : i32
        %dma_start3A_1588 = arith.constant 0 : i32
        %dma_start3A_1589 = tpu.memref_slice %arg14[%dma_start3A_1586, %dma_start3A_1587, %dma_start3A_1588] : memref<2x128x128xf32, #tpu.memory_space<vmem>> -> memref<1x128x128xf32, #tpu.memory_space<vmem>>
        %dma_start3A_1590 = tpu.memref_squeeze %dma_start3A_1589 : memref<1x128x128xf32, #tpu.memory_space<vmem>> -> memref<128x128xf32, #tpu.memory_space<vmem>>
        %dma_start3A_1591 = tpu.memref_slice %arg11[%add3A_1585] : memref<10240xi32, #tpu.memory_space<vmem>> -> memref<128xi32, #tpu.memory_space<vmem>>
        %dma_start3A_1592 = arith.constant 0 : i32
        %dma_start3A_1593 = arith.constant 0 : i32
        %dma_start3A_1594 = tpu.memref_slice %arg6[%dma_start3A_1592, %dma_start3A_1593] : memref<100000x128xf32, #tpu.memory_space<hbm>> -> memref<100000x128xf32, #tpu.memory_space<hbm>>
        tpu.enqueue_indirect_dma source(%dma_start3A_1594 : memref<100000x128xf32, #tpu.memory_space<hbm>>) target(%dma_start3A_1590 : memref<128x128xf32, #tpu.memory_space<vmem>>) offsets(%dma_start3A_1591 : memref<128xi32, #tpu.memory_space<vmem>>) semaphore(%arg17 : memref<!tpu.dma_semaphore, #tpu.memory_space<semaphore_mem>>) {add = true}
        %mul3A_1595 = arith.constant 128 : i32
        %mul3A_1596 = arith.muli %add3A_1403, %mul3A_1595 : i32
        %add3A_1597 = arith.constant 6656 : i32
        %add3A_1598 = arith.addi %add3A_1597, %mul3A_1596 : i32
        %dma_start3A_1599 = arith.constant 0 : i32
        %dma_start3A_1600 = arith.constant 0 : i32
        %dma_start3A_1601 = arith.constant 0 : i32
        %dma_start3A_1602 = tpu.memref_slice %arg14[%dma_start3A_1599, %dma_start3A_1600, %dma_start3A_1601] : memref<2x128x128xf32, #tpu.memory_space<vmem>> -> memref<1x128x128xf32, #tpu.memory_space<vmem>>
        %dma_start3A_1603 = tpu.memref_squeeze %dma_start3A_1602 : memref<1x128x128xf32, #tpu.memory_space<vmem>> -> memref<128x128xf32, #tpu.memory_space<vmem>>
        %dma_start3A_1604 = tpu.memref_slice %arg11[%add3A_1598] : memref<10240xi32, #tpu.memory_space<vmem>> -> memref<128xi32, #tpu.memory_space<vmem>>
        %dma_start3A_1605 = arith.constant 0 : i32
        %dma_start3A_1606 = arith.constant 0 : i32
        %dma_start3A_1607 = tpu.memref_slice %arg6[%dma_start3A_1605, %dma_start3A_1606] : memref<100000x128xf32, #tpu.memory_space<hbm>> -> memref<100000x128xf32, #tpu.memory_space<hbm>>
        tpu.enqueue_indirect_dma source(%dma_start3A_1607 : memref<100000x128xf32, #tpu.memory_space<hbm>>) target(%dma_start3A_1603 : memref<128x128xf32, #tpu.memory_space<vmem>>) offsets(%dma_start3A_1604 : memref<128xi32, #tpu.memory_space<vmem>>) semaphore(%arg17 : memref<!tpu.dma_semaphore, #tpu.memory_space<semaphore_mem>>) {add = true}
        %mul3A_1608 = arith.constant 128 : i32
        %mul3A_1609 = arith.muli %add3A_1403, %mul3A_1608 : i32
        %add3A_1610 = arith.constant 7168 : i32
        %add3A_1611 = arith.addi %add3A_1610, %mul3A_1609 : i32
        %dma_start3A_1612 = arith.constant 0 : i32
        %dma_start3A_1613 = arith.constant 0 : i32
        %dma_start3A_1614 = arith.constant 0 : i32
        %dma_start3A_1615 = tpu.memref_slice %arg14[%dma_start3A_1612, %dma_start3A_1613, %dma_start3A_1614] : memref<2x128x128xf32, #tpu.memory_space<vmem>> -> memref<1x128x128xf32, #tpu.memory_space<vmem>>
        %dma_start3A_1616 = tpu.memref_squeeze %dma_start3A_1615 : memref<1x128x128xf32, #tpu.memory_space<vmem>> -> memref<128x128xf32, #tpu.memory_space<vmem>>
        %dma_start3A_1617 = tpu.memref_slice %arg11[%add3A_1611] : memref<10240xi32, #tpu.memory_space<vmem>> -> memref<128xi32, #tpu.memory_space<vmem>>
        %dma_start3A_1618 = arith.constant 0 : i32
        %dma_start3A_1619 = arith.constant 0 : i32
        %dma_start3A_1620 = tpu.memref_slice %arg6[%dma_start3A_1618, %dma_start3A_1619] : memref<100000x128xf32, #tpu.memory_space<hbm>> -> memref<100000x128xf32, #tpu.memory_space<hbm>>
        tpu.enqueue_indirect_dma source(%dma_start3A_1620 : memref<100000x128xf32, #tpu.memory_space<hbm>>) target(%dma_start3A_1616 : memref<128x128xf32, #tpu.memory_space<vmem>>) offsets(%dma_start3A_1617 : memref<128xi32, #tpu.memory_space<vmem>>) semaphore(%arg17 : memref<!tpu.dma_semaphore, #tpu.memory_space<semaphore_mem>>) {add = true}
        %mul3A_1621 = arith.constant 128 : i32
        %mul3A_1622 = arith.muli %add3A_1403, %mul3A_1621 : i32
        %add3A_1623 = arith.constant 7680 : i32
        %add3A_1624 = arith.addi %add3A_1623, %mul3A_1622 : i32
        %dma_start3A_1625 = arith.constant 0 : i32
        %dma_start3A_1626 = arith.constant 0 : i32
        %dma_start3A_1627 = arith.constant 0 : i32
        %dma_start3A_1628 = tpu.memref_slice %arg14[%dma_start3A_1625, %dma_start3A_1626, %dma_start3A_1627] : memref<2x128x128xf32, #tpu.memory_space<vmem>> -> memref<1x128x128xf32, #tpu.memory_space<vmem>>
        %dma_start3A_1629 = tpu.memref_squeeze %dma_start3A_1628 : memref<1x128x128xf32, #tpu.memory_space<vmem>> -> memref<128x128xf32, #tpu.memory_space<vmem>>
        %dma_start3A_1630 = tpu.memref_slice %arg11[%add3A_1624] : memref<10240xi32, #tpu.memory_space<vmem>> -> memref<128xi32, #tpu.memory_space<vmem>>
        %dma_start3A_1631 = arith.constant 0 : i32
        %dma_start3A_1632 = arith.constant 0 : i32
        %dma_start3A_1633 = tpu.memref_slice %arg6[%dma_start3A_1631, %dma_start3A_1632] : memref<100000x128xf32, #tpu.memory_space<hbm>> -> memref<100000x128xf32, #tpu.memory_space<hbm>>
        tpu.enqueue_indirect_dma source(%dma_start3A_1633 : memref<100000x128xf32, #tpu.memory_space<hbm>>) target(%dma_start3A_1629 : memref<128x128xf32, #tpu.memory_space<vmem>>) offsets(%dma_start3A_1630 : memref<128xi32, #tpu.memory_space<vmem>>) semaphore(%arg17 : memref<!tpu.dma_semaphore, #tpu.memory_space<semaphore_mem>>) {add = true}
        %mul3A_1634 = arith.constant 128 : i32
        %mul3A_1635 = arith.muli %add3A_1403, %mul3A_1634 : i32
        %add3A_1636 = arith.constant 8192 : i32
        %add3A_1637 = arith.addi %add3A_1636, %mul3A_1635 : i32
        %dma_start3A_1638 = arith.constant 0 : i32
        %dma_start3A_1639 = arith.constant 0 : i32
        %dma_start3A_1640 = arith.constant 0 : i32
        %dma_start3A_1641 = tpu.memref_slice %arg14[%dma_start3A_1638, %dma_start3A_1639, %dma_start3A_1640] : memref<2x128x128xf32, #tpu.memory_space<vmem>> -> memref<1x128x128xf32, #tpu.memory_space<vmem>>
        %dma_start3A_1642 = tpu.memref_squeeze %dma_start3A_1641 : memref<1x128x128xf32, #tpu.memory_space<vmem>> -> memref<128x128xf32, #tpu.memory_space<vmem>>
        %dma_start3A_1643 = tpu.memref_slice %arg11[%add3A_1637] : memref<10240xi32, #tpu.memory_space<vmem>> -> memref<128xi32, #tpu.memory_space<vmem>>
        %dma_start3A_1644 = arith.constant 0 : i32
        %dma_start3A_1645 = arith.constant 0 : i32
        %dma_start3A_1646 = tpu.memref_slice %arg6[%dma_start3A_1644, %dma_start3A_1645] : memref<100000x128xf32, #tpu.memory_space<hbm>> -> memref<100000x128xf32, #tpu.memory_space<hbm>>
        tpu.enqueue_indirect_dma source(%dma_start3A_1646 : memref<100000x128xf32, #tpu.memory_space<hbm>>) target(%dma_start3A_1642 : memref<128x128xf32, #tpu.memory_space<vmem>>) offsets(%dma_start3A_1643 : memref<128xi32, #tpu.memory_space<vmem>>) semaphore(%arg17 : memref<!tpu.dma_semaphore, #tpu.memory_space<semaphore_mem>>) {add = true}
        %mul3A_1647 = arith.constant 128 : i32
        %mul3A_1648 = arith.muli %add3A_1403, %mul3A_1647 : i32
        %add3A_1649 = arith.constant 8704 : i32
        %add3A_1650 = arith.addi %add3A_1649, %mul3A_1648 : i32
        %dma_start3A_1651 = arith.constant 0 : i32
        %dma_start3A_1652 = arith.constant 0 : i32
        %dma_start3A_1653 = arith.constant 0 : i32
        %dma_start3A_1654 = tpu.memref_slice %arg14[%dma_start3A_1651, %dma_start3A_1652, %dma_start3A_1653] : memref<2x128x128xf32, #tpu.memory_space<vmem>> -> memref<1x128x128xf32, #tpu.memory_space<vmem>>
        %dma_start3A_1655 = tpu.memref_squeeze %dma_start3A_1654 : memref<1x128x128xf32, #tpu.memory_space<vmem>> -> memref<128x128xf32, #tpu.memory_space<vmem>>
        %dma_start3A_1656 = tpu.memref_slice %arg11[%add3A_1650] : memref<10240xi32, #tpu.memory_space<vmem>> -> memref<128xi32, #tpu.memory_space<vmem>>
        %dma_start3A_1657 = arith.constant 0 : i32
        %dma_start3A_1658 = arith.constant 0 : i32
        %dma_start3A_1659 = tpu.memref_slice %arg6[%dma_start3A_1657, %dma_start3A_1658] : memref<100000x128xf32, #tpu.memory_space<hbm>> -> memref<100000x128xf32, #tpu.memory_space<hbm>>
        tpu.enqueue_indirect_dma source(%dma_start3A_1659 : memref<100000x128xf32, #tpu.memory_space<hbm>>) target(%dma_start3A_1655 : memref<128x128xf32, #tpu.memory_space<vmem>>) offsets(%dma_start3A_1656 : memref<128xi32, #tpu.memory_space<vmem>>) semaphore(%arg17 : memref<!tpu.dma_semaphore, #tpu.memory_space<semaphore_mem>>) {add = true}
        %mul3A_1660 = arith.constant 128 : i32
        %mul3A_1661 = arith.muli %add3A_1403, %mul3A_1660 : i32
        %add3A_1662 = arith.constant 9216 : i32
        %add3A_1663 = arith.addi %add3A_1662, %mul3A_1661 : i32
        %dma_start3A_1664 = arith.constant 0 : i32
        %dma_start3A_1665 = arith.constant 0 : i32
        %dma_start3A_1666 = arith.constant 0 : i32
        %dma_start3A_1667 = tpu.memref_slice %arg14[%dma_start3A_1664, %dma_start3A_1665, %dma_start3A_1666] : memref<2x128x128xf32, #tpu.memory_space<vmem>> -> memref<1x128x128xf32, #tpu.memory_space<vmem>>
        %dma_start3A_1668 = tpu.memref_squeeze %dma_start3A_1667 : memref<1x128x128xf32, #tpu.memory_space<vmem>> -> memref<128x128xf32, #tpu.memory_space<vmem>>
        %dma_start3A_1669 = tpu.memref_slice %arg11[%add3A_1663] : memref<10240xi32, #tpu.memory_space<vmem>> -> memref<128xi32, #tpu.memory_space<vmem>>
        %dma_start3A_1670 = arith.constant 0 : i32
        %dma_start3A_1671 = arith.constant 0 : i32
        %dma_start3A_1672 = tpu.memref_slice %arg6[%dma_start3A_1670, %dma_start3A_1671] : memref<100000x128xf32, #tpu.memory_space<hbm>> -> memref<100000x128xf32, #tpu.memory_space<hbm>>
        tpu.enqueue_indirect_dma source(%dma_start3A_1672 : memref<100000x128xf32, #tpu.memory_space<hbm>>) target(%dma_start3A_1668 : memref<128x128xf32, #tpu.memory_space<vmem>>) offsets(%dma_start3A_1669 : memref<128xi32, #tpu.memory_space<vmem>>) semaphore(%arg17 : memref<!tpu.dma_semaphore, #tpu.memory_space<semaphore_mem>>) {add = true}
        %mul3A_1673 = arith.constant 128 : i32
        %mul3A_1674 = arith.muli %add3A_1403, %mul3A_1673 : i32
        %add3A_1675 = arith.constant 9728 : i32
        %add3A_1676 = arith.addi %add3A_1675, %mul3A_1674 : i32
        %dma_start3A_1677 = arith.constant 0 : i32
        %dma_start3A_1678 = arith.constant 0 : i32
        %dma_start3A_1679 = arith.constant 0 : i32
        %dma_start3A_1680 = tpu.memref_slice %arg14[%dma_start3A_1677, %dma_start3A_1678, %dma_start3A_1679] : memref<2x128x128xf32, #tpu.memory_space<vmem>> -> memref<1x128x128xf32, #tpu.memory_space<vmem>>
        %dma_start3A_1681 = tpu.memref_squeeze %dma_start3A_1680 : memref<1x128x128xf32, #tpu.memory_space<vmem>> -> memref<128x128xf32, #tpu.memory_space<vmem>>
        %dma_start3A_1682 = tpu.memref_slice %arg11[%add3A_1676] : memref<10240xi32, #tpu.memory_space<vmem>> -> memref<128xi32, #tpu.memory_space<vmem>>
        %dma_start3A_1683 = arith.constant 0 : i32
        %dma_start3A_1684 = arith.constant 0 : i32
        %dma_start3A_1685 = tpu.memref_slice %arg6[%dma_start3A_1683, %dma_start3A_1684] : memref<100000x128xf32, #tpu.memory_space<hbm>> -> memref<100000x128xf32, #tpu.memory_space<hbm>>
        tpu.enqueue_indirect_dma source(%dma_start3A_1685 : memref<100000x128xf32, #tpu.memory_space<hbm>>) target(%dma_start3A_1681 : memref<128x128xf32, #tpu.memory_space<vmem>>) offsets(%dma_start3A_1682 : memref<128xi32, #tpu.memory_space<vmem>>) semaphore(%arg17 : memref<!tpu.dma_semaphore, #tpu.memory_space<semaphore_mem>>) {add = true}
      } else {
      }
      %dma_wait3A_1057 = arith.constant 1 : i32
      %dma_wait3A_1058 = arith.constant 0 : i32
      %dma_wait3A_1059 = arith.constant 0 : i32
      %dma_wait3A_1060 = tpu.memref_slice %arg12[%dma_wait3A_1057, %dma_wait3A_1058, %dma_wait3A_1059] : memref<2x128x128xf32, #tpu.memory_space<vmem>> -> memref<1x128x128xf32, #tpu.memory_space<vmem>>
      %dma_wait3A_1061 = tpu.memref_squeeze %dma_wait3A_1060 : memref<1x128x128xf32, #tpu.memory_space<vmem>> -> memref<128x128xf32, #tpu.memory_space<vmem>>
      %dma_wait3A_1062 = arith.constant 0 : i32
      %dma_wait3A_1063 = arith.constant 0 : i32
      %dma_wait3A_1064 = tpu.memref_slice %arg5[%dma_wait3A_1062, %dma_wait3A_1063] : memref<100000x128xf32, #tpu.memory_space<hbm>> -> memref<128x128xf32, #tpu.memory_space<hbm>>
      %dma_wait3A_1065 = arith.constant 0 : i32
      %dma_wait3A_1066 = arith.constant 0 : i32
      %dma_wait3A_1067 = tpu.memref_slice %arg12[%dma_wait3A_1057, %dma_wait3A_1065, %dma_wait3A_1066] : memref<2x128x128xf32, #tpu.memory_space<vmem>> -> memref<1x128x128xf32, #tpu.memory_space<vmem>>
      %dma_wait3A_1068 = tpu.memref_squeeze %dma_wait3A_1067 : memref<1x128x128xf32, #tpu.memory_space<vmem>> -> memref<128x128xf32, #tpu.memory_space<vmem>>
      %dma_wait3A_1069 = arith.constant 0 : i32
      %dma_wait3A_1070 = arith.constant 0 : i32
      %dma_wait3A_1071 = tpu.memref_slice %arg5[%dma_wait3A_1069, %dma_wait3A_1070] : memref<100000x128xf32, #tpu.memory_space<hbm>> -> memref<128x128xf32, #tpu.memory_space<hbm>>
      tpu.wait_dma2 semaphore(%arg18 : memref<!tpu.dma_semaphore, #tpu.memory_space<semaphore_mem>>) src(%dma_wait3A_1071 : memref<128x128xf32, #tpu.memory_space<hbm>>) dst(%dma_wait3A_1068 : memref<128x128xf32, #tpu.memory_space<vmem>>)
      %dma_wait3A_1072 = arith.constant 1 : i32
      %dma_wait3A_1073 = arith.constant 0 : i32
      %dma_wait3A_1074 = arith.constant 0 : i32
      %dma_wait3A_1075 = tpu.memref_slice %arg13[%dma_wait3A_1072, %dma_wait3A_1073, %dma_wait3A_1074] : memref<2x128x128xf32, #tpu.memory_space<vmem>> -> memref<1x128x128xf32, #tpu.memory_space<vmem>>
      %dma_wait3A_1076 = tpu.memref_squeeze %dma_wait3A_1075 : memref<1x128x128xf32, #tpu.memory_space<vmem>> -> memref<128x128xf32, #tpu.memory_space<vmem>>
      %dma_wait3A_1077 = arith.constant 0 : i32
      %dma_wait3A_1078 = arith.constant 0 : i32
      %dma_wait3A_1079 = tpu.memref_slice %arg6[%dma_wait3A_1077, %dma_wait3A_1078] : memref<100000x128xf32, #tpu.memory_space<hbm>> -> memref<128x128xf32, #tpu.memory_space<hbm>>
      %dma_wait3A_1080 = arith.constant 0 : i32
      %dma_wait3A_1081 = arith.constant 0 : i32
      %dma_wait3A_1082 = tpu.memref_slice %arg13[%dma_wait3A_1072, %dma_wait3A_1080, %dma_wait3A_1081] : memref<2x128x128xf32, #tpu.memory_space<vmem>> -> memref<1x128x128xf32, #tpu.memory_space<vmem>>
      %dma_wait3A_1083 = tpu.memref_squeeze %dma_wait3A_1082 : memref<1x128x128xf32, #tpu.memory_space<vmem>> -> memref<128x128xf32, #tpu.memory_space<vmem>>
      %dma_wait3A_1084 = arith.constant 0 : i32
      %dma_wait3A_1085 = arith.constant 0 : i32
      %dma_wait3A_1086 = tpu.memref_slice %arg6[%dma_wait3A_1084, %dma_wait3A_1085] : memref<100000x128xf32, #tpu.memory_space<hbm>> -> memref<128x128xf32, #tpu.memory_space<hbm>>
      tpu.wait_dma2 semaphore(%arg18 : memref<!tpu.dma_semaphore, #tpu.memory_space<semaphore_mem>>) src(%dma_wait3A_1086 : memref<128x128xf32, #tpu.memory_space<hbm>>) dst(%dma_wait3A_1083 : memref<128x128xf32, #tpu.memory_space<vmem>>)
      %dma_wait3A_1087 = arith.constant 1 : i32
      %dma_wait3A_1088 = arith.constant 0 : i32
      %dma_wait3A_1089 = arith.constant 0 : i32
      %dma_wait3A_1090 = tpu.memref_slice %arg14[%dma_wait3A_1087, %dma_wait3A_1088, %dma_wait3A_1089] : memref<2x128x128xf32, #tpu.memory_space<vmem>> -> memref<1x128x128xf32, #tpu.memory_space<vmem>>
      %dma_wait3A_1091 = tpu.memref_squeeze %dma_wait3A_1090 : memref<1x128x128xf32, #tpu.memory_space<vmem>> -> memref<128x128xf32, #tpu.memory_space<vmem>>
      %dma_wait3A_1092 = arith.constant 0 : i32
      %dma_wait3A_1093 = arith.constant 0 : i32
      %dma_wait3A_1094 = tpu.memref_slice %arg6[%dma_wait3A_1092, %dma_wait3A_1093] : memref<100000x128xf32, #tpu.memory_space<hbm>> -> memref<128x128xf32, #tpu.memory_space<hbm>>
      %dma_wait3A_1095 = arith.constant 0 : i32
      %dma_wait3A_1096 = arith.constant 0 : i32
      %dma_wait3A_1097 = tpu.memref_slice %arg14[%dma_wait3A_1087, %dma_wait3A_1095, %dma_wait3A_1096] : memref<2x128x128xf32, #tpu.memory_space<vmem>> -> memref<1x128x128xf32, #tpu.memory_space<vmem>>
      %dma_wait3A_1098 = tpu.memref_squeeze %dma_wait3A_1097 : memref<1x128x128xf32, #tpu.memory_space<vmem>> -> memref<128x128xf32, #tpu.memory_space<vmem>>
      %dma_wait3A_1099 = arith.constant 0 : i32
      %dma_wait3A_1100 = arith.constant 0 : i32
      %dma_wait3A_1101 = tpu.memref_slice %arg6[%dma_wait3A_1099, %dma_wait3A_1100] : memref<100000x128xf32, #tpu.memory_space<hbm>> -> memref<128x128xf32, #tpu.memory_space<hbm>>
      tpu.wait_dma2 semaphore(%arg18 : memref<!tpu.dma_semaphore, #tpu.memory_space<semaphore_mem>>) src(%dma_wait3A_1101 : memref<128x128xf32, #tpu.memory_space<hbm>>) dst(%dma_wait3A_1098 : memref<128x128xf32, #tpu.memory_space<vmem>>)
      %dma_wait3A_1102 = arith.constant 1 : i32
      %dma_wait3A_1103 = arith.constant 0 : i32
      %dma_wait3A_1104 = arith.constant 0 : i32
      %dma_wait3A_1105 = tpu.memref_slice %arg14[%dma_wait3A_1102, %dma_wait3A_1103, %dma_wait3A_1104] : memref<2x128x128xf32, #tpu.memory_space<vmem>> -> memref<1x128x128xf32, #tpu.memory_space<vmem>>
      %dma_wait3A_1106 = tpu.memref_squeeze %dma_wait3A_1105 : memref<1x128x128xf32, #tpu.memory_space<vmem>> -> memref<128x128xf32, #tpu.memory_space<vmem>>
      %dma_wait3A_1107 = arith.constant 0 : i32
      %dma_wait3A_1108 = arith.constant 0 : i32
      %dma_wait3A_1109 = tpu.memref_slice %arg6[%dma_wait3A_1107, %dma_wait3A_1108] : memref<100000x128xf32, #tpu.memory_space<hbm>> -> memref<128x128xf32, #tpu.memory_space<hbm>>
      %dma_wait3A_1110 = arith.constant 0 : i32
      %dma_wait3A_1111 = arith.constant 0 : i32
      %dma_wait3A_1112 = tpu.memref_slice %arg14[%dma_wait3A_1102, %dma_wait3A_1110, %dma_wait3A_1111] : memref<2x128x128xf32, #tpu.memory_space<vmem>> -> memref<1x128x128xf32, #tpu.memory_space<vmem>>
      %dma_wait3A_1113 = tpu.memref_squeeze %dma_wait3A_1112 : memref<1x128x128xf32, #tpu.memory_space<vmem>> -> memref<128x128xf32, #tpu.memory_space<vmem>>
      %dma_wait3A_1114 = arith.constant 0 : i32
      %dma_wait3A_1115 = arith.constant 0 : i32
      %dma_wait3A_1116 = tpu.memref_slice %arg6[%dma_wait3A_1114, %dma_wait3A_1115] : memref<100000x128xf32, #tpu.memory_space<hbm>> -> memref<128x128xf32, #tpu.memory_space<hbm>>
      tpu.wait_dma2 semaphore(%arg18 : memref<!tpu.dma_semaphore, #tpu.memory_space<semaphore_mem>>) src(%dma_wait3A_1116 : memref<128x128xf32, #tpu.memory_space<hbm>>) dst(%dma_wait3A_1113 : memref<128x128xf32, #tpu.memory_space<vmem>>)
      %dma_wait3A_1117 = arith.constant 1 : i32
      %dma_wait3A_1118 = arith.constant 0 : i32
      %dma_wait3A_1119 = arith.constant 0 : i32
      %dma_wait3A_1120 = tpu.memref_slice %arg14[%dma_wait3A_1117, %dma_wait3A_1118, %dma_wait3A_1119] : memref<2x128x128xf32, #tpu.memory_space<vmem>> -> memref<1x128x128xf32, #tpu.memory_space<vmem>>
      %dma_wait3A_1121 = tpu.memref_squeeze %dma_wait3A_1120 : memref<1x128x128xf32, #tpu.memory_space<vmem>> -> memref<128x128xf32, #tpu.memory_space<vmem>>
      %dma_wait3A_1122 = arith.constant 0 : i32
      %dma_wait3A_1123 = arith.constant 0 : i32
      %dma_wait3A_1124 = tpu.memref_slice %arg6[%dma_wait3A_1122, %dma_wait3A_1123] : memref<100000x128xf32, #tpu.memory_space<hbm>> -> memref<128x128xf32, #tpu.memory_space<hbm>>
      %dma_wait3A_1125 = arith.constant 0 : i32
      %dma_wait3A_1126 = arith.constant 0 : i32
      %dma_wait3A_1127 = tpu.memref_slice %arg14[%dma_wait3A_1117, %dma_wait3A_1125, %dma_wait3A_1126] : memref<2x128x128xf32, #tpu.memory_space<vmem>> -> memref<1x128x128xf32, #tpu.memory_space<vmem>>
      %dma_wait3A_1128 = tpu.memref_squeeze %dma_wait3A_1127 : memref<1x128x128xf32, #tpu.memory_space<vmem>> -> memref<128x128xf32, #tpu.memory_space<vmem>>
      %dma_wait3A_1129 = arith.constant 0 : i32
      %dma_wait3A_1130 = arith.constant 0 : i32
      %dma_wait3A_1131 = tpu.memref_slice %arg6[%dma_wait3A_1129, %dma_wait3A_1130] : memref<100000x128xf32, #tpu.memory_space<hbm>> -> memref<128x128xf32, #tpu.memory_space<hbm>>
      tpu.wait_dma2 semaphore(%arg18 : memref<!tpu.dma_semaphore, #tpu.memory_space<semaphore_mem>>) src(%dma_wait3A_1131 : memref<128x128xf32, #tpu.memory_space<hbm>>) dst(%dma_wait3A_1128 : memref<128x128xf32, #tpu.memory_space<vmem>>)
      %dma_wait3A_1132 = arith.constant 1 : i32
      %dma_wait3A_1133 = arith.constant 0 : i32
      %dma_wait3A_1134 = arith.constant 0 : i32
      %dma_wait3A_1135 = tpu.memref_slice %arg14[%dma_wait3A_1132, %dma_wait3A_1133, %dma_wait3A_1134] : memref<2x128x128xf32, #tpu.memory_space<vmem>> -> memref<1x128x128xf32, #tpu.memory_space<vmem>>
      %dma_wait3A_1136 = tpu.memref_squeeze %dma_wait3A_1135 : memref<1x128x128xf32, #tpu.memory_space<vmem>> -> memref<128x128xf32, #tpu.memory_space<vmem>>
      %dma_wait3A_1137 = arith.constant 0 : i32
      %dma_wait3A_1138 = arith.constant 0 : i32
      %dma_wait3A_1139 = tpu.memref_slice %arg6[%dma_wait3A_1137, %dma_wait3A_1138] : memref<100000x128xf32, #tpu.memory_space<hbm>> -> memref<128x128xf32, #tpu.memory_space<hbm>>
      %dma_wait3A_1140 = arith.constant 0 : i32
      %dma_wait3A_1141 = arith.constant 0 : i32
      %dma_wait3A_1142 = tpu.memref_slice %arg14[%dma_wait3A_1132, %dma_wait3A_1140, %dma_wait3A_1141] : memref<2x128x128xf32, #tpu.memory_space<vmem>> -> memref<1x128x128xf32, #tpu.memory_space<vmem>>
      %dma_wait3A_1143 = tpu.memref_squeeze %dma_wait3A_1142 : memref<1x128x128xf32, #tpu.memory_space<vmem>> -> memref<128x128xf32, #tpu.memory_space<vmem>>
      %dma_wait3A_1144 = arith.constant 0 : i32
      %dma_wait3A_1145 = arith.constant 0 : i32
      %dma_wait3A_1146 = tpu.memref_slice %arg6[%dma_wait3A_1144, %dma_wait3A_1145] : memref<100000x128xf32, #tpu.memory_space<hbm>> -> memref<128x128xf32, #tpu.memory_space<hbm>>
      tpu.wait_dma2 semaphore(%arg18 : memref<!tpu.dma_semaphore, #tpu.memory_space<semaphore_mem>>) src(%dma_wait3A_1146 : memref<128x128xf32, #tpu.memory_space<hbm>>) dst(%dma_wait3A_1143 : memref<128x128xf32, #tpu.memory_space<vmem>>)
      %dma_wait3A_1147 = arith.constant 1 : i32
      %dma_wait3A_1148 = arith.constant 0 : i32
      %dma_wait3A_1149 = arith.constant 0 : i32
      %dma_wait3A_1150 = tpu.memref_slice %arg14[%dma_wait3A_1147, %dma_wait3A_1148, %dma_wait3A_1149] : memref<2x128x128xf32, #tpu.memory_space<vmem>> -> memref<1x128x128xf32, #tpu.memory_space<vmem>>
      %dma_wait3A_1151 = tpu.memref_squeeze %dma_wait3A_1150 : memref<1x128x128xf32, #tpu.memory_space<vmem>> -> memref<128x128xf32, #tpu.memory_space<vmem>>
      %dma_wait3A_1152 = arith.constant 0 : i32
      %dma_wait3A_1153 = arith.constant 0 : i32
      %dma_wait3A_1154 = tpu.memref_slice %arg6[%dma_wait3A_1152, %dma_wait3A_1153] : memref<100000x128xf32, #tpu.memory_space<hbm>> -> memref<128x128xf32, #tpu.memory_space<hbm>>
      %dma_wait3A_1155 = arith.constant 0 : i32
      %dma_wait3A_1156 = arith.constant 0 : i32
      %dma_wait3A_1157 = tpu.memref_slice %arg14[%dma_wait3A_1147, %dma_wait3A_1155, %dma_wait3A_1156] : memref<2x128x128xf32, #tpu.memory_space<vmem>> -> memref<1x128x128xf32, #tpu.memory_space<vmem>>
      %dma_wait3A_1158 = tpu.memref_squeeze %dma_wait3A_1157 : memref<1x128x128xf32, #tpu.memory_space<vmem>> -> memref<128x128xf32, #tpu.memory_space<vmem>>
      %dma_wait3A_1159 = arith.constant 0 : i32
      %dma_wait3A_1160 = arith.constant 0 : i32
      %dma_wait3A_1161 = tpu.memref_slice %arg6[%dma_wait3A_1159, %dma_wait3A_1160] : memref<100000x128xf32, #tpu.memory_space<hbm>> -> memref<128x128xf32, #tpu.memory_space<hbm>>
      tpu.wait_dma2 semaphore(%arg18 : memref<!tpu.dma_semaphore, #tpu.memory_space<semaphore_mem>>) src(%dma_wait3A_1161 : memref<128x128xf32, #tpu.memory_space<hbm>>) dst(%dma_wait3A_1158 : memref<128x128xf32, #tpu.memory_space<vmem>>)
      %dma_wait3A_1162 = arith.constant 1 : i32
      %dma_wait3A_1163 = arith.constant 0 : i32
      %dma_wait3A_1164 = arith.constant 0 : i32
      %dma_wait3A_1165 = tpu.memref_slice %arg14[%dma_wait3A_1162, %dma_wait3A_1163, %dma_wait3A_1164] : memref<2x128x128xf32, #tpu.memory_space<vmem>> -> memref<1x128x128xf32, #tpu.memory_space<vmem>>
      %dma_wait3A_1166 = tpu.memref_squeeze %dma_wait3A_1165 : memref<1x128x128xf32, #tpu.memory_space<vmem>> -> memref<128x128xf32, #tpu.memory_space<vmem>>
      %dma_wait3A_1167 = arith.constant 0 : i32
      %dma_wait3A_1168 = arith.constant 0 : i32
      %dma_wait3A_1169 = tpu.memref_slice %arg6[%dma_wait3A_1167, %dma_wait3A_1168] : memref<100000x128xf32, #tpu.memory_space<hbm>> -> memref<128x128xf32, #tpu.memory_space<hbm>>
      %dma_wait3A_1170 = arith.constant 0 : i32
      %dma_wait3A_1171 = arith.constant 0 : i32
      %dma_wait3A_1172 = tpu.memref_slice %arg14[%dma_wait3A_1162, %dma_wait3A_1170, %dma_wait3A_1171] : memref<2x128x128xf32, #tpu.memory_space<vmem>> -> memref<1x128x128xf32, #tpu.memory_space<vmem>>
      %dma_wait3A_1173 = tpu.memref_squeeze %dma_wait3A_1172 : memref<1x128x128xf32, #tpu.memory_space<vmem>> -> memref<128x128xf32, #tpu.memory_space<vmem>>
      %dma_wait3A_1174 = arith.constant 0 : i32
      %dma_wait3A_1175 = arith.constant 0 : i32
      %dma_wait3A_1176 = tpu.memref_slice %arg6[%dma_wait3A_1174, %dma_wait3A_1175] : memref<100000x128xf32, #tpu.memory_space<hbm>> -> memref<128x128xf32, #tpu.memory_space<hbm>>
      tpu.wait_dma2 semaphore(%arg18 : memref<!tpu.dma_semaphore, #tpu.memory_space<semaphore_mem>>) src(%dma_wait3A_1176 : memref<128x128xf32, #tpu.memory_space<hbm>>) dst(%dma_wait3A_1173 : memref<128x128xf32, #tpu.memory_space<vmem>>)
      %dma_wait3A_1177 = arith.constant 1 : i32
      %dma_wait3A_1178 = arith.constant 0 : i32
      %dma_wait3A_1179 = arith.constant 0 : i32
      %dma_wait3A_1180 = tpu.memref_slice %arg14[%dma_wait3A_1177, %dma_wait3A_1178, %dma_wait3A_1179] : memref<2x128x128xf32, #tpu.memory_space<vmem>> -> memref<1x128x128xf32, #tpu.memory_space<vmem>>
      %dma_wait3A_1181 = tpu.memref_squeeze %dma_wait3A_1180 : memref<1x128x128xf32, #tpu.memory_space<vmem>> -> memref<128x128xf32, #tpu.memory_space<vmem>>
      %dma_wait3A_1182 = arith.constant 0 : i32
      %dma_wait3A_1183 = arith.constant 0 : i32
      %dma_wait3A_1184 = tpu.memref_slice %arg6[%dma_wait3A_1182, %dma_wait3A_1183] : memref<100000x128xf32, #tpu.memory_space<hbm>> -> memref<128x128xf32, #tpu.memory_space<hbm>>
      %dma_wait3A_1185 = arith.constant 0 : i32
      %dma_wait3A_1186 = arith.constant 0 : i32
      %dma_wait3A_1187 = tpu.memref_slice %arg14[%dma_wait3A_1177, %dma_wait3A_1185, %dma_wait3A_1186] : memref<2x128x128xf32, #tpu.memory_space<vmem>> -> memref<1x128x128xf32, #tpu.memory_space<vmem>>
      %dma_wait3A_1188 = tpu.memref_squeeze %dma_wait3A_1187 : memref<1x128x128xf32, #tpu.memory_space<vmem>> -> memref<128x128xf32, #tpu.memory_space<vmem>>
      %dma_wait3A_1189 = arith.constant 0 : i32
      %dma_wait3A_1190 = arith.constant 0 : i32
      %dma_wait3A_1191 = tpu.memref_slice %arg6[%dma_wait3A_1189, %dma_wait3A_1190] : memref<100000x128xf32, #tpu.memory_space<hbm>> -> memref<128x128xf32, #tpu.memory_space<hbm>>
      tpu.wait_dma2 semaphore(%arg18 : memref<!tpu.dma_semaphore, #tpu.memory_space<semaphore_mem>>) src(%dma_wait3A_1191 : memref<128x128xf32, #tpu.memory_space<hbm>>) dst(%dma_wait3A_1188 : memref<128x128xf32, #tpu.memory_space<vmem>>)
      %dma_wait3A_1192 = arith.constant 1 : i32
      %dma_wait3A_1193 = arith.constant 0 : i32
      %dma_wait3A_1194 = arith.constant 0 : i32
      %dma_wait3A_1195 = tpu.memref_slice %arg14[%dma_wait3A_1192, %dma_wait3A_1193, %dma_wait3A_1194] : memref<2x128x128xf32, #tpu.memory_space<vmem>> -> memref<1x128x128xf32, #tpu.memory_space<vmem>>
      %dma_wait3A_1196 = tpu.memref_squeeze %dma_wait3A_1195 : memref<1x128x128xf32, #tpu.memory_space<vmem>> -> memref<128x128xf32, #tpu.memory_space<vmem>>
      %dma_wait3A_1197 = arith.constant 0 : i32
      %dma_wait3A_1198 = arith.constant 0 : i32
      %dma_wait3A_1199 = tpu.memref_slice %arg6[%dma_wait3A_1197, %dma_wait3A_1198] : memref<100000x128xf32, #tpu.memory_space<hbm>> -> memref<128x128xf32, #tpu.memory_space<hbm>>
      %dma_wait3A_1200 = arith.constant 0 : i32
      %dma_wait3A_1201 = arith.constant 0 : i32
      %dma_wait3A_1202 = tpu.memref_slice %arg14[%dma_wait3A_1192, %dma_wait3A_1200, %dma_wait3A_1201] : memref<2x128x128xf32, #tpu.memory_space<vmem>> -> memref<1x128x128xf32, #tpu.memory_space<vmem>>
      %dma_wait3A_1203 = tpu.memref_squeeze %dma_wait3A_1202 : memref<1x128x128xf32, #tpu.memory_space<vmem>> -> memref<128x128xf32, #tpu.memory_space<vmem>>
      %dma_wait3A_1204 = arith.constant 0 : i32
      %dma_wait3A_1205 = arith.constant 0 : i32
      %dma_wait3A_1206 = tpu.memref_slice %arg6[%dma_wait3A_1204, %dma_wait3A_1205] : memref<100000x128xf32, #tpu.memory_space<hbm>> -> memref<128x128xf32, #tpu.memory_space<hbm>>
      tpu.wait_dma2 semaphore(%arg18 : memref<!tpu.dma_semaphore, #tpu.memory_space<semaphore_mem>>) src(%dma_wait3A_1206 : memref<128x128xf32, #tpu.memory_space<hbm>>) dst(%dma_wait3A_1203 : memref<128x128xf32, #tpu.memory_space<vmem>>)
      %dma_wait3A_1207 = arith.constant 1 : i32
      %dma_wait3A_1208 = arith.constant 0 : i32
      %dma_wait3A_1209 = arith.constant 0 : i32
      %dma_wait3A_1210 = tpu.memref_slice %arg14[%dma_wait3A_1207, %dma_wait3A_1208, %dma_wait3A_1209] : memref<2x128x128xf32, #tpu.memory_space<vmem>> -> memref<1x128x128xf32, #tpu.memory_space<vmem>>
      %dma_wait3A_1211 = tpu.memref_squeeze %dma_wait3A_1210 : memref<1x128x128xf32, #tpu.memory_space<vmem>> -> memref<128x128xf32, #tpu.memory_space<vmem>>
      %dma_wait3A_1212 = arith.constant 0 : i32
      %dma_wait3A_1213 = arith.constant 0 : i32
      %dma_wait3A_1214 = tpu.memref_slice %arg6[%dma_wait3A_1212, %dma_wait3A_1213] : memref<100000x128xf32, #tpu.memory_space<hbm>> -> memref<128x128xf32, #tpu.memory_space<hbm>>
      %dma_wait3A_1215 = arith.constant 0 : i32
      %dma_wait3A_1216 = arith.constant 0 : i32
      %dma_wait3A_1217 = tpu.memref_slice %arg14[%dma_wait3A_1207, %dma_wait3A_1215, %dma_wait3A_1216] : memref<2x128x128xf32, #tpu.memory_space<vmem>> -> memref<1x128x128xf32, #tpu.memory_space<vmem>>
      %dma_wait3A_1218 = tpu.memref_squeeze %dma_wait3A_1217 : memref<1x128x128xf32, #tpu.memory_space<vmem>> -> memref<128x128xf32, #tpu.memory_space<vmem>>
      %dma_wait3A_1219 = arith.constant 0 : i32
      %dma_wait3A_1220 = arith.constant 0 : i32
      %dma_wait3A_1221 = tpu.memref_slice %arg6[%dma_wait3A_1219, %dma_wait3A_1220] : memref<100000x128xf32, #tpu.memory_space<hbm>> -> memref<128x128xf32, #tpu.memory_space<hbm>>
      tpu.wait_dma2 semaphore(%arg18 : memref<!tpu.dma_semaphore, #tpu.memory_space<semaphore_mem>>) src(%dma_wait3A_1221 : memref<128x128xf32, #tpu.memory_space<hbm>>) dst(%dma_wait3A_1218 : memref<128x128xf32, #tpu.memory_space<vmem>>)
      %dma_wait3A_1222 = arith.constant 1 : i32
      %dma_wait3A_1223 = arith.constant 0 : i32
      %dma_wait3A_1224 = arith.constant 0 : i32
      %dma_wait3A_1225 = tpu.memref_slice %arg14[%dma_wait3A_1222, %dma_wait3A_1223, %dma_wait3A_1224] : memref<2x128x128xf32, #tpu.memory_space<vmem>> -> memref<1x128x128xf32, #tpu.memory_space<vmem>>
      %dma_wait3A_1226 = tpu.memref_squeeze %dma_wait3A_1225 : memref<1x128x128xf32, #tpu.memory_space<vmem>> -> memref<128x128xf32, #tpu.memory_space<vmem>>
      %dma_wait3A_1227 = arith.constant 0 : i32
      %dma_wait3A_1228 = arith.constant 0 : i32
      %dma_wait3A_1229 = tpu.memref_slice %arg6[%dma_wait3A_1227, %dma_wait3A_1228] : memref<100000x128xf32, #tpu.memory_space<hbm>> -> memref<128x128xf32, #tpu.memory_space<hbm>>
      %dma_wait3A_1230 = arith.constant 0 : i32
      %dma_wait3A_1231 = arith.constant 0 : i32
      %dma_wait3A_1232 = tpu.memref_slice %arg14[%dma_wait3A_1222, %dma_wait3A_1230, %dma_wait3A_1231] : memref<2x128x128xf32, #tpu.memory_space<vmem>> -> memref<1x128x128xf32, #tpu.memory_space<vmem>>
      %dma_wait3A_1233 = tpu.memref_squeeze %dma_wait3A_1232 : memref<1x128x128xf32, #tpu.memory_space<vmem>> -> memref<128x128xf32, #tpu.memory_space<vmem>>
      %dma_wait3A_1234 = arith.constant 0 : i32
      %dma_wait3A_1235 = arith.constant 0 : i32
      %dma_wait3A_1236 = tpu.memref_slice %arg6[%dma_wait3A_1234, %dma_wait3A_1235] : memref<100000x128xf32, #tpu.memory_space<hbm>> -> memref<128x128xf32, #tpu.memory_space<hbm>>
      tpu.wait_dma2 semaphore(%arg18 : memref<!tpu.dma_semaphore, #tpu.memory_space<semaphore_mem>>) src(%dma_wait3A_1236 : memref<128x128xf32, #tpu.memory_space<hbm>>) dst(%dma_wait3A_1233 : memref<128x128xf32, #tpu.memory_space<vmem>>)
      %dma_wait3A_1237 = arith.constant 1 : i32
      %dma_wait3A_1238 = arith.constant 0 : i32
      %dma_wait3A_1239 = arith.constant 0 : i32
      %dma_wait3A_1240 = tpu.memref_slice %arg14[%dma_wait3A_1237, %dma_wait3A_1238, %dma_wait3A_1239] : memref<2x128x128xf32, #tpu.memory_space<vmem>> -> memref<1x128x128xf32, #tpu.memory_space<vmem>>
      %dma_wait3A_1241 = tpu.memref_squeeze %dma_wait3A_1240 : memref<1x128x128xf32, #tpu.memory_space<vmem>> -> memref<128x128xf32, #tpu.memory_space<vmem>>
      %dma_wait3A_1242 = arith.constant 0 : i32
      %dma_wait3A_1243 = arith.constant 0 : i32
      %dma_wait3A_1244 = tpu.memref_slice %arg6[%dma_wait3A_1242, %dma_wait3A_1243] : memref<100000x128xf32, #tpu.memory_space<hbm>> -> memref<128x128xf32, #tpu.memory_space<hbm>>
      %dma_wait3A_1245 = arith.constant 0 : i32
      %dma_wait3A_1246 = arith.constant 0 : i32
      %dma_wait3A_1247 = tpu.memref_slice %arg14[%dma_wait3A_1237, %dma_wait3A_1245, %dma_wait3A_1246] : memref<2x128x128xf32, #tpu.memory_space<vmem>> -> memref<1x128x128xf32, #tpu.memory_space<vmem>>
      %dma_wait3A_1248 = tpu.memref_squeeze %dma_wait3A_1247 : memref<1x128x128xf32, #tpu.memory_space<vmem>> -> memref<128x128xf32, #tpu.memory_space<vmem>>
      %dma_wait3A_1249 = arith.constant 0 : i32
      %dma_wait3A_1250 = arith.constant 0 : i32
      %dma_wait3A_1251 = tpu.memref_slice %arg6[%dma_wait3A_1249, %dma_wait3A_1250] : memref<100000x128xf32, #tpu.memory_space<hbm>> -> memref<128x128xf32, #tpu.memory_space<hbm>>
      tpu.wait_dma2 semaphore(%arg18 : memref<!tpu.dma_semaphore, #tpu.memory_space<semaphore_mem>>) src(%dma_wait3A_1251 : memref<128x128xf32, #tpu.memory_space<hbm>>) dst(%dma_wait3A_1248 : memref<128x128xf32, #tpu.memory_space<vmem>>)
      %dma_wait3A_1252 = arith.constant 1 : i32
      %dma_wait3A_1253 = arith.constant 0 : i32
      %dma_wait3A_1254 = arith.constant 0 : i32
      %dma_wait3A_1255 = tpu.memref_slice %arg14[%dma_wait3A_1252, %dma_wait3A_1253, %dma_wait3A_1254] : memref<2x128x128xf32, #tpu.memory_space<vmem>> -> memref<1x128x128xf32, #tpu.memory_space<vmem>>
      %dma_wait3A_1256 = tpu.memref_squeeze %dma_wait3A_1255 : memref<1x128x128xf32, #tpu.memory_space<vmem>> -> memref<128x128xf32, #tpu.memory_space<vmem>>
      %dma_wait3A_1257 = arith.constant 0 : i32
      %dma_wait3A_1258 = arith.constant 0 : i32
      %dma_wait3A_1259 = tpu.memref_slice %arg6[%dma_wait3A_1257, %dma_wait3A_1258] : memref<100000x128xf32, #tpu.memory_space<hbm>> -> memref<128x128xf32, #tpu.memory_space<hbm>>
      %dma_wait3A_1260 = arith.constant 0 : i32
      %dma_wait3A_1261 = arith.constant 0 : i32
      %dma_wait3A_1262 = tpu.memref_slice %arg14[%dma_wait3A_1252, %dma_wait3A_1260, %dma_wait3A_1261] : memref<2x128x128xf32, #tpu.memory_space<vmem>> -> memref<1x128x128xf32, #tpu.memory_space<vmem>>
      %dma_wait3A_1263 = tpu.memref_squeeze %dma_wait3A_1262 : memref<1x128x128xf32, #tpu.memory_space<vmem>> -> memref<128x128xf32, #tpu.memory_space<vmem>>
      %dma_wait3A_1264 = arith.constant 0 : i32
      %dma_wait3A_1265 = arith.constant 0 : i32
      %dma_wait3A_1266 = tpu.memref_slice %arg6[%dma_wait3A_1264, %dma_wait3A_1265] : memref<100000x128xf32, #tpu.memory_space<hbm>> -> memref<128x128xf32, #tpu.memory_space<hbm>>
      tpu.wait_dma2 semaphore(%arg18 : memref<!tpu.dma_semaphore, #tpu.memory_space<semaphore_mem>>) src(%dma_wait3A_1266 : memref<128x128xf32, #tpu.memory_space<hbm>>) dst(%dma_wait3A_1263 : memref<128x128xf32, #tpu.memory_space<vmem>>)
      %dma_wait3A_1267 = arith.constant 1 : i32
      %dma_wait3A_1268 = arith.constant 0 : i32
      %dma_wait3A_1269 = arith.constant 0 : i32
      %dma_wait3A_1270 = tpu.memref_slice %arg14[%dma_wait3A_1267, %dma_wait3A_1268, %dma_wait3A_1269] : memref<2x128x128xf32, #tpu.memory_space<vmem>> -> memref<1x128x128xf32, #tpu.memory_space<vmem>>
      %dma_wait3A_1271 = tpu.memref_squeeze %dma_wait3A_1270 : memref<1x128x128xf32, #tpu.memory_space<vmem>> -> memref<128x128xf32, #tpu.memory_space<vmem>>
      %dma_wait3A_1272 = arith.constant 0 : i32
      %dma_wait3A_1273 = arith.constant 0 : i32
      %dma_wait3A_1274 = tpu.memref_slice %arg6[%dma_wait3A_1272, %dma_wait3A_1273] : memref<100000x128xf32, #tpu.memory_space<hbm>> -> memref<128x128xf32, #tpu.memory_space<hbm>>
      %dma_wait3A_1275 = arith.constant 0 : i32
      %dma_wait3A_1276 = arith.constant 0 : i32
      %dma_wait3A_1277 = tpu.memref_slice %arg14[%dma_wait3A_1267, %dma_wait3A_1275, %dma_wait3A_1276] : memref<2x128x128xf32, #tpu.memory_space<vmem>> -> memref<1x128x128xf32, #tpu.memory_space<vmem>>
      %dma_wait3A_1278 = tpu.memref_squeeze %dma_wait3A_1277 : memref<1x128x128xf32, #tpu.memory_space<vmem>> -> memref<128x128xf32, #tpu.memory_space<vmem>>
      %dma_wait3A_1279 = arith.constant 0 : i32
      %dma_wait3A_1280 = arith.constant 0 : i32
      %dma_wait3A_1281 = tpu.memref_slice %arg6[%dma_wait3A_1279, %dma_wait3A_1280] : memref<100000x128xf32, #tpu.memory_space<hbm>> -> memref<128x128xf32, #tpu.memory_space<hbm>>
      tpu.wait_dma2 semaphore(%arg18 : memref<!tpu.dma_semaphore, #tpu.memory_space<semaphore_mem>>) src(%dma_wait3A_1281 : memref<128x128xf32, #tpu.memory_space<hbm>>) dst(%dma_wait3A_1278 : memref<128x128xf32, #tpu.memory_space<vmem>>)
      %dma_wait3A_1282 = arith.constant 1 : i32
      %dma_wait3A_1283 = arith.constant 0 : i32
      %dma_wait3A_1284 = arith.constant 0 : i32
      %dma_wait3A_1285 = tpu.memref_slice %arg14[%dma_wait3A_1282, %dma_wait3A_1283, %dma_wait3A_1284] : memref<2x128x128xf32, #tpu.memory_space<vmem>> -> memref<1x128x128xf32, #tpu.memory_space<vmem>>
      %dma_wait3A_1286 = tpu.memref_squeeze %dma_wait3A_1285 : memref<1x128x128xf32, #tpu.memory_space<vmem>> -> memref<128x128xf32, #tpu.memory_space<vmem>>
      %dma_wait3A_1287 = arith.constant 0 : i32
      %dma_wait3A_1288 = arith.constant 0 : i32
      %dma_wait3A_1289 = tpu.memref_slice %arg6[%dma_wait3A_1287, %dma_wait3A_1288] : memref<100000x128xf32, #tpu.memory_space<hbm>> -> memref<128x128xf32, #tpu.memory_space<hbm>>
      %dma_wait3A_1290 = arith.constant 0 : i32
      %dma_wait3A_1291 = arith.constant 0 : i32
      %dma_wait3A_1292 = tpu.memref_slice %arg14[%dma_wait3A_1282, %dma_wait3A_1290, %dma_wait3A_1291] : memref<2x128x128xf32, #tpu.memory_space<vmem>> -> memref<1x128x128xf32, #tpu.memory_space<vmem>>
      %dma_wait3A_1293 = tpu.memref_squeeze %dma_wait3A_1292 : memref<1x128x128xf32, #tpu.memory_space<vmem>> -> memref<128x128xf32, #tpu.memory_space<vmem>>
      %dma_wait3A_1294 = arith.constant 0 : i32
      %dma_wait3A_1295 = arith.constant 0 : i32
      %dma_wait3A_1296 = tpu.memref_slice %arg6[%dma_wait3A_1294, %dma_wait3A_1295] : memref<100000x128xf32, #tpu.memory_space<hbm>> -> memref<128x128xf32, #tpu.memory_space<hbm>>
      tpu.wait_dma2 semaphore(%arg18 : memref<!tpu.dma_semaphore, #tpu.memory_space<semaphore_mem>>) src(%dma_wait3A_1296 : memref<128x128xf32, #tpu.memory_space<hbm>>) dst(%dma_wait3A_1293 : memref<128x128xf32, #tpu.memory_space<vmem>>)
      %dma_wait3A_1297 = arith.constant 1 : i32
      %dma_wait3A_1298 = arith.constant 0 : i32
      %dma_wait3A_1299 = arith.constant 0 : i32
      %dma_wait3A_1300 = tpu.memref_slice %arg14[%dma_wait3A_1297, %dma_wait3A_1298, %dma_wait3A_1299] : memref<2x128x128xf32, #tpu.memory_space<vmem>> -> memref<1x128x128xf32, #tpu.memory_space<vmem>>
      %dma_wait3A_1301 = tpu.memref_squeeze %dma_wait3A_1300 : memref<1x128x128xf32, #tpu.memory_space<vmem>> -> memref<128x128xf32, #tpu.memory_space<vmem>>
      %dma_wait3A_1302 = arith.constant 0 : i32
      %dma_wait3A_1303 = arith.constant 0 : i32
      %dma_wait3A_1304 = tpu.memref_slice %arg6[%dma_wait3A_1302, %dma_wait3A_1303] : memref<100000x128xf32, #tpu.memory_space<hbm>> -> memref<128x128xf32, #tpu.memory_space<hbm>>
      %dma_wait3A_1305 = arith.constant 0 : i32
      %dma_wait3A_1306 = arith.constant 0 : i32
      %dma_wait3A_1307 = tpu.memref_slice %arg14[%dma_wait3A_1297, %dma_wait3A_1305, %dma_wait3A_1306] : memref<2x128x128xf32, #tpu.memory_space<vmem>> -> memref<1x128x128xf32, #tpu.memory_space<vmem>>
      %dma_wait3A_1308 = tpu.memref_squeeze %dma_wait3A_1307 : memref<1x128x128xf32, #tpu.memory_space<vmem>> -> memref<128x128xf32, #tpu.memory_space<vmem>>
      %dma_wait3A_1309 = arith.constant 0 : i32
      %dma_wait3A_1310 = arith.constant 0 : i32
      %dma_wait3A_1311 = tpu.memref_slice %arg6[%dma_wait3A_1309, %dma_wait3A_1310] : memref<100000x128xf32, #tpu.memory_space<hbm>> -> memref<128x128xf32, #tpu.memory_space<hbm>>
      tpu.wait_dma2 semaphore(%arg18 : memref<!tpu.dma_semaphore, #tpu.memory_space<semaphore_mem>>) src(%dma_wait3A_1311 : memref<128x128xf32, #tpu.memory_space<hbm>>) dst(%dma_wait3A_1308 : memref<128x128xf32, #tpu.memory_space<vmem>>)
      %dma_wait3A_1312 = arith.constant 1 : i32
      %dma_wait3A_1313 = arith.constant 0 : i32
      %dma_wait3A_1314 = arith.constant 0 : i32
      %dma_wait3A_1315 = tpu.memref_slice %arg14[%dma_wait3A_1312, %dma_wait3A_1313, %dma_wait3A_1314] : memref<2x128x128xf32, #tpu.memory_space<vmem>> -> memref<1x128x128xf32, #tpu.memory_space<vmem>>
      %dma_wait3A_1316 = tpu.memref_squeeze %dma_wait3A_1315 : memref<1x128x128xf32, #tpu.memory_space<vmem>> -> memref<128x128xf32, #tpu.memory_space<vmem>>
      %dma_wait3A_1317 = arith.constant 0 : i32
      %dma_wait3A_1318 = arith.constant 0 : i32
      %dma_wait3A_1319 = tpu.memref_slice %arg6[%dma_wait3A_1317, %dma_wait3A_1318] : memref<100000x128xf32, #tpu.memory_space<hbm>> -> memref<128x128xf32, #tpu.memory_space<hbm>>
      %dma_wait3A_1320 = arith.constant 0 : i32
      %dma_wait3A_1321 = arith.constant 0 : i32
      %dma_wait3A_1322 = tpu.memref_slice %arg14[%dma_wait3A_1312, %dma_wait3A_1320, %dma_wait3A_1321] : memref<2x128x128xf32, #tpu.memory_space<vmem>> -> memref<1x128x128xf32, #tpu.memory_space<vmem>>
      %dma_wait3A_1323 = tpu.memref_squeeze %dma_wait3A_1322 : memref<1x128x128xf32, #tpu.memory_space<vmem>> -> memref<128x128xf32, #tpu.memory_space<vmem>>
      %dma_wait3A_1324 = arith.constant 0 : i32
      %dma_wait3A_1325 = arith.constant 0 : i32
      %dma_wait3A_1326 = tpu.memref_slice %arg6[%dma_wait3A_1324, %dma_wait3A_1325] : memref<100000x128xf32, #tpu.memory_space<hbm>> -> memref<128x128xf32, #tpu.memory_space<hbm>>
      tpu.wait_dma2 semaphore(%arg18 : memref<!tpu.dma_semaphore, #tpu.memory_space<semaphore_mem>>) src(%dma_wait3A_1326 : memref<128x128xf32, #tpu.memory_space<hbm>>) dst(%dma_wait3A_1323 : memref<128x128xf32, #tpu.memory_space<vmem>>)
      %dma_wait3A_1327 = arith.constant 1 : i32
      %dma_wait3A_1328 = arith.constant 0 : i32
      %dma_wait3A_1329 = arith.constant 0 : i32
      %dma_wait3A_1330 = tpu.memref_slice %arg14[%dma_wait3A_1327, %dma_wait3A_1328, %dma_wait3A_1329] : memref<2x128x128xf32, #tpu.memory_space<vmem>> -> memref<1x128x128xf32, #tpu.memory_space<vmem>>
      %dma_wait3A_1331 = tpu.memref_squeeze %dma_wait3A_1330 : memref<1x128x128xf32, #tpu.memory_space<vmem>> -> memref<128x128xf32, #tpu.memory_space<vmem>>
      %dma_wait3A_1332 = arith.constant 0 : i32
      %dma_wait3A_1333 = arith.constant 0 : i32
      %dma_wait3A_1334 = tpu.memref_slice %arg6[%dma_wait3A_1332, %dma_wait3A_1333] : memref<100000x128xf32, #tpu.memory_space<hbm>> -> memref<128x128xf32, #tpu.memory_space<hbm>>
      %dma_wait3A_1335 = arith.constant 0 : i32
      %dma_wait3A_1336 = arith.constant 0 : i32
      %dma_wait3A_1337 = tpu.memref_slice %arg14[%dma_wait3A_1327, %dma_wait3A_1335, %dma_wait3A_1336] : memref<2x128x128xf32, #tpu.memory_space<vmem>> -> memref<1x128x128xf32, #tpu.memory_space<vmem>>
      %dma_wait3A_1338 = tpu.memref_squeeze %dma_wait3A_1337 : memref<1x128x128xf32, #tpu.memory_space<vmem>> -> memref<128x128xf32, #tpu.memory_space<vmem>>
      %dma_wait3A_1339 = arith.constant 0 : i32
      %dma_wait3A_1340 = arith.constant 0 : i32
      %dma_wait3A_1341 = tpu.memref_slice %arg6[%dma_wait3A_1339, %dma_wait3A_1340] : memref<100000x128xf32, #tpu.memory_space<hbm>> -> memref<128x128xf32, #tpu.memory_space<hbm>>
      tpu.wait_dma2 semaphore(%arg18 : memref<!tpu.dma_semaphore, #tpu.memory_space<semaphore_mem>>) src(%dma_wait3A_1341 : memref<128x128xf32, #tpu.memory_space<hbm>>) dst(%dma_wait3A_1338 : memref<128x128xf32, #tpu.memory_space<vmem>>)
      %dma_wait3A_1342 = arith.constant 1 : i32
      %dma_wait3A_1343 = arith.constant 0 : i32
      %dma_wait3A_1344 = arith.constant 0 : i32
      %dma_wait3A_1345 = tpu.memref_slice %arg14[%dma_wait3A_1342, %dma_wait3A_1343, %dma_wait3A_1344] : memref<2x128x128xf32, #tpu.memory_space<vmem>> -> memref<1x128x128xf32, #tpu.memory_space<vmem>>
      %dma_wait3A_1346 = tpu.memref_squeeze %dma_wait3A_1345 : memref<1x128x128xf32, #tpu.memory_space<vmem>> -> memref<128x128xf32, #tpu.memory_space<vmem>>
      %dma_wait3A_1347 = arith.constant 0 : i32
      %dma_wait3A_1348 = arith.constant 0 : i32
      %dma_wait3A_1349 = tpu.memref_slice %arg6[%dma_wait3A_1347, %dma_wait3A_1348] : memref<100000x128xf32, #tpu.memory_space<hbm>> -> memref<128x128xf32, #tpu.memory_space<hbm>>
      %dma_wait3A_1350 = arith.constant 0 : i32
      %dma_wait3A_1351 = arith.constant 0 : i32
      %dma_wait3A_1352 = tpu.memref_slice %arg14[%dma_wait3A_1342, %dma_wait3A_1350, %dma_wait3A_1351] : memref<2x128x128xf32, #tpu.memory_space<vmem>> -> memref<1x128x128xf32, #tpu.memory_space<vmem>>
      %dma_wait3A_1353 = tpu.memref_squeeze %dma_wait3A_1352 : memref<1x128x128xf32, #tpu.memory_space<vmem>> -> memref<128x128xf32, #tpu.memory_space<vmem>>
      %dma_wait3A_1354 = arith.constant 0 : i32
      %dma_wait3A_1355 = arith.constant 0 : i32
      %dma_wait3A_1356 = tpu.memref_slice %arg6[%dma_wait3A_1354, %dma_wait3A_1355] : memref<100000x128xf32, #tpu.memory_space<hbm>> -> memref<128x128xf32, #tpu.memory_space<hbm>>
      tpu.wait_dma2 semaphore(%arg18 : memref<!tpu.dma_semaphore, #tpu.memory_space<semaphore_mem>>) src(%dma_wait3A_1356 : memref<128x128xf32, #tpu.memory_space<hbm>>) dst(%dma_wait3A_1353 : memref<128x128xf32, #tpu.memory_space<vmem>>)
      %dma_wait3A_1357 = arith.constant 1 : i32
      %dma_wait3A_1358 = arith.constant 0 : i32
      %dma_wait3A_1359 = arith.constant 0 : i32
      %dma_wait3A_1360 = tpu.memref_slice %arg14[%dma_wait3A_1357, %dma_wait3A_1358, %dma_wait3A_1359] : memref<2x128x128xf32, #tpu.memory_space<vmem>> -> memref<1x128x128xf32, #tpu.memory_space<vmem>>
      %dma_wait3A_1361 = tpu.memref_squeeze %dma_wait3A_1360 : memref<1x128x128xf32, #tpu.memory_space<vmem>> -> memref<128x128xf32, #tpu.memory_space<vmem>>
      %dma_wait3A_1362 = arith.constant 0 : i32
      %dma_wait3A_1363 = arith.constant 0 : i32
      %dma_wait3A_1364 = tpu.memref_slice %arg6[%dma_wait3A_1362, %dma_wait3A_1363] : memref<100000x128xf32, #tpu.memory_space<hbm>> -> memref<128x128xf32, #tpu.memory_space<hbm>>
      %dma_wait3A_1365 = arith.constant 0 : i32
      %dma_wait3A_1366 = arith.constant 0 : i32
      %dma_wait3A_1367 = tpu.memref_slice %arg14[%dma_wait3A_1357, %dma_wait3A_1365, %dma_wait3A_1366] : memref<2x128x128xf32, #tpu.memory_space<vmem>> -> memref<1x128x128xf32, #tpu.memory_space<vmem>>
      %dma_wait3A_1368 = tpu.memref_squeeze %dma_wait3A_1367 : memref<1x128x128xf32, #tpu.memory_space<vmem>> -> memref<128x128xf32, #tpu.memory_space<vmem>>
      %dma_wait3A_1369 = arith.constant 0 : i32
      %dma_wait3A_1370 = arith.constant 0 : i32
      %dma_wait3A_1371 = tpu.memref_slice %arg6[%dma_wait3A_1369, %dma_wait3A_1370] : memref<100000x128xf32, #tpu.memory_space<hbm>> -> memref<128x128xf32, #tpu.memory_space<hbm>>
      tpu.wait_dma2 semaphore(%arg18 : memref<!tpu.dma_semaphore, #tpu.memory_space<semaphore_mem>>) src(%dma_wait3A_1371 : memref<128x128xf32, #tpu.memory_space<hbm>>) dst(%dma_wait3A_1368 : memref<128x128xf32, #tpu.memory_space<vmem>>)
      %dma_wait3A_1372 = arith.constant 1 : i32
      %dma_wait3A_1373 = arith.constant 0 : i32
      %dma_wait3A_1374 = arith.constant 0 : i32
      %dma_wait3A_1375 = tpu.memref_slice %arg14[%dma_wait3A_1372, %dma_wait3A_1373, %dma_wait3A_1374] : memref<2x128x128xf32, #tpu.memory_space<vmem>> -> memref<1x128x128xf32, #tpu.memory_space<vmem>>
      %dma_wait3A_1376 = tpu.memref_squeeze %dma_wait3A_1375 : memref<1x128x128xf32, #tpu.memory_space<vmem>> -> memref<128x128xf32, #tpu.memory_space<vmem>>
      %dma_wait3A_1377 = arith.constant 0 : i32
      %dma_wait3A_1378 = arith.constant 0 : i32
      %dma_wait3A_1379 = tpu.memref_slice %arg6[%dma_wait3A_1377, %dma_wait3A_1378] : memref<100000x128xf32, #tpu.memory_space<hbm>> -> memref<128x128xf32, #tpu.memory_space<hbm>>
      %dma_wait3A_1380 = arith.constant 0 : i32
      %dma_wait3A_1381 = arith.constant 0 : i32
      %dma_wait3A_1382 = tpu.memref_slice %arg14[%dma_wait3A_1372, %dma_wait3A_1380, %dma_wait3A_1381] : memref<2x128x128xf32, #tpu.memory_space<vmem>> -> memref<1x128x128xf32, #tpu.memory_space<vmem>>
      %dma_wait3A_1383 = tpu.memref_squeeze %dma_wait3A_1382 : memref<1x128x128xf32, #tpu.memory_space<vmem>> -> memref<128x128xf32, #tpu.memory_space<vmem>>
      %dma_wait3A_1384 = arith.constant 0 : i32
      %dma_wait3A_1385 = arith.constant 0 : i32
      %dma_wait3A_1386 = tpu.memref_slice %arg6[%dma_wait3A_1384, %dma_wait3A_1385] : memref<100000x128xf32, #tpu.memory_space<hbm>> -> memref<128x128xf32, #tpu.memory_space<hbm>>
      tpu.wait_dma2 semaphore(%arg18 : memref<!tpu.dma_semaphore, #tpu.memory_space<semaphore_mem>>) src(%dma_wait3A_1386 : memref<128x128xf32, #tpu.memory_space<hbm>>) dst(%dma_wait3A_1383 : memref<128x128xf32, #tpu.memory_space<vmem>>)
      %mul3A_1387 = arith.constant 2 : i32
      %mul3A_1388 = arith.muli %mul3A_1387, %scan3A_427 : i32
      %add3A_1389 = arith.constant 1 : i32
      %add3A_1390 = arith.addi %mul3A_1388, %add3A_1389 : i32
      %scan3A_1391 = arith.constant 0 : i32
      %scan3A_1392 = arith.constant 1 : i32
      %scan3A_1393 = arith.constant 1 : i32
      %scan3A_1394 = arith.constant 1 : i32
      %scan3A_1395 = arith.constant 0 : i32
      %scan3A_1396 = arith.constant 128 : i32
      %scan3A_1397 = arith.addi %scan3A_1395, %scan3A_1396 : i32
      %scan3A_1398 = arith.constant 1 : i32
      scf.for %scan3A_1400 = %scan3A_1395 to %scan3A_1397 step %scan3A_1398  : i32 {
        %get3A = arith.constant 0 : i32
        %get3A_1401 = arith.constant 0 : i32
        %get3A_1402 = tpu.memref_slice %arg12[%scan3A_1392, %get3A, %get3A_1401] : memref<2x128x128xf32, #tpu.memory_space<vmem>> -> memref<1x128x128xf32, #tpu.memory_space<vmem>>
        %get3A_1403 = tpu.memref_squeeze %get3A_1402 : memref<1x128x128xf32, #tpu.memory_space<vmem>> -> memref<128x128xf32, #tpu.memory_space<vmem>>
        %get3A_1404 = arith.index_cast %scan3A_1400 : i32 to index
        %get3A_1405 = arith.constant 0 : index
        %get3A_1406 = tpu.vector_load %get3A_1403[%get3A_1404, %get3A_1405] {strides = array<i32>} : memref<128x128xf32, #tpu.memory_space<vmem>>, vector<1x16xf32>,
        %get3A_1407 = vector.shape_cast %get3A_1406 : vector<1x16xf32> to vector<16xf32>
        %get3A_1408 = arith.constant 0 : i32
        %get3A_1409 = arith.constant 0 : i32
        %get3A_1410 = tpu.memref_slice %arg12[%scan3A_1392, %get3A_1408, %get3A_1409] : memref<2x128x128xf32, #tpu.memory_space<vmem>> -> memref<1x128x128xf32, #tpu.memory_space<vmem>>
        %get3A_1411 = tpu.memref_squeeze %get3A_1410 : memref<1x128x128xf32, #tpu.memory_space<vmem>> -> memref<128x128xf32, #tpu.memory_space<vmem>>
        %get3A_1412 = arith.index_cast %scan3A_1400 : i32 to index
        %get3A_1413 = arith.constant 16 : index
        %get3A_1414 = tpu.vector_load %get3A_1411[%get3A_1412, %get3A_1413] {strides = array<i32>} : memref<128x128xf32, #tpu.memory_space<vmem>>, vector<1x16xf32>,
        %get3A_1415 = vector.shape_cast %get3A_1414 : vector<1x16xf32> to vector<16xf32>
        %get3A_1416 = arith.constant 0 : i32
        %get3A_1417 = arith.constant 0 : i32
        %get3A_1418 = tpu.memref_slice %arg12[%scan3A_1392, %get3A_1416, %get3A_1417] : memref<2x128x128xf32, #tpu.memory_space<vmem>> -> memref<1x128x128xf32, #tpu.memory_space<vmem>>
        %get3A_1419 = tpu.memref_squeeze %get3A_1418 : memref<1x128x128xf32, #tpu.memory_space<vmem>> -> memref<128x128xf32, #tpu.memory_space<vmem>>
        %get3A_1420 = arith.index_cast %scan3A_1400 : i32 to index
        %get3A_1421 = arith.constant 32 : index
        %get3A_1422 = tpu.vector_load %get3A_1419[%get3A_1420, %get3A_1421] {strides = array<i32>} : memref<128x128xf32, #tpu.memory_space<vmem>>, vector<1x16xf32>,
        %get3A_1423 = vector.shape_cast %get3A_1422 : vector<1x16xf32> to vector<16xf32>
        %get3A_1424 = arith.constant 0 : i32
        %get3A_1425 = arith.constant 0 : i32
        %get3A_1426 = tpu.memref_slice %arg12[%scan3A_1392, %get3A_1424, %get3A_1425] : memref<2x128x128xf32, #tpu.memory_space<vmem>> -> memref<1x128x128xf32, #tpu.memory_space<vmem>>
        %get3A_1427 = tpu.memref_squeeze %get3A_1426 : memref<1x128x128xf32, #tpu.memory_space<vmem>> -> memref<128x128xf32, #tpu.memory_space<vmem>>
        %get3A_1428 = arith.index_cast %scan3A_1400 : i32 to index
        %get3A_1429 = arith.constant 48 : index
        %get3A_1430 = tpu.vector_load %get3A_1427[%get3A_1428, %get3A_1429] {strides = array<i32>} : memref<128x128xf32, #tpu.memory_space<vmem>>, vector<1x16xf32>,
        %get3A_1431 = vector.shape_cast %get3A_1430 : vector<1x16xf32> to vector<16xf32>
        %get3A_1432 = arith.constant 0 : i32
        %get3A_1433 = arith.constant 0 : i32
        %get3A_1434 = tpu.memref_slice %arg12[%scan3A_1392, %get3A_1432, %get3A_1433] : memref<2x128x128xf32, #tpu.memory_space<vmem>> -> memref<1x128x128xf32, #tpu.memory_space<vmem>>
        %get3A_1435 = tpu.memref_squeeze %get3A_1434 : memref<1x128x128xf32, #tpu.memory_space<vmem>> -> memref<128x128xf32, #tpu.memory_space<vmem>>
        %get3A_1436 = arith.index_cast %scan3A_1400 : i32 to index
        %get3A_1437 = arith.constant 64 : index
        %get3A_1438 = tpu.vector_load %get3A_1435[%get3A_1436, %get3A_1437] {strides = array<i32>} : memref<128x128xf32, #tpu.memory_space<vmem>>, vector<1x16xf32>,
        %get3A_1439 = vector.shape_cast %get3A_1438 : vector<1x16xf32> to vector<16xf32>
        %get3A_1440 = arith.constant 0 : i32
        %get3A_1441 = arith.constant 0 : i32
        %get3A_1442 = tpu.memref_slice %arg12[%scan3A_1392, %get3A_1440, %get3A_1441] : memref<2x128x128xf32, #tpu.memory_space<vmem>> -> memref<1x128x128xf32, #tpu.memory_space<vmem>>
        %get3A_1443 = tpu.memref_squeeze %get3A_1442 : memref<1x128x128xf32, #tpu.memory_space<vmem>> -> memref<128x128xf32, #tpu.memory_space<vmem>>
        %get3A_1444 = arith.index_cast %scan3A_1400 : i32 to index
        %get3A_1445 = arith.constant 80 : index
        %get3A_1446 = tpu.vector_load %get3A_1443[%get3A_1444, %get3A_1445] {strides = array<i32>} : memref<128x128xf32, #tpu.memory_space<vmem>>, vector<1x16xf32>,
        %get3A_1447 = vector.shape_cast %get3A_1446 : vector<1x16xf32> to vector<16xf32>
        %get3A_1448 = arith.constant 0 : i32
        %get3A_1449 = arith.constant 0 : i32
        %get3A_1450 = tpu.memref_slice %arg12[%scan3A_1392, %get3A_1448, %get3A_1449] : memref<2x128x128xf32, #tpu.memory_space<vmem>> -> memref<1x128x128xf32, #tpu.memory_space<vmem>>
        %get3A_1451 = tpu.memref_squeeze %get3A_1450 : memref<1x128x128xf32, #tpu.memory_space<vmem>> -> memref<128x128xf32, #tpu.memory_space<vmem>>
        %get3A_1452 = arith.index_cast %scan3A_1400 : i32 to index
        %get3A_1453 = arith.constant 96 : index
        %get3A_1454 = tpu.vector_load %get3A_1451[%get3A_1452, %get3A_1453] {strides = array<i32>} : memref<128x128xf32, #tpu.memory_space<vmem>>, vector<1x16xf32>,
        %get3A_1455 = vector.shape_cast %get3A_1454 : vector<1x16xf32> to vector<16xf32>
        %get3A_1456 = arith.constant 0 : i32
        %get3A_1457 = arith.constant 0 : i32
        %get3A_1458 = tpu.memref_slice %arg12[%scan3A_1392, %get3A_1456, %get3A_1457] : memref<2x128x128xf32, #tpu.memory_space<vmem>> -> memref<1x128x128xf32, #tpu.memory_space<vmem>>
        %get3A_1459 = tpu.memref_squeeze %get3A_1458 : memref<1x128x128xf32, #tpu.memory_space<vmem>> -> memref<128x128xf32, #tpu.memory_space<vmem>>
        %get3A_1460 = arith.index_cast %scan3A_1400 : i32 to index
        %get3A_1461 = arith.constant 112 : index
        %get3A_1462 = tpu.vector_load %get3A_1459[%get3A_1460, %get3A_1461] {strides = array<i32>} : memref<128x128xf32, #tpu.memory_space<vmem>>, vector<1x16xf32>,
        %get3A_1463 = vector.shape_cast %get3A_1462 : vector<1x16xf32> to vector<16xf32>
        %get3A_1464 = arith.constant 0 : i32
        %get3A_1465 = arith.constant 0 : i32
        %get3A_1466 = tpu.memref_slice %arg13[%scan3A_1393, %get3A_1464, %get3A_1465] : memref<2x128x128xf32, #tpu.memory_space<vmem>> -> memref<1x128x128xf32, #tpu.memory_space<vmem>>
        %get3A_1467 = tpu.memref_squeeze %get3A_1466 : memref<1x128x128xf32, #tpu.memory_space<vmem>> -> memref<128x128xf32, #tpu.memory_space<vmem>>
        %get3A_1468 = arith.index_cast %scan3A_1400 : i32 to index
        %get3A_1469 = arith.constant 0 : index
        %get3A_1470 = tpu.vector_load %get3A_1467[%get3A_1468, %get3A_1469] {strides = array<i32>} : memref<128x128xf32, #tpu.memory_space<vmem>>, vector<1x16xf32>,
        %get3A_1471 = vector.shape_cast %get3A_1470 : vector<1x16xf32> to vector<16xf32>
        %mul3A_1472 = arith.mulf %get3A_1407, %get3A_1471 : vector<16xf32>
        %get3A_1473 = arith.constant 0 : i32
        %get3A_1474 = arith.constant 0 : i32
        %get3A_1475 = tpu.memref_slice %arg13[%scan3A_1393, %get3A_1473, %get3A_1474] : memref<2x128x128xf32, #tpu.memory_space<vmem>> -> memref<1x128x128xf32, #tpu.memory_space<vmem>>
        %get3A_1476 = tpu.memref_squeeze %get3A_1475 : memref<1x128x128xf32, #tpu.memory_space<vmem>> -> memref<128x128xf32, #tpu.memory_space<vmem>>
        %get3A_1477 = arith.index_cast %scan3A_1400 : i32 to index
        %get3A_1478 = arith.constant 16 : index
        %get3A_1479 = tpu.vector_load %get3A_1476[%get3A_1477, %get3A_1478] {strides = array<i32>} : memref<128x128xf32, #tpu.memory_space<vmem>>, vector<1x16xf32>,
        %get3A_1480 = vector.shape_cast %get3A_1479 : vector<1x16xf32> to vector<16xf32>
        %mul3A_1481 = arith.mulf %get3A_1415, %get3A_1480 : vector<16xf32>
        %add3A_1482 = arith.addf %mul3A_1472, %mul3A_1481 : vector<16xf32>
        %get3A_1483 = arith.constant 0 : i32
        %get3A_1484 = arith.constant 0 : i32
        %get3A_1485 = tpu.memref_slice %arg13[%scan3A_1393, %get3A_1483, %get3A_1484] : memref<2x128x128xf32, #tpu.memory_space<vmem>> -> memref<1x128x128xf32, #tpu.memory_space<vmem>>
        %get3A_1486 = tpu.memref_squeeze %get3A_1485 : memref<1x128x128xf32, #tpu.memory_space<vmem>> -> memref<128x128xf32, #tpu.memory_space<vmem>>
        %get3A_1487 = arith.index_cast %scan3A_1400 : i32 to index
        %get3A_1488 = arith.constant 32 : index
        %get3A_1489 = tpu.vector_load %get3A_1486[%get3A_1487, %get3A_1488] {strides = array<i32>} : memref<128x128xf32, #tpu.memory_space<vmem>>, vector<1x16xf32>,
        %get3A_1490 = vector.shape_cast %get3A_1489 : vector<1x16xf32> to vector<16xf32>
        %mul3A_1491 = arith.mulf %get3A_1423, %get3A_1490 : vector<16xf32>
        %add3A_1492 = arith.addf %add3A_1482, %mul3A_1491 : vector<16xf32>
        %get3A_1493 = arith.constant 0 : i32
        %get3A_1494 = arith.constant 0 : i32
        %get3A_1495 = tpu.memref_slice %arg13[%scan3A_1393, %get3A_1493, %get3A_1494] : memref<2x128x128xf32, #tpu.memory_space<vmem>> -> memref<1x128x128xf32, #tpu.memory_space<vmem>>
        %get3A_1496 = tpu.memref_squeeze %get3A_1495 : memref<1x128x128xf32, #tpu.memory_space<vmem>> -> memref<128x128xf32, #tpu.memory_space<vmem>>
        %get3A_1497 = arith.index_cast %scan3A_1400 : i32 to index
        %get3A_1498 = arith.constant 48 : index
        %get3A_1499 = tpu.vector_load %get3A_1496[%get3A_1497, %get3A_1498] {strides = array<i32>} : memref<128x128xf32, #tpu.memory_space<vmem>>, vector<1x16xf32>,
        %get3A_1500 = vector.shape_cast %get3A_1499 : vector<1x16xf32> to vector<16xf32>
        %mul3A_1501 = arith.mulf %get3A_1431, %get3A_1500 : vector<16xf32>
        %add3A_1502 = arith.addf %add3A_1492, %mul3A_1501 : vector<16xf32>
        %get3A_1503 = arith.constant 0 : i32
        %get3A_1504 = arith.constant 0 : i32
        %get3A_1505 = tpu.memref_slice %arg13[%scan3A_1393, %get3A_1503, %get3A_1504] : memref<2x128x128xf32, #tpu.memory_space<vmem>> -> memref<1x128x128xf32, #tpu.memory_space<vmem>>
        %get3A_1506 = tpu.memref_squeeze %get3A_1505 : memref<1x128x128xf32, #tpu.memory_space<vmem>> -> memref<128x128xf32, #tpu.memory_space<vmem>>
        %get3A_1507 = arith.index_cast %scan3A_1400 : i32 to index
        %get3A_1508 = arith.constant 64 : index
        %get3A_1509 = tpu.vector_load %get3A_1506[%get3A_1507, %get3A_1508] {strides = array<i32>} : memref<128x128xf32, #tpu.memory_space<vmem>>, vector<1x16xf32>,
        %get3A_1510 = vector.shape_cast %get3A_1509 : vector<1x16xf32> to vector<16xf32>
        %mul3A_1511 = arith.mulf %get3A_1439, %get3A_1510 : vector<16xf32>
        %add3A_1512 = arith.addf %add3A_1502, %mul3A_1511 : vector<16xf32>
        %get3A_1513 = arith.constant 0 : i32
        %get3A_1514 = arith.constant 0 : i32
        %get3A_1515 = tpu.memref_slice %arg13[%scan3A_1393, %get3A_1513, %get3A_1514] : memref<2x128x128xf32, #tpu.memory_space<vmem>> -> memref<1x128x128xf32, #tpu.memory_space<vmem>>
        %get3A_1516 = tpu.memref_squeeze %get3A_1515 : memref<1x128x128xf32, #tpu.memory_space<vmem>> -> memref<128x128xf32, #tpu.memory_space<vmem>>
        %get3A_1517 = arith.index_cast %scan3A_1400 : i32 to index
        %get3A_1518 = arith.constant 80 : index
        %get3A_1519 = tpu.vector_load %get3A_1516[%get3A_1517, %get3A_1518] {strides = array<i32>} : memref<128x128xf32, #tpu.memory_space<vmem>>, vector<1x16xf32>,
        %get3A_1520 = vector.shape_cast %get3A_1519 : vector<1x16xf32> to vector<16xf32>
        %mul3A_1521 = arith.mulf %get3A_1447, %get3A_1520 : vector<16xf32>
        %add3A_1522 = arith.addf %add3A_1512, %mul3A_1521 : vector<16xf32>
        %get3A_1523 = arith.constant 0 : i32
        %get3A_1524 = arith.constant 0 : i32
        %get3A_1525 = tpu.memref_slice %arg13[%scan3A_1393, %get3A_1523, %get3A_1524] : memref<2x128x128xf32, #tpu.memory_space<vmem>> -> memref<1x128x128xf32, #tpu.memory_space<vmem>>
        %get3A_1526 = tpu.memref_squeeze %get3A_1525 : memref<1x128x128xf32, #tpu.memory_space<vmem>> -> memref<128x128xf32, #tpu.memory_space<vmem>>
        %get3A_1527 = arith.index_cast %scan3A_1400 : i32 to index
        %get3A_1528 = arith.constant 96 : index
        %get3A_1529 = tpu.vector_load %get3A_1526[%get3A_1527, %get3A_1528] {strides = array<i32>} : memref<128x128xf32, #tpu.memory_space<vmem>>, vector<1x16xf32>,
        %get3A_1530 = vector.shape_cast %get3A_1529 : vector<1x16xf32> to vector<16xf32>
        %mul3A_1531 = arith.mulf %get3A_1455, %get3A_1530 : vector<16xf32>
        %add3A_1532 = arith.addf %add3A_1522, %mul3A_1531 : vector<16xf32>
        %get3A_1533 = arith.constant 0 : i32
        %get3A_1534 = arith.constant 0 : i32
        %get3A_1535 = tpu.memref_slice %arg13[%scan3A_1393, %get3A_1533, %get3A_1534] : memref<2x128x128xf32, #tpu.memory_space<vmem>> -> memref<1x128x128xf32, #tpu.memory_space<vmem>>
        %get3A_1536 = tpu.memref_squeeze %get3A_1535 : memref<1x128x128xf32, #tpu.memory_space<vmem>> -> memref<128x128xf32, #tpu.memory_space<vmem>>
        %get3A_1537 = arith.index_cast %scan3A_1400 : i32 to index
        %get3A_1538 = arith.constant 112 : index
        %get3A_1539 = tpu.vector_load %get3A_1536[%get3A_1537, %get3A_1538] {strides = array<i32>} : memref<128x128xf32, #tpu.memory_space<vmem>>, vector<1x16xf32>,
        %get3A_1540 = vector.shape_cast %get3A_1539 : vector<1x16xf32> to vector<16xf32>
        %mul3A_1541 = arith.mulf %get3A_1463, %get3A_1540 : vector<16xf32>
        %add3A_1542 = arith.addf %add3A_1532, %mul3A_1541 : vector<16xf32>
        %get3A_1543 = arith.constant 0 : i32
        %get3A_1544 = arith.constant 0 : i32
        %get3A_1545 = tpu.memref_slice %arg14[%scan3A_1394, %get3A_1543, %get3A_1544] : memref<2x128x128xf32, #tpu.memory_space<vmem>> -> memref<1x128x128xf32, #tpu.memory_space<vmem>>
        %get3A_1546 = tpu.memref_squeeze %get3A_1545 : memref<1x128x128xf32, #tpu.memory_space<vmem>> -> memref<128x128xf32, #tpu.memory_space<vmem>>
        %get3A_1547 = arith.index_cast %scan3A_1400 : i32 to index
        %get3A_1548 = arith.constant 0 : index
        %get3A_1549 = tpu.vector_load %get3A_1546[%get3A_1547, %get3A_1548] {strides = array<i32>} : memref<128x128xf32, #tpu.memory_space<vmem>>, vector<1x16xf32>,
        %get3A_1550 = vector.shape_cast %get3A_1549 : vector<1x16xf32> to vector<16xf32>
        %mul3A_1551 = arith.mulf %get3A_1407, %get3A_1550 : vector<16xf32>
        %get3A_1552 = arith.constant 0 : i32
        %get3A_1553 = arith.constant 0 : i32
        %get3A_1554 = tpu.memref_slice %arg14[%scan3A_1394, %get3A_1552, %get3A_1553] : memref<2x128x128xf32, #tpu.memory_space<vmem>> -> memref<1x128x128xf32, #tpu.memory_space<vmem>>
        %get3A_1555 = tpu.memref_squeeze %get3A_1554 : memref<1x128x128xf32, #tpu.memory_space<vmem>> -> memref<128x128xf32, #tpu.memory_space<vmem>>
        %get3A_1556 = arith.index_cast %scan3A_1400 : i32 to index
        %get3A_1557 = arith.constant 16 : index
        %get3A_1558 = tpu.vector_load %get3A_1555[%get3A_1556, %get3A_1557] {strides = array<i32>} : memref<128x128xf32, #tpu.memory_space<vmem>>, vector<1x16xf32>,
        %get3A_1559 = vector.shape_cast %get3A_1558 : vector<1x16xf32> to vector<16xf32>
        %mul3A_1560 = arith.mulf %get3A_1415, %get3A_1559 : vector<16xf32>
        %add3A_1561 = arith.addf %mul3A_1551, %mul3A_1560 : vector<16xf32>
        %get3A_1562 = arith.constant 0 : i32
        %get3A_1563 = arith.constant 0 : i32
        %get3A_1564 = tpu.memref_slice %arg14[%scan3A_1394, %get3A_1562, %get3A_1563] : memref<2x128x128xf32, #tpu.memory_space<vmem>> -> memref<1x128x128xf32, #tpu.memory_space<vmem>>
        %get3A_1565 = tpu.memref_squeeze %get3A_1564 : memref<1x128x128xf32, #tpu.memory_space<vmem>> -> memref<128x128xf32, #tpu.memory_space<vmem>>
        %get3A_1566 = arith.index_cast %scan3A_1400 : i32 to index
        %get3A_1567 = arith.constant 32 : index
        %get3A_1568 = tpu.vector_load %get3A_1565[%get3A_1566, %get3A_1567] {strides = array<i32>} : memref<128x128xf32, #tpu.memory_space<vmem>>, vector<1x16xf32>,
        %get3A_1569 = vector.shape_cast %get3A_1568 : vector<1x16xf32> to vector<16xf32>
        %mul3A_1570 = arith.mulf %get3A_1423, %get3A_1569 : vector<16xf32>
        %add3A_1571 = arith.addf %add3A_1561, %mul3A_1570 : vector<16xf32>
        %get3A_1572 = arith.constant 0 : i32
        %get3A_1573 = arith.constant 0 : i32
        %get3A_1574 = tpu.memref_slice %arg14[%scan3A_1394, %get3A_1572, %get3A_1573] : memref<2x128x128xf32, #tpu.memory_space<vmem>> -> memref<1x128x128xf32, #tpu.memory_space<vmem>>
        %get3A_1575 = tpu.memref_squeeze %get3A_1574 : memref<1x128x128xf32, #tpu.memory_space<vmem>> -> memref<128x128xf32, #tpu.memory_space<vmem>>
        %get3A_1576 = arith.index_cast %scan3A_1400 : i32 to index
        %get3A_1577 = arith.constant 48 : index
        %get3A_1578 = tpu.vector_load %get3A_1575[%get3A_1576, %get3A_1577] {strides = array<i32>} : memref<128x128xf32, #tpu.memory_space<vmem>>, vector<1x16xf32>,
        %get3A_1579 = vector.shape_cast %get3A_1578 : vector<1x16xf32> to vector<16xf32>
        %mul3A_1580 = arith.mulf %get3A_1431, %get3A_1579 : vector<16xf32>
        %add3A_1581 = arith.addf %add3A_1571, %mul3A_1580 : vector<16xf32>
        %get3A_1582 = arith.constant 0 : i32
        %get3A_1583 = arith.constant 0 : i32
        %get3A_1584 = tpu.memref_slice %arg14[%scan3A_1394, %get3A_1582, %get3A_1583] : memref<2x128x128xf32, #tpu.memory_space<vmem>> -> memref<1x128x128xf32, #tpu.memory_space<vmem>>
        %get3A_1585 = tpu.memref_squeeze %get3A_1584 : memref<1x128x128xf32, #tpu.memory_space<vmem>> -> memref<128x128xf32, #tpu.memory_space<vmem>>
        %get3A_1586 = arith.index_cast %scan3A_1400 : i32 to index
        %get3A_1587 = arith.constant 64 : index
        %get3A_1588 = tpu.vector_load %get3A_1585[%get3A_1586, %get3A_1587] {strides = array<i32>} : memref<128x128xf32, #tpu.memory_space<vmem>>, vector<1x16xf32>,
        %get3A_1589 = vector.shape_cast %get3A_1588 : vector<1x16xf32> to vector<16xf32>
        %mul3A_1590 = arith.mulf %get3A_1439, %get3A_1589 : vector<16xf32>
        %add3A_1591 = arith.addf %add3A_1581, %mul3A_1590 : vector<16xf32>
        %get3A_1592 = arith.constant 0 : i32
        %get3A_1593 = arith.constant 0 : i32
        %get3A_1594 = tpu.memref_slice %arg14[%scan3A_1394, %get3A_1592, %get3A_1593] : memref<2x128x128xf32, #tpu.memory_space<vmem>> -> memref<1x128x128xf32, #tpu.memory_space<vmem>>
        %get3A_1595 = tpu.memref_squeeze %get3A_1594 : memref<1x128x128xf32, #tpu.memory_space<vmem>> -> memref<128x128xf32, #tpu.memory_space<vmem>>
        %get3A_1596 = arith.index_cast %scan3A_1400 : i32 to index
        %get3A_1597 = arith.constant 80 : index
        %get3A_1598 = tpu.vector_load %get3A_1595[%get3A_1596, %get3A_1597] {strides = array<i32>} : memref<128x128xf32, #tpu.memory_space<vmem>>, vector<1x16xf32>,
        %get3A_1599 = vector.shape_cast %get3A_1598 : vector<1x16xf32> to vector<16xf32>
        %mul3A_1600 = arith.mulf %get3A_1447, %get3A_1599 : vector<16xf32>
        %add3A_1601 = arith.addf %add3A_1591, %mul3A_1600 : vector<16xf32>
        %get3A_1602 = arith.constant 0 : i32
        %get3A_1603 = arith.constant 0 : i32
        %get3A_1604 = tpu.memref_slice %arg14[%scan3A_1394, %get3A_1602, %get3A_1603] : memref<2x128x128xf32, #tpu.memory_space<vmem>> -> memref<1x128x128xf32, #tpu.memory_space<vmem>>
        %get3A_1605 = tpu.memref_squeeze %get3A_1604 : memref<1x128x128xf32, #tpu.memory_space<vmem>> -> memref<128x128xf32, #tpu.memory_space<vmem>>
        %get3A_1606 = arith.index_cast %scan3A_1400 : i32 to index
        %get3A_1607 = arith.constant 96 : index
        %get3A_1608 = tpu.vector_load %get3A_1605[%get3A_1606, %get3A_1607] {strides = array<i32>} : memref<128x128xf32, #tpu.memory_space<vmem>>, vector<1x16xf32>,
        %get3A_1609 = vector.shape_cast %get3A_1608 : vector<1x16xf32> to vector<16xf32>
        %mul3A_1610 = arith.mulf %get3A_1455, %get3A_1609 : vector<16xf32>
        %add3A_1611 = arith.addf %add3A_1601, %mul3A_1610 : vector<16xf32>
        %get3A_1612 = arith.constant 0 : i32
        %get3A_1613 = arith.constant 0 : i32
        %get3A_1614 = tpu.memref_slice %arg14[%scan3A_1394, %get3A_1612, %get3A_1613] : memref<2x128x128xf32, #tpu.memory_space<vmem>> -> memref<1x128x128xf32, #tpu.memory_space<vmem>>
        %get3A_1615 = tpu.memref_squeeze %get3A_1614 : memref<1x128x128xf32, #tpu.memory_space<vmem>> -> memref<128x128xf32, #tpu.memory_space<vmem>>
        %get3A_1616 = arith.index_cast %scan3A_1400 : i32 to index
        %get3A_1617 = arith.constant 112 : index
        %get3A_1618 = tpu.vector_load %get3A_1615[%get3A_1616, %get3A_1617] {strides = array<i32>} : memref<128x128xf32, #tpu.memory_space<vmem>>, vector<1x16xf32>,
        %get3A_1619 = vector.shape_cast %get3A_1618 : vector<1x16xf32> to vector<16xf32>
        %mul3A_1620 = arith.mulf %get3A_1463, %get3A_1619 : vector<16xf32>
        %add3A_1621 = arith.addf %add3A_1611, %mul3A_1620 : vector<16xf32>
        %swap3A = arith.constant 0 : i32
        %swap3A_1622 = arith.constant 0 : i32
        %swap3A_1623 = tpu.memref_slice %arg14[%scan3A_1394, %swap3A, %swap3A_1622] : memref<2x128x128xf32, #tpu.memory_space<vmem>> -> memref<1x128x128xf32, #tpu.memory_space<vmem>>
        %swap3A_1624 = tpu.memref_squeeze %swap3A_1623 : memref<1x128x128xf32, #tpu.memory_space<vmem>> -> memref<128x128xf32, #tpu.memory_space<vmem>>
        %swap3A_1625 = arith.index_cast %scan3A_1400 : i32 to index
        %swap3A_1626 = arith.constant 0 : index
        %swap3A_1627 = tpu.vector_load %swap3A_1624[%swap3A_1625, %swap3A_1626] {strides = array<i32>} : memref<128x128xf32, #tpu.memory_space<vmem>>, vector<1x16xf32>,
        %swap3A_1628 = vector.shape_cast %swap3A_1627 : vector<1x16xf32> to vector<16xf32>
        %swap3A_1629 = vector.shape_cast %broadcast_in_dim3A_173 : vector<16xf32> to vector<1x16xf32>
        tpu.vector_store %swap3A_1624[%swap3A_1625, %swap3A_1626], %swap3A_1629 {strides = array<i32>} : memref<128x128xf32, #tpu.memory_space<vmem>>, vector<1x16xf32>,
        %swap3A_1630 = arith.constant 0 : i32
        %swap3A_1631 = arith.constant 0 : i32
        %swap3A_1632 = tpu.memref_slice %arg14[%scan3A_1394, %swap3A_1630, %swap3A_1631] : memref<2x128x128xf32, #tpu.memory_space<vmem>> -> memref<1x128x128xf32, #tpu.memory_space<vmem>>
        %swap3A_1633 = tpu.memref_squeeze %swap3A_1632 : memref<1x128x128xf32, #tpu.memory_space<vmem>> -> memref<128x128xf32, #tpu.memory_space<vmem>>
        %swap3A_1634 = arith.index_cast %scan3A_1400 : i32 to index
        %swap3A_1635 = arith.constant 16 : index
        %swap3A_1636 = tpu.vector_load %swap3A_1633[%swap3A_1634, %swap3A_1635] {strides = array<i32>} : memref<128x128xf32, #tpu.memory_space<vmem>>, vector<1x16xf32>,
        %swap3A_1637 = vector.shape_cast %swap3A_1636 : vector<1x16xf32> to vector<16xf32>
        %swap3A_1638 = vector.shape_cast %broadcast_in_dim3A_173 : vector<16xf32> to vector<1x16xf32>
        tpu.vector_store %swap3A_1633[%swap3A_1634, %swap3A_1635], %swap3A_1638 {strides = array<i32>} : memref<128x128xf32, #tpu.memory_space<vmem>>, vector<1x16xf32>,
        %swap3A_1639 = arith.constant 0 : i32
        %swap3A_1640 = arith.constant 0 : i32
        %swap3A_1641 = tpu.memref_slice %arg14[%scan3A_1394, %swap3A_1639, %swap3A_1640] : memref<2x128x128xf32, #tpu.memory_space<vmem>> -> memref<1x128x128xf32, #tpu.memory_space<vmem>>
        %swap3A_1642 = tpu.memref_squeeze %swap3A_1641 : memref<1x128x128xf32, #tpu.memory_space<vmem>> -> memref<128x128xf32, #tpu.memory_space<vmem>>
        %swap3A_1643 = arith.index_cast %scan3A_1400 : i32 to index
        %swap3A_1644 = arith.constant 32 : index
        %swap3A_1645 = tpu.vector_load %swap3A_1642[%swap3A_1643, %swap3A_1644] {strides = array<i32>} : memref<128x128xf32, #tpu.memory_space<vmem>>, vector<1x16xf32>,
        %swap3A_1646 = vector.shape_cast %swap3A_1645 : vector<1x16xf32> to vector<16xf32>
        %swap3A_1647 = vector.shape_cast %broadcast_in_dim3A_173 : vector<16xf32> to vector<1x16xf32>
        tpu.vector_store %swap3A_1642[%swap3A_1643, %swap3A_1644], %swap3A_1647 {strides = array<i32>} : memref<128x128xf32, #tpu.memory_space<vmem>>, vector<1x16xf32>,
        %swap3A_1648 = arith.constant 0 : i32
        %swap3A_1649 = arith.constant 0 : i32
        %swap3A_1650 = tpu.memref_slice %arg14[%scan3A_1394, %swap3A_1648, %swap3A_1649] : memref<2x128x128xf32, #tpu.memory_space<vmem>> -> memref<1x128x128xf32, #tpu.memory_space<vmem>>
        %swap3A_1651 = tpu.memref_squeeze %swap3A_1650 : memref<1x128x128xf32, #tpu.memory_space<vmem>> -> memref<128x128xf32, #tpu.memory_space<vmem>>
        %swap3A_1652 = arith.index_cast %scan3A_1400 : i32 to index
        %swap3A_1653 = arith.constant 48 : index
        %swap3A_1654 = tpu.vector_load %swap3A_1651[%swap3A_1652, %swap3A_1653] {strides = array<i32>} : memref<128x128xf32, #tpu.memory_space<vmem>>, vector<1x16xf32>,
        %swap3A_1655 = vector.shape_cast %swap3A_1654 : vector<1x16xf32> to vector<16xf32>
        %swap3A_1656 = vector.shape_cast %broadcast_in_dim3A_173 : vector<16xf32> to vector<1x16xf32>
        tpu.vector_store %swap3A_1651[%swap3A_1652, %swap3A_1653], %swap3A_1656 {strides = array<i32>} : memref<128x128xf32, #tpu.memory_space<vmem>>, vector<1x16xf32>,
        %swap3A_1657 = arith.constant 0 : i32
        %swap3A_1658 = arith.constant 0 : i32
        %swap3A_1659 = tpu.memref_slice %arg14[%scan3A_1394, %swap3A_1657, %swap3A_1658] : memref<2x128x128xf32, #tpu.memory_space<vmem>> -> memref<1x128x128xf32, #tpu.memory_space<vmem>>
        %swap3A_1660 = tpu.memref_squeeze %swap3A_1659 : memref<1x128x128xf32, #tpu.memory_space<vmem>> -> memref<128x128xf32, #tpu.memory_space<vmem>>
        %swap3A_1661 = arith.index_cast %scan3A_1400 : i32 to index
        %swap3A_1662 = arith.constant 64 : index
        %swap3A_1663 = tpu.vector_load %swap3A_1660[%swap3A_1661, %swap3A_1662] {strides = array<i32>} : memref<128x128xf32, #tpu.memory_space<vmem>>, vector<1x16xf32>,
        %swap3A_1664 = vector.shape_cast %swap3A_1663 : vector<1x16xf32> to vector<16xf32>
        %swap3A_1665 = vector.shape_cast %broadcast_in_dim3A_173 : vector<16xf32> to vector<1x16xf32>
        tpu.vector_store %swap3A_1660[%swap3A_1661, %swap3A_1662], %swap3A_1665 {strides = array<i32>} : memref<128x128xf32, #tpu.memory_space<vmem>>, vector<1x16xf32>,
        %swap3A_1666 = arith.constant 0 : i32
        %swap3A_1667 = arith.constant 0 : i32
        %swap3A_1668 = tpu.memref_slice %arg14[%scan3A_1394, %swap3A_1666, %swap3A_1667] : memref<2x128x128xf32, #tpu.memory_space<vmem>> -> memref<1x128x128xf32, #tpu.memory_space<vmem>>
        %swap3A_1669 = tpu.memref_squeeze %swap3A_1668 : memref<1x128x128xf32, #tpu.memory_space<vmem>> -> memref<128x128xf32, #tpu.memory_space<vmem>>
        %swap3A_1670 = arith.index_cast %scan3A_1400 : i32 to index
        %swap3A_1671 = arith.constant 80 : index
        %swap3A_1672 = tpu.vector_load %swap3A_1669[%swap3A_1670, %swap3A_1671] {strides = array<i32>} : memref<128x128xf32, #tpu.memory_space<vmem>>, vector<1x16xf32>,
        %swap3A_1673 = vector.shape_cast %swap3A_1672 : vector<1x16xf32> to vector<16xf32>
        %swap3A_1674 = vector.shape_cast %broadcast_in_dim3A_173 : vector<16xf32> to vector<1x16xf32>
        tpu.vector_store %swap3A_1669[%swap3A_1670, %swap3A_1671], %swap3A_1674 {strides = array<i32>} : memref<128x128xf32, #tpu.memory_space<vmem>>, vector<1x16xf32>,
        %swap3A_1675 = arith.constant 0 : i32
        %swap3A_1676 = arith.constant 0 : i32
        %swap3A_1677 = tpu.memref_slice %arg14[%scan3A_1394, %swap3A_1675, %swap3A_1676] : memref<2x128x128xf32, #tpu.memory_space<vmem>> -> memref<1x128x128xf32, #tpu.memory_space<vmem>>
        %swap3A_1678 = tpu.memref_squeeze %swap3A_1677 : memref<1x128x128xf32, #tpu.memory_space<vmem>> -> memref<128x128xf32, #tpu.memory_space<vmem>>
        %swap3A_1679 = arith.index_cast %scan3A_1400 : i32 to index
        %swap3A_1680 = arith.constant 96 : index
        %swap3A_1681 = tpu.vector_load %swap3A_1678[%swap3A_1679, %swap3A_1680] {strides = array<i32>} : memref<128x128xf32, #tpu.memory_space<vmem>>, vector<1x16xf32>,
        %swap3A_1682 = vector.shape_cast %swap3A_1681 : vector<1x16xf32> to vector<16xf32>
        %swap3A_1683 = vector.shape_cast %broadcast_in_dim3A_173 : vector<16xf32> to vector<1x16xf32>
        tpu.vector_store %swap3A_1678[%swap3A_1679, %swap3A_1680], %swap3A_1683 {strides = array<i32>} : memref<128x128xf32, #tpu.memory_space<vmem>>, vector<1x16xf32>,
        %swap3A_1684 = arith.constant 0 : i32
        %swap3A_1685 = arith.constant 0 : i32
        %swap3A_1686 = tpu.memref_slice %arg14[%scan3A_1394, %swap3A_1684, %swap3A_1685] : memref<2x128x128xf32, #tpu.memory_space<vmem>> -> memref<1x128x128xf32, #tpu.memory_space<vmem>>
        %swap3A_1687 = tpu.memref_squeeze %swap3A_1686 : memref<1x128x128xf32, #tpu.memory_space<vmem>> -> memref<128x128xf32, #tpu.memory_space<vmem>>
        %swap3A_1688 = arith.index_cast %scan3A_1400 : i32 to index
        %swap3A_1689 = arith.constant 112 : index
        %swap3A_1690 = tpu.vector_load %swap3A_1687[%swap3A_1688, %swap3A_1689] {strides = array<i32>} : memref<128x128xf32, #tpu.memory_space<vmem>>, vector<1x16xf32>,
        %swap3A_1691 = vector.shape_cast %swap3A_1690 : vector<1x16xf32> to vector<16xf32>
        %swap3A_1692 = vector.shape_cast %broadcast_in_dim3A_173 : vector<16xf32> to vector<1x16xf32>
        tpu.vector_store %swap3A_1687[%swap3A_1688, %swap3A_1689], %swap3A_1692 {strides = array<i32>} : memref<128x128xf32, #tpu.memory_space<vmem>>, vector<1x16xf32>,
        %mul3A_1693 = arith.constant 128 : i32
        %mul3A_1694 = arith.muli %add3A_1390, %mul3A_1693 : i32
        %add3A_1695 = arith.addi %mul3A_1694, %scan3A_1400 : i32
        %mul3A_1696 = arith.constant 16 : i32
        %mul3A_1697 = arith.muli %add3A_1695, %mul3A_1696 : i32
        %swap3A_1698 = arith.index_cast %mul3A_1697 : i32 to index
        %swap3A_1699 = tpu.vector_load %arg15[%swap3A_1698] {strides = array<i32>} : memref<8192xf32, #tpu.memory_space<vmem>>, vector<16xf32>,
        %swap3A_1700 = vector.shape_cast %swap3A_1699 : vector<16xf32> to vector<16xf32>
        %swap3A_1701 = vector.shape_cast %add3A_1542 : vector<16xf32> to vector<16xf32>
        tpu.vector_store %arg15[%swap3A_1698], %swap3A_1701 {strides = array<i32>} : memref<8192xf32, #tpu.memory_space<vmem>>, vector<16xf32>,
        %mul3A_1702 = arith.constant 128 : i32
        %mul3A_1703 = arith.muli %add3A_1390, %mul3A_1702 : i32
        %add3A_1704 = arith.addi %mul3A_1703, %scan3A_1400 : i32
        %mul3A_1705 = arith.constant 16 : i32
        %mul3A_1706 = arith.muli %add3A_1704, %mul3A_1705 : i32
        %swap3A_1707 = arith.index_cast %mul3A_1706 : i32 to index
        %swap3A_1708 = tpu.vector_load %arg16[%swap3A_1707] {strides = array<i32>} : memref<8192xf32, #tpu.memory_space<vmem>>, vector<16xf32>,
        %swap3A_1709 = vector.shape_cast %swap3A_1708 : vector<16xf32> to vector<16xf32>
        %swap3A_1710 = vector.shape_cast %add3A_1621 : vector<16xf32> to vector<16xf32>
        tpu.vector_store %arg16[%swap3A_1707], %swap3A_1710 {strides = array<i32>} : memref<8192xf32, #tpu.memory_space<vmem>>, vector<16xf32>,
      }
      %scan3A_1399 = arith.constant 128 : i32
    }
    %scan3A_410 = arith.constant 2 : i32
    %mul3A_411 = arith.constant 16 : i32
    %mul3A_412 = arith.muli %mul3A_2, %mul3A_411 : i32
    %dma_start3A_413 = tpu.memref_slice %arg7[%mul3A_412] : memref<262144xf32, #tpu.memory_space<hbm>> -> memref<8192xf32, #tpu.memory_space<hbm>>
    %dma_start3A_414 = tpu.memref_slice %arg7[%mul3A_412] : memref<262144xf32, #tpu.memory_space<hbm>> -> memref<8192xf32, #tpu.memory_space<hbm>>
    tpu.enqueue_dma source(%arg15 : memref<8192xf32, #tpu.memory_space<vmem>>) target(%dma_start3A_414 : memref<8192xf32, #tpu.memory_space<hbm>>) target_semaphore(%arg17 : memref<!tpu.dma_semaphore, #tpu.memory_space<semaphore_mem>>)
    %mul3A_415 = arith.constant 16 : i32
    %mul3A_416 = arith.muli %mul3A_2, %mul3A_415 : i32
    %dma_start3A_417 = tpu.memref_slice %arg8[%mul3A_416] : memref<262144xf32, #tpu.memory_space<hbm>> -> memref<8192xf32, #tpu.memory_space<hbm>>
    %dma_start3A_418 = tpu.memref_slice %arg8[%mul3A_416] : memref<262144xf32, #tpu.memory_space<hbm>> -> memref<8192xf32, #tpu.memory_space<hbm>>
    tpu.enqueue_dma source(%arg16 : memref<8192xf32, #tpu.memory_space<vmem>>) target(%dma_start3A_418 : memref<8192xf32, #tpu.memory_space<hbm>>) target_semaphore(%arg17 : memref<!tpu.dma_semaphore, #tpu.memory_space<semaphore_mem>>)
    %mul3A_419 = arith.constant 16 : i32
    %mul3A_420 = arith.muli %mul3A_2, %mul3A_419 : i32
    %dma_wait3A_421 = tpu.memref_slice %arg7[%mul3A_420] : memref<262144xf32, #tpu.memory_space<hbm>> -> memref<8192xf32, #tpu.memory_space<hbm>>
    %dma_wait3A_422 = tpu.memref_slice %arg7[%mul3A_420] : memref<262144xf32, #tpu.memory_space<hbm>> -> memref<8192xf32, #tpu.memory_space<hbm>>
    tpu.wait_dma2 semaphore(%arg17 : memref<!tpu.dma_semaphore, #tpu.memory_space<semaphore_mem>>) src(%arg15 : memref<8192xf32, #tpu.memory_space<vmem>>) dst(%dma_wait3A_422 : memref<8192xf32, #tpu.memory_space<hbm>>)
    %mul3A_423 = arith.constant 16 : i32
    %mul3A_424 = arith.muli %mul3A_2, %mul3A_423 : i32
    %dma_wait3A_425 = tpu.memref_slice %arg8[%mul3A_424] : memref<262144xf32, #tpu.memory_space<hbm>> -> memref<8192xf32, #tpu.memory_space<hbm>>
    %dma_wait3A_426 = tpu.memref_slice %arg8[%mul3A_424] : memref<262144xf32, #tpu.memory_space<hbm>> -> memref<8192xf32, #tpu.memory_space<hbm>>
    tpu.wait_dma2 semaphore(%arg17 : memref<!tpu.dma_semaphore, #tpu.memory_space<semaphore_mem>>) src(%arg16 : memref<8192xf32, #tpu.memory_space<vmem>>) dst(%dma_wait3A_426 : memref<8192xf32, #tpu.memory_space<hbm>>)
    return
  }
}

module attributes {stable_mosaic.version = 14 : i64} {
  func.func @_tc_loss_body(%arg0: memref<2048x128xf32, #tpu.memory_space<vmem>>, %arg1: memref<2048x128xf32, #tpu.memory_space<vmem>>, %arg2: memref<1x1xf32, #tpu.memory_space<vmem>>) attributes {dimension_semantics = [], scalar_prefetch = 0 : i64, scratch_operands = 0 : i64, tpu.core_type = #tpu.core_type<tc>} {
    %iota3A = tpu.iota {dimensions = array<i32: 0>} : vector<128x128xi32>
    %iota3A_0 = tpu.iota {dimensions = array<i32: 1>} : vector<128x128xi32>
    %jit3A = arith.constant 16 : i32
    %div3A = vector.broadcast %jit3A : i32 to vector<128x128xi32>
    %div3A_1 = arith.divsi %iota3A, %div3A : vector<128x128xi32>
    %sign3A = arith.constant 0 : i32
    %sign3A_2 = vector.broadcast %sign3A : i32 to vector<128x128xi32>
    %sign3A_3 = arith.cmpi sgt, %iota3A, %sign3A_2 : vector<128x128xi32>
    %sign3A_4 = arith.extui %sign3A_3 : vector<128x128xi1> to vector<128x128xi32>
    %sign3A_5 = arith.constant 0 : i32
    %sign3A_6 = vector.broadcast %sign3A_5 : i32 to vector<128x128xi32>
    %sign3A_7 = arith.cmpi slt, %iota3A, %sign3A_6 : vector<128x128xi32>
    %sign3A_8 = arith.extui %sign3A_7 : vector<128x128xi1> to vector<128x128xi32>
    %sign3A_9 = arith.subi %sign3A_4, %sign3A_8 : vector<128x128xi32>
    %sign3A_10 = arith.constant 0 : i32
    %sign3A_11 = arith.cmpi sgt, %jit3A, %sign3A_10 : i32
    %sign3A_12 = arith.extui %sign3A_11 : i1 to i32
    %sign3A_13 = arith.constant 0 : i32
    %sign3A_14 = arith.cmpi slt, %jit3A, %sign3A_13 : i32
    %sign3A_15 = arith.extui %sign3A_14 : i1 to i32
    %sign3A_16 = arith.subi %sign3A_12, %sign3A_15 : i32
    %ne3A = vector.broadcast %sign3A_16 : i32 to vector<128x128xi32>
    %ne3A_17 = arith.cmpi ne, %sign3A_9, %ne3A : vector<128x128xi32>
    %rem3A = vector.broadcast %jit3A : i32 to vector<128x128xi32>
    %rem3A_18 = arith.remsi %iota3A, %rem3A : vector<128x128xi32>
    %ne3A_19 = arith.constant 0 : i32
    %ne3A_20 = vector.broadcast %ne3A_19 : i32 to vector<128x128xi32>
    %ne3A_21 = arith.cmpi ne, %rem3A_18, %ne3A_20 : vector<128x128xi32>
    %and3A = arith.andi %ne3A_17, %ne3A_21 : vector<128x128xi1>
    %sub3A = arith.constant 1 : i32
    %sub3A_22 = vector.broadcast %sub3A : i32 to vector<128x128xi32>
    %sub3A_23 = arith.subi %div3A_1, %sub3A_22 : vector<128x128xi32>
    %select_n3A = arith.select %and3A, %sub3A_23, %div3A_1 : vector<128x128xi1>, vector<128x128xi32>
    %eq3A = arith.cmpi eq, %select_n3A, %iota3A_0 : vector<128x128xi32>
    %jit3A_24 = arith.constant 1.000000e+00 : f32
    %jit3A_25 = arith.constant 0.000000e+00 : f32
    %broadcast_in_dim3A = vector.broadcast %jit3A_24 : f32 to vector<128x128xf32>
    %broadcast_in_dim3A_26 = vector.broadcast %jit3A_25 : f32 to vector<128x128xf32>
    %select_n3A_27 = arith.select %eq3A, %broadcast_in_dim3A, %broadcast_in_dim3A_26 : vector<128x128xi1>, vector<128x128xf32>
    %get3A = arith.constant 0 : index
    %get3A_28 = arith.constant 0 : index
    %get3A_29 = vector.load %arg0[%get3A, %get3A_28] : memref<2048x128xf32, #tpu.memory_space<vmem>>, vector<2048x128xf32>
    %dot_general3A = arith.constant dense<0.000000e+00> : vector<2048x128xf32>
    %dot_general3A_30 = tpu.matmul %get3A_29, %select_n3A_27, %dot_general3A {dimension_numbers = #tpu.dot_dimension_numbers<[1], [0], [0], [1], [0, 0, 1, 1], [], []>, precision = #tpu.contract_precision<fp32>, transpose_lhs_hint = false} : vector<2048x128xf32>, vector<128x128xf32>, vector<2048x128xf32> -> vector<2048x128xf32>
    %get3A_31 = arith.constant 0 : index
    %get3A_32 = arith.constant 0 : index
    %get3A_33 = vector.load %arg1[%get3A_31, %get3A_32] : memref<2048x128xf32, #tpu.memory_space<vmem>>, vector<2048x128xf32>
    %dot_general3A_34 = arith.constant dense<0.000000e+00> : vector<2048x128xf32>
    %dot_general3A_35 = tpu.matmul %get3A_33, %select_n3A_27, %dot_general3A_34 {dimension_numbers = #tpu.dot_dimension_numbers<[1], [0], [0], [1], [0, 0, 1, 1], [], []>, precision = #tpu.contract_precision<fp32>, transpose_lhs_hint = false} : vector<2048x128xf32>, vector<128x128xf32>, vector<2048x128xf32> -> vector<2048x128xf32>
    %iota3A_36 = tpu.iota {dimensions = array<i32: 1>} : vector<2048x128xi32>
    %lt3A = arith.constant 8 : i32
    %lt3A_37 = vector.broadcast %lt3A : i32 to vector<2048x128xi32>
    %lt3A_38 = arith.cmpi slt, %iota3A_36, %lt3A_37 : vector<2048x128xi32>
    %neg3A = arith.constant 0.000000e+00 : f32
    %neg3A_39 = vector.broadcast %neg3A : f32 to vector<2048x128xf32>
    %neg3A_40 = arith.subf %neg3A_39, %dot_general3A_30 : vector<2048x128xf32>
    %custom_jvp_call3A = arith.constant 0.000000e+00 : f32
    %max3A = vector.broadcast %custom_jvp_call3A : f32 to vector<2048x128xf32>
    %max3A_41 = arith.maximumf %neg3A_40, %max3A : vector<2048x128xf32>
    %sub3A_42 = vector.broadcast %custom_jvp_call3A : f32 to vector<2048x128xf32>
    %sub3A_43 = arith.subf %neg3A_40, %sub3A_42 : vector<2048x128xf32>
    %ne3A_44 = arith.cmpf one, %sub3A_43, %sub3A_43 : vector<2048x128xf32>
    %add3A = vector.broadcast %custom_jvp_call3A : f32 to vector<2048x128xf32>
    %add3A_45 = arith.addf %neg3A_40, %add3A : vector<2048x128xf32>
    %abs3A = math.absf %sub3A_43 : vector<2048x128xf32>
    %neg3A_46 = arith.constant 0.000000e+00 : f32
    %neg3A_47 = vector.broadcast %neg3A_46 : f32 to vector<2048x128xf32>
    %neg3A_48 = arith.subf %neg3A_47, %abs3A : vector<2048x128xf32>
    %exp3A = math.exp %neg3A_48 : vector<2048x128xf32>
    %log1p3A = math.log1p %exp3A : vector<2048x128xf32>
    %add3A_49 = arith.addf %max3A_41, %log1p3A : vector<2048x128xf32>
    %select_n3A_50 = arith.select %ne3A_44, %add3A_45, %add3A_49 : vector<2048x128xi1>, vector<2048x128xf32>
    %neg3A_51 = arith.constant 0.000000e+00 : f32
    %neg3A_52 = vector.broadcast %neg3A_51 : f32 to vector<2048x128xf32>
    %neg3A_53 = arith.subf %neg3A_52, %select_n3A_50 : vector<2048x128xf32>
    %neg3A_54 = arith.constant 0.000000e+00 : f32
    %neg3A_55 = vector.broadcast %neg3A_54 : f32 to vector<2048x128xf32>
    %neg3A_56 = arith.subf %neg3A_55, %dot_general3A_35 : vector<2048x128xf32>
    %neg3A_57 = arith.constant 0.000000e+00 : f32
    %neg3A_58 = vector.broadcast %neg3A_57 : f32 to vector<2048x128xf32>
    %neg3A_59 = arith.subf %neg3A_58, %neg3A_56 : vector<2048x128xf32>
    %custom_jvp_call3A_60 = arith.constant 0.000000e+00 : f32
    %max3A_61 = vector.broadcast %custom_jvp_call3A_60 : f32 to vector<2048x128xf32>
    %max3A_62 = arith.maximumf %neg3A_59, %max3A_61 : vector<2048x128xf32>
    %sub3A_63 = vector.broadcast %custom_jvp_call3A_60 : f32 to vector<2048x128xf32>
    %sub3A_64 = arith.subf %neg3A_59, %sub3A_63 : vector<2048x128xf32>
    %ne3A_65 = arith.cmpf one, %sub3A_64, %sub3A_64 : vector<2048x128xf32>
    %add3A_66 = vector.broadcast %custom_jvp_call3A_60 : f32 to vector<2048x128xf32>
    %add3A_67 = arith.addf %neg3A_59, %add3A_66 : vector<2048x128xf32>
    %abs3A_68 = math.absf %sub3A_64 : vector<2048x128xf32>
    %neg3A_69 = arith.constant 0.000000e+00 : f32
    %neg3A_70 = vector.broadcast %neg3A_69 : f32 to vector<2048x128xf32>
    %neg3A_71 = arith.subf %neg3A_70, %abs3A_68 : vector<2048x128xf32>
    %exp3A_72 = math.exp %neg3A_71 : vector<2048x128xf32>
    %log1p3A_73 = math.log1p %exp3A_72 : vector<2048x128xf32>
    %add3A_74 = arith.addf %max3A_62, %log1p3A_73 : vector<2048x128xf32>
    %select_n3A_75 = arith.select %ne3A_65, %add3A_67, %add3A_74 : vector<2048x128xi1>, vector<2048x128xf32>
    %neg3A_76 = arith.constant 0.000000e+00 : f32
    %neg3A_77 = vector.broadcast %neg3A_76 : f32 to vector<2048x128xf32>
    %neg3A_78 = arith.subf %neg3A_77, %select_n3A_75 : vector<2048x128xf32>
    %add3A_79 = arith.addf %neg3A_53, %neg3A_78 : vector<2048x128xf32>
    %jit3A_80 = arith.constant 0.000000e+00 : f32
    %broadcast_in_dim3A_81 = vector.broadcast %jit3A_80 : f32 to vector<2048x128xf32>
    %select_n3A_82 = arith.select %lt3A_38, %add3A_79, %broadcast_in_dim3A_81 : vector<2048x128xi1>, vector<2048x128xf32>
    %reduce_sum3A = vector.shape_cast %select_n3A_82 : vector<2048x128xf32> to vector<1x2048x128xf32>
    %reduce_sum3A_83 = arith.constant dense<0.000000e+00> : vector<1xf32>
    %reduce_sum3A_84 = vector.multi_reduction <add>, %reduce_sum3A, %reduce_sum3A_83 [1, 2] : vector<1x2048x128xf32> to vector<1xf32>
    %reduce_sum3A_85 = vector.shape_cast %reduce_sum3A_84 : vector<1xf32> to vector<1x1x1xf32>
    %reduce_sum3A_86 = vector.extract %reduce_sum3A_85[0, 0, 0] : f32 from vector<1x1x1xf32>
    %neg3A_87 = arith.constant 0.000000e+00 : f32
    %neg3A_88 = arith.subf %neg3A_87, %reduce_sum3A_86 : f32
    %broadcast_in_dim3A_89 = vector.broadcast %neg3A_88 : f32 to vector<1x1xf32>
    %swap3A = arith.constant 0 : index
    %swap3A_90 = arith.constant 0 : index
    %swap3A_91 = vector.load %arg2[%swap3A, %swap3A_90] : memref<1x1xf32, #tpu.memory_space<vmem>>, vector<1x1xf32>
    tpu.vector_store %arg2[%swap3A, %swap3A_90], %broadcast_in_dim3A_89 {strides = array<i32>} : memref<1x1xf32, #tpu.memory_space<vmem>>, vector<1x1xf32>,
    return
  }
}

</mosaic_0001>

<sc_bundles>
// kernel: kernel.4.cloned.1.call-start
scs
__scs_entry_jumppad:
0x0: {  	(pc) =	sbr.rel $0x88, $3  }
0x1: {  	(tag) =	ssettag $0x0;
	lr =	simm.s32 $0x1  }
0x2: {  	[smem:$0x3F9C] =	sst lr;
	_ =	strace $0xD0000000  }
0x3: {  	_ = 	snop  }
0x4: {  	_ = 	snop  }
0x5: {  	_ = 	snop  }
0x6: {  	_ = 	snop  }
0x7: {  	_ = 	snop  }
__scs_overlays_trampoline_lowered:
0x8: {  	[smem:$0x3FAB] =	sst s0  }
0x9: {  	[smem:$0x3FAC] =	sst s1  }
0xa: {  	[smem:$0x3FAD] =	sst s2  }
0xb: {  	[smem:$0x3FAE] =	sst s3  }
0xc: {  	[smem:$0x3FAF] =	sst s4  }
0xd: {  	[smem:$0x3FB0] =	sst s5  }
0xe: {  	[smem:$0x3FB1] =	sst s6  }
0xf: {  	[smem:$0x3FB2] =	sst s7  }
0x10: {  	[smem:$0x3FB3] =	sst s8  }
0x11: {  	[smem:$0x3FB4] =	sst s9;
	s0 =	simm.s32 @!p0 $0x0  }
0x12: {  	s1 =	sld [smem:$0x3F9A];
	s0 =	simm.s32 @p0 $0x1  }
0x13: {  	[smem:$0x3FB5] =	sst s0;
	s0 =	simm.s32 @!p1 $0x0  }
0x14: {  	s2 =	sld [smem:$0x3F99];
	s0 =	simm.s32 @p1 $0x1  }
0x15: {  	[smem:$0x3FB6] =	sst s0;
	s0 =	simm.s32 @!p2 $0x0  }
0x16: {  	s3 =	sld [smem:$0x3FDB];
	s0 =	simm.s32 @p2 $0x1  }
0x17: {  	s4 =	simm.s32 $0x1BF5;
	[smem:$0x3FB8] =	sst s0  }
0x18: {  	s0 =	sld [smem:$0x3F9B];
	_ =	swait.ge [sflag:s4], $0x0  }
0x19: {  	s7 =	sld [smem:$0x3F9C]  }
0x1a: {  	s8 =	sadd.s32 $0xFFFFE003, lr  }
0x1b: {  	s9 =	sadd.s32 $0xFFFFFEF7, lr;
	s5 =	simm.s32 $0xFFFFFFFF;
	p2 =	slt.u32 s8, $0xFFFFF086  }
0x1c: {  	p1 =	slt.u32 s9, $0xF7A;
	s5 =	simm.s32 @!p2 $0x0  }
0x1d: {  	s5 =	simm.s32 @p1 $0x1;
	p0 =	seq.s32 s7, s2  }
0x1e: {  	s7 =	smul.u32 @!p0 $0xF7A, s2;
	p2 =	seq.s32 @!p0 s5, $0x0  }
0x1f: {  	s9 =	smul.u32 $0xF7A, s1;
	s8 =	simm.s32 @!p0 $0x1BF5;
	p2 =	por !p2, p0  }
0x20: {  	[sflag:s8] =	ssyncset.s32 @!p0 $0xFFFFF086;
	s6 =	sadd.s32 @!p0 s3, s7;
	s7 =	simm.s32 @!p0 $0x108  }
0x21: {  	s3 =	sadd.s32 s3, s9;
	s6 =	sadd.s32 @!p0 $0x88, s6;
	s7 =	simm.s32 @p2 $0x1082  }
0x22: {  	[simem:s7], [sflag:s8] =	dma.local @!p0 [hbm:s6], $0xF7A  }
0x23: {  	s9 =	sor.u32 $0xD0000000, s2;
	s6 =	simm.s32 $0x108;
	_ =	swait.ge @!p0 [sflag:s8], $0x0  }
0x24: {  	s3 =	sadd.s32 $0x88, s3;
	s6 =	simm.s32 @!p1 $0x1082;
	[sflag:s4] =	ssyncset.s32 $0xFFFFF086  }
0x25: {  	[simem:s6], [sflag:s4] =	dma.local [hbm:s3], $0xF7A  }
0x26: {  	[smem:$0x3F9C] =	sst s1;
	(tag) =	ssettag s2;
	_ =	strace s9  }
0x27: {  	s1 =	sld [smem:$0x3FAC]  }
0x28: {  	s2 =	sld [smem:$0x3FAD]  }
0x29: {  	s4 =	sld [smem:$0x3FAF]  }
0x2a: {  	p0 =	seq.s32 s5, $0x0;
	s5 =	sld [smem:$0x3FB0]  }
0x2b: {  	s6 =	sld [smem:$0x3FB1]  }
0x2c: {  	s7 =	sld [smem:$0x3FB2]  }
0x2d: {  	s3 =	simm.s32 $0x108;
	s8 =	sld [smem:$0x3FB3]  }
0x2e: {  	s3 =	simm.s32 @!p0 $0x1082;
	s9 =	sld [smem:$0x3FB4]  }
0x2f: {  	lr =	sadd.s32 s0, s3;
	s0 =	sld [smem:$0x3FAB]  }
0x30: {  	s3 =	sld [smem:$0x3FAE]  }
0x31: {  	[smem:$0x3FB7] =	sst s10  }
0x32: {  	s10 =	sld [smem:$0x3FB5];
	_ =	sdelay $0x3  }
0x33: {  	p0 =	seq.s32 s10, $0x1;
	s10 =	sld [smem:$0x3FB7];
	_ =	sdelay $0x3  }
0x34: {  	[smem:$0x3FB7] =	sst s10  }
0x35: {  	s10 =	sld [smem:$0x3FB6];
	_ =	sdelay $0x3  }
0x36: {  	p1 =	seq.s32 s10, $0x1;
	s10 =	sld [smem:$0x3FB7];
	_ =	sdelay $0x3  }
0x37: {  	[smem:$0x3FB7] =	sst s10  }
0x38: {  	s10 =	sld [smem:$0x3FB8]  }
0x39: {  	_ = 	snop;
	(pc) =	sbr.ind lr, $3  }
0x3a: {  	_ = 	snop  }
0x3b: {  	_ = 	snop  }
0x3c: {  	p2 =	seq.s32 s10, $0x1;
	s10 =	sld [smem:$0x3FB7]  }
0x3d: {  	_ =	shalt  }
0x3e: {  	_ =	shalt  }
0x3f: {  	_ =	shalt  }
0x40: {  	_ =	shalt  }
0x41: {  	_ =	shalt  }
0x42: {  	_ =	shalt  }
0x43: {  	_ =	shalt  }
0x44: {  	_ =	shalt  }
0x45: {  	_ =	shalt  }
0x46: {  	_ =	shalt  }
0x47: {  	_ =	shalt  }
0x48: {  	_ =	shalt  }
0x49: {  	_ =	shalt  }
0x4a: {  	_ =	shalt  }
0x4b: {  	_ =	shalt  }
0x4c: {  	_ =	shalt  }
0x4d: {  	_ =	shalt  }
0x4e: {  	_ =	shalt  }
0x4f: {  	_ =	shalt  }
0x50: {  	_ =	shalt  }
0x51: {  	_ =	shalt  }
0x52: {  	_ =	shalt  }
0x53: {  	_ =	shalt  }
0x54: {  	_ =	shalt  }
0x55: {  	_ =	shalt  }
0x56: {  	_ =	shalt  }
0x57: {  	_ =	shalt  }
0x58: {  	_ =	shalt  }
0x59: {  	_ =	shalt  }
0x5a: {  	_ =	shalt  }
0x5b: {  	_ =	shalt  }
0x5c: {  	_ =	shalt  }
0x5d: {  	_ =	shalt  }
0x5e: {  	_ =	shalt  }
0x5f: {  	_ =	shalt  }
0x60: {  	_ =	shalt  }
0x61: {  	_ =	shalt  }
0x62: {  	_ =	shalt  }
0x63: {  	_ =	shalt  }
0x64: {  	_ =	shalt  }
0x65: {  	_ =	shalt  }
0x66: {  	_ =	shalt  }
0x67: {  	_ =	shalt  }
0x68: {  	_ =	shalt  }
0x69: {  	_ =	shalt  }
0x6a: {  	_ =	shalt  }
0x6b: {  	_ =	shalt  }
0x6c: {  	_ =	shalt  }
0x6d: {  	_ =	shalt  }
0x6e: {  	_ =	shalt  }
0x6f: {  	_ =	shalt  }
0x70: {  	_ =	shalt  }
0x71: {  	_ =	shalt  }
0x72: {  	_ =	shalt  }
0x73: {  	_ =	shalt  }
0x74: {  	_ =	shalt  }
0x75: {  	_ =	shalt  }
0x76: {  	_ =	shalt  }
0x77: {  	_ =	shalt  }
0x78: {  	_ =	shalt  }
0x79: {  	_ =	shalt  }
0x7a: {  	_ =	shalt  }
0x7b: {  	_ =	shalt  }
0x7c: {  	_ =	shalt  }
0x7d: {  	_ =	shalt  }
0x7e: {  	_ =	shalt  }
0x7f: {  	_ =	shalt  }
0x80: {  	_ =	shalt  }
0x81: {  	_ =	shalt  }
0x82: {  	_ =	shalt  }
0x83: {  	_ =	shalt  }
0x84: {  	_ =	shalt  }
0x85: {  	_ =	shalt  }
0x86: {  	_ =	shalt  }
0x87: {  	_ =	shalt  }
.Lfunc_end0:
.L_simem_size_0:
called_computation_lowered:
.L_overlay_start_0:
0x88: {  	s2 =	sld [smem:$0x3FD9]  }
0x89: {  	s3 =	sld [smem:$0x3FFE];
	_ =	sdelay $0x1  }
0x8a: {  	s1 =	srdreg.scid  }
0x8b: {  	s0 =	sand.u32 $0x1, s1  }
0x8c: {  	s17 =	sshll.u32 s0, $0xA;
	s2 =	sadd.s32 s3, s2  }
0x8d: {  	s2 =	sadd.s32 s2, s17  }
0x8e: {  	[smem:$0x3FC3] =	sst s2  }
0x8f: {  	_ = 	snop  }
0x90: {  	s2 =	sld [smem:$0x3FC9]  }
0x91: {  	s18 =	sld [smem:$0x3FC8]  }
0x92: {  	s4 =	sld [smem:$0x3FC6]  }
0x93: {  	s5 =	sld [smem:$0x3FC5];
	(tm) =	ssettm $0x1  }
0x94: {  	s6 =	sld [smem:$0x3FFB];
	_ =	sdelay $0x3  }
0x95: {  	_ =	strace s6  }
0x96: {  	s6 =	sld [smem:$0x3FFC];
	_ =	sdelay $0x3  }
0x97: {  	_ =	strace s6  }
0x98: {  	s6 =	sld [smem:$0x3FFD];
	_ =	sdelay $0x3  }
0x99: {  	_ =	strace s6  }
0x9a: {  	_ =	strace $0x8FFFFFFF  }
0x9b: {  	s19 =	sld [smem:$0x3FDB];
	_ =	sdelay $0x1  }
0x9c: {  	s7 =	simm.s32 $_scs_section_size  }
0x9d: {  	s8 =	simm.s32 $_size__tile_overlayer_lowered;
	s9 =	simm.s32 $_tile_overlayer_lowered  }
0x9e: {  	s22 =	simm.s32 $0x1BFF;
	s21 =	sshll.u32 s9, $0x1;
	s6 =	sadd.s32 s7, s19  }
0x9f: {  	s10 =	simm.s32 $0x0;
	s20 =	sshll.u32 s8, $0x1;
	s8 =	sadd.s32 s21, s6  }
0xa0: {  	[timem:s10], [sflag:s22] =	dma.local [hbm:s8], s20  }
0xa1: {  	_ =	swait.ge [sflag:s22], s20  }
0xa2: {  	s7 =	ssub.s32 $0x0, s20;
	[sflag:s22] =	ssyncset.done $0x0  }
0xa3: {  	[sflag:s22] =	ssyncadd.s32 s7;
	_ =	sdelay $0x1  }
0xa4: {  	s23 =	simm.s32 $0x1B8B  }
0xa5: {  	_ =	swait.ge [sflag:s23], $0x1  }
0xa6: {  	[sflag:s23] =	ssyncset.done $0x0  }
0xa7: {  	s25 =	simm.s32 $0x1B8E;
	s24 =	sld [smem:$0x3FFE];
	[sflag:s23] =	ssyncadd.s32 $0xFFFFFFFF  }
0xa8: {  	s26 =	simm.s32 $execute0_lowered;
	[smem:$0x3FD2] =	sst s25  }
0xa9: {  	s8 =	sshll.u32 s26, $0x1;
	_ =	strace $0x80000046;
	[dreg:$0x1] =	wrdreg $0xFFFFFFFF  }
0xaa: {  	s28 =	simm.s32 $_size_execute0_lowered;
	s6 =	sadd.s32 s6, s8;
	[dreg:$0x0] =	wrdreg $0x0  }
0xab: {  	s8 =	sshll.u32 s28, $0x1;
	[dreg:$0x2] =	wrdreg s6  }
0xac: {  	[dreg:$0x3] =	wrdreg s8  }
0xad: {  	[dreg:$0x4] =	wrdreg $0xC0  }
0xae: {  	_ =	task [dreg:s10], $0x5FFFF  }
0xaf: {  	[dreg:$0x1] =	wrdreg $0xFFFFFFFF  }
0xb0: {  	[dreg:$0x0] =	wrdreg $0x60  }
0xb1: {  	[dreg:$0x2] =	wrdreg s2  }
0xb2: {  	[dreg:$0x3] =	wrdreg s18  }
0xb3: {  	[dreg:$0x4] =	wrdreg s24  }
0xb4: {  	[dreg:$0x5] =	wrdreg s4  }
0xb5: {  	[dreg:$0x6] =	wrdreg s5  }
0xb6: {  	[dreg:$0x7] =	wrdreg $0x9  }
0xb7: {  	_ =	task.clear_ibuf [dreg:s10], $0x8FFFF;
	_ =	strace $0x90000046  }
0xb8: {  	s29 =	simm.s32 $0x9;
	_ =	strace $0x80000048  }
0xb9: {  	_ =	swait.ge [sflag:s29], $0x1  }
0xba: {  	[sflag:s29] =	ssyncadd.s32 $0xFFFFFFFF  }
0xbb: {  	_ =	strace $0x90000048  }
0xbc: {  	_ =	sfence  }
0xbd: {  	s30 =	sld [smem:$0x0];
	_ =	sdelay $0x2  }
0xbe: {  	s31 =	sshll.u32 s1, $0xD;
	s1 =	sshrl.u32 s1, $0x2  }
0xbf: {  	s3 =	sand.u32 $0x4000, s31;
	s1 =	sadd.s32 s1, s30  }
0xc0: {  	s0 =	sor.u32 s3, s0;
	s1 =	sshll.u32 s1, $0x11  }
0xc1: {  	s0 =	sor.u32 s1, s0  }
0xc2: {  	s0 =	sadd.s32 $0x8F2B, s0  }
0xc3: {  	[sflag:s0] =	ssyncadd.remote.s32 $0x1  }
0xc4: {  	_ =	sfence.sel $0xFFFF  }
0xc5: {  	[dreg:$0x0] =	wrdreg $0xFFFFFFFF;
	(pc) =	sbr.abs _section_cstart, $3  }
0xc6: {  	[dreg:$0x1] =	wrdreg $0xFFFFFFFF  }
0xc7: {  	_ =	task.clear_ibuf [dreg:s10], $0x2FFFF;
	_ =	strace $0x9FFFFFFF  }
0xc8: {  	(tm) =	ssettm $0x7FFFFFFF  }
0xc9: {  	_ =	shalt  }
tec
execute0_lowered:
.L_overlay_start_1:
0x0: {  	(tag) =	ssettag $0x1  }
0x1: {  	s0 =	rddreg [dreg:$0x0]  }
0x2: {  	s3 =	rddreg [dreg:$0x1];
	s4 =	srdreg.scid  }
0x3: {  	s5 =	rddreg [dreg:$0x2];
	s6 =	sand.u32 $0x1, s4  }
0x4: {  	s1 =	rddreg [dreg:$0x3];
	s8 =	stileid.u32;
	s7 =	sshll.u32 s6, $0x4  }
0x5: {  	s2 =	rddreg [dreg:$0x4];
	s4 =	simm.s32 $0x0;
	s7 =	sor.u32 s8, s7  }
0x6: {  	[smem:$0x7FF] =	sst s4;
	s8 =	sshll.u32 s7, $0x6  }
0x7: {  	s6 =	ssub.s32 $0x2, s6;
	_ =	strace $0x80000047;
	s0 =	sadd.s32 s0, s8  }
0x8: {  	s9 =	sadd.s32 s8, s5;
	s26 =	sadd.s32 s3, s8;
	[dreg:$0x6] =	wrdreg s0  }
0x9: {  	s7 =	sshll.u32 s7, $0xA;
	[dreg:$0x7] =	wrdreg s26;
	s3 =	sadd.s32 $0xC00, s9  }
0xa: {  	s5 =	sadd.s32 s7, s5;
	s7 =	sadd.s32 $0x1400, s9;
	[dreg:$0x8] =	wrdreg s3  }
0xb: {  	s10 =	sshrl.u32 s6, $0x1;
	s8 =	sadd.s32 $0x1C00, s9;
	[dreg:$0x9] =	wrdreg s7  }
0xc: {  	s6 =	ssub.s32 s6, s10;
	s10 =	sadd.s32 $0x2400, s9;
	[dreg:$0xa] =	wrdreg s8  }
0xd: {  	s11 =	sadd.s32 $0x2C00, s9;
	[dreg:$0xb] =	wrdreg s10  }
0xe: {  	s12 =	sadd.s32 $0x3400, s9;
	[dreg:$0xc] =	wrdreg s11  }
0xf: {  	s13 =	sadd.s32 $0x3C00, s9;
	[dreg:$0xd] =	wrdreg s12  }
0x10: {  	s14 =	sadd.s32 $0x4400, s9;
	[dreg:$0xe] =	wrdreg s13  }
0x11: {  	s15 =	sadd.s32 $0x4C00, s9;
	[dreg:$0xf] =	wrdreg s14  }
0x12: {  	s16 =	sadd.s32 $0x5400, s9;
	[dreg:$0x10] =	wrdreg s15  }
0x13: {  	s17 =	sadd.s32 $0x5C00, s9;
	[dreg:$0x11] =	wrdreg s16  }
0x14: {  	s18 =	sadd.s32 $0x6400, s9;
	[dreg:$0x12] =	wrdreg s17  }
0x15: {  	s19 =	sadd.s32 $0x6C00, s9;
	[dreg:$0x13] =	wrdreg s18  }
0x16: {  	s20 =	sadd.s32 $0x7400, s9;
	[dreg:$0x14] =	wrdreg s19  }
0x17: {  	s21 =	sadd.s32 $0x7C00, s9;
	[dreg:$0x15] =	wrdreg s20  }
0x18: {  	s31 =	simm.s32 $0x2000;
	s22 =	sadd.s32 $0x8400, s9;
	[dreg:$0x16] =	wrdreg s21  }
0x19: {  	s30 =	smax.u32 s6, $0x1;
	s23 =	sadd.s32 $0x8C00, s9;
	[dreg:$0x17] =	wrdreg s22  }
0x1a: {  	s6 =	simm.s32 $0x12C00;
	s24 =	sadd.s32 $0x9400, s9;
	[dreg:$0x18] =	wrdreg s23  }
0x1b: {  	s25 =	sadd.s32 $0x9C00, s9;
	s26 =	sadd.s32 $0xA400, s9;
	[dreg:$0x19] =	wrdreg s24  }
0x1c: {  	s28 =	sadd.s32 $0xAC00, s5;
	s29 =	sadd.s32 $0x12C00, s5;
	[dreg:$0x1a] =	wrdreg s25  }
0x1d: {  	s0 =	simm.s32 $0x2400;
	s5 =	simm.s32 $0x1;
	[dreg:$0x1b] =	wrdreg s26  }
0x1e: {  	s11 =	simm.s32 $0x200;
	s25 =	simm.s32 $0x400;
	s26 =	simm.s32 $0x600  }
0x1f: {  	s12 =	simm.s32 $0x1600;
	s13 =	simm.s32 $0x1800;
	s14 =	simm.s32 $0x1A00  }
0x20: {  	s15 =	simm.s32 $0x1C00;
	s16 =	simm.s32 $0x1E00;
	s17 =	simm.s32 $0x2200  }
0x21: {  	s18 =	simm.s32 $0x2600;
	s3 =	simm.s32 $0x2800;
	s19 =	simm.s32 $0x2A00  }
0x22: {  	s20 =	simm.s32 $0x80;
	s21 =	simm.s32 $0x6C00;
	s7 =	simm.s32 $0xEC00  }
0x23: {  	v0 =	vimm.f32 $0.0e+00;
	s22 =	simm.s32 $0x16C00;
	s8 =	simm.s32 $0x2;
	s23 =	simm.s32 $0x0  }
.LBB2_1:
0x24: {  	s9 =	rddreg [dreg:$0x6]  }
0x25: {  	[tilespmem:s4], [sflag:$0x1] =	stream.linear.gather [hbm4b:s9+s4], $0x200, $0x38;
	[tilespmem:$0x1EC00] =	vst v63  }
0x26: {  	s10 =	rddreg [dreg:$0x7]  }
0x27: {  	[tilespmem:s11], [sflag:$0x1] =	stream.linear.gather [hbm4b:s10+s4], $0x200, $0x38;
	[tilespmem:$0x1EC00] =	vst v63  }
0x28: {  	s24 =	rddreg [dreg:$0x8]  }
0x29: {  	[tilespmem:s25], [sflag:$0x1] =	stream.linear.gather [hbm4b:s24+s4], $0x200, $0x38;
	[tilespmem:$0x1EC00] =	vst v63  }
0x2a: {  	s10 =	rddreg [dreg:$0x9]  }
0x2b: {  	[tilespmem:s26], [sflag:$0x1] =	stream.linear.gather [hbm4b:s10+s4], $0x200, $0x38;
	[tilespmem:$0x1EC00] =	vst v63  }
0x2c: {  	s24 =	rddreg [dreg:$0xa];
	s10 =	simm.s32 $0x800  }
0x2d: {  	[tilespmem:s10], [sflag:$0x1] =	stream.linear.gather [hbm4b:s24+s4], $0x200, $0x38;
	[tilespmem:$0x1EC00] =	vst v63  }
0x2e: {  	s10 =	rddreg [dreg:$0xb];
	s24 =	simm.s32 $0xA00  }
0x2f: {  	[tilespmem:s24], [sflag:$0x1] =	stream.linear.gather [hbm4b:s10+s4], $0x200, $0x38;
	[tilespmem:$0x1EC00] =	vst v63  }
0x30: {  	s10 =	rddreg [dreg:$0xc];
	s24 =	simm.s32 $0xC00  }
0x31: {  	[tilespmem:s24], [sflag:$0x1] =	stream.linear.gather [hbm4b:s10+s4], $0x200, $0x38;
	[tilespmem:$0x1EC00] =	vst v63  }
0x32: {  	s10 =	rddreg [dreg:$0xd];
	s24 =	simm.s32 $0xE00  }
0x33: {  	[tilespmem:s24], [sflag:$0x1] =	stream.linear.gather [hbm4b:s10+s4], $0x200, $0x38;
	[tilespmem:$0x1EC00] =	vst v63  }
0x34: {  	s10 =	rddreg [dreg:$0xe];
	s24 =	simm.s32 $0x1000  }
0x35: {  	[tilespmem:s24], [sflag:$0x1] =	stream.linear.gather [hbm4b:s10+s4], $0x200, $0x38;
	[tilespmem:$0x1EC00] =	vst v63  }
0x36: {  	s10 =	rddreg [dreg:$0xf];
	s24 =	simm.s32 $0x1200  }
0x37: {  	[tilespmem:s24], [sflag:$0x1] =	stream.linear.gather [hbm4b:s10+s4], $0x200, $0x38;
	[tilespmem:$0x1EC00] =	vst v63  }
0x38: {  	s10 =	rddreg [dreg:$0x10];
	s24 =	simm.s32 $0x1400  }
0x39: {  	[tilespmem:s24], [sflag:$0x1] =	stream.linear.gather [hbm4b:s10+s4], $0x200, $0x38;
	[tilespmem:$0x1EC00] =	vst v63  }
0x3a: {  	s24 =	rddreg [dreg:$0x11]  }
0x3b: {  	[tilespmem:s12], [sflag:$0x1] =	stream.linear.gather [hbm4b:s24+s4], $0x200, $0x38;
	[tilespmem:$0x1EC00] =	vst v63  }
0x3c: {  	s10 =	rddreg [dreg:$0x12]  }
0x3d: {  	[tilespmem:s13], [sflag:$0x1] =	stream.linear.gather [hbm4b:s10+s4], $0x200, $0x38;
	[tilespmem:$0x1EC00] =	vst v63  }
0x3e: {  	s24 =	rddreg [dreg:$0x13]  }
0x3f: {  	[tilespmem:s14], [sflag:$0x1] =	stream.linear.gather [hbm4b:s24+s4], $0x200, $0x38;
	[tilespmem:$0x1EC00] =	vst v63  }
0x40: {  	s10 =	rddreg [dreg:$0x14]  }
0x41: {  	[tilespmem:s15], [sflag:$0x1] =	stream.linear.gather [hbm4b:s10+s4], $0x200, $0x38;
	[tilespmem:$0x1EC00] =	vst v63  }
0x42: {  	s24 =	rddreg [dreg:$0x15]  }
0x43: {  	[tilespmem:s16], [sflag:$0x1] =	stream.linear.gather [hbm4b:s24+s4], $0x200, $0x38;
	[tilespmem:$0x1EC00] =	vst v63  }
0x44: {  	s10 =	rddreg [dreg:$0x16]  }
0x45: {  	[tilespmem:s31], [sflag:$0x1] =	stream.linear.gather [hbm4b:s10+s4], $0x200, $0x38;
	[tilespmem:$0x1EC00] =	vst v63  }
0x46: {  	s24 =	rddreg [dreg:$0x17]  }
0x47: {  	[tilespmem:s17], [sflag:$0x1] =	stream.linear.gather [hbm4b:s24+s4], $0x200, $0x38;
	[tilespmem:$0x1EC00] =	vst v63  }
0x48: {  	s10 =	rddreg [dreg:$0x18]  }
0x49: {  	[tilespmem:s0], [sflag:$0x1] =	stream.linear.gather [hbm4b:s10+s4], $0x200, $0x38;
	[tilespmem:$0x1EC00] =	vst v63  }
0x4a: {  	s24 =	rddreg [dreg:$0x19]  }
0x4b: {  	[tilespmem:s18], [sflag:$0x1] =	stream.linear.gather [hbm4b:s24+s4], $0x200, $0x38;
	[tilespmem:$0x1EC00] =	vst v63  }
0x4c: {  	s10 =	rddreg [dreg:$0x1a]  }
0x4d: {  	[tilespmem:s3], [sflag:$0x1] =	stream.linear.gather [hbm4b:s10+s4], $0x200, $0x38;
	[tilespmem:$0x1EC00] =	vst v63  }
0x4e: {  	s24 =	rddreg [dreg:$0x1b]  }
0x4f: {  	[tilespmem:s19], [sflag:$0x1] =	stream.linear.gather [hbm4b:s24+s4], $0x200, $0x38;
	[tilespmem:$0x1EC00] =	vst v63  }
0x50: {  	_ =	swait.ge [sflag:s5], $0x200  }
0x51: {  	[sflag:s5] =	ssyncset.done $0x0  }
0x52: {  	[sflag:s5] =	ssyncadd.s32 $0xFFFFFE00  }
0x53: {  	_ =	swait.ge [sflag:s5], $0x200  }
0x54: {  	[sflag:s5] =	ssyncset.done $0x0  }
0x55: {  	[sflag:s5] =	ssyncadd.s32 $0xFFFFFE00  }
0x56: {  	_ =	swait.ge [sflag:s5], $0x2800  }
0x57: {  	[sflag:s5] =	ssyncset.done $0x0  }
0x58: {  	s9 =	simm.s32 $0x0;
	s10 =	simm.s32 $0x200;
	[sflag:s5] =	ssyncadd.s32 $0xFFFFD800  }
.LBB2_2:
0x59: {  	p0 =	sne.s32 s10, $0xFE00;
	[tilespmem:s9+$0x12C70] =	vst v0  }
0x5a: {  	[tilespmem:s9+$0x12C00] =	vst v0  }
0x5b: {  	[tilespmem:s9+$0x12C10] =	vst v0  }
.Ltmp0:
0x5c: {  	[tilespmem:s9+$0x12C20] =	vst v0;
	(pc) =	sbr.rel @p0 .LBB2_2-.Ltmp0, $4  }
0x5d: {  	[tilespmem:s9+$0x12C30] =	vst v0  }
0x5e: {  	[tilespmem:s9+$0x12C40] =	vst v0  }
0x5f: {  	[tilespmem:s9+$0x12C50] =	vst v0  }
0x60: {  	[tilespmem:s9+$0x12C60] =	vst v0;
	s9 =	sshra.s32 s10, $0x2;
	s10 =	sadd.s32 $0x200, s10  }
0x61: {  	[tilespmem:s9+$0x12C70] =	vst v0  }
0x62: {  	[tilespmem:s9+$0x12C00] =	vst v0  }
0x63: {  	[tilespmem:s9+$0x12C10] =	vst v0  }
0x64: {  	[tilespmem:s9+$0x12C20] =	vst v0  }
0x65: {  	[tilespmem:s9+$0x12C30] =	vst v0  }
0x66: {  	[tilespmem:s9+$0x12C40] =	vst v0  }
0x67: {  	[tilespmem:s9+$0x12C50] =	vst v0  }
0x68: {  	[tilespmem:s9+$0x12C60] =	vst v0;
	s9 =	simm.s32 $0x0;
	s10 =	simm.s32 $0x200  }
.LBB2_4:
0x69: {  	p0 =	sne.s32 s10, $0xFE00;
	[tilespmem:s9+$0x16C70] =	vst v0  }
0x6a: {  	[tilespmem:s9+$0x16C00] =	vst v0  }
0x6b: {  	[tilespmem:s9+$0x16C10] =	vst v0  }
.Ltmp1:
0x6c: {  	[tilespmem:s9+$0x16C20] =	vst v0;
	(pc) =	sbr.rel @p0 .LBB2_4-.Ltmp1, $4  }
0x6d: {  	[tilespmem:s9+$0x16C30] =	vst v0  }
0x6e: {  	[tilespmem:s9+$0x16C40] =	vst v0  }
0x6f: {  	[tilespmem:s9+$0x16C50] =	vst v0  }
0x70: {  	[tilespmem:s9+$0x16C60] =	vst v0;
	s9 =	sshra.s32 s10, $0x2;
	s10 =	sadd.s32 $0x200, s10  }
0x71: {  	[tilespmem:s9+$0x16C70] =	vst v0  }
0x72: {  	[tilespmem:s9+$0x16C00] =	vst v0  }
0x73: {  	[tilespmem:s9+$0x16C10] =	vst v0  }
0x74: {  	[tilespmem:s9+$0x16C20] =	vst v0  }
0x75: {  	[tilespmem:s9+$0x16C30] =	vst v0  }
0x76: {  	[tilespmem:s9+$0x16C40] =	vst v0  }
0x77: {  	[tilespmem:s9+$0x16C50] =	vst v0  }
0x78: {  	[tilespmem:s9+$0x16C60] =	vst v0;
	s24 =	simm.s32 $0x0;
	s10 =	simm.s32 $0x2C00  }
0x79: {  	[tilespmem:s10], [sflag:$0x1] =	stream.indirect.gather [hbm4b:s1+s20], $0x80, s24, s20, $0xb8;
	[tilespmem:$0x1EC00] =	vst v63  }
0x7a: {  	s10 =	simm.s32 $0xAC00  }
0x7b: {  	[tilespmem:s10], [sflag:$0x1] =	stream.indirect.gather [hbm4b:s2+s20], $0x80, s11, s20, $0xb8;
	[tilespmem:$0x1EC00] =	vst v63  }
0x7c: {  	_ = 	snop  }
0x7d: {  	[tilespmem:s6], [sflag:$0x1] =	stream.indirect.gather.add.f32 [hbm:s2], $0x80, s25, s20, $0xb8;
	[tilespmem:$0x1EC00] =	vst v63  }
0x7e: {  	_ = 	snop  }
0x7f: {  	[tilespmem:s6], [sflag:$0x1] =	stream.indirect.gather.add.f32 [hbm:s2], $0x80, s26, s20, $0xb8;
	[tilespmem:$0x1EC00] =	vst v63  }
0x80: {  	s11 =	simm.s32 $0x800  }
0x81: {  	[tilespmem:s6], [sflag:$0x1] =	stream.indirect.gather.add.f32 [hbm:s2], $0x80, s11, s20, $0xb8;
	[tilespmem:$0x1EC00] =	vst v63  }
0x82: {  	s25 =	simm.s32 $0xA00  }
0x83: {  	[tilespmem:s6], [sflag:$0x1] =	stream.indirect.gather.add.f32 [hbm:s2], $0x80, s25, s20, $0xb8;
	[tilespmem:$0x1EC00] =	vst v63  }
0x84: {  	s26 =	simm.s32 $0xC00  }
0x85: {  	[tilespmem:s6], [sflag:$0x1] =	stream.indirect.gather.add.f32 [hbm:s2], $0x80, s26, s20, $0xb8;
	[tilespmem:$0x1EC00] =	vst v63  }
0x86: {  	s10 =	simm.s32 $0xE00  }
0x87: {  	[tilespmem:s6], [sflag:$0x1] =	stream.indirect.gather.add.f32 [hbm:s2], $0x80, s10, s20, $0xb8;
	[tilespmem:$0x1EC00] =	vst v63  }
0x88: {  	s11 =	simm.s32 $0x1000  }
0x89: {  	[tilespmem:s6], [sflag:$0x1] =	stream.indirect.gather.add.f32 [hbm:s2], $0x80, s11, s20, $0xb8;
	[tilespmem:$0x1EC00] =	vst v63  }
0x8a: {  	s25 =	simm.s32 $0x1200  }
0x8b: {  	[tilespmem:s6], [sflag:$0x1] =	stream.indirect.gather.add.f32 [hbm:s2], $0x80, s25, s20, $0xb8;
	[tilespmem:$0x1EC00] =	vst v63  }
0x8c: {  	s26 =	simm.s32 $0x1400  }
0x8d: {  	[tilespmem:s6], [sflag:$0x1] =	stream.indirect.gather.add.f32 [hbm:s2], $0x80, s26, s20, $0xb8;
	[tilespmem:$0x1EC00] =	vst v63  }
0x8e: {  	_ = 	snop  }
0x8f: {  	[tilespmem:s6], [sflag:$0x1] =	stream.indirect.gather.add.f32 [hbm:s2], $0x80, s12, s20, $0xb8;
	[tilespmem:$0x1EC00] =	vst v63  }
0x90: {  	_ = 	snop  }
0x91: {  	[tilespmem:s6], [sflag:$0x1] =	stream.indirect.gather.add.f32 [hbm:s2], $0x80, s13, s20, $0xb8;
	[tilespmem:$0x1EC00] =	vst v63  }
0x92: {  	_ = 	snop  }
0x93: {  	[tilespmem:s6], [sflag:$0x1] =	stream.indirect.gather.add.f32 [hbm:s2], $0x80, s14, s20, $0xb8;
	[tilespmem:$0x1EC00] =	vst v63  }
0x94: {  	_ = 	snop  }
0x95: {  	[tilespmem:s6], [sflag:$0x1] =	stream.indirect.gather.add.f32 [hbm:s2], $0x80, s15, s20, $0xb8;
	[tilespmem:$0x1EC00] =	vst v63  }
0x96: {  	_ = 	snop  }
0x97: {  	[tilespmem:s6], [sflag:$0x1] =	stream.indirect.gather.add.f32 [hbm:s2], $0x80, s16, s20, $0xb8;
	[tilespmem:$0x1EC00] =	vst v63  }
0x98: {  	_ = 	snop  }
0x99: {  	[tilespmem:s6], [sflag:$0x1] =	stream.indirect.gather.add.f32 [hbm:s2], $0x80, s31, s20, $0xb8;
	[tilespmem:$0x1EC00] =	vst v63  }
0x9a: {  	_ = 	snop  }
0x9b: {  	[tilespmem:s6], [sflag:$0x1] =	stream.indirect.gather.add.f32 [hbm:s2], $0x80, s17, s20, $0xb8;
	[tilespmem:$0x1EC00] =	vst v63  }
0x9c: {  	_ = 	snop  }
0x9d: {  	[tilespmem:s6], [sflag:$0x1] =	stream.indirect.gather.add.f32 [hbm:s2], $0x80, s0, s20, $0xb8;
	[tilespmem:$0x1EC00] =	vst v63  }
0x9e: {  	_ = 	snop  }
0x9f: {  	[tilespmem:s6], [sflag:$0x1] =	stream.indirect.gather.add.f32 [hbm:s2], $0x80, s18, s20, $0xb8;
	[tilespmem:$0x1EC00] =	vst v63  }
0xa0: {  	_ = 	snop  }
0xa1: {  	[tilespmem:s6], [sflag:$0x1] =	stream.indirect.gather.add.f32 [hbm:s2], $0x80, s3, s20, $0xb8;
	[tilespmem:$0x1EC00] =	vst v63  }
0xa2: {  	p2 =	por $0x1, $0x1;
	p1 =	por $0x0, $0x0  }
0xa3: {  	[tilespmem:s6], [sflag:$0x1] =	stream.indirect.gather.add.f32 [hbm:s2], $0x80, s19, s20, $0xb8;
	[tilespmem:$0x1EC00] =	vst v63  }
.LBB2_6:
0xa4: {  	s9 =	sshll.u32 s24, $0x8  }
0xa5: {  	s10 =	sor.u32 $0x80, s9  }
0xa6: {  	[tilespmem:s21], [sflag:$0x2] =	stream.indirect.gather [hbm4b:s1+s20], $0x80, s10, s20, $0xb8;
	[tilespmem:$0x1EC00] =	vst v63  }
0xa7: {  	s26 =	sadd.s32 $0x280, s9  }
0xa8: {  	[tilespmem:s7], [sflag:$0x2] =	stream.indirect.gather [hbm4b:s2+s20], $0x80, s26, s20, $0xb8;
	[tilespmem:$0x1EC00] =	vst v63  }
0xa9: {  	s11 =	sadd.s32 $0x480, s9  }
0xaa: {  	[tilespmem:s22], [sflag:$0x2] =	stream.indirect.gather.add.f32 [hbm:s2], $0x80, s11, s20, $0xb8;
	[tilespmem:$0x1EC00] =	vst v63  }
0xab: {  	s25 =	sadd.s32 $0x680, s9  }
0xac: {  	[tilespmem:s22], [sflag:$0x2] =	stream.indirect.gather.add.f32 [hbm:s2], $0x80, s25, s20, $0xb8;
	[tilespmem:$0x1EC00] =	vst v63  }
0xad: {  	s26 =	sadd.s32 $0x880, s9  }
0xae: {  	[tilespmem:s22], [sflag:$0x2] =	stream.indirect.gather.add.f32 [hbm:s2], $0x80, s26, s20, $0xb8;
	[tilespmem:$0x1EC00] =	vst v63  }
0xaf: {  	s11 =	sadd.s32 $0xA80, s9  }
0xb0: {  	[tilespmem:s22], [sflag:$0x2] =	stream.indirect.gather.add.f32 [hbm:s2], $0x80, s11, s20, $0xb8;
	[tilespmem:$0x1EC00] =	vst v63  }
0xb1: {  	s25 =	sadd.s32 $0xC80, s9  }
0xb2: {  	[tilespmem:s22], [sflag:$0x2] =	stream.indirect.gather.add.f32 [hbm:s2], $0x80, s25, s20, $0xb8;
	[tilespmem:$0x1EC00] =	vst v63  }
0xb3: {  	s26 =	sadd.s32 $0xE80, s9  }
0xb4: {  	[tilespmem:s22], [sflag:$0x2] =	stream.indirect.gather.add.f32 [hbm:s2], $0x80, s26, s20, $0xb8;
	[tilespmem:$0x1EC00] =	vst v63  }
0xb5: {  	s11 =	sadd.s32 $0x1080, s9  }
0xb6: {  	[tilespmem:s22], [sflag:$0x2] =	stream.indirect.gather.add.f32 [hbm:s2], $0x80, s11, s20, $0xb8;
	[tilespmem:$0x1EC00] =	vst v63  }
0xb7: {  	s25 =	sadd.s32 $0x1280, s9  }
0xb8: {  	[tilespmem:s22], [sflag:$0x2] =	stream.indirect.gather.add.f32 [hbm:s2], $0x80, s25, s20, $0xb8;
	[tilespmem:$0x1EC00] =	vst v63  }
0xb9: {  	s26 =	sadd.s32 $0x1480, s9  }
0xba: {  	[tilespmem:s22], [sflag:$0x2] =	stream.indirect.gather.add.f32 [hbm:s2], $0x80, s26, s20, $0xb8;
	[tilespmem:$0x1EC00] =	vst v63  }
0xbb: {  	s11 =	sadd.s32 $0x1680, s9  }
0xbc: {  	[tilespmem:s22], [sflag:$0x2] =	stream.indirect.gather.add.f32 [hbm:s2], $0x80, s11, s20, $0xb8;
	[tilespmem:$0x1EC00] =	vst v63  }
0xbd: {  	s25 =	sadd.s32 $0x1880, s9  }
0xbe: {  	[tilespmem:s22], [sflag:$0x2] =	stream.indirect.gather.add.f32 [hbm:s2], $0x80, s25, s20, $0xb8;
	[tilespmem:$0x1EC00] =	vst v63  }
0xbf: {  	s26 =	sadd.s32 $0x1A80, s9  }
0xc0: {  	[tilespmem:s22], [sflag:$0x2] =	stream.indirect.gather.add.f32 [hbm:s2], $0x80, s26, s20, $0xb8;
	[tilespmem:$0x1EC00] =	vst v63  }
0xc1: {  	s11 =	sadd.s32 $0x1C80, s9  }
0xc2: {  	[tilespmem:s22], [sflag:$0x2] =	stream.indirect.gather.add.f32 [hbm:s2], $0x80, s11, s20, $0xb8;
	[tilespmem:$0x1EC00] =	vst v63  }
0xc3: {  	s25 =	sadd.s32 $0x1E80, s9  }
0xc4: {  	[tilespmem:s22], [sflag:$0x2] =	stream.indirect.gather.add.f32 [hbm:s2], $0x80, s25, s20, $0xb8;
	[tilespmem:$0x1EC00] =	vst v63  }
0xc5: {  	s26 =	sadd.s32 $0x2080, s9  }
0xc6: {  	[tilespmem:s22], [sflag:$0x2] =	stream.indirect.gather.add.f32 [hbm:s2], $0x80, s26, s20, $0xb8;
	[tilespmem:$0x1EC00] =	vst v63  }
0xc7: {  	s11 =	sadd.s32 $0x2280, s9  }
0xc8: {  	[tilespmem:s22], [sflag:$0x2] =	stream.indirect.gather.add.f32 [hbm:s2], $0x80, s11, s20, $0xb8;
	[tilespmem:$0x1EC00] =	vst v63  }
0xc9: {  	s25 =	sadd.s32 $0x2480, s9  }
0xca: {  	[tilespmem:s22], [sflag:$0x2] =	stream.indirect.gather.add.f32 [hbm:s2], $0x80, s25, s20, $0xb8;
	[tilespmem:$0x1EC00] =	vst v63  }
0xcb: {  	s26 =	sadd.s32 $0x2680, s9  }
0xcc: {  	[tilespmem:s22], [sflag:$0x2] =	stream.indirect.gather.add.f32 [hbm:s2], $0x80, s26, s20, $0xb8;
	[tilespmem:$0x1EC00] =	vst v63  }
0xcd: {  	s11 =	sadd.s32 $0x2880, s9  }
0xce: {  	[tilespmem:s22], [sflag:$0x2] =	stream.indirect.gather.add.f32 [hbm:s2], $0x80, s11, s20, $0xb8;
	[tilespmem:$0x1EC00] =	vst v63  }
0xcf: {  	s25 =	sadd.s32 $0x2A80, s9  }
0xd0: {  	[tilespmem:s22], [sflag:$0x2] =	stream.indirect.gather.add.f32 [hbm:s2], $0x80, s25, s20, $0xb8;
	[tilespmem:$0x1EC00] =	vst v63  }
0xd1: {  	_ =	swait.ge [sflag:s5], $0x4000  }
0xd2: {  	[sflag:s5] =	ssyncset.done $0x0  }
0xd3: {  	[sflag:s5] =	ssyncadd.s32 $0xFFFFC000  }
0xd4: {  	_ =	swait.ge [sflag:s5], $0x4000  }
0xd5: {  	[sflag:s5] =	ssyncset.done $0x0  }
0xd6: {  	[sflag:s5] =	ssyncadd.s32 $0xFFFFC000  }
0xd7: {  	_ =	swait.ge [sflag:s5], $0x4000  }
0xd8: {  	[sflag:s5] =	ssyncset.done $0x0  }
0xd9: {  	[sflag:s5] =	ssyncadd.s32 $0xFFFFC000  }
0xda: {  	_ =	swait.ge [sflag:s5], $0x4000  }
0xdb: {  	[sflag:s5] =	ssyncset.done $0x0  }
0xdc: {  	[sflag:s5] =	ssyncadd.s32 $0xFFFFC000  }
0xdd: {  	_ =	swait.ge [sflag:s5], $0x4000  }
0xde: {  	[sflag:s5] =	ssyncset.done $0x0  }
0xdf: {  	[sflag:s5] =	ssyncadd.s32 $0xFFFFC000  }
0xe0: {  	_ =	swait.ge [sflag:s5], $0x4000  }
0xe1: {  	[sflag:s5] =	ssyncset.done $0x0  }
0xe2: {  	[sflag:s5] =	ssyncadd.s32 $0xFFFFC000  }
0xe3: {  	_ =	swait.ge [sflag:s5], $0x4000  }
0xe4: {  	[sflag:s5] =	ssyncset.done $0x0  }
0xe5: {  	[sflag:s5] =	ssyncadd.s32 $0xFFFFC000  }
0xe6: {  	_ =	swait.ge [sflag:s5], $0x4000  }
0xe7: {  	[sflag:s5] =	ssyncset.done $0x0  }
0xe8: {  	[sflag:s5] =	ssyncadd.s32 $0xFFFFC000  }
0xe9: {  	_ =	swait.ge [sflag:s5], $0x4000  }
0xea: {  	[sflag:s5] =	ssyncset.done $0x0  }
0xeb: {  	[sflag:s5] =	ssyncadd.s32 $0xFFFFC000  }
0xec: {  	_ =	swait.ge [sflag:s5], $0x4000  }
0xed: {  	[sflag:s5] =	ssyncset.done $0x0  }
0xee: {  	[sflag:s5] =	ssyncadd.s32 $0xFFFFC000  }
0xef: {  	_ =	swait.ge [sflag:s5], $0x4000  }
0xf0: {  	[sflag:s5] =	ssyncset.done $0x0  }
0xf1: {  	[sflag:s5] =	ssyncadd.s32 $0xFFFFC000  }
0xf2: {  	_ =	swait.ge [sflag:s5], $0x4000  }
0xf3: {  	[sflag:s5] =	ssyncset.done $0x0  }
0xf4: {  	[sflag:s5] =	ssyncadd.s32 $0xFFFFC000  }
0xf5: {  	_ =	swait.ge [sflag:s5], $0x4000  }
0xf6: {  	[sflag:s5] =	ssyncset.done $0x0  }
0xf7: {  	[sflag:s5] =	ssyncadd.s32 $0xFFFFC000  }
0xf8: {  	_ =	swait.ge [sflag:s5], $0x4000  }
0xf9: {  	[sflag:s5] =	ssyncset.done $0x0  }
0xfa: {  	[sflag:s5] =	ssyncadd.s32 $0xFFFFC000  }
0xfb: {  	_ =	swait.ge [sflag:s5], $0x4000  }
0xfc: {  	[sflag:s5] =	ssyncset.done $0x0  }
0xfd: {  	[sflag:s5] =	ssyncadd.s32 $0xFFFFC000  }
0xfe: {  	_ =	swait.ge [sflag:s5], $0x4000  }
0xff: {  	[sflag:s5] =	ssyncset.done $0x0  }
0x100: {  	[sflag:s5] =	ssyncadd.s32 $0xFFFFC000  }
0x101: {  	_ =	swait.ge [sflag:s5], $0x4000  }
0x102: {  	[sflag:s5] =	ssyncset.done $0x0  }
0x103: {  	[sflag:s5] =	ssyncadd.s32 $0xFFFFC000  }
0x104: {  	_ =	swait.ge [sflag:s5], $0x4000  }
0x105: {  	[sflag:s5] =	ssyncset.done $0x0  }
0x106: {  	[sflag:s5] =	ssyncadd.s32 $0xFFFFC000  }
0x107: {  	_ =	swait.ge [sflag:s5], $0x4000  }
0x108: {  	[sflag:s5] =	ssyncset.done $0x0  }
0x109: {  	[sflag:s5] =	ssyncadd.s32 $0xFFFFC000  }
0x10a: {  	_ =	swait.ge [sflag:s5], $0x4000  }
0x10b: {  	[sflag:s5] =	ssyncset.done $0x0  }
0x10c: {  	[sflag:s5] =	ssyncadd.s32 $0xFFFFC000  }
0x10d: {  	_ =	swait.ge [sflag:s5], $0x4000  }
0x10e: {  	[sflag:s5] =	ssyncset.done $0x0  }
0x10f: {  	[sflag:s5] =	ssyncadd.s32 $0xFFFFC000  }
0x110: {  	_ =	swait.ge [sflag:s5], $0x4000  }
0x111: {  	[sflag:s5] =	ssyncset.done $0x0  }
0x112: {  	s11 =	simm.s32 $0x0;
	[sflag:s5] =	ssyncadd.s32 $0xFFFFC000  }
0x113: {  	v1 =	vld [tilespmem:s11+$0x12C60]  }
0x114: {  	v2 =	vld [tilespmem:s11+$0x12C50]  }
0x115: {  	v3 =	vld [tilespmem:s11+$0x12C40]  }
0x116: {  	v4 =	vld [tilespmem:s11+$0x12C30]  }
0x117: {  	v5 =	vld [tilespmem:s11+$0x12C20]  }
0x118: {  	v6 =	vld [tilespmem:s11+$0x12C00]  }
0x119: {  	v7 =	vld [tilespmem:s11+$0x12C10]  }
0x11a: {  	v8 =	vld [tilespmem:s11+$0xAC00]  }
0x11b: {  	v9 =	vld [tilespmem:s11+$0x2C00]  }
0x11c: {  	v10 =	vld [tilespmem:s11+$0x2C10]  }
0x11d: {  	v11 =	vld [tilespmem:s11+$0xAC10]  }
0x11e: {  	v12 =	vld [tilespmem:s11+$0x2C20]  }
0x11f: {  	v13 =	vld [tilespmem:s11+$0xAC20]  }
0x120: {  	v14 =	vld [tilespmem:s11+$0x2C30]  }
0x121: {  	v15 =	vld [tilespmem:s11+$0xAC30]  }
0x122: {  	v16 =	vld [tilespmem:s11+$0x2C40];
	v8 =	vmul.f32 v8, v9;
	v11 =	vmul.f32 v11, v10  }
0x123: {  	v6 =	vmul.f32 v6, v9;
	v7 =	vmul.f32 v7, v10;
	v9 =	vld [tilespmem:s11+$0xAC40]  }
0x124: {  	v62 =	vld [tilespmem:s11+$0xAC50];
	v8 =	vadd.f32 v11, v8;
	v11 =	vmul.f32 v13, v12  }
0x125: {  	v10 =	vld [tilespmem:s11+$0x2C50];
	v5 =	vmul.f32 v5, v12;
	v6 =	vadd.f32 v7, v6  }
0x126: {  	v63 =	vld [tilespmem:s11+$0xAC60];
	v8 =	vadd.f32 v11, v8;
	v11 =	vmul.f32 v15, v14  }
0x127: {  	v4 =	vmul.f32 v4, v14;
	v7 =	vld [tilespmem:s11+$0x2C60];
	v5 =	vadd.f32 v5, v6  }
0x128: {  	v6 =	vld [tilespmem:s11+$0x2C70];
	v9 =	vmul.f32 v9, v16;
	v8 =	vadd.f32 v11, v8  }
0x129: {  	v3 =	vmul.f32 v3, v16;
	v11 =	vld [tilespmem:s11+$0xAC70];
	v4 =	vadd.f32 v4, v5  }
0x12a: {  	[tilespmem:s11+$0x12C60] =	vst v0;
	v5 =	vadd.f32 v9, v8;
	v8 =	vmul.f32 v62, v10;
	v9 =	vld [tilespmem:s11+$0x12C70]  }
0x12b: {  	[tilespmem:s11+$0x12C50] =	vst v0;
	v2 =	vmul.f32 v2, v10;
	v3 =	vadd.f32 v3, v4  }
0x12c: {  	[tilespmem:s11+$0x12C40] =	vst v0;
	v4 =	vadd.f32 v8, v5;
	v5 =	vmul.f32 v63, v7  }
0x12d: {  	[tilespmem:s11+$0x12C30] =	vst v0;
	v1 =	vmul.f32 v1, v7;
	v2 =	vadd.f32 v2, v3  }
0x12e: {  	[tilespmem:s11+$0x12C20] =	vst v0;
	v3 =	vadd.f32 v5, v4;
	v4 =	vmul.f32 v11, v6  }
0x12f: {  	s26 =	sshll.u32 s24, $0xE;
	[tilespmem:s11+$0x12C00] =	vst v0;
	v1 =	vadd.f32 v1, v2;
	v2 =	vmul.f32 v9, v6  }
0x130: {  	s24 =	sshra.s32 s26, $0x2;
	[tilespmem:s11+$0x12C10] =	vst v0;
	v3 =	vadd.f32 v4, v3  }
0x131: {  	s10 =	sadd.s32 $0x1AC00, s24;
	[tilespmem:s11+$0x12C70] =	vst v0;
	v1 =	vadd.f32 v2, v1  }
0x132: {  	s25 =	sadd.s32 $0x1CC00, s24;
	[tilespmem:s10+$0x0] =	vst v3  }
0x133: {  	s11 =	simm.s32 $0x80;
	[tilespmem:s25+$0x0] =	vst v1  }
0x134: {  	v1 =	vld [tilespmem:s11+$0x12C60]  }
0x135: {  	v2 =	vld [tilespmem:s11+$0x12C50]  }
0x136: {  	v3 =	vld [tilespmem:s11+$0x12C40]  }
0x137: {  	v4 =	vld [tilespmem:s11+$0x12C30]  }
0x138: {  	[tilespmem:s11+$0x12C60] =	vst v0;
	v5 =	vld [tilespmem:s11+$0x12C20]  }
0x139: {  	[tilespmem:s11+$0x12C50] =	vst v0;
	v6 =	vld [tilespmem:s11+$0x12C00]  }
0x13a: {  	[tilespmem:s11+$0x12C40] =	vst v0;
	v7 =	vld [tilespmem:s11+$0x12C10]  }
0x13b: {  	[tilespmem:s11+$0x12C30] =	vst v0;
	v8 =	vld [tilespmem:s11+$0xAC00]  }
0x13c: {  	[tilespmem:s11+$0x12C20] =	vst v0;
	v9 =	vld [tilespmem:s11+$0x2C00]  }
0x13d: {  	[tilespmem:s11+$0x12C00] =	vst v0;
	v10 =	vld [tilespmem:s11+$0x2C10]  }
0x13e: {  	p0 =	por p2, p2;
	s26 =	simm.s32 $0x400;
	[tilespmem:s11+$0x12C10] =	vst v0;
	v11 =	vld [tilespmem:s11+$0xAC10]  }
.LBB2_7:
0x13f: {  	p2 =	sne.s32 s26, $0xFE00;
	v12 =	vld [tilespmem:s11+$0x2C20]  }
0x140: {  	v13 =	vld [tilespmem:s11+$0xAC20]  }
0x141: {  	v14 =	vld [tilespmem:s11+$0x2C30];
	v6 =	vmul.f32 v6, v9  }
0x142: {  	v15 =	vld [tilespmem:s11+$0xAC30];
	v7 =	vmul.f32 v7, v10  }
0x143: {  	v8 =	vmul.f32 v8, v9;
	v16 =	vld [tilespmem:s11+$0x2C40];
	v9 =	vmul.f32 v11, v10  }
0x144: {  	v10 =	vld [tilespmem:s11+$0xAC40];
	v5 =	vmul.f32 v5, v12  }
0x145: {  	v11 =	vld [tilespmem:s11+$0x2C50];
	v8 =	vadd.f32 v9, v8;
	v9 =	vmul.f32 v13, v12  }
0x146: {  	v6 =	vadd.f32 v7, v6;
	v12 =	vld [tilespmem:s11+$0xAC50];
	v4 =	vmul.f32 v4, v14  }
0x147: {  	v7 =	vld [tilespmem:s11+$0x2C60];
	v8 =	vadd.f32 v9, v8;
	v9 =	vmul.f32 v15, v14  }
0x148: {  	v5 =	vadd.f32 v5, v6;
	v13 =	vld [tilespmem:s11+$0xAC60];
	v3 =	vmul.f32 v3, v16  }
0x149: {  	v6 =	vld [tilespmem:s11+$0x2C70];
	v8 =	vadd.f32 v9, v8;
	v9 =	vmul.f32 v10, v16  }
0x14a: {  	v4 =	vadd.f32 v4, v5;
	v10 =	vld [tilespmem:s11+$0xAC70];
	v2 =	vmul.f32 v2, v11  }
0x14b: {  	v5 =	vadd.f32 v9, v8;
	v8 =	vmul.f32 v12, v11;
	v9 =	vld [tilespmem:s11+$0x12C70]  }
0x14c: {  	v3 =	vadd.f32 v3, v4;
	v1 =	vmul.f32 v1, v7  }
0x14d: {  	v4 =	vadd.f32 v8, v5;
	v5 =	vmul.f32 v13, v7  }
0x14e: {  	v2 =	vadd.f32 v2, v3  }
0x14f: {  	v3 =	vadd.f32 v5, v4;
	v4 =	vmul.f32 v10, v6  }
0x150: {  	v1 =	vadd.f32 v1, v2;
	v2 =	vmul.f32 v9, v6  }
0x151: {  	v3 =	vadd.f32 v4, v3  }
0x152: {  	s10 =	sadd.s32 $0x10, s10;
	v1 =	vadd.f32 v2, v1;
	[tilespmem:s11+$0x12C70] =	vst v0  }
0x153: {  	s25 =	sadd.s32 $0x10, s25;
	[tilespmem:s10+$0x0] =	vst v3  }
0x154: {  	s11 =	sshra.s32 s26, $0x2;
	[tilespmem:s25+$0x0] =	vst v1  }
0x155: {  	v1 =	vld [tilespmem:s11+$0x12C60];
	[tilespmem:s11+$0x12C60] =	vst v0  }
0x156: {  	v2 =	vld [tilespmem:s11+$0x12C50];
	[tilespmem:s11+$0x12C50] =	vst v0  }
0x157: {  	v3 =	vld [tilespmem:s11+$0x12C40];
	[tilespmem:s11+$0x12C40] =	vst v0  }
0x158: {  	v4 =	vld [tilespmem:s11+$0x12C30];
	[tilespmem:s11+$0x12C30] =	vst v0  }
0x159: {  	v5 =	vld [tilespmem:s11+$0x12C20];
	[tilespmem:s11+$0x12C20] =	vst v0  }
0x15a: {  	v6 =	vld [tilespmem:s11+$0x12C00];
	[tilespmem:s11+$0x12C00] =	vst v0  }
.Ltmp2:
0x15b: {  	v7 =	vld [tilespmem:s11+$0x12C10];
	[tilespmem:s11+$0x12C10] =	vst v0;
	(pc) =	sbr.rel @p2 .LBB2_7-.Ltmp2, $4  }
0x15c: {  	v8 =	vld [tilespmem:s11+$0xAC00]  }
0x15d: {  	v9 =	vld [tilespmem:s11+$0x2C00]  }
0x15e: {  	v10 =	vld [tilespmem:s11+$0x2C10]  }
0x15f: {  	s26 =	sadd.s32 $0x200, s26;
	v11 =	vld [tilespmem:s11+$0xAC10]  }
0x160: {  	v12 =	vld [tilespmem:s11+$0x2C20]  }
0x161: {  	v13 =	vld [tilespmem:s11+$0xAC20]  }
0x162: {  	v14 =	vld [tilespmem:s11+$0x2C30]  }
0x163: {  	v15 =	vld [tilespmem:s11+$0xAC30]  }
0x164: {  	v16 =	vld [tilespmem:s11+$0x2C40];
	v8 =	vmul.f32 v8, v9;
	v11 =	vmul.f32 v11, v10  }
0x165: {  	v6 =	vmul.f32 v6, v9;
	v9 =	vld [tilespmem:s11+$0xAC40];
	v7 =	vmul.f32 v7, v10  }
0x166: {  	v55 =	vld [tilespmem:s11+$0xAC50];
	v8 =	vadd.f32 v11, v8;
	v11 =	vmul.f32 v13, v12  }
0x167: {  	v10 =	vld [tilespmem:s11+$0x2C50];
	v5 =	vmul.f32 v5, v12;
	v6 =	vadd.f32 v7, v6  }
0x168: {  	v56 =	vld [tilespmem:s11+$0xAC60];
	v8 =	vadd.f32 v11, v8;
	v11 =	vmul.f32 v15, v14  }
0x169: {  	v7 =	vld [tilespmem:s11+$0x2C60];
	v4 =	vmul.f32 v4, v14;
	v5 =	vadd.f32 v5, v6  }
0x16a: {  	v6 =	vld [tilespmem:s11+$0x2C70];
	v9 =	vmul.f32 v9, v16;
	v8 =	vadd.f32 v11, v8  }
0x16b: {  	v3 =	vmul.f32 v3, v16;
	v4 =	vadd.f32 v4, v5;
	v11 =	vld [tilespmem:s11+$0xAC70]  }
0x16c: {  	v5 =	vadd.f32 v9, v8;
	v8 =	vmul.f32 v55, v10;
	v9 =	vld [tilespmem:s11+$0x12C70]  }
0x16d: {  	v2 =	vmul.f32 v2, v10;
	v3 =	vadd.f32 v3, v4  }
0x16e: {  	v4 =	vadd.f32 v8, v5;
	v5 =	vmul.f32 v56, v7  }
0x16f: {  	v1 =	vmul.f32 v1, v7;
	v2 =	vadd.f32 v2, v3  }
0x170: {  	v3 =	vadd.f32 v5, v4;
	v4 =	vmul.f32 v11, v6  }
0x171: {  	v1 =	vadd.f32 v1, v2;
	v2 =	vmul.f32 v9, v6  }
0x172: {  	v3 =	vadd.f32 v4, v3  }
0x173: {  	s10 =	sadd.s32 $0x10, s10;
	[tilespmem:s11+$0x12C70] =	vst v0;
	v1 =	vadd.f32 v2, v1  }
0x174: {  	s25 =	sadd.s32 $0x10, s25;
	[tilespmem:s10+$0x0] =	vst v3  }
0x175: {  	s11 =	simm.s32 @!p1 $0x80;
	s10 =	sadd.s32 @!p1 $0x100, s9;
	[tilespmem:s25+$0x0] =	vst v1;
	s25 =	simm.s32 @!p1 $0x2C00  }
0x176: {  	[tilespmem:s25], [sflag:$0x1] =	stream.indirect.gather @!p1 [hbm4b:s1+s11], $0x80, s10, s11, $0xb8;
	[tilespmem:$0x1EC00] =	vst v63  }
0x177: {  	s10 =	sadd.s32 @!p1 $0x300, s9;
	s25 =	simm.s32 @!p1 $0xAC00  }
0x178: {  	[tilespmem:s25], [sflag:$0x1] =	stream.indirect.gather @!p1 [hbm4b:s2+s11], $0x80, s10, s11, $0xb8;
	[tilespmem:$0x1EC00] =	vst v63  }
0x179: {  	s10 =	sadd.s32 @!p1 $0x500, s9;
	s25 =	simm.s32 @!p1 $0x12C00  }
0x17a: {  	[tilespmem:s25], [sflag:$0x1] =	stream.indirect.gather.add.f32 @!p1 [hbm:s2], $0x80, s10, s11, $0xb8;
	[tilespmem:$0x1EC00] =	vst v63  }
0x17b: {  	s10 =	sadd.s32 @!p1 $0x700, s9  }
0x17c: {  	[tilespmem:s25], [sflag:$0x1] =	stream.indirect.gather.add.f32 @!p1 [hbm:s2], $0x80, s10, s11, $0xb8;
	[tilespmem:$0x1EC00] =	vst v63  }
0x17d: {  	s10 =	sadd.s32 @!p1 $0x900, s9  }
0x17e: {  	[tilespmem:s25], [sflag:$0x1] =	stream.indirect.gather.add.f32 @!p1 [hbm:s2], $0x80, s10, s11, $0xb8;
	[tilespmem:$0x1EC00] =	vst v63  }
0x17f: {  	s10 =	sadd.s32 @!p1 $0xB00, s9  }
0x180: {  	[tilespmem:s25], [sflag:$0x1] =	stream.indirect.gather.add.f32 @!p1 [hbm:s2], $0x80, s10, s11, $0xb8;
	[tilespmem:$0x1EC00] =	vst v63  }
0x181: {  	s10 =	sadd.s32 @!p1 $0xD00, s9  }
0x182: {  	[tilespmem:s25], [sflag:$0x1] =	stream.indirect.gather.add.f32 @!p1 [hbm:s2], $0x80, s10, s11, $0xb8;
	[tilespmem:$0x1EC00] =	vst v63  }
0x183: {  	s10 =	sadd.s32 @!p1 $0xF00, s9  }
0x184: {  	[tilespmem:s25], [sflag:$0x1] =	stream.indirect.gather.add.f32 @!p1 [hbm:s2], $0x80, s10, s11, $0xb8;
	[tilespmem:$0x1EC00] =	vst v63  }
0x185: {  	s10 =	sadd.s32 @!p1 $0x1100, s9  }
0x186: {  	[tilespmem:s25], [sflag:$0x1] =	stream.indirect.gather.add.f32 @!p1 [hbm:s2], $0x80, s10, s11, $0xb8;
	[tilespmem:$0x1EC00] =	vst v63  }
0x187: {  	s10 =	sadd.s32 @!p1 $0x1300, s9  }
0x188: {  	[tilespmem:s25], [sflag:$0x1] =	stream.indirect.gather.add.f32 @!p1 [hbm:s2], $0x80, s10, s11, $0xb8;
	[tilespmem:$0x1EC00] =	vst v63  }
0x189: {  	s10 =	sadd.s32 @!p1 $0x1500, s9  }
0x18a: {  	[tilespmem:s25], [sflag:$0x1] =	stream.indirect.gather.add.f32 @!p1 [hbm:s2], $0x80, s10, s11, $0xb8;
	[tilespmem:$0x1EC00] =	vst v63  }
0x18b: {  	s10 =	sadd.s32 @!p1 $0x1700, s9  }
0x18c: {  	[tilespmem:s25], [sflag:$0x1] =	stream.indirect.gather.add.f32 @!p1 [hbm:s2], $0x80, s10, s11, $0xb8;
	[tilespmem:$0x1EC00] =	vst v63  }
0x18d: {  	s10 =	sadd.s32 @!p1 $0x1900, s9  }
0x18e: {  	[tilespmem:s25], [sflag:$0x1] =	stream.indirect.gather.add.f32 @!p1 [hbm:s2], $0x80, s10, s11, $0xb8;
	[tilespmem:$0x1EC00] =	vst v63  }
0x18f: {  	s10 =	sadd.s32 @!p1 $0x1B00, s9  }
0x190: {  	[tilespmem:s25], [sflag:$0x1] =	stream.indirect.gather.add.f32 @!p1 [hbm:s2], $0x80, s10, s11, $0xb8;
	[tilespmem:$0x1EC00] =	vst v63  }
0x191: {  	s10 =	sadd.s32 @!p1 $0x1D00, s9  }
0x192: {  	[tilespmem:s25], [sflag:$0x1] =	stream.indirect.gather.add.f32 @!p1 [hbm:s2], $0x80, s10, s11, $0xb8;
	[tilespmem:$0x1EC00] =	vst v63  }
0x193: {  	s10 =	sadd.s32 @!p1 $0x1F00, s9  }
0x194: {  	[tilespmem:s25], [sflag:$0x1] =	stream.indirect.gather.add.f32 @!p1 [hbm:s2], $0x80, s10, s11, $0xb8;
	[tilespmem:$0x1EC00] =	vst v63  }
0x195: {  	s10 =	sadd.s32 @!p1 $0x2100, s9  }
0x196: {  	[tilespmem:s25], [sflag:$0x1] =	stream.indirect.gather.add.f32 @!p1 [hbm:s2], $0x80, s10, s11, $0xb8;
	[tilespmem:$0x1EC00] =	vst v63  }
0x197: {  	s10 =	sadd.s32 @!p1 $0x2300, s9  }
0x198: {  	[tilespmem:s25], [sflag:$0x1] =	stream.indirect.gather.add.f32 @!p1 [hbm:s2], $0x80, s10, s11, $0xb8;
	[tilespmem:$0x1EC00] =	vst v63  }
0x199: {  	s10 =	sadd.s32 @!p1 $0x2500, s9  }
0x19a: {  	[tilespmem:s25], [sflag:$0x1] =	stream.indirect.gather.add.f32 @!p1 [hbm:s2], $0x80, s10, s11, $0xb8;
	[tilespmem:$0x1EC00] =	vst v63  }
0x19b: {  	s10 =	sadd.s32 @!p1 $0x2700, s9  }
0x19c: {  	[tilespmem:s25], [sflag:$0x1] =	stream.indirect.gather.add.f32 @!p1 [hbm:s2], $0x80, s10, s11, $0xb8;
	[tilespmem:$0x1EC00] =	vst v63  }
0x19d: {  	s10 =	sadd.s32 @!p1 $0x2900, s9  }
0x19e: {  	[tilespmem:s25], [sflag:$0x1] =	stream.indirect.gather.add.f32 @!p1 [hbm:s2], $0x80, s10, s11, $0xb8;
	[tilespmem:$0x1EC00] =	vst v63  }
0x19f: {  	s9 =	sadd.s32 @!p1 $0x2B00, s9  }
0x1a0: {  	[tilespmem:s25], [sflag:$0x1] =	stream.indirect.gather.add.f32 @!p1 [hbm:s2], $0x80, s9, s11, $0xb8;
	[tilespmem:$0x1EC00] =	vst v63  }
0x1a1: {  	_ =	swait.ge [sflag:s8], $0x4000  }
0x1a2: {  	[sflag:s8] =	ssyncset.done $0x0  }
0x1a3: {  	[sflag:s8] =	ssyncadd.s32 $0xFFFFC000  }
0x1a4: {  	_ =	swait.ge [sflag:s8], $0x4000  }
0x1a5: {  	[sflag:s8] =	ssyncset.done $0x0  }
0x1a6: {  	[sflag:s8] =	ssyncadd.s32 $0xFFFFC000  }
0x1a7: {  	_ =	swait.ge [sflag:s8], $0x4000  }
0x1a8: {  	[sflag:s8] =	ssyncset.done $0x0  }
0x1a9: {  	[sflag:s8] =	ssyncadd.s32 $0xFFFFC000  }
0x1aa: {  	_ =	swait.ge [sflag:s8], $0x4000  }
0x1ab: {  	[sflag:s8] =	ssyncset.done $0x0  }
0x1ac: {  	[sflag:s8] =	ssyncadd.s32 $0xFFFFC000  }
0x1ad: {  	_ =	swait.ge [sflag:s8], $0x4000  }
0x1ae: {  	[sflag:s8] =	ssyncset.done $0x0  }
0x1af: {  	[sflag:s8] =	ssyncadd.s32 $0xFFFFC000  }
0x1b0: {  	_ =	swait.ge [sflag:s8], $0x4000  }
0x1b1: {  	[sflag:s8] =	ssyncset.done $0x0  }
0x1b2: {  	[sflag:s8] =	ssyncadd.s32 $0xFFFFC000  }
0x1b3: {  	_ =	swait.ge [sflag:s8], $0x4000  }
0x1b4: {  	[sflag:s8] =	ssyncset.done $0x0  }
0x1b5: {  	[sflag:s8] =	ssyncadd.s32 $0xFFFFC000  }
0x1b6: {  	_ =	swait.ge [sflag:s8], $0x4000  }
0x1b7: {  	[sflag:s8] =	ssyncset.done $0x0  }
0x1b8: {  	[sflag:s8] =	ssyncadd.s32 $0xFFFFC000  }
0x1b9: {  	_ =	swait.ge [sflag:s8], $0x4000  }
0x1ba: {  	[sflag:s8] =	ssyncset.done $0x0  }
0x1bb: {  	[sflag:s8] =	ssyncadd.s32 $0xFFFFC000  }
0x1bc: {  	_ =	swait.ge [sflag:s8], $0x4000  }
0x1bd: {  	[sflag:s8] =	ssyncset.done $0x0  }
0x1be: {  	[sflag:s8] =	ssyncadd.s32 $0xFFFFC000  }
0x1bf: {  	_ =	swait.ge [sflag:s8], $0x4000  }
0x1c0: {  	[sflag:s8] =	ssyncset.done $0x0  }
0x1c1: {  	[sflag:s8] =	ssyncadd.s32 $0xFFFFC000  }
0x1c2: {  	_ =	swait.ge [sflag:s8], $0x4000  }
0x1c3: {  	[sflag:s8] =	ssyncset.done $0x0  }
0x1c4: {  	[sflag:s8] =	ssyncadd.s32 $0xFFFFC000  }
0x1c5: {  	_ =	swait.ge [sflag:s8], $0x4000  }
0x1c6: {  	[sflag:s8] =	ssyncset.done $0x0  }
0x1c7: {  	[sflag:s8] =	ssyncadd.s32 $0xFFFFC000  }
0x1c8: {  	_ =	swait.ge [sflag:s8], $0x4000  }
0x1c9: {  	[sflag:s8] =	ssyncset.done $0x0  }
0x1ca: {  	[sflag:s8] =	ssyncadd.s32 $0xFFFFC000  }
0x1cb: {  	_ =	swait.ge [sflag:s8], $0x4000  }
0x1cc: {  	[sflag:s8] =	ssyncset.done $0x0  }
0x1cd: {  	[sflag:s8] =	ssyncadd.s32 $0xFFFFC000  }
0x1ce: {  	_ =	swait.ge [sflag:s8], $0x4000  }
0x1cf: {  	[sflag:s8] =	ssyncset.done $0x0  }
0x1d0: {  	[sflag:s8] =	ssyncadd.s32 $0xFFFFC000  }
0x1d1: {  	_ =	swait.ge [sflag:s8], $0x4000  }
0x1d2: {  	[sflag:s8] =	ssyncset.done $0x0  }
0x1d3: {  	[sflag:s8] =	ssyncadd.s32 $0xFFFFC000  }
0x1d4: {  	_ =	swait.ge [sflag:s8], $0x4000  }
0x1d5: {  	[sflag:s8] =	ssyncset.done $0x0  }
0x1d6: {  	[sflag:s8] =	ssyncadd.s32 $0xFFFFC000  }
0x1d7: {  	_ =	swait.ge [sflag:s8], $0x4000  }
0x1d8: {  	[sflag:s8] =	ssyncset.done $0x0  }
0x1d9: {  	[sflag:s8] =	ssyncadd.s32 $0xFFFFC000  }
0x1da: {  	_ =	swait.ge [sflag:s8], $0x4000  }
0x1db: {  	[sflag:s8] =	ssyncset.done $0x0  }
0x1dc: {  	[sflag:s8] =	ssyncadd.s32 $0xFFFFC000  }
0x1dd: {  	_ =	swait.ge [sflag:s8], $0x4000  }
0x1de: {  	[sflag:s8] =	ssyncset.done $0x0  }
0x1df: {  	[sflag:s8] =	ssyncadd.s32 $0xFFFFC000  }
0x1e0: {  	_ =	swait.ge [sflag:s8], $0x4000  }
0x1e1: {  	[sflag:s8] =	ssyncset.done $0x0  }
0x1e2: {  	s26 =	simm.s32 $0x0;
	[sflag:s8] =	ssyncadd.s32 $0xFFFFC000  }
0x1e3: {  	v1 =	vld [tilespmem:s26+$0x16C60]  }
0x1e4: {  	v2 =	vld [tilespmem:s26+$0x16C50]  }
0x1e5: {  	v3 =	vld [tilespmem:s26+$0x16C40]  }
0x1e6: {  	v4 =	vld [tilespmem:s26+$0x16C30]  }
0x1e7: {  	v5 =	vld [tilespmem:s26+$0x16C20]  }
0x1e8: {  	v6 =	vld [tilespmem:s26+$0x16C00]  }
0x1e9: {  	v7 =	vld [tilespmem:s26+$0x16C10]  }
0x1ea: {  	v8 =	vld [tilespmem:s26+$0xEC00]  }
0x1eb: {  	v9 =	vld [tilespmem:s26+$0x6C00]  }
0x1ec: {  	v10 =	vld [tilespmem:s26+$0x6C10]  }
0x1ed: {  	v11 =	vld [tilespmem:s26+$0xEC10]  }
0x1ee: {  	v57 =	vld [tilespmem:s26+$0x6C20]  }
0x1ef: {  	v58 =	vld [tilespmem:s26+$0xEC20]  }
0x1f0: {  	v59 =	vld [tilespmem:s26+$0x6C30]  }
0x1f1: {  	v60 =	vld [tilespmem:s26+$0xEC30]  }
0x1f2: {  	v61 =	vld [tilespmem:s26+$0x6C40];
	v8 =	vmul.f32 v8, v9;
	v11 =	vmul.f32 v11, v10  }
0x1f3: {  	v6 =	vmul.f32 v6, v9;
	v7 =	vmul.f32 v7, v10;
	v9 =	vld [tilespmem:s26+$0xEC40]  }
0x1f4: {  	v62 =	vld [tilespmem:s26+$0xEC50];
	v8 =	vadd.f32 v11, v8;
	v11 =	vmul.f32 v58, v57  }
0x1f5: {  	v10 =	vld [tilespmem:s26+$0x6C50];
	v5 =	vmul.f32 v5, v57;
	v6 =	vadd.f32 v7, v6  }
0x1f6: {  	v63 =	vld [tilespmem:s26+$0xEC60];
	v8 =	vadd.f32 v11, v8;
	v11 =	vmul.f32 v60, v59  }
0x1f7: {  	v4 =	vmul.f32 v4, v59;
	v7 =	vld [tilespmem:s26+$0x6C60];
	v5 =	vadd.f32 v5, v6  }
0x1f8: {  	v6 =	vld [tilespmem:s26+$0x6C70];
	v9 =	vmul.f32 v9, v61;
	v8 =	vadd.f32 v11, v8  }
0x1f9: {  	v3 =	vmul.f32 v3, v61;
	v11 =	vld [tilespmem:s26+$0xEC70];
	v4 =	vadd.f32 v4, v5  }
0x1fa: {  	[tilespmem:s26+$0x16C60] =	vst v0;
	v5 =	vadd.f32 v9, v8;
	v8 =	vmul.f32 v62, v10;
	v9 =	vld [tilespmem:s26+$0x16C70]  }
0x1fb: {  	[tilespmem:s26+$0x16C50] =	vst v0;
	v2 =	vmul.f32 v2, v10;
	v3 =	vadd.f32 v3, v4  }
0x1fc: {  	[tilespmem:s26+$0x16C40] =	vst v0;
	v4 =	vadd.f32 v8, v5;
	v5 =	vmul.f32 v63, v7  }
0x1fd: {  	[tilespmem:s26+$0x16C30] =	vst v0;
	v1 =	vmul.f32 v1, v7;
	v2 =	vadd.f32 v2, v3  }
0x1fe: {  	[tilespmem:s26+$0x16C20] =	vst v0;
	v3 =	vadd.f32 v5, v4;
	v4 =	vmul.f32 v11, v6  }
0x1ff: {  	[tilespmem:s26+$0x16C00] =	vst v0;
	v1 =	vadd.f32 v1, v2;
	v2 =	vmul.f32 v9, v6  }
0x200: {  	[tilespmem:s26+$0x16C10] =	vst v0;
	v3 =	vadd.f32 v4, v3  }
0x201: {  	s9 =	sadd.s32 $0x1B400, s24;
	[tilespmem:s26+$0x16C70] =	vst v0;
	v1 =	vadd.f32 v2, v1  }
0x202: {  	s10 =	sadd.s32 $0x1D400, s24;
	[tilespmem:s9+$0x0] =	vst v3  }
0x203: {  	s11 =	simm.s32 $0x80;
	[tilespmem:s10+$0x0] =	vst v1  }
0x204: {  	v1 =	vld [tilespmem:s11+$0x16C60]  }
0x205: {  	v2 =	vld [tilespmem:s11+$0x16C50]  }
0x206: {  	v3 =	vld [tilespmem:s11+$0x16C40]  }
0x207: {  	v4 =	vld [tilespmem:s11+$0x16C30]  }
0x208: {  	[tilespmem:s11+$0x16C60] =	vst v0;
	v5 =	vld [tilespmem:s11+$0x16C20]  }
0x209: {  	[tilespmem:s11+$0x16C50] =	vst v0;
	v6 =	vld [tilespmem:s11+$0x16C00]  }
0x20a: {  	[tilespmem:s11+$0x16C40] =	vst v0;
	v7 =	vld [tilespmem:s11+$0x16C10]  }
0x20b: {  	[tilespmem:s11+$0x16C30] =	vst v0;
	v8 =	vld [tilespmem:s11+$0xEC00]  }
0x20c: {  	[tilespmem:s11+$0x16C20] =	vst v0;
	v9 =	vld [tilespmem:s11+$0x6C00]  }
0x20d: {  	[tilespmem:s11+$0x16C00] =	vst v0;
	v10 =	vld [tilespmem:s11+$0x6C10]  }
0x20e: {  	s24 =	simm.s32 $0x400;
	[tilespmem:s11+$0x16C10] =	vst v0;
	v11 =	vld [tilespmem:s11+$0xEC10]  }
.LBB2_9:
0x20f: {  	p1 =	sne.s32 s24, $0xFE00;
	v12 =	vld [tilespmem:s11+$0x6C20]  }
0x210: {  	v13 =	vld [tilespmem:s11+$0xEC20]  }
0x211: {  	v14 =	vld [tilespmem:s11+$0x6C30];
	v6 =	vmul.f32 v6, v9  }
0x212: {  	v15 =	vld [tilespmem:s11+$0xEC30];
	v7 =	vmul.f32 v7, v10  }
0x213: {  	v8 =	vmul.f32 v8, v9;
	v16 =	vld [tilespmem:s11+$0x6C40];
	v9 =	vmul.f32 v11, v10  }
0x214: {  	v10 =	vld [tilespmem:s11+$0xEC40];
	v5 =	vmul.f32 v5, v12  }
0x215: {  	v11 =	vld [tilespmem:s11+$0x6C50];
	v8 =	vadd.f32 v9, v8;
	v9 =	vmul.f32 v13, v12  }
0x216: {  	v6 =	vadd.f32 v7, v6;
	v12 =	vld [tilespmem:s11+$0xEC50];
	v4 =	vmul.f32 v4, v14  }
0x217: {  	v7 =	vld [tilespmem:s11+$0x6C60];
	v8 =	vadd.f32 v9, v8;
	v9 =	vmul.f32 v15, v14  }
0x218: {  	v5 =	vadd.f32 v5, v6;
	v13 =	vld [tilespmem:s11+$0xEC60];
	v3 =	vmul.f32 v3, v16  }
0x219: {  	v6 =	vld [tilespmem:s11+$0x6C70];
	v8 =	vadd.f32 v9, v8;
	v9 =	vmul.f32 v10, v16  }
0x21a: {  	v4 =	vadd.f32 v4, v5;
	v10 =	vld [tilespmem:s11+$0xEC70];
	v2 =	vmul.f32 v2, v11  }
0x21b: {  	v5 =	vadd.f32 v9, v8;
	v8 =	vmul.f32 v12, v11;
	v9 =	vld [tilespmem:s11+$0x16C70]  }
0x21c: {  	v3 =	vadd.f32 v3, v4;
	v1 =	vmul.f32 v1, v7  }
0x21d: {  	v4 =	vadd.f32 v8, v5;
	v5 =	vmul.f32 v13, v7  }
0x21e: {  	v2 =	vadd.f32 v2, v3  }
0x21f: {  	v3 =	vadd.f32 v5, v4;
	v4 =	vmul.f32 v10, v6  }
0x220: {  	v1 =	vadd.f32 v1, v2;
	v2 =	vmul.f32 v9, v6  }
0x221: {  	v3 =	vadd.f32 v4, v3  }
0x222: {  	s9 =	sadd.s32 $0x10, s9;
	v1 =	vadd.f32 v2, v1;
	[tilespmem:s11+$0x16C70] =	vst v0  }
0x223: {  	s10 =	sadd.s32 $0x10, s10;
	[tilespmem:s9+$0x0] =	vst v3  }
0x224: {  	s11 =	sshra.s32 s24, $0x2;
	[tilespmem:s10+$0x0] =	vst v1  }
0x225: {  	v1 =	vld [tilespmem:s11+$0x16C60];
	[tilespmem:s11+$0x16C60] =	vst v0  }
0x226: {  	v2 =	vld [tilespmem:s11+$0x16C50];
	[tilespmem:s11+$0x16C50] =	vst v0  }
0x227: {  	v3 =	vld [tilespmem:s11+$0x16C40];
	[tilespmem:s11+$0x16C40] =	vst v0  }
0x228: {  	v4 =	vld [tilespmem:s11+$0x16C30];
	[tilespmem:s11+$0x16C30] =	vst v0  }
0x229: {  	v5 =	vld [tilespmem:s11+$0x16C20];
	[tilespmem:s11+$0x16C20] =	vst v0  }
0x22a: {  	v6 =	vld [tilespmem:s11+$0x16C00];
	[tilespmem:s11+$0x16C00] =	vst v0  }
.Ltmp3:
0x22b: {  	v7 =	vld [tilespmem:s11+$0x16C10];
	[tilespmem:s11+$0x16C10] =	vst v0;
	(pc) =	sbr.rel @p1 .LBB2_9-.Ltmp3, $4  }
0x22c: {  	v8 =	vld [tilespmem:s11+$0xEC00]  }
0x22d: {  	v9 =	vld [tilespmem:s11+$0x6C00]  }
0x22e: {  	v10 =	vld [tilespmem:s11+$0x6C10]  }
0x22f: {  	s24 =	sadd.s32 $0x200, s24;
	v11 =	vld [tilespmem:s11+$0xEC10]  }
0x230: {  	v12 =	vld [tilespmem:s11+$0x6C20]  }
0x231: {  	v13 =	vld [tilespmem:s11+$0xEC20]  }
0x232: {  	v14 =	vld [tilespmem:s11+$0x6C30]  }
0x233: {  	v15 =	vld [tilespmem:s11+$0xEC30]  }
0x234: {  	v16 =	vld [tilespmem:s11+$0x6C40];
	v8 =	vmul.f32 v8, v9;
	v11 =	vmul.f32 v11, v10  }
0x235: {  	v49 =	vld [tilespmem:s11+$0xEC40];
	v6 =	vmul.f32 v6, v9;
	v7 =	vmul.f32 v7, v10  }
0x236: {  	v50 =	vld [tilespmem:s11+$0x6C50];
	v51 =	vmul.f32 v13, v12;
	v8 =	vadd.f32 v11, v8  }
0x237: {  	v52 =	vld [tilespmem:s11+$0xEC50];
	v5 =	vmul.f32 v5, v12;
	v6 =	vadd.f32 v7, v6  }
0x238: {  	v53 =	vld [tilespmem:s11+$0x6C60];
	v54 =	vmul.f32 v15, v14;
	v8 =	vadd.f32 v51, v8  }
0x239: {  	v55 =	vld [tilespmem:s11+$0xEC60];
	v4 =	vmul.f32 v4, v14;
	v5 =	vadd.f32 v5, v6  }
0x23a: {  	v56 =	vld [tilespmem:s11+$0x6C70];
	v9 =	vmul.f32 v49, v16;
	v8 =	vadd.f32 v54, v8  }
0x23b: {  	v57 =	vld [tilespmem:s11+$0xEC70];
	v3 =	vmul.f32 v3, v16;
	v4 =	vadd.f32 v4, v5  }
0x23c: {  	v60 =	vld [tilespmem:s11+$0x16C70];
	v59 =	vmul.f32 v52, v50;
	v58 =	vadd.f32 v9, v8  }
0x23d: {  	v2 =	vmul.f32 v2, v50;
	v3 =	vadd.f32 v3, v4  }
0x23e: {  	v62 =	vmul.f32 v55, v53;
	v61 =	vadd.f32 v59, v58  }
0x23f: {  	v1 =	vmul.f32 v1, v53;
	v2 =	vadd.f32 v2, v3  }
0x240: {  	v63 =	vmul.f32 v57, v56;
	v3 =	vadd.f32 v62, v61  }
.Ltmp4:
0x241: {  	v1 =	vadd.f32 v1, v2;
	v2 =	vmul.f32 v60, v56;
	(pc) =	sbr.rel @p0 .LBB2_6-.Ltmp4, $4  }
0x242: {  	v3 =	vadd.f32 v63, v3  }
0x243: {  	[tilespmem:s11+$0x16C70] =	vst v0;
	s9 =	sadd.s32 $0x10, s9;
	v1 =	vadd.f32 v2, v1  }
0x244: {  	s26 =	sadd.s32 $0x10, s10;
	[tilespmem:s9+$0x0] =	vst v3  }
0x245: {  	s24 =	simm.s32 $0x1;
	p2 =	por $0x0, $0x0;
	p1 =	por $0x1, $0x1;
	[tilespmem:s26+$0x0] =	vst v1  }
0x246: {  	s9 =	simm.s32 $0x1AC00  }
0x247: {  	[hbm4b:s28+s4] =	stream.linear.scatter [tilespmem:s9], [sflag:$0x1], $0x2000, $0x38;
	[tilespmem:$0x1EC00] =	vst v63  }
0x248: {  	s26 =	simm.s32 $0x1CC00;
	s23 =	sadd.s32 $0x1, s23  }
0x249: {  	[hbm4b:s29+s4] =	stream.linear.scatter [tilespmem:s26], [sflag:$0x1], $0x2000, $0x38;
	[tilespmem:$0x1EC00] =	vst v63  }
0x24a: {  	p0 =	sne.s32 s23, s30;
	_ =	swait.ge [sflag:s5], $0x2000  }
.Ltmp5:
0x24b: {  	[sflag:s5] =	ssyncset.done $0x0;
	(pc) =	sbr.rel @p0 .LBB2_1-.Ltmp5, $4  }
0x24c: {  	[sflag:s5] =	ssyncadd.s32 $0xFFFFE000  }
0x24d: {  	_ =	swait.ge [sflag:s5], $0x2000  }
0x24e: {  	s11 =	simm.s32 $0x200;
	[sflag:s5] =	ssyncset.done $0x0  }
0x24f: {  	s25 =	simm.s32 $0x400;
	s26 =	simm.s32 $0x600;
	[sflag:s5] =	ssyncadd.s32 $0xFFFFE000  }
0x250: {  	_ =	sfence.sel $0x180000  }
0x251: {  	[bflag:$0x0] =	sbarrier.arrive $0xFFFF  }
0x252: {  	_ =	strace $0x90000047  }
0x253: {  	s0 =	stileid.u32;
	[bflag:$0x2] =	sbarrier.arrive $0xFFFF  }
0x254: {  	p0 =	sne.s32 s0, $0x0;
	s0 =	rddreg [dreg:$0x5]  }
0x255: {  	s0 =	sadd.s32 @!p0 $0x100000, s0  }
0x256: {  	[sflag:s0] =	ssyncadd.tile.s32 @!p0 $0x1;
	_ =	shalt  }
.Lfunc_end2:
_tile_overlayer_lowered:
.L_overlay_start_2:
0x257: {  	(tag) =	ssettag $0x2  }
0x258: {  	s0 =	rddreg [dreg:$0x0];
	s2 =	stileid.u32  }
0x259: {  	s1 =	rddreg [dreg:$0x1];
	p0 =	sne.s32 s2, $0x0  }
0x25a: {  	s3 =	rddreg [dreg:$0x2];
	[bflag:$0x3] =	sbarrier.arrive $0xFFFF;
	s2 =	simm.s32 @!p0 $0x1C03  }
0x25b: {  	[timem:s3], [sflag:s2] =	dma.local @!p0 [hbm:s0], s1  }
0x25c: {  	s0 =	simm.s32 @!p0 $0x3  }
0x25d: {  	_ =	swait.ge @!p0 [sflag:s0], s1  }
0x25e: {  	s1 =	ssub.s32 @!p0 $0x0, s1;
	[sflag:s0] =	ssyncset.done @!p0 $0x0  }
0x25f: {  	[sflag:s0] =	ssyncadd.s32 @!p0 s1  }
0x260: {  	[bflag:$0x3] =	sbarrier.arrive $0xFFFF  }
0x261: {  	_ =	shalt  }

</sc_bundles>
